<compile_context>
chip_gen: v7x
topology: tpu7x:2x2x1
jax: 0.10.2.dev20260603
libtpu: 0.0.44.dev20260713+nightly
codegen_flags: <defaults>
</compile_context>

<pallas_src>
import functools

import jax
import jax.numpy as jnp
from jax import lax
from jax.experimental import pallas as pl
from jax.experimental.pallas import tpu as pltpu
from jax.experimental.pallas import tpu_sc as plsc

NN = 100000
B = 4096
K = 20
D = 128
E = 16
T = 100
L1 = 3
RP = 64
HID = 128
OUT = 128
LRP = L1 * RP

NW = 32
CH = 64

NFN = 3 * B * K
NFO = 3 * B
NPN = L1 * NFN
NPO = L1 * NFO

FPW = NFN // NW
OPW = NFO // NW
CFN = FPW // CH
CFO = OPW // CH

R = 128
RK = R * K
JB = B // R
NBN = NFN // RK
NBO = NFO // R

_f32 = jnp.float32

_COS_C = (0.9999999880426668, -0.4999998826125991, 0.041666477944581455,
          -0.0013887749113736198, 2.4768708072763377e-05,
          -2.7067459170587084e-07, 1.7202726782420442e-09)
_INV2PI = 0.15915494309189535
_TWOPI = 6.283185307179586


def _fast_cos(y):
    n = jnp.floor(y * _INV2PI + 0.5)
    r = y - n * _TWOPI
    u = r * r
    p = jnp.float32(_COS_C[6])
    for k in (5, 4, 3, 2, 1, 0):
        p = p * u + jnp.float32(_COS_C[k])
    return p


@functools.lru_cache(maxsize=1)
def _make_sc_gather():
    return functools.partial(
        pl.kernel,
        out_type=[
            jax.ShapeDtypeStruct((NFN, D), _f32),
            jax.ShapeDtypeStruct((NFO, D), _f32),
            jax.ShapeDtypeStruct((NPN // 2, 2 * RP), _f32),
            jax.ShapeDtypeStruct((NPO // 2, 2 * RP), _f32),
        ],
        mesh=plsc.VectorSubcoreMesh(core_axis_name="c", subcore_axis_name="s"),
        compiler_params=pltpu.CompilerParams(use_tc_tiling_on_sc=False),
        scratch_types=[
            pltpu.VMEM((FPW,), jnp.int32),
            pltpu.VMEM((OPW,), jnp.int32),
            pltpu.VMEM((CH,), jnp.int32),
            pltpu.VMEM((CH,), jnp.int32),
            pltpu.VMEM((CH, D), _f32),
            pltpu.VMEM((CH, D), _f32),
            pltpu.VMEM((CH, RP), _f32),
            pltpu.VMEM((CH, RP), _f32),
            pltpu.SemaphoreType.DMA,
            pltpu.SemaphoreType.DMA,
        ],
    )(_sc_gather_body)


def _sc_gather_body(feat_hbm, pflat_hbm, idn_hbm, ido_hbm,
                    ofn, ofo, opn, opo,
                    ifn_v, ifo_v, pidx0, pidx1, fbuf0, fbuf1,
                    pbuf0, pbuf1, sem0, sem1):
    wid = lax.axis_index("s") * 2 + lax.axis_index("c")
    pltpu.sync_copy(idn_hbm.at[pl.ds(wid * FPW, FPW)], ifn_v)
    pltpu.sync_copy(ido_hbm.at[pl.ds(wid * OPW, OPW)], ifo_v)

    def gather_direct(table, idx_v, nch, out, base, buf0, buf1):

        def start(jc, buf, sem):
            return pltpu.async_copy(
                table.at[idx_v.at[pl.ds(jc * CH, CH)]], buf, sem)

        start(0, buf0, sem0)

        def body(g, carry):
            c0 = 2 * g
            cp1 = start(c0 + 1, buf1, sem1)
            pltpu.make_async_copy(
                table.at[idx_v.at[pl.ds(c0 * CH, CH)]], buf0, sem0).wait()
            pltpu.sync_copy(buf0, out.at[pl.ds(base + c0 * CH, CH)])

            @pl.when(c0 + 2 < nch)
            def _():
                start(c0 + 2, buf0, sem0)

            cp1.wait()
            pltpu.sync_copy(buf1, out.at[pl.ds(base + (c0 + 1) * CH, CH)])
            return carry

        lax.fori_loop(0, nch // 2, body, 0)

    def gather_sketch(idx_v, nch, cpb, pair, out, lofs, buf0, buf1):

        def stage(jc, pidx):
            for k4 in range(CH // 16):
                pidx[pl.ds(k4 * 16, 16)] = (
                    idx_v[pl.ds(jc * CH + k4 * 16, 16)] + lofs)

        def start(pidx, buf, sem):
            return pltpu.async_copy(pflat_hbm.at[pidx], buf, sem)

        base = wid * (nch // 2) * CH

        def writeback(jc, buf):
            t = jc // cpb
            lc = jc - t * cpb
            half = lc // (cpb // 2)
            within = lc - half * (cpb // 2)
            rowbase = base + t * pair + within * CH
            pltpu.sync_copy(
                buf, out.at[pl.ds(rowbase, CH), pl.ds(half * RP, RP)])

        stage(0, pidx0)
        start(pidx0, buf0, sem0)

        def body(g, carry):
            c0 = 2 * g
            stage(c0 + 1, pidx1)
            cp1 = start(pidx1, buf1, sem1)
            pltpu.make_async_copy(pflat_hbm.at[pidx0], buf0, sem0).wait()
            writeback(c0, buf0)

            @pl.when(c0 + 2 < nch)
            def _():
                stage(c0 + 2, pidx0)
                start(pidx0, buf0, sem0)

            cp1.wait()
            writeback(c0 + 1, buf1)
            return carry

        lax.fori_loop(0, nch // 2, body, 0)

    gather_direct(feat_hbm, ifn_v, CFN, ofn, wid * FPW, fbuf0, fbuf1)
    gather_direct(feat_hbm, ifo_v, CFO, ofo, wid * OPW, fbuf0, fbuf1)
    for l in range(L1):
        lofs = jnp.int32(l * NN)
        gather_sketch(ifn_v, CFN, RK // CH, RK // 2,
                      opn.at[pl.ds(l * (NFN // 2), NFN // 2)], lofs,
                      pbuf0, pbuf1)
    for l in range(L1):
        lofs = jnp.int32(l * NN)
        gather_sketch(ifo_v, CFO, R // CH, R // 2,
                      opo.at[pl.ds(l * (NFO // 2), NFO // 2)], lofs,
                      pbuf0, pbuf1)


def _tc_body(ne_ref, nf_ref, nt_ref, trep_ref,
             pn0_ref, pn1_ref, pn2_ref,
             pu0_ref, pu1_ref, pu2_ref,
             pv0_ref, pv1_ref, pv2_ref,
             pw0_ref, pw1_ref, pw2_ref,
             nemb_ref,
             wt_ref, bt_ref, w1a_ref, w1b_ref, w1c_ref, w1dx_ref, w1ex_ref,
             b1_ref, w2a_ref, w2b_ref, b2_ref, fc1a_ref, fc1b_ref,
             fc1bias_ref, fc2r_ref, fc2b_ref,
             pos_ref, neg_ref,
             zsp_ref, zsn_ref, zdp_ref):
    s = pl.program_id(1)
    dn0 = (((0,), (0,)), ((), ()))
    pns = (pn0_ref, pn1_ref, pn2_ref)
    pus = (pu0_ref, pu1_ref, pu2_ref)
    pvs = (pv0_ref, pv1_ref, pv2_ref)
    pws = (pw0_ref, pw1_ref, pw2_ref)

    dt = trep_ref[0] - nt_ref[0]
    te = _fast_cos(wt_ref[...] * dt + bt_ref[...])

    def rep_rows(x):
        return jnp.broadcast_to(x[:, None, :], (R, K, RP)).reshape(RK, RP)

    def unpair(x, n):
        return jnp.concatenate([x[:, :RP], x[:, RP:]], axis=0)

    base = (jnp.dot(ne_ref[...], w1a_ref[...], preferred_element_type=_f32)
            + jnp.dot(nf_ref[...], w1b_ref[...], preferred_element_type=_f32)
            + lax.dot_general(te, w1c_ref[...], dn0,
                              preferred_element_type=_f32)
            + b1_ref[...])
    accv = jnp.zeros((RK, HID), _f32)
    for l in range(L1):
        pn = unpair(pns[l][...], RK)
        base = base + jnp.dot(pn * rep_rows(unpair(pus[l][...], R)),
                              w1dx_ref[pl.ds(l * RP, RP)],
                              preferred_element_type=_f32)
        accv = accv + jnp.dot(pn * rep_rows(unpair(pvs[l][...], R)),
                              w1ex_ref[pl.ds(l * RP, RP)],
                              preferred_element_type=_f32)
    acc = base + accv

    def pool(a):
        return jnp.mean(jax.nn.relu(a).reshape(R, K, HID), axis=1)

    h = pool(acc)
    nemb = nemb_ref[...]
    w2a = w2a_ref[...]
    w2b = w2b_ref[...]
    b2 = b2_ref[...]
    zn_part = jnp.dot(nemb, w2b, preferred_element_type=_f32) + b2
    z = jnp.dot(h, w2a, preferred_element_type=_f32) + zn_part

    @pl.when(s == 0)
    def _():
        zsp_ref[...] = z
        accn = base
        for l in range(L1):
            accn = accn + jnp.dot(
                unpair(pns[l][...], RK)
                * rep_rows(unpair(pws[l][...], R)),
                w1ex_ref[pl.ds(l * RP, RP)],
                preferred_element_type=_f32)
        hn = pool(accn)
        zsn_ref[...] = jnp.dot(hn, w2a, preferred_element_type=_f32) + zn_part

    @pl.when(s == 1)
    def _():
        zdp_ref[...] = z

    @pl.when(s == 2)
    def _():
        fc1a = fc1a_ref[...]
        fc1b = fc1b_ref[...]
        fc1bias = fc1bias_ref[...]
        fc2r = fc2r_ref[...]
        fc2b = fc2b_ref[...]
        hp = jax.nn.relu(jnp.dot(zsp_ref[...], fc1a,
                                 preferred_element_type=_f32)
                         + jnp.dot(zdp_ref[...], fc1b,
                                   preferred_element_type=_f32)
                         + fc1bias)
        pos_ref[...] = jax.nn.sigmoid((hp * fc2r).sum(1, keepdims=True)
                                      + fc2b)
        hn = jax.nn.relu(jnp.dot(zsn_ref[...], fc1a,
                                 preferred_element_type=_f32)
                         + jnp.dot(z, fc1b, preferred_element_type=_f32)
                         + fc1bias)
        neg_ref[...] = jax.nn.sigmoid((hn * fc2r).sum(1, keepdims=True)
                                      + fc2b)


def _tc_compute(ne2d, nf2d, nt3, trep3, pn2d, pnode2d, nemb2d,
                wt2, bt2, w1a, w1b, w1c, w1dx, w1ex, b12, w2a, w2b, b22,
                fc1a, fc1b, fc1b2, fc2r, fc2b2):
    row = lambda j, s: (s * JB + j, 0)
    const = lambda j, s: (0, 0)

    def pn_spec(l):
        return pl.BlockSpec((RK // 2, 2 * RP),
                            lambda j, s, l=l: (l * NBN + s * JB + j, 0))

    def pu_spec(l):
        return pl.BlockSpec((R // 2, 2 * RP),
                            lambda j, s, l=l: (l * NBO + s * JB + j, 0))

    def pv_spec(l):
        return pl.BlockSpec(
            (R // 2, 2 * RP),
            lambda j, s, l=l: (l * NBO + jnp.where(s == 0, JB, 0) + j, 0))

    def pw_spec(l):
        return pl.BlockSpec((R // 2, 2 * RP),
                            lambda j, s, l=l: (l * NBO + 2 * JB + j, 0))

    return pl.pallas_call(
        _tc_body,
        grid=(JB, 3),
        in_specs=[
            pl.BlockSpec((RK, D), row),
            pl.BlockSpec((RK, E), row),
            pl.BlockSpec((1, 1, RK), lambda j, s: (s * JB + j, 0, 0)),
            pl.BlockSpec((1, 1, RK), lambda j, s: (j, 0, 0)),
            pn_spec(0), pn_spec(1), pn_spec(2),
            pu_spec(0), pu_spec(1), pu_spec(2),
            pv_spec(0), pv_spec(1), pv_spec(2),
            pw_spec(0), pw_spec(1), pw_spec(2),
            pl.BlockSpec((R, D), row),
            pl.BlockSpec((T, 1), const),
            pl.BlockSpec((T, 1), const),
            pl.BlockSpec((D, HID), const),
            pl.BlockSpec((E, HID), const),
            pl.BlockSpec((T, HID), const),
            pl.BlockSpec((LRP, HID), const),
            pl.BlockSpec((LRP, HID), const),
            pl.BlockSpec((1, HID), const),
            pl.BlockSpec((HID, OUT), const),
            pl.BlockSpec((D, OUT), const),
            pl.BlockSpec((1, OUT), const),
            pl.BlockSpec((OUT, OUT), const),
            pl.BlockSpec((OUT, OUT), const),
            pl.BlockSpec((1, OUT), const),
            pl.BlockSpec((1, OUT), const),
            pl.BlockSpec((1, 1), const),
        ],
        out_specs=[
            pl.BlockSpec((R, 1), lambda j, s: (j, 0)),
            pl.BlockSpec((R, 1), lambda j, s: (j, 0)),
        ],
        out_shape=[
            jax.ShapeDtypeStruct((B, 1), _f32),
            jax.ShapeDtypeStruct((B, 1), _f32),
        ],
        scratch_shapes=[
            pltpu.VMEM((R, OUT), _f32),
            pltpu.VMEM((R, OUT), _f32),
            pltpu.VMEM((R, OUT), _f32),
        ],
    )(ne2d, nf2d, nt3, trep3,
      pn2d, pn2d, pn2d,
      pnode2d, pnode2d, pnode2d,
      pnode2d, pnode2d, pnode2d,
      pnode2d, pnode2d, pnode2d,
      nemb2d,
      wt2, bt2, w1a, w1b, w1c, w1dx, w1ex, b12, w2a, w2b, b22,
      fc1a, fc1b, fc1b2, fc2r, fc2b2)


def kernel(src, dst, neg, time, nbr_nids, nbr_times, nbr_feats,
           static_node_feat, wt, bt, W1, b1, W2, b2, fc1_w, fc1_b,
           fc2_w, fc2_b, P):
    idn = nbr_nids.reshape(-1).astype(jnp.int32)
    ido = jnp.concatenate([src, dst, neg]).astype(jnp.int32)

    gf_nbr, gf_node, gp_nbr, gp_node = _make_sc_gather()(
        static_node_feat, P.reshape(L1 * NN, RP), idn, ido)

    pos, negv = _tc_compute(
        gf_nbr, nbr_feats.reshape(NFN, E),
        nbr_times.reshape(NFN // RK, 1, RK),
        jnp.repeat(time, K).reshape(B * K // RK, 1, RK),
        gp_nbr, gp_node, gf_node,
        wt.reshape(T, 1), bt.reshape(T, 1),
        W1[:D], W1[D:D + E], W1[D + E:D + E + T],
        jnp.repeat(W1[D + E + T:D + E + T + L1], RP, axis=0),
        jnp.repeat(W1[D + E + T + L1:], RP, axis=0),
        b1.reshape(1, HID), W2[:HID], W2[HID:], b2.reshape(1, OUT),
        fc1_w[:OUT], fc1_w[OUT:], fc1_b.reshape(1, OUT),
        fc2_w.reshape(1, OUT), fc2_b.reshape(1, 1))
    return pos.reshape(-1), negv.reshape(-1)

# --- scband reference (transcript-rebuilt; emitter-appended) ---
"""Pipeline reference for scband-tpnet-link-prediction-22539988369560 (READ-ONLY COPY).

The authoritative reference and input builder live on the scoring server;
editing this copy changes nothing except your own understanding.
"""

import jax, jax.numpy as jnp
import numpy as np

NUM_NODES = 100000
B = 4096
K = 20
D = 128
E = 16
T = 100
L = 2
RP = 64
HID = 128
OUT = 128


def setup_inputs(seed: int = 0) -> dict:
    key = jax.random.key(seed)
    ks = jax.random.split(key, 20)
    inp = {}
    inp['src'] = jax.random.randint(ks[0], (B,), 0, NUM_NODES, dtype=jnp.int64 if jax.config.jax_enable_x64 else jnp.int32)
    inp['dst'] = jax.random.randint(ks[1], (B,), 0, NUM_NODES)
    inp['neg'] = jax.random.randint(ks[2], (B,), 0, NUM_NODES)
    inp['time'] = jax.random.uniform(ks[3], (B,), dtype=jnp.float32)
    inp['nbr_nids'] = jax.random.randint(ks[4], (3 * B, K), 0, NUM_NODES)
    inp['nbr_times'] = jax.random.uniform(ks[5], (3 * B, K), dtype=jnp.float32)
    inp['nbr_feats'] = jax.random.normal(ks[6], (3 * B, K, E), dtype=jnp.float32)
    inp['static_node_feat'] = jax.random.normal(ks[7], (NUM_NODES, D), dtype=jnp.float32)
    # learned parameters
    in_dim = D + E + T + 2 * (L + 1)
    inp['wt'] = jax.random.normal(ks[8], (T,), dtype=jnp.float32)
    inp['bt'] = jax.random.normal(ks[9], (T,), dtype=jnp.float32)
    inp['W1'] = jax.random.normal(ks[10], (in_dim, HID), dtype=jnp.float32) * (1.0 / np.sqrt(in_dim))
    inp['b1'] = jnp.zeros((HID,), dtype=jnp.float32)
    inp['W2'] = jax.random.normal(ks[11], (HID + D, OUT), dtype=jnp.float32) * (1.0 / np.sqrt(HID + D))
    inp['b2'] = jnp.zeros((OUT,), dtype=jnp.float32)
    inp['fc1_w'] = jax.random.normal(ks[12], (2 * OUT, OUT), dtype=jnp.float32) * (1.0 / np.sqrt(2 * OUT))
    inp['fc1_b'] = jnp.zeros((OUT,), dtype=jnp.float32)
    inp['fc2_w'] = jax.random.normal(ks[13], (OUT, 1), dtype=jnp.float32) * (1.0 / np.sqrt(OUT))
    inp['fc2_b'] = jnp.zeros((1,), dtype=jnp.float32)
    # random projection sketches (L+1 hop sketches per node)
    inp['P'] = jax.random.normal(ks[14], (L + 1, NUM_NODES, RP), dtype=jnp.float32) * (1.0 / np.sqrt(RP))
    return inp


def _time2vec(dt, wt, bt):
    return jnp.cos(dt[..., None] * wt + bt)


def _encode_side(nodes, other_nodes, t, nbr_nids, nbr_times, nbr_feats, feat, P, wt, bt, W1, b1):
    node_emb = jnp.take(feat, nodes, axis=0)            # [B, D]
    nbr_emb = jnp.take(feat, nbr_nids, axis=0)          # [B, K, D]
    dt = t[:, None] - nbr_times                          # [B, K]
    te = _time2vec(dt, wt, bt)                           # [B, K, T]
    Pn = jnp.take(P, nbr_nids, axis=1)                   # [L+1, B, K, RP]
    Pu = jnp.take(P, nodes, axis=1)                      # [L+1, B, RP]
    Pv = jnp.take(P, other_nodes, axis=1)                # [L+1, B, RP]
    f1 = jnp.einsum('lbkr,lbr->bkl', Pn, Pu)             # [B, K, L+1]
    f2 = jnp.einsum('lbkr,lbr->bkl', Pn, Pv)             # [B, K, L+1]
    h = jnp.concatenate([nbr_emb, nbr_feats, te, jnp.concatenate([f1, f2], axis=-1)], axis=-1)
    h = jax.nn.relu(h @ W1 + b1).mean(axis=1)            # [B, HID]
    return h, node_emb


def _encoder(feat, edge_idx, t, nbr_nids, nbr_times, nbr_feats, P, wt, bt, W1, b1, W2, b2):
    s, d = edge_idx[0], edge_idx[1]
    b = s.shape[0]
    hs, es = _encode_side(s, d, t, nbr_nids[:b], nbr_times[:b], nbr_feats[:b], feat, P, wt, bt, W1, b1)
    hd, ed = _encode_side(d, s, t, nbr_nids[b:2 * b], nbr_times[b:2 * b], nbr_feats[b:2 * b], feat, P, wt, bt, W1, b1)
    z_src = jnp.concatenate([hs, es], axis=-1) @ W2 + b2
    z_dst = jnp.concatenate([hd, ed], axis=-1) @ W2 + b2
    return z_src, z_dst


def _decoder(z_src, z_dst, fc1_w, fc1_b, fc2_w, fc2_b):
    h = jax.nn.relu(jnp.concatenate([z_src, z_dst], axis=1) @ fc1_w + fc1_b)
    return jax.nn.sigmoid(h @ fc2_w + fc2_b).reshape(-1)


def reference(src, dst, neg, time, nbr_nids, nbr_times, nbr_feats, static_node_feat,
              wt, bt, W1, b1, W2, b2, fc1_w, fc1_b, fc2_w, fc2_b, P):
    pos_bs = dst.shape[0]
    neg_bs = neg.shape[0]
    # positive edges
    edge_pos = jnp.stack([src, dst], axis=0)
    z_src_pos, z_dst_pos = _encoder(static_node_feat, edge_pos, time,
                                    nbr_nids[:pos_bs * 2], nbr_times[:pos_bs * 2], nbr_feats[:pos_bs * 2],
                                    P, wt, bt, W1, b1, W2, b2)
    pos_out = _decoder(z_src_pos, z_dst_pos, fc1_w, fc1_b, fc2_w, fc2_b)
    # negative edges (neg_bs == pos_bs path: no repeat_interleave)
    src_nbr_nids = nbr_nids[:pos_bs]
    src_nbr_times = nbr_times[:pos_bs]
    src_nbr_feats = nbr_feats[:pos_bs]
    neg_nbr_nids = nbr_nids[-neg_bs:]
    neg_nbr_times = nbr_times[-neg_bs:]
    neg_nbr_feats = nbr_feats[-neg_bs:]
    edge_neg = jnp.stack([src, neg], axis=0)
    z_src_neg, z_dst_neg = _encoder(static_node_feat, edge_neg, time,
                                    jnp.concatenate([src_nbr_nids, neg_nbr_nids], axis=0),
                                    jnp.concatenate([src_nbr_times, neg_nbr_times], axis=0),
                                    jnp.concatenate([src_nbr_feats, neg_nbr_feats], axis=0),
                                    P, wt, bt, W1, b1, W2, b2)
    neg_out = _decoder(z_src_neg, z_dst_neg, fc1_w, fc1_b, fc2_w, fc2_b)
    return (pos_out, neg_out)

if __name__ == "__main__":
    import jax
    _d = setup_inputs()
    print(jax.jit(kernel)(*tuple(_d.values())))

</pallas_src>

<mosaic_0001>
#map = affine_map<(d0, d1) -> (0, 0)>
#map1 = affine_map<(d0, d1) -> (0)>
module attributes {stable_mosaic.version = 14 : i64} {
  func.func @_sc_gather_body(%arg0: i32, %arg1: i32, %arg2: memref<100000x128xf32, #tpu.memory_space<hbm>>, %arg3: memref<300000x64xf32, #tpu.memory_space<hbm>>, %arg4: memref<245760xi32, #tpu.memory_space<hbm>>, %arg5: memref<12288xi32, #tpu.memory_space<hbm>>, %arg6: memref<245760x128xf32, #tpu.memory_space<hbm>>, %arg7: memref<12288x128xf32, #tpu.memory_space<hbm>>, %arg8: memref<368640x128xf32, #tpu.memory_space<hbm>>, %arg9: memref<18432x128xf32, #tpu.memory_space<hbm>>, %arg10: memref<7680xi32, #tpu.memory_space<vmem>>, %arg11: memref<384xi32, #tpu.memory_space<vmem>>, %arg12: memref<64xi32, #tpu.memory_space<vmem>>, %arg13: memref<64xi32, #tpu.memory_space<vmem>>, %arg14: memref<64x128xf32, #tpu.memory_space<vmem>>, %arg15: memref<64x128xf32, #tpu.memory_space<vmem>>, %arg16: memref<64x64xf32, #tpu.memory_space<vmem>>, %arg17: memref<64x64xf32, #tpu.memory_space<vmem>>, %arg18: memref<!tpu.dma_semaphore, #tpu.memory_space<semaphore_mem>>, %arg19: memref<!tpu.dma_semaphore, #tpu.memory_space<semaphore_mem>>) attributes {dimension_semantics = [#tpu.dimension_semantics<core_parallel>, #tpu.dimension_semantics<subcore_parallel>], iteration_bounds = array<i64: 2, 16>, scalar_prefetch = 0 : i64, scratch_operands = 10 : i64, tpu.core_type = #tpu.core_type<sc_vector_subcore>, window_params = [{transform_indices = #map}, {transform_indices = #map}, {transform_indices = #map1}, {transform_indices = #map1}, {transform_indices = #map}, {transform_indices = #map}, {transform_indices = #map}, {transform_indices = #map}]} {
    %mul3A = arith.constant 2 : i32
    %mul3A_0 = arith.muli %arg1, %mul3A : i32
    %add3A = arith.addi %mul3A_0, %arg0 : i32
    %mul3A_1 = arith.constant 7680 : i32
    %mul3A_2 = arith.muli %add3A, %mul3A_1 : i32
    "tpu.region"() ({
      %run_scoped3A = tpu.sem_alloc : memref<!tpu.dma_semaphore, #tpu.memory_space<semaphore_mem>>
      %dma_start3A_351 = tpu.memref_slice %arg4[%mul3A_2] : memref<245760xi32, #tpu.memory_space<hbm>> -> memref<7680xi32, #tpu.memory_space<hbm>>
      %dma_start3A_352 = tpu.memref_slice %arg4[%mul3A_2] : memref<245760xi32, #tpu.memory_space<hbm>> -> memref<7680xi32, #tpu.memory_space<hbm>>
      tpu.enqueue_dma source(%dma_start3A_352 : memref<7680xi32, #tpu.memory_space<hbm>>) target(%arg10 : memref<7680xi32, #tpu.memory_space<vmem>>) target_semaphore(%run_scoped3A : memref<!tpu.dma_semaphore, #tpu.memory_space<semaphore_mem>>)
      %dma_wait3A = tpu.memref_slice %arg4[%mul3A_2] : memref<245760xi32, #tpu.memory_space<hbm>> -> memref<7680xi32, #tpu.memory_space<hbm>>
      %dma_wait3A_353 = tpu.memref_slice %arg4[%mul3A_2] : memref<245760xi32, #tpu.memory_space<hbm>> -> memref<7680xi32, #tpu.memory_space<hbm>>
      tpu.wait_dma2 semaphore(%run_scoped3A : memref<!tpu.dma_semaphore, #tpu.memory_space<semaphore_mem>>) src(%dma_wait3A_353 : memref<7680xi32, #tpu.memory_space<hbm>>) dst(%arg10 : memref<7680xi32, #tpu.memory_space<vmem>>)
      tpu.yield
    }) : () -> ()
    %mul3A_3 = arith.constant 384 : i32
    %mul3A_4 = arith.muli %add3A, %mul3A_3 : i32
    "tpu.region"() ({
      %run_scoped3A = tpu.sem_alloc : memref<!tpu.dma_semaphore, #tpu.memory_space<semaphore_mem>>
      %dma_start3A_351 = tpu.memref_slice %arg5[%mul3A_4] : memref<12288xi32, #tpu.memory_space<hbm>> -> memref<384xi32, #tpu.memory_space<hbm>>
      %dma_start3A_352 = tpu.memref_slice %arg5[%mul3A_4] : memref<12288xi32, #tpu.memory_space<hbm>> -> memref<384xi32, #tpu.memory_space<hbm>>
      tpu.enqueue_dma source(%dma_start3A_352 : memref<384xi32, #tpu.memory_space<hbm>>) target(%arg11 : memref<384xi32, #tpu.memory_space<vmem>>) target_semaphore(%run_scoped3A : memref<!tpu.dma_semaphore, #tpu.memory_space<semaphore_mem>>)
      %dma_wait3A = tpu.memref_slice %arg5[%mul3A_4] : memref<12288xi32, #tpu.memory_space<hbm>> -> memref<384xi32, #tpu.memory_space<hbm>>
      %dma_wait3A_353 = tpu.memref_slice %arg5[%mul3A_4] : memref<12288xi32, #tpu.memory_space<hbm>> -> memref<384xi32, #tpu.memory_space<hbm>>
      tpu.wait_dma2 semaphore(%run_scoped3A : memref<!tpu.dma_semaphore, #tpu.memory_space<semaphore_mem>>) src(%dma_wait3A_353 : memref<384xi32, #tpu.memory_space<hbm>>) dst(%arg11 : memref<384xi32, #tpu.memory_space<vmem>>)
      tpu.yield
    }) : () -> ()
    %mul3A_5 = arith.constant 7680 : i32
    %mul3A_6 = arith.muli %add3A, %mul3A_5 : i32
    %dma_start3A = arith.constant 0 : i32
    %dma_start3A_7 = tpu.memref_slice %arg10[%dma_start3A] : memref<7680xi32, #tpu.memory_space<vmem>> -> memref<64xi32, #tpu.memory_space<vmem>>
    %dma_start3A_8 = arith.constant 0 : i32
    %dma_start3A_9 = arith.constant 0 : i32
    %dma_start3A_10 = tpu.memref_slice %arg2[%dma_start3A_8, %dma_start3A_9] : memref<100000x128xf32, #tpu.memory_space<hbm>> -> memref<100000x128xf32, #tpu.memory_space<hbm>>
    tpu.enqueue_indirect_dma source(%dma_start3A_10 : memref<100000x128xf32, #tpu.memory_space<hbm>>) target(%arg14 : memref<64x128xf32, #tpu.memory_space<vmem>>) offsets(%dma_start3A_7 : memref<64xi32, #tpu.memory_space<vmem>>) semaphore(%arg18 : memref<!tpu.dma_semaphore, #tpu.memory_space<semaphore_mem>>)
    %scan3A = arith.constant 0 : i32
    %scan3A_11 = arith.constant 0 : i32
    %scan3A_12 = arith.constant 60 : i32
    %scan3A_13 = arith.addi %scan3A_11, %scan3A_12 : i32
    %scan3A_14 = arith.constant 1 : i32
    scf.for %scan3A_351 = %scan3A_11 to %scan3A_13 step %scan3A_14  : i32 {
      %mul3A_352 = arith.constant 2 : i32
      %mul3A_353 = arith.muli %mul3A_352, %scan3A_351 : i32
      %add3A_354 = arith.constant 1 : i32
      %add3A_355 = arith.addi %mul3A_353, %add3A_354 : i32
      %mul3A_356 = arith.constant 64 : i32
      %mul3A_357 = arith.muli %add3A_355, %mul3A_356 : i32
      %dma_start3A_358 = tpu.memref_slice %arg10[%mul3A_357] : memref<7680xi32, #tpu.memory_space<vmem>> -> memref<64xi32, #tpu.memory_space<vmem>>
      %dma_start3A_359 = arith.constant 0 : i32
      %dma_start3A_360 = arith.constant 0 : i32
      %dma_start3A_361 = tpu.memref_slice %arg2[%dma_start3A_359, %dma_start3A_360] : memref<100000x128xf32, #tpu.memory_space<hbm>> -> memref<100000x128xf32, #tpu.memory_space<hbm>>
      tpu.enqueue_indirect_dma source(%dma_start3A_361 : memref<100000x128xf32, #tpu.memory_space<hbm>>) target(%arg15 : memref<64x128xf32, #tpu.memory_space<vmem>>) offsets(%dma_start3A_358 : memref<64xi32, #tpu.memory_space<vmem>>) semaphore(%arg19 : memref<!tpu.dma_semaphore, #tpu.memory_space<semaphore_mem>>)
      %mul3A_362 = arith.constant 64 : i32
      %mul3A_363 = arith.muli %mul3A_353, %mul3A_362 : i32
      %dma_wait3A = tpu.memref_slice %arg10[%mul3A_363] : memref<7680xi32, #tpu.memory_space<vmem>> -> memref<64xi32, #tpu.memory_space<vmem>>
      %dma_wait3A_364 = arith.constant 0 : i32
      %dma_wait3A_365 = arith.constant 0 : i32
      %dma_wait3A_366 = tpu.memref_slice %arg2[%dma_wait3A_364, %dma_wait3A_365] : memref<100000x128xf32, #tpu.memory_space<hbm>> -> memref<100000x128xf32, #tpu.memory_space<hbm>>
      tpu.wait_indirect_dma semaphore(%arg18 : memref<!tpu.dma_semaphore, #tpu.memory_space<semaphore_mem>>) src(%dma_wait3A_366 : memref<100000x128xf32, #tpu.memory_space<hbm>>) dst(%arg14 : memref<64x128xf32, #tpu.memory_space<vmem>>)
      %mul3A_367 = arith.constant 64 : i32
      %mul3A_368 = arith.muli %mul3A_353, %mul3A_367 : i32
      %add3A_369 = arith.addi %mul3A_6, %mul3A_368 : i32
      "tpu.region"() ({
        %run_scoped3A = tpu.sem_alloc : memref<!tpu.dma_semaphore, #tpu.memory_space<semaphore_mem>>
        %dma_start3A_383 = arith.constant 0 : i32
        %dma_start3A_384 = tpu.memref_slice %arg6[%add3A_369, %dma_start3A_383] : memref<245760x128xf32, #tpu.memory_space<hbm>> -> memref<64x128xf32, #tpu.memory_space<hbm>>
        %dma_start3A_385 = arith.constant 0 : i32
        %dma_start3A_386 = tpu.memref_slice %arg6[%add3A_369, %dma_start3A_385] : memref<245760x128xf32, #tpu.memory_space<hbm>> -> memref<64x128xf32, #tpu.memory_space<hbm>>
        tpu.enqueue_dma source(%arg14 : memref<64x128xf32, #tpu.memory_space<vmem>>) target(%dma_start3A_386 : memref<64x128xf32, #tpu.memory_space<hbm>>) target_semaphore(%run_scoped3A : memref<!tpu.dma_semaphore, #tpu.memory_space<semaphore_mem>>)
        %dma_wait3A_387 = arith.constant 0 : i32
        %dma_wait3A_388 = tpu.memref_slice %arg6[%add3A_369, %dma_wait3A_387] : memref<245760x128xf32, #tpu.memory_space<hbm>> -> memref<64x128xf32, #tpu.memory_space<hbm>>
        %dma_wait3A_389 = arith.constant 0 : i32
        %dma_wait3A_390 = tpu.memref_slice %arg6[%add3A_369, %dma_wait3A_389] : memref<245760x128xf32, #tpu.memory_space<hbm>> -> memref<64x128xf32, #tpu.memory_space<hbm>>
        tpu.wait_dma2 semaphore(%run_scoped3A : memref<!tpu.dma_semaphore, #tpu.memory_space<semaphore_mem>>) src(%arg14 : memref<64x128xf32, #tpu.memory_space<vmem>>) dst(%dma_wait3A_390 : memref<64x128xf32, #tpu.memory_space<hbm>>)
        tpu.yield
      }) : () -> ()
      %add3A_370 = arith.constant 2 : i32
      %add3A_371 = arith.addi %mul3A_353, %add3A_370 : i32
      %lt3A = arith.constant 120 : i32
      %lt3A_372 = arith.cmpi slt, %add3A_371, %lt3A : i32
      %convert_element_type3A = arith.extui %lt3A_372 : i1 to i32
      %cond3A = arith.constant 0 : i32
      %cond3A_373 = arith.cmpi ne, %convert_element_type3A, %cond3A : i32
      scf.if %cond3A_373 {
        %add3A_383 = arith.constant 2 : i32
        %add3A_384 = arith.addi %mul3A_353, %add3A_383 : i32
        %mul3A_385 = arith.constant 64 : i32
        %mul3A_386 = arith.muli %add3A_384, %mul3A_385 : i32
        %dma_start3A_387 = tpu.memref_slice %arg10[%mul3A_386] : memref<7680xi32, #tpu.memory_space<vmem>> -> memref<64xi32, #tpu.memory_space<vmem>>
        %dma_start3A_388 = arith.constant 0 : i32
        %dma_start3A_389 = arith.constant 0 : i32
        %dma_start3A_390 = tpu.memref_slice %arg2[%dma_start3A_388, %dma_start3A_389] : memref<100000x128xf32, #tpu.memory_space<hbm>> -> memref<100000x128xf32, #tpu.memory_space<hbm>>
        tpu.enqueue_indirect_dma source(%dma_start3A_390 : memref<100000x128xf32, #tpu.memory_space<hbm>>) target(%arg14 : memref<64x128xf32, #tpu.memory_space<vmem>>) offsets(%dma_start3A_387 : memref<64xi32, #tpu.memory_space<vmem>>) semaphore(%arg18 : memref<!tpu.dma_semaphore, #tpu.memory_space<semaphore_mem>>)
      } else {
      }
      %dma_wait3A_374 = tpu.memref_slice %arg10[%mul3A_357] : memref<7680xi32, #tpu.memory_space<vmem>> -> memref<64xi32, #tpu.memory_space<vmem>>
      %dma_wait3A_375 = arith.constant 0 : i32
      %dma_wait3A_376 = arith.constant 0 : i32
      %dma_wait3A_377 = tpu.memref_slice %arg2[%dma_wait3A_375, %dma_wait3A_376] : memref<100000x128xf32, #tpu.memory_space<hbm>> -> memref<100000x128xf32, #tpu.memory_space<hbm>>
      tpu.wait_indirect_dma semaphore(%arg19 : memref<!tpu.dma_semaphore, #tpu.memory_space<semaphore_mem>>) src(%dma_wait3A_377 : memref<100000x128xf32, #tpu.memory_space<hbm>>) dst(%arg15 : memref<64x128xf32, #tpu.memory_space<vmem>>)
      %add3A_378 = arith.constant 1 : i32
      %add3A_379 = arith.addi %mul3A_353, %add3A_378 : i32
      %mul3A_380 = arith.constant 64 : i32
      %mul3A_381 = arith.muli %add3A_379, %mul3A_380 : i32
      %add3A_382 = arith.addi %mul3A_6, %mul3A_381 : i32
      "tpu.region"() ({
        %run_scoped3A = tpu.sem_alloc : memref<!tpu.dma_semaphore, #tpu.memory_space<semaphore_mem>>
        %dma_start3A_383 = arith.constant 0 : i32
        %dma_start3A_384 = tpu.memref_slice %arg6[%add3A_382, %dma_start3A_383] : memref<245760x128xf32, #tpu.memory_space<hbm>> -> memref<64x128xf32, #tpu.memory_space<hbm>>
        %dma_start3A_385 = arith.constant 0 : i32
        %dma_start3A_386 = tpu.memref_slice %arg6[%add3A_382, %dma_start3A_385] : memref<245760x128xf32, #tpu.memory_space<hbm>> -> memref<64x128xf32, #tpu.memory_space<hbm>>
        tpu.enqueue_dma source(%arg15 : memref<64x128xf32, #tpu.memory_space<vmem>>) target(%dma_start3A_386 : memref<64x128xf32, #tpu.memory_space<hbm>>) target_semaphore(%run_scoped3A : memref<!tpu.dma_semaphore, #tpu.memory_space<semaphore_mem>>)
        %dma_wait3A_387 = arith.constant 0 : i32
        %dma_wait3A_388 = tpu.memref_slice %arg6[%add3A_382, %dma_wait3A_387] : memref<245760x128xf32, #tpu.memory_space<hbm>> -> memref<64x128xf32, #tpu.memory_space<hbm>>
        %dma_wait3A_389 = arith.constant 0 : i32
        %dma_wait3A_390 = tpu.memref_slice %arg6[%add3A_382, %dma_wait3A_389] : memref<245760x128xf32, #tpu.memory_space<hbm>> -> memref<64x128xf32, #tpu.memory_space<hbm>>
        tpu.wait_dma2 semaphore(%run_scoped3A : memref<!tpu.dma_semaphore, #tpu.memory_space<semaphore_mem>>) src(%arg15 : memref<64x128xf32, #tpu.memory_space<vmem>>) dst(%dma_wait3A_390 : memref<64x128xf32, #tpu.memory_space<hbm>>)
        tpu.yield
      }) : () -> ()
    }
    %scan3A_15 = arith.constant 60 : i32
    %mul3A_16 = arith.constant 384 : i32
    %mul3A_17 = arith.muli %add3A, %mul3A_16 : i32
    %dma_start3A_18 = arith.constant 0 : i32
    %dma_start3A_19 = tpu.memref_slice %arg11[%dma_start3A_18] : memref<384xi32, #tpu.memory_space<vmem>> -> memref<64xi32, #tpu.memory_space<vmem>>
    %dma_start3A_20 = arith.constant 0 : i32
    %dma_start3A_21 = arith.constant 0 : i32
    %dma_start3A_22 = tpu.memref_slice %arg2[%dma_start3A_20, %dma_start3A_21] : memref<100000x128xf32, #tpu.memory_space<hbm>> -> memref<100000x128xf32, #tpu.memory_space<hbm>>
    tpu.enqueue_indirect_dma source(%dma_start3A_22 : memref<100000x128xf32, #tpu.memory_space<hbm>>) target(%arg14 : memref<64x128xf32, #tpu.memory_space<vmem>>) offsets(%dma_start3A_19 : memref<64xi32, #tpu.memory_space<vmem>>) semaphore(%arg18 : memref<!tpu.dma_semaphore, #tpu.memory_space<semaphore_mem>>)
    %scan3A_23 = arith.constant 0 : i32
    %scan3A_24 = arith.constant 0 : i32
    %scan3A_25 = arith.constant 3 : i32
    %scan3A_26 = arith.addi %scan3A_24, %scan3A_25 : i32
    %scan3A_27 = arith.constant 1 : i32
    scf.for %scan3A_351 = %scan3A_24 to %scan3A_26 step %scan3A_27  : i32 {
      %mul3A_352 = arith.constant 2 : i32
      %mul3A_353 = arith.muli %mul3A_352, %scan3A_351 : i32
      %add3A_354 = arith.constant 1 : i32
      %add3A_355 = arith.addi %mul3A_353, %add3A_354 : i32
      %mul3A_356 = arith.constant 64 : i32
      %mul3A_357 = arith.muli %add3A_355, %mul3A_356 : i32
      %dma_start3A_358 = tpu.memref_slice %arg11[%mul3A_357] : memref<384xi32, #tpu.memory_space<vmem>> -> memref<64xi32, #tpu.memory_space<vmem>>
      %dma_start3A_359 = arith.constant 0 : i32
      %dma_start3A_360 = arith.constant 0 : i32
      %dma_start3A_361 = tpu.memref_slice %arg2[%dma_start3A_359, %dma_start3A_360] : memref<100000x128xf32, #tpu.memory_space<hbm>> -> memref<100000x128xf32, #tpu.memory_space<hbm>>
      tpu.enqueue_indirect_dma source(%dma_start3A_361 : memref<100000x128xf32, #tpu.memory_space<hbm>>) target(%arg15 : memref<64x128xf32, #tpu.memory_space<vmem>>) offsets(%dma_start3A_358 : memref<64xi32, #tpu.memory_space<vmem>>) semaphore(%arg19 : memref<!tpu.dma_semaphore, #tpu.memory_space<semaphore_mem>>)
      %mul3A_362 = arith.constant 64 : i32
      %mul3A_363 = arith.muli %mul3A_353, %mul3A_362 : i32
      %dma_wait3A = tpu.memref_slice %arg11[%mul3A_363] : memref<384xi32, #tpu.memory_space<vmem>> -> memref<64xi32, #tpu.memory_space<vmem>>
      %dma_wait3A_364 = arith.constant 0 : i32
      %dma_wait3A_365 = arith.constant 0 : i32
      %dma_wait3A_366 = tpu.memref_slice %arg2[%dma_wait3A_364, %dma_wait3A_365] : memref<100000x128xf32, #tpu.memory_space<hbm>> -> memref<100000x128xf32, #tpu.memory_space<hbm>>
      tpu.wait_indirect_dma semaphore(%arg18 : memref<!tpu.dma_semaphore, #tpu.memory_space<semaphore_mem>>) src(%dma_wait3A_366 : memref<100000x128xf32, #tpu.memory_space<hbm>>) dst(%arg14 : memref<64x128xf32, #tpu.memory_space<vmem>>)
      %mul3A_367 = arith.constant 64 : i32
      %mul3A_368 = arith.muli %mul3A_353, %mul3A_367 : i32
      %add3A_369 = arith.addi %mul3A_17, %mul3A_368 : i32
      "tpu.region"() ({
        %run_scoped3A = tpu.sem_alloc : memref<!tpu.dma_semaphore, #tpu.memory_space<semaphore_mem>>
        %dma_start3A_383 = arith.constant 0 : i32
        %dma_start3A_384 = tpu.memref_slice %arg7[%add3A_369, %dma_start3A_383] : memref<12288x128xf32, #tpu.memory_space<hbm>> -> memref<64x128xf32, #tpu.memory_space<hbm>>
        %dma_start3A_385 = arith.constant 0 : i32
        %dma_start3A_386 = tpu.memref_slice %arg7[%add3A_369, %dma_start3A_385] : memref<12288x128xf32, #tpu.memory_space<hbm>> -> memref<64x128xf32, #tpu.memory_space<hbm>>
        tpu.enqueue_dma source(%arg14 : memref<64x128xf32, #tpu.memory_space<vmem>>) target(%dma_start3A_386 : memref<64x128xf32, #tpu.memory_space<hbm>>) target_semaphore(%run_scoped3A : memref<!tpu.dma_semaphore, #tpu.memory_space<semaphore_mem>>)
        %dma_wait3A_387 = arith.constant 0 : i32
        %dma_wait3A_388 = tpu.memref_slice %arg7[%add3A_369, %dma_wait3A_387] : memref<12288x128xf32, #tpu.memory_space<hbm>> -> memref<64x128xf32, #tpu.memory_space<hbm>>
        %dma_wait3A_389 = arith.constant 0 : i32
        %dma_wait3A_390 = tpu.memref_slice %arg7[%add3A_369, %dma_wait3A_389] : memref<12288x128xf32, #tpu.memory_space<hbm>> -> memref<64x128xf32, #tpu.memory_space<hbm>>
        tpu.wait_dma2 semaphore(%run_scoped3A : memref<!tpu.dma_semaphore, #tpu.memory_space<semaphore_mem>>) src(%arg14 : memref<64x128xf32, #tpu.memory_space<vmem>>) dst(%dma_wait3A_390 : memref<64x128xf32, #tpu.memory_space<hbm>>)
        tpu.yield
      }) : () -> ()
      %add3A_370 = arith.constant 2 : i32
      %add3A_371 = arith.addi %mul3A_353, %add3A_370 : i32
      %lt3A = arith.constant 6 : i32
      %lt3A_372 = arith.cmpi slt, %add3A_371, %lt3A : i32
      %convert_element_type3A = arith.extui %lt3A_372 : i1 to i32
      %cond3A = arith.constant 0 : i32
      %cond3A_373 = arith.cmpi ne, %convert_element_type3A, %cond3A : i32
      scf.if %cond3A_373 {
        %add3A_383 = arith.constant 2 : i32
        %add3A_384 = arith.addi %mul3A_353, %add3A_383 : i32
        %mul3A_385 = arith.constant 64 : i32
        %mul3A_386 = arith.muli %add3A_384, %mul3A_385 : i32
        %dma_start3A_387 = tpu.memref_slice %arg11[%mul3A_386] : memref<384xi32, #tpu.memory_space<vmem>> -> memref<64xi32, #tpu.memory_space<vmem>>
        %dma_start3A_388 = arith.constant 0 : i32
        %dma_start3A_389 = arith.constant 0 : i32
        %dma_start3A_390 = tpu.memref_slice %arg2[%dma_start3A_388, %dma_start3A_389] : memref<100000x128xf32, #tpu.memory_space<hbm>> -> memref<100000x128xf32, #tpu.memory_space<hbm>>
        tpu.enqueue_indirect_dma source(%dma_start3A_390 : memref<100000x128xf32, #tpu.memory_space<hbm>>) target(%arg14 : memref<64x128xf32, #tpu.memory_space<vmem>>) offsets(%dma_start3A_387 : memref<64xi32, #tpu.memory_space<vmem>>) semaphore(%arg18 : memref<!tpu.dma_semaphore, #tpu.memory_space<semaphore_mem>>)
      } else {
      }
      %dma_wait3A_374 = tpu.memref_slice %arg11[%mul3A_357] : memref<384xi32, #tpu.memory_space<vmem>> -> memref<64xi32, #tpu.memory_space<vmem>>
      %dma_wait3A_375 = arith.constant 0 : i32
      %dma_wait3A_376 = arith.constant 0 : i32
      %dma_wait3A_377 = tpu.memref_slice %arg2[%dma_wait3A_375, %dma_wait3A_376] : memref<100000x128xf32, #tpu.memory_space<hbm>> -> memref<100000x128xf32, #tpu.memory_space<hbm>>
      tpu.wait_indirect_dma semaphore(%arg19 : memref<!tpu.dma_semaphore, #tpu.memory_space<semaphore_mem>>) src(%dma_wait3A_377 : memref<100000x128xf32, #tpu.memory_space<hbm>>) dst(%arg15 : memref<64x128xf32, #tpu.memory_space<vmem>>)
      %add3A_378 = arith.constant 1 : i32
      %add3A_379 = arith.addi %mul3A_353, %add3A_378 : i32
      %mul3A_380 = arith.constant 64 : i32
      %mul3A_381 = arith.muli %add3A_379, %mul3A_380 : i32
      %add3A_382 = arith.addi %mul3A_17, %mul3A_381 : i32
      "tpu.region"() ({
        %run_scoped3A = tpu.sem_alloc : memref<!tpu.dma_semaphore, #tpu.memory_space<semaphore_mem>>
        %dma_start3A_383 = arith.constant 0 : i32
        %dma_start3A_384 = tpu.memref_slice %arg7[%add3A_382, %dma_start3A_383] : memref<12288x128xf32, #tpu.memory_space<hbm>> -> memref<64x128xf32, #tpu.memory_space<hbm>>
        %dma_start3A_385 = arith.constant 0 : i32
        %dma_start3A_386 = tpu.memref_slice %arg7[%add3A_382, %dma_start3A_385] : memref<12288x128xf32, #tpu.memory_space<hbm>> -> memref<64x128xf32, #tpu.memory_space<hbm>>
        tpu.enqueue_dma source(%arg15 : memref<64x128xf32, #tpu.memory_space<vmem>>) target(%dma_start3A_386 : memref<64x128xf32, #tpu.memory_space<hbm>>) target_semaphore(%run_scoped3A : memref<!tpu.dma_semaphore, #tpu.memory_space<semaphore_mem>>)
        %dma_wait3A_387 = arith.constant 0 : i32
        %dma_wait3A_388 = tpu.memref_slice %arg7[%add3A_382, %dma_wait3A_387] : memref<12288x128xf32, #tpu.memory_space<hbm>> -> memref<64x128xf32, #tpu.memory_space<hbm>>
        %dma_wait3A_389 = arith.constant 0 : i32
        %dma_wait3A_390 = tpu.memref_slice %arg7[%add3A_382, %dma_wait3A_389] : memref<12288x128xf32, #tpu.memory_space<hbm>> -> memref<64x128xf32, #tpu.memory_space<hbm>>
        tpu.wait_dma2 semaphore(%run_scoped3A : memref<!tpu.dma_semaphore, #tpu.memory_space<semaphore_mem>>) src(%arg15 : memref<64x128xf32, #tpu.memory_space<vmem>>) dst(%dma_wait3A_390 : memref<64x128xf32, #tpu.memory_space<hbm>>)
        tpu.yield
      }) : () -> ()
    }
    %scan3A_28 = arith.constant 3 : i32
    %mul3A_29 = arith.constant 60 : i32
    %mul3A_30 = arith.muli %add3A, %mul3A_29 : i32
    %mul3A_31 = arith.constant 64 : i32
    %mul3A_32 = arith.muli %mul3A_30, %mul3A_31 : i32
    %get3A = arith.constant 0 : index
    %get3A_33 = tpu.vector_load %arg10[%get3A] {strides = array<i32>} : memref<7680xi32, #tpu.memory_space<vmem>>, vector<16xi32>,
    %get3A_34 = vector.shape_cast %get3A_33 : vector<16xi32> to vector<16xi32>
    %add3A_35 = arith.constant 0 : i32
    %add3A_36 = vector.broadcast %add3A_35 : i32 to vector<16xi32>
    %add3A_37 = arith.addi %get3A_34, %add3A_36 : vector<16xi32>
    %swap3A = arith.constant 0 : index
    %swap3A_38 = tpu.vector_load %arg12[%swap3A] {strides = array<i32>} : memref<64xi32, #tpu.memory_space<vmem>>, vector<16xi32>,
    %swap3A_39 = vector.shape_cast %swap3A_38 : vector<16xi32> to vector<16xi32>
    %swap3A_40 = vector.shape_cast %add3A_37 : vector<16xi32> to vector<16xi32>
    tpu.vector_store %arg12[%swap3A], %swap3A_40 {strides = array<i32>} : memref<64xi32, #tpu.memory_space<vmem>>, vector<16xi32>,
    %get3A_41 = arith.constant 16 : index
    %get3A_42 = tpu.vector_load %arg10[%get3A_41] {strides = array<i32>} : memref<7680xi32, #tpu.memory_space<vmem>>, vector<16xi32>,
    %get3A_43 = vector.shape_cast %get3A_42 : vector<16xi32> to vector<16xi32>
    %add3A_44 = arith.constant 0 : i32
    %add3A_45 = vector.broadcast %add3A_44 : i32 to vector<16xi32>
    %add3A_46 = arith.addi %get3A_43, %add3A_45 : vector<16xi32>
    %swap3A_47 = arith.constant 16 : index
    %swap3A_48 = tpu.vector_load %arg12[%swap3A_47] {strides = array<i32>} : memref<64xi32, #tpu.memory_space<vmem>>, vector<16xi32>,
    %swap3A_49 = vector.shape_cast %swap3A_48 : vector<16xi32> to vector<16xi32>
    %swap3A_50 = vector.shape_cast %add3A_46 : vector<16xi32> to vector<16xi32>
    tpu.vector_store %arg12[%swap3A_47], %swap3A_50 {strides = array<i32>} : memref<64xi32, #tpu.memory_space<vmem>>, vector<16xi32>,
    %get3A_51 = arith.constant 32 : index
    %get3A_52 = tpu.vector_load %arg10[%get3A_51] {strides = array<i32>} : memref<7680xi32, #tpu.memory_space<vmem>>, vector<16xi32>,
    %get3A_53 = vector.shape_cast %get3A_52 : vector<16xi32> to vector<16xi32>
    %add3A_54 = arith.constant 0 : i32
    %add3A_55 = vector.broadcast %add3A_54 : i32 to vector<16xi32>
    %add3A_56 = arith.addi %get3A_53, %add3A_55 : vector<16xi32>
    %swap3A_57 = arith.constant 32 : index
    %swap3A_58 = tpu.vector_load %arg12[%swap3A_57] {strides = array<i32>} : memref<64xi32, #tpu.memory_space<vmem>>, vector<16xi32>,
    %swap3A_59 = vector.shape_cast %swap3A_58 : vector<16xi32> to vector<16xi32>
    %swap3A_60 = vector.shape_cast %add3A_56 : vector<16xi32> to vector<16xi32>
    tpu.vector_store %arg12[%swap3A_57], %swap3A_60 {strides = array<i32>} : memref<64xi32, #tpu.memory_space<vmem>>, vector<16xi32>,
    %get3A_61 = arith.constant 48 : index
    %get3A_62 = tpu.vector_load %arg10[%get3A_61] {strides = array<i32>} : memref<7680xi32, #tpu.memory_space<vmem>>, vector<16xi32>,
    %get3A_63 = vector.shape_cast %get3A_62 : vector<16xi32> to vector<16xi32>
    %add3A_64 = arith.constant 0 : i32
    %add3A_65 = vector.broadcast %add3A_64 : i32 to vector<16xi32>
    %add3A_66 = arith.addi %get3A_63, %add3A_65 : vector<16xi32>
    %swap3A_67 = arith.constant 48 : index
    %swap3A_68 = tpu.vector_load %arg12[%swap3A_67] {strides = array<i32>} : memref<64xi32, #tpu.memory_space<vmem>>, vector<16xi32>,
    %swap3A_69 = vector.shape_cast %swap3A_68 : vector<16xi32> to vector<16xi32>
    %swap3A_70 = vector.shape_cast %add3A_66 : vector<16xi32> to vector<16xi32>
    tpu.vector_store %arg12[%swap3A_67], %swap3A_70 {strides = array<i32>} : memref<64xi32, #tpu.memory_space<vmem>>, vector<16xi32>,
    %dma_start3A_71 = arith.constant 0 : i32
    %dma_start3A_72 = arith.constant 0 : i32
    %dma_start3A_73 = tpu.memref_slice %arg3[%dma_start3A_71, %dma_start3A_72] : memref<300000x64xf32, #tpu.memory_space<hbm>> -> memref<300000x64xf32, #tpu.memory_space<hbm>>
    tpu.enqueue_indirect_dma source(%dma_start3A_73 : memref<300000x64xf32, #tpu.memory_space<hbm>>) target(%arg16 : memref<64x64xf32, #tpu.memory_space<vmem>>) offsets(%arg12 : memref<64xi32, #tpu.memory_space<vmem>>) semaphore(%arg18 : memref<!tpu.dma_semaphore, #tpu.memory_space<semaphore_mem>>)
    %scan3A_74 = arith.constant 0 : i32
    %scan3A_75 = arith.constant 0 : i32
    %scan3A_76 = arith.constant 0 : i32
    %scan3A_77 = arith.constant 60 : i32
    %scan3A_78 = arith.addi %scan3A_76, %scan3A_77 : i32
    %scan3A_79 = arith.constant 1 : i32
    scf.for %scan3A_351 = %scan3A_76 to %scan3A_78 step %scan3A_79  : i32 {
      %mul3A_352 = arith.constant 2 : i32
      %mul3A_353 = arith.muli %mul3A_352, %scan3A_351 : i32
      %add3A_354 = arith.constant 1 : i32
      %add3A_355 = arith.addi %mul3A_353, %add3A_354 : i32
      %mul3A_356 = arith.constant 64 : i32
      %mul3A_357 = arith.muli %add3A_355, %mul3A_356 : i32
      %add3A_358 = arith.constant 0 : i32
      %add3A_359 = arith.addi %mul3A_357, %add3A_358 : i32
      %get3A_360 = arith.index_cast %add3A_359 : i32 to index
      %get3A_361 = tpu.vector_load %arg10[%get3A_360] {strides = array<i32>} : memref<7680xi32, #tpu.memory_space<vmem>>, vector<16xi32>,
      %get3A_362 = vector.shape_cast %get3A_361 : vector<16xi32> to vector<16xi32>
      %add3A_363 = vector.broadcast %scan3A_75 : i32 to vector<16xi32>
      %add3A_364 = arith.addi %get3A_362, %add3A_363 : vector<16xi32>
      %swap3A_365 = arith.constant 0 : index
      %swap3A_366 = tpu.vector_load %arg13[%swap3A_365] {strides = array<i32>} : memref<64xi32, #tpu.memory_space<vmem>>, vector<16xi32>,
      %swap3A_367 = vector.shape_cast %swap3A_366 : vector<16xi32> to vector<16xi32>
      %swap3A_368 = vector.shape_cast %add3A_364 : vector<16xi32> to vector<16xi32>
      tpu.vector_store %arg13[%swap3A_365], %swap3A_368 {strides = array<i32>} : memref<64xi32, #tpu.memory_space<vmem>>, vector<16xi32>,
      %mul3A_369 = arith.constant 64 : i32
      %mul3A_370 = arith.muli %add3A_355, %mul3A_369 : i32
      %add3A_371 = arith.constant 16 : i32
      %add3A_372 = arith.addi %mul3A_370, %add3A_371 : i32
      %get3A_373 = arith.index_cast %add3A_372 : i32 to index
      %get3A_374 = tpu.vector_load %arg10[%get3A_373] {strides = array<i32>} : memref<7680xi32, #tpu.memory_space<vmem>>, vector<16xi32>,
      %get3A_375 = vector.shape_cast %get3A_374 : vector<16xi32> to vector<16xi32>
      %add3A_376 = vector.broadcast %scan3A_75 : i32 to vector<16xi32>
      %add3A_377 = arith.addi %get3A_375, %add3A_376 : vector<16xi32>
      %swap3A_378 = arith.constant 16 : index
      %swap3A_379 = tpu.vector_load %arg13[%swap3A_378] {strides = array<i32>} : memref<64xi32, #tpu.memory_space<vmem>>, vector<16xi32>,
      %swap3A_380 = vector.shape_cast %swap3A_379 : vector<16xi32> to vector<16xi32>
      %swap3A_381 = vector.shape_cast %add3A_377 : vector<16xi32> to vector<16xi32>
      tpu.vector_store %arg13[%swap3A_378], %swap3A_381 {strides = array<i32>} : memref<64xi32, #tpu.memory_space<vmem>>, vector<16xi32>,
      %mul3A_382 = arith.constant 64 : i32
      %mul3A_383 = arith.muli %add3A_355, %mul3A_382 : i32
      %add3A_384 = arith.constant 32 : i32
      %add3A_385 = arith.addi %mul3A_383, %add3A_384 : i32
      %get3A_386 = arith.index_cast %add3A_385 : i32 to index
      %get3A_387 = tpu.vector_load %arg10[%get3A_386] {strides = array<i32>} : memref<7680xi32, #tpu.memory_space<vmem>>, vector<16xi32>,
      %get3A_388 = vector.shape_cast %get3A_387 : vector<16xi32> to vector<16xi32>
      %add3A_389 = vector.broadcast %scan3A_75 : i32 to vector<16xi32>
      %add3A_390 = arith.addi %get3A_388, %add3A_389 : vector<16xi32>
      %swap3A_391 = arith.constant 32 : index
      %swap3A_392 = tpu.vector_load %arg13[%swap3A_391] {strides = array<i32>} : memref<64xi32, #tpu.memory_space<vmem>>, vector<16xi32>,
      %swap3A_393 = vector.shape_cast %swap3A_392 : vector<16xi32> to vector<16xi32>
      %swap3A_394 = vector.shape_cast %add3A_390 : vector<16xi32> to vector<16xi32>
      tpu.vector_store %arg13[%swap3A_391], %swap3A_394 {strides = array<i32>} : memref<64xi32, #tpu.memory_space<vmem>>, vector<16xi32>,
      %mul3A_395 = arith.constant 64 : i32
      %mul3A_396 = arith.muli %add3A_355, %mul3A_395 : i32
      %add3A_397 = arith.constant 48 : i32
      %add3A_398 = arith.addi %mul3A_396, %add3A_397 : i32
      %get3A_399 = arith.index_cast %add3A_398 : i32 to index
      %get3A_400 = tpu.vector_load %arg10[%get3A_399] {strides = array<i32>} : memref<7680xi32, #tpu.memory_space<vmem>>, vector<16xi32>,
      %get3A_401 = vector.shape_cast %get3A_400 : vector<16xi32> to vector<16xi32>
      %add3A_402 = vector.broadcast %scan3A_75 : i32 to vector<16xi32>
      %add3A_403 = arith.addi %get3A_401, %add3A_402 : vector<16xi32>
      %swap3A_404 = arith.constant 48 : index
      %swap3A_405 = tpu.vector_load %arg13[%swap3A_404] {strides = array<i32>} : memref<64xi32, #tpu.memory_space<vmem>>, vector<16xi32>,
      %swap3A_406 = vector.shape_cast %swap3A_405 : vector<16xi32> to vector<16xi32>
      %swap3A_407 = vector.shape_cast %add3A_403 : vector<16xi32> to vector<16xi32>
      tpu.vector_store %arg13[%swap3A_404], %swap3A_407 {strides = array<i32>} : memref<64xi32, #tpu.memory_space<vmem>>, vector<16xi32>,
      %dma_start3A_408 = arith.constant 0 : i32
      %dma_start3A_409 = arith.constant 0 : i32
      %dma_start3A_410 = tpu.memref_slice %arg3[%dma_start3A_408, %dma_start3A_409] : memref<300000x64xf32, #tpu.memory_space<hbm>> -> memref<300000x64xf32, #tpu.memory_space<hbm>>
      tpu.enqueue_indirect_dma source(%dma_start3A_410 : memref<300000x64xf32, #tpu.memory_space<hbm>>) target(%arg17 : memref<64x64xf32, #tpu.memory_space<vmem>>) offsets(%arg13 : memref<64xi32, #tpu.memory_space<vmem>>) semaphore(%arg19 : memref<!tpu.dma_semaphore, #tpu.memory_space<semaphore_mem>>)
      %dma_wait3A = arith.constant 0 : i32
      %dma_wait3A_411 = arith.constant 0 : i32
      %dma_wait3A_412 = tpu.memref_slice %arg3[%dma_wait3A, %dma_wait3A_411] : memref<300000x64xf32, #tpu.memory_space<hbm>> -> memref<300000x64xf32, #tpu.memory_space<hbm>>
      tpu.wait_indirect_dma semaphore(%arg18 : memref<!tpu.dma_semaphore, #tpu.memory_space<semaphore_mem>>) src(%dma_wait3A_412 : memref<300000x64xf32, #tpu.memory_space<hbm>>) dst(%arg16 : memref<64x64xf32, #tpu.memory_space<vmem>>)
      %jit3A = arith.constant 40 : i32
      %div3A = arith.divsi %mul3A_353, %jit3A : i32
      %sign3A = arith.constant 0 : i32
      %sign3A_413 = arith.cmpi sgt, %mul3A_353, %sign3A : i32
      %sign3A_414 = arith.extui %sign3A_413 : i1 to i32
      %sign3A_415 = arith.constant 0 : i32
      %sign3A_416 = arith.cmpi slt, %mul3A_353, %sign3A_415 : i32
      %sign3A_417 = arith.extui %sign3A_416 : i1 to i32
      %sign3A_418 = arith.subi %sign3A_414, %sign3A_417 : i32
      %sign3A_419 = arith.constant 0 : i32
      %sign3A_420 = arith.cmpi sgt, %jit3A, %sign3A_419 : i32
      %sign3A_421 = arith.extui %sign3A_420 : i1 to i32
      %sign3A_422 = arith.constant 0 : i32
      %sign3A_423 = arith.cmpi slt, %jit3A, %sign3A_422 : i32
      %sign3A_424 = arith.extui %sign3A_423 : i1 to i32
      %sign3A_425 = arith.subi %sign3A_421, %sign3A_424 : i32
      %ne3A = arith.cmpi ne, %sign3A_418, %sign3A_425 : i32
      %rem3A = arith.remsi %mul3A_353, %jit3A : i32
      %ne3A_426 = arith.constant 0 : i32
      %ne3A_427 = arith.cmpi ne, %rem3A, %ne3A_426 : i32
      %and3A = arith.andi %ne3A, %ne3A_427 : i1
      %sub3A = arith.constant 1 : i32
      %sub3A_428 = arith.subi %div3A, %sub3A : i32
      %select_n3A = arith.select %and3A, %sub3A_428, %div3A : i32
      %mul3A_429 = arith.constant 40 : i32
      %mul3A_430 = arith.muli %select_n3A, %mul3A_429 : i32
      %sub3A_431 = arith.subi %mul3A_353, %mul3A_430 : i32
      %jit3A_432 = arith.constant 20 : i32
      %div3A_433 = arith.divsi %sub3A_431, %jit3A_432 : i32
      %sign3A_434 = arith.constant 0 : i32
      %sign3A_435 = arith.cmpi sgt, %sub3A_431, %sign3A_434 : i32
      %sign3A_436 = arith.extui %sign3A_435 : i1 to i32
      %sign3A_437 = arith.constant 0 : i32
      %sign3A_438 = arith.cmpi slt, %sub3A_431, %sign3A_437 : i32
      %sign3A_439 = arith.extui %sign3A_438 : i1 to i32
      %sign3A_440 = arith.subi %sign3A_436, %sign3A_439 : i32
      %sign3A_441 = arith.constant 0 : i32
      %sign3A_442 = arith.cmpi sgt, %jit3A_432, %sign3A_441 : i32
      %sign3A_443 = arith.extui %sign3A_442 : i1 to i32
      %sign3A_444 = arith.constant 0 : i32
      %sign3A_445 = arith.cmpi slt, %jit3A_432, %sign3A_444 : i32
      %sign3A_446 = arith.extui %sign3A_445 : i1 to i32
      %sign3A_447 = arith.subi %sign3A_443, %sign3A_446 : i32
      %ne3A_448 = arith.cmpi ne, %sign3A_440, %sign3A_447 : i32
      %rem3A_449 = arith.remsi %sub3A_431, %jit3A_432 : i32
      %ne3A_450 = arith.constant 0 : i32
      %ne3A_451 = arith.cmpi ne, %rem3A_449, %ne3A_450 : i32
      %and3A_452 = arith.andi %ne3A_448, %ne3A_451 : i1
      %sub3A_453 = arith.constant 1 : i32
      %sub3A_454 = arith.subi %div3A_433, %sub3A_453 : i32
      %select_n3A_455 = arith.select %and3A_452, %sub3A_454, %div3A_433 : i32
      %mul3A_456 = arith.constant 20 : i32
      %mul3A_457 = arith.muli %select_n3A_455, %mul3A_456 : i32
      %sub3A_458 = arith.subi %sub3A_431, %mul3A_457 : i32
      %mul3A_459 = arith.constant 1280 : i32
      %mul3A_460 = arith.muli %select_n3A, %mul3A_459 : i32
      %add3A_461 = arith.addi %mul3A_32, %mul3A_460 : i32
      %mul3A_462 = arith.constant 64 : i32
      %mul3A_463 = arith.muli %sub3A_458, %mul3A_462 : i32
      %add3A_464 = arith.addi %add3A_461, %mul3A_463 : i32
      %mul3A_465 = arith.constant 64 : i32
      %mul3A_466 = arith.muli %select_n3A_455, %mul3A_465 : i32
      "tpu.region"() ({
        %run_scoped3A = tpu.sem_alloc : memref<!tpu.dma_semaphore, #tpu.memory_space<semaphore_mem>>
        %dma_start3A_538 = arith.constant 0 : i32
        %dma_start3A_539 = arith.constant 0 : i32
        %dma_start3A_540 = tpu.memref_slice %arg8[%dma_start3A_538, %dma_start3A_539] : memref<368640x128xf32, #tpu.memory_space<hbm>> -> memref<122880x128xf32, #tpu.memory_space<hbm>>
        %dma_start3A_541 = tpu.memref_slice %dma_start3A_540[%add3A_464, %mul3A_466] : memref<122880x128xf32, #tpu.memory_space<hbm>> -> memref<64x64xf32, #tpu.memory_space<hbm>>
        %dma_start3A_542 = arith.constant 0 : i32
        %dma_start3A_543 = arith.constant 0 : i32
        %dma_start3A_544 = tpu.memref_slice %arg8[%dma_start3A_542, %dma_start3A_543] : memref<368640x128xf32, #tpu.memory_space<hbm>> -> memref<122880x128xf32, #tpu.memory_space<hbm>>
        %dma_start3A_545 = tpu.memref_slice %dma_start3A_544[%add3A_464, %mul3A_466] : memref<122880x128xf32, #tpu.memory_space<hbm>> -> memref<64x64xf32, #tpu.memory_space<hbm>>
        tpu.enqueue_dma source(%arg16 : memref<64x64xf32, #tpu.memory_space<vmem>>) target(%dma_start3A_545 : memref<64x64xf32, #tpu.memory_space<hbm>>) target_semaphore(%run_scoped3A : memref<!tpu.dma_semaphore, #tpu.memory_space<semaphore_mem>>)
        %dma_wait3A_546 = arith.constant 0 : i32
        %dma_wait3A_547 = arith.constant 0 : i32
        %dma_wait3A_548 = tpu.memref_slice %arg8[%dma_wait3A_546, %dma_wait3A_547] : memref<368640x128xf32, #tpu.memory_space<hbm>> -> memref<122880x128xf32, #tpu.memory_space<hbm>>
        %dma_wait3A_549 = tpu.memref_slice %dma_wait3A_548[%add3A_464, %mul3A_466] : memref<122880x128xf32, #tpu.memory_space<hbm>> -> memref<64x64xf32, #tpu.memory_space<hbm>>
        %dma_wait3A_550 = arith.constant 0 : i32
        %dma_wait3A_551 = arith.constant 0 : i32
        %dma_wait3A_552 = tpu.memref_slice %arg8[%dma_wait3A_550, %dma_wait3A_551] : memref<368640x128xf32, #tpu.memory_space<hbm>> -> memref<122880x128xf32, #tpu.memory_space<hbm>>
        %dma_wait3A_553 = tpu.memref_slice %dma_wait3A_552[%add3A_464, %mul3A_466] : memref<122880x128xf32, #tpu.memory_space<hbm>> -> memref<64x64xf32, #tpu.memory_space<hbm>>
        tpu.wait_dma2 semaphore(%run_scoped3A : memref<!tpu.dma_semaphore, #tpu.memory_space<semaphore_mem>>) src(%arg16 : memref<64x64xf32, #tpu.memory_space<vmem>>) dst(%dma_wait3A_553 : memref<64x64xf32, #tpu.memory_space<hbm>>)
        tpu.yield
      }) : () -> ()
      %add3A_467 = arith.constant 2 : i32
      %add3A_468 = arith.addi %mul3A_353, %add3A_467 : i32
      %lt3A = arith.constant 120 : i32
      %lt3A_469 = arith.cmpi slt, %add3A_468, %lt3A : i32
      %convert_element_type3A = arith.extui %lt3A_469 : i1 to i32
      %cond3A = arith.constant 0 : i32
      %cond3A_470 = arith.cmpi ne, %convert_element_type3A, %cond3A : i32
      scf.if %cond3A_470 {
        %add3A_538 = arith.constant 2 : i32
        %add3A_539 = arith.addi %mul3A_353, %add3A_538 : i32
        %mul3A_540 = arith.constant 64 : i32
        %mul3A_541 = arith.muli %add3A_539, %mul3A_540 : i32
        %add3A_542 = arith.constant 0 : i32
        %add3A_543 = arith.addi %mul3A_541, %add3A_542 : i32
        %get3A_544 = arith.index_cast %add3A_543 : i32 to index
        %get3A_545 = tpu.vector_load %arg10[%get3A_544] {strides = array<i32>} : memref<7680xi32, #tpu.memory_space<vmem>>, vector<16xi32>,
        %get3A_546 = vector.shape_cast %get3A_545 : vector<16xi32> to vector<16xi32>
        %add3A_547 = vector.broadcast %scan3A_75 : i32 to vector<16xi32>
        %add3A_548 = arith.addi %get3A_546, %add3A_547 : vector<16xi32>
        %swap3A_549 = arith.constant 0 : index
        %swap3A_550 = tpu.vector_load %arg12[%swap3A_549] {strides = array<i32>} : memref<64xi32, #tpu.memory_space<vmem>>, vector<16xi32>,
        %swap3A_551 = vector.shape_cast %swap3A_550 : vector<16xi32> to vector<16xi32>
        %swap3A_552 = vector.shape_cast %add3A_548 : vector<16xi32> to vector<16xi32>
        tpu.vector_store %arg12[%swap3A_549], %swap3A_552 {strides = array<i32>} : memref<64xi32, #tpu.memory_space<vmem>>, vector<16xi32>,
        %mul3A_553 = arith.constant 64 : i32
        %mul3A_554 = arith.muli %add3A_539, %mul3A_553 : i32
        %add3A_555 = arith.constant 16 : i32
        %add3A_556 = arith.addi %mul3A_554, %add3A_555 : i32
        %get3A_557 = arith.index_cast %add3A_556 : i32 to index
        %get3A_558 = tpu.vector_load %arg10[%get3A_557] {strides = array<i32>} : memref<7680xi32, #tpu.memory_space<vmem>>, vector<16xi32>,
        %get3A_559 = vector.shape_cast %get3A_558 : vector<16xi32> to vector<16xi32>
        %add3A_560 = vector.broadcast %scan3A_75 : i32 to vector<16xi32>
        %add3A_561 = arith.addi %get3A_559, %add3A_560 : vector<16xi32>
        %swap3A_562 = arith.constant 16 : index
        %swap3A_563 = tpu.vector_load %arg12[%swap3A_562] {strides = array<i32>} : memref<64xi32, #tpu.memory_space<vmem>>, vector<16xi32>,
        %swap3A_564 = vector.shape_cast %swap3A_563 : vector<16xi32> to vector<16xi32>
        %swap3A_565 = vector.shape_cast %add3A_561 : vector<16xi32> to vector<16xi32>
        tpu.vector_store %arg12[%swap3A_562], %swap3A_565 {strides = array<i32>} : memref<64xi32, #tpu.memory_space<vmem>>, vector<16xi32>,
        %mul3A_566 = arith.constant 64 : i32
        %mul3A_567 = arith.muli %add3A_539, %mul3A_566 : i32
        %add3A_568 = arith.constant 32 : i32
        %add3A_569 = arith.addi %mul3A_567, %add3A_568 : i32
        %get3A_570 = arith.index_cast %add3A_569 : i32 to index
        %get3A_571 = tpu.vector_load %arg10[%get3A_570] {strides = array<i32>} : memref<7680xi32, #tpu.memory_space<vmem>>, vector<16xi32>,
        %get3A_572 = vector.shape_cast %get3A_571 : vector<16xi32> to vector<16xi32>
        %add3A_573 = vector.broadcast %scan3A_75 : i32 to vector<16xi32>
        %add3A_574 = arith.addi %get3A_572, %add3A_573 : vector<16xi32>
        %swap3A_575 = arith.constant 32 : index
        %swap3A_576 = tpu.vector_load %arg12[%swap3A_575] {strides = array<i32>} : memref<64xi32, #tpu.memory_space<vmem>>, vector<16xi32>,
        %swap3A_577 = vector.shape_cast %swap3A_576 : vector<16xi32> to vector<16xi32>
        %swap3A_578 = vector.shape_cast %add3A_574 : vector<16xi32> to vector<16xi32>
        tpu.vector_store %arg12[%swap3A_575], %swap3A_578 {strides = array<i32>} : memref<64xi32, #tpu.memory_space<vmem>>, vector<16xi32>,
        %mul3A_579 = arith.constant 64 : i32
        %mul3A_580 = arith.muli %add3A_539, %mul3A_579 : i32
        %add3A_581 = arith.constant 48 : i32
        %add3A_582 = arith.addi %mul3A_580, %add3A_581 : i32
        %get3A_583 = arith.index_cast %add3A_582 : i32 to index
        %get3A_584 = tpu.vector_load %arg10[%get3A_583] {strides = array<i32>} : memref<7680xi32, #tpu.memory_space<vmem>>, vector<16xi32>,
        %get3A_585 = vector.shape_cast %get3A_584 : vector<16xi32> to vector<16xi32>
        %add3A_586 = vector.broadcast %scan3A_75 : i32 to vector<16xi32>
        %add3A_587 = arith.addi %get3A_585, %add3A_586 : vector<16xi32>
        %swap3A_588 = arith.constant 48 : index
        %swap3A_589 = tpu.vector_load %arg12[%swap3A_588] {strides = array<i32>} : memref<64xi32, #tpu.memory_space<vmem>>, vector<16xi32>,
        %swap3A_590 = vector.shape_cast %swap3A_589 : vector<16xi32> to vector<16xi32>
        %swap3A_591 = vector.shape_cast %add3A_587 : vector<16xi32> to vector<16xi32>
        tpu.vector_store %arg12[%swap3A_588], %swap3A_591 {strides = array<i32>} : memref<64xi32, #tpu.memory_space<vmem>>, vector<16xi32>,
        %dma_start3A_592 = arith.constant 0 : i32
        %dma_start3A_593 = arith.constant 0 : i32
        %dma_start3A_594 = tpu.memref_slice %arg3[%dma_start3A_592, %dma_start3A_593] : memref<300000x64xf32, #tpu.memory_space<hbm>> -> memref<300000x64xf32, #tpu.memory_space<hbm>>
        tpu.enqueue_indirect_dma source(%dma_start3A_594 : memref<300000x64xf32, #tpu.memory_space<hbm>>) target(%arg16 : memref<64x64xf32, #tpu.memory_space<vmem>>) offsets(%arg12 : memref<64xi32, #tpu.memory_space<vmem>>) semaphore(%arg18 : memref<!tpu.dma_semaphore, #tpu.memory_space<semaphore_mem>>)
      } else {
      }
      %dma_wait3A_471 = arith.constant 0 : i32
      %dma_wait3A_472 = arith.constant 0 : i32
      %dma_wait3A_473 = tpu.memref_slice %arg3[%dma_wait3A_471, %dma_wait3A_472] : memref<300000x64xf32, #tpu.memory_space<hbm>> -> memref<300000x64xf32, #tpu.memory_space<hbm>>
      tpu.wait_indirect_dma semaphore(%arg19 : memref<!tpu.dma_semaphore, #tpu.memory_space<semaphore_mem>>) src(%dma_wait3A_473 : memref<300000x64xf32, #tpu.memory_space<hbm>>) dst(%arg17 : memref<64x64xf32, #tpu.memory_space<vmem>>)
      %add3A_474 = arith.constant 1 : i32
      %add3A_475 = arith.addi %mul3A_353, %add3A_474 : i32
      %jit3A_476 = arith.constant 40 : i32
      %div3A_477 = arith.divsi %add3A_475, %jit3A_476 : i32
      %sign3A_478 = arith.constant 0 : i32
      %sign3A_479 = arith.cmpi sgt, %add3A_475, %sign3A_478 : i32
      %sign3A_480 = arith.extui %sign3A_479 : i1 to i32
      %sign3A_481 = arith.constant 0 : i32
      %sign3A_482 = arith.cmpi slt, %add3A_475, %sign3A_481 : i32
      %sign3A_483 = arith.extui %sign3A_482 : i1 to i32
      %sign3A_484 = arith.subi %sign3A_480, %sign3A_483 : i32
      %sign3A_485 = arith.constant 0 : i32
      %sign3A_486 = arith.cmpi sgt, %jit3A_476, %sign3A_485 : i32
      %sign3A_487 = arith.extui %sign3A_486 : i1 to i32
      %sign3A_488 = arith.constant 0 : i32
      %sign3A_489 = arith.cmpi slt, %jit3A_476, %sign3A_488 : i32
      %sign3A_490 = arith.extui %sign3A_489 : i1 to i32
      %sign3A_491 = arith.subi %sign3A_487, %sign3A_490 : i32
      %ne3A_492 = arith.cmpi ne, %sign3A_484, %sign3A_491 : i32
      %rem3A_493 = arith.remsi %add3A_475, %jit3A_476 : i32
      %ne3A_494 = arith.constant 0 : i32
      %ne3A_495 = arith.cmpi ne, %rem3A_493, %ne3A_494 : i32
      %and3A_496 = arith.andi %ne3A_492, %ne3A_495 : i1
      %sub3A_497 = arith.constant 1 : i32
      %sub3A_498 = arith.subi %div3A_477, %sub3A_497 : i32
      %select_n3A_499 = arith.select %and3A_496, %sub3A_498, %div3A_477 : i32
      %mul3A_500 = arith.constant 40 : i32
      %mul3A_501 = arith.muli %select_n3A_499, %mul3A_500 : i32
      %sub3A_502 = arith.subi %add3A_475, %mul3A_501 : i32
      %jit3A_503 = arith.constant 20 : i32
      %div3A_504 = arith.divsi %sub3A_502, %jit3A_503 : i32
      %sign3A_505 = arith.constant 0 : i32
      %sign3A_506 = arith.cmpi sgt, %sub3A_502, %sign3A_505 : i32
      %sign3A_507 = arith.extui %sign3A_506 : i1 to i32
      %sign3A_508 = arith.constant 0 : i32
      %sign3A_509 = arith.cmpi slt, %sub3A_502, %sign3A_508 : i32
      %sign3A_510 = arith.extui %sign3A_509 : i1 to i32
      %sign3A_511 = arith.subi %sign3A_507, %sign3A_510 : i32
      %sign3A_512 = arith.constant 0 : i32
      %sign3A_513 = arith.cmpi sgt, %jit3A_503, %sign3A_512 : i32
      %sign3A_514 = arith.extui %sign3A_513 : i1 to i32
      %sign3A_515 = arith.constant 0 : i32
      %sign3A_516 = arith.cmpi slt, %jit3A_503, %sign3A_515 : i32
      %sign3A_517 = arith.extui %sign3A_516 : i1 to i32
      %sign3A_518 = arith.subi %sign3A_514, %sign3A_517 : i32
      %ne3A_519 = arith.cmpi ne, %sign3A_511, %sign3A_518 : i32
      %rem3A_520 = arith.remsi %sub3A_502, %jit3A_503 : i32
      %ne3A_521 = arith.constant 0 : i32
      %ne3A_522 = arith.cmpi ne, %rem3A_520, %ne3A_521 : i32
      %and3A_523 = arith.andi %ne3A_519, %ne3A_522 : i1
      %sub3A_524 = arith.constant 1 : i32
      %sub3A_525 = arith.subi %div3A_504, %sub3A_524 : i32
      %select_n3A_526 = arith.select %and3A_523, %sub3A_525, %div3A_504 : i32
      %mul3A_527 = arith.constant 20 : i32
      %mul3A_528 = arith.muli %select_n3A_526, %mul3A_527 : i32
      %sub3A_529 = arith.subi %sub3A_502, %mul3A_528 : i32
      %mul3A_530 = arith.constant 1280 : i32
      %mul3A_531 = arith.muli %select_n3A_499, %mul3A_530 : i32
      %add3A_532 = arith.addi %mul3A_32, %mul3A_531 : i32
      %mul3A_533 = arith.constant 64 : i32
      %mul3A_534 = arith.muli %sub3A_529, %mul3A_533 : i32
      %add3A_535 = arith.addi %add3A_532, %mul3A_534 : i32
      %mul3A_536 = arith.constant 64 : i32
      %mul3A_537 = arith.muli %select_n3A_526, %mul3A_536 : i32
      "tpu.region"() ({
        %run_scoped3A = tpu.sem_alloc : memref<!tpu.dma_semaphore, #tpu.memory_space<semaphore_mem>>
        %dma_start3A_538 = arith.constant 0 : i32
        %dma_start3A_539 = arith.constant 0 : i32
        %dma_start3A_540 = tpu.memref_slice %arg8[%dma_start3A_538, %dma_start3A_539] : memref<368640x128xf32, #tpu.memory_space<hbm>> -> memref<122880x128xf32, #tpu.memory_space<hbm>>
        %dma_start3A_541 = tpu.memref_slice %dma_start3A_540[%add3A_535, %mul3A_537] : memref<122880x128xf32, #tpu.memory_space<hbm>> -> memref<64x64xf32, #tpu.memory_space<hbm>>
        %dma_start3A_542 = arith.constant 0 : i32
        %dma_start3A_543 = arith.constant 0 : i32
        %dma_start3A_544 = tpu.memref_slice %arg8[%dma_start3A_542, %dma_start3A_543] : memref<368640x128xf32, #tpu.memory_space<hbm>> -> memref<122880x128xf32, #tpu.memory_space<hbm>>
        %dma_start3A_545 = tpu.memref_slice %dma_start3A_544[%add3A_535, %mul3A_537] : memref<122880x128xf32, #tpu.memory_space<hbm>> -> memref<64x64xf32, #tpu.memory_space<hbm>>
        tpu.enqueue_dma source(%arg17 : memref<64x64xf32, #tpu.memory_space<vmem>>) target(%dma_start3A_545 : memref<64x64xf32, #tpu.memory_space<hbm>>) target_semaphore(%run_scoped3A : memref<!tpu.dma_semaphore, #tpu.memory_space<semaphore_mem>>)
        %dma_wait3A_546 = arith.constant 0 : i32
        %dma_wait3A_547 = arith.constant 0 : i32
        %dma_wait3A_548 = tpu.memref_slice %arg8[%dma_wait3A_546, %dma_wait3A_547] : memref<368640x128xf32, #tpu.memory_space<hbm>> -> memref<122880x128xf32, #tpu.memory_space<hbm>>
        %dma_wait3A_549 = tpu.memref_slice %dma_wait3A_548[%add3A_535, %mul3A_537] : memref<122880x128xf32, #tpu.memory_space<hbm>> -> memref<64x64xf32, #tpu.memory_space<hbm>>
        %dma_wait3A_550 = arith.constant 0 : i32
        %dma_wait3A_551 = arith.constant 0 : i32
        %dma_wait3A_552 = tpu.memref_slice %arg8[%dma_wait3A_550, %dma_wait3A_551] : memref<368640x128xf32, #tpu.memory_space<hbm>> -> memref<122880x128xf32, #tpu.memory_space<hbm>>
        %dma_wait3A_553 = tpu.memref_slice %dma_wait3A_552[%add3A_535, %mul3A_537] : memref<122880x128xf32, #tpu.memory_space<hbm>> -> memref<64x64xf32, #tpu.memory_space<hbm>>
        tpu.wait_dma2 semaphore(%run_scoped3A : memref<!tpu.dma_semaphore, #tpu.memory_space<semaphore_mem>>) src(%arg17 : memref<64x64xf32, #tpu.memory_space<vmem>>) dst(%dma_wait3A_553 : memref<64x64xf32, #tpu.memory_space<hbm>>)
        tpu.yield
      }) : () -> ()
    }
    %scan3A_80 = arith.constant 60 : i32
    %mul3A_81 = arith.constant 60 : i32
    %mul3A_82 = arith.muli %add3A, %mul3A_81 : i32
    %mul3A_83 = arith.constant 64 : i32
    %mul3A_84 = arith.muli %mul3A_82, %mul3A_83 : i32
    %get3A_85 = arith.constant 0 : index
    %get3A_86 = tpu.vector_load %arg10[%get3A_85] {strides = array<i32>} : memref<7680xi32, #tpu.memory_space<vmem>>, vector<16xi32>,
    %get3A_87 = vector.shape_cast %get3A_86 : vector<16xi32> to vector<16xi32>
    %add3A_88 = arith.constant 100000 : i32
    %add3A_89 = vector.broadcast %add3A_88 : i32 to vector<16xi32>
    %add3A_90 = arith.addi %get3A_87, %add3A_89 : vector<16xi32>
    %swap3A_91 = arith.constant 0 : index
    %swap3A_92 = tpu.vector_load %arg12[%swap3A_91] {strides = array<i32>} : memref<64xi32, #tpu.memory_space<vmem>>, vector<16xi32>,
    %swap3A_93 = vector.shape_cast %swap3A_92 : vector<16xi32> to vector<16xi32>
    %swap3A_94 = vector.shape_cast %add3A_90 : vector<16xi32> to vector<16xi32>
    tpu.vector_store %arg12[%swap3A_91], %swap3A_94 {strides = array<i32>} : memref<64xi32, #tpu.memory_space<vmem>>, vector<16xi32>,
    %get3A_95 = arith.constant 16 : index
    %get3A_96 = tpu.vector_load %arg10[%get3A_95] {strides = array<i32>} : memref<7680xi32, #tpu.memory_space<vmem>>, vector<16xi32>,
    %get3A_97 = vector.shape_cast %get3A_96 : vector<16xi32> to vector<16xi32>
    %add3A_98 = arith.constant 100000 : i32
    %add3A_99 = vector.broadcast %add3A_98 : i32 to vector<16xi32>
    %add3A_100 = arith.addi %get3A_97, %add3A_99 : vector<16xi32>
    %swap3A_101 = arith.constant 16 : index
    %swap3A_102 = tpu.vector_load %arg12[%swap3A_101] {strides = array<i32>} : memref<64xi32, #tpu.memory_space<vmem>>, vector<16xi32>,
    %swap3A_103 = vector.shape_cast %swap3A_102 : vector<16xi32> to vector<16xi32>
    %swap3A_104 = vector.shape_cast %add3A_100 : vector<16xi32> to vector<16xi32>
    tpu.vector_store %arg12[%swap3A_101], %swap3A_104 {strides = array<i32>} : memref<64xi32, #tpu.memory_space<vmem>>, vector<16xi32>,
    %get3A_105 = arith.constant 32 : index
    %get3A_106 = tpu.vector_load %arg10[%get3A_105] {strides = array<i32>} : memref<7680xi32, #tpu.memory_space<vmem>>, vector<16xi32>,
    %get3A_107 = vector.shape_cast %get3A_106 : vector<16xi32> to vector<16xi32>
    %add3A_108 = arith.constant 100000 : i32
    %add3A_109 = vector.broadcast %add3A_108 : i32 to vector<16xi32>
    %add3A_110 = arith.addi %get3A_107, %add3A_109 : vector<16xi32>
    %swap3A_111 = arith.constant 32 : index
    %swap3A_112 = tpu.vector_load %arg12[%swap3A_111] {strides = array<i32>} : memref<64xi32, #tpu.memory_space<vmem>>, vector<16xi32>,
    %swap3A_113 = vector.shape_cast %swap3A_112 : vector<16xi32> to vector<16xi32>
    %swap3A_114 = vector.shape_cast %add3A_110 : vector<16xi32> to vector<16xi32>
    tpu.vector_store %arg12[%swap3A_111], %swap3A_114 {strides = array<i32>} : memref<64xi32, #tpu.memory_space<vmem>>, vector<16xi32>,
    %get3A_115 = arith.constant 48 : index
    %get3A_116 = tpu.vector_load %arg10[%get3A_115] {strides = array<i32>} : memref<7680xi32, #tpu.memory_space<vmem>>, vector<16xi32>,
    %get3A_117 = vector.shape_cast %get3A_116 : vector<16xi32> to vector<16xi32>
    %add3A_118 = arith.constant 100000 : i32
    %add3A_119 = vector.broadcast %add3A_118 : i32 to vector<16xi32>
    %add3A_120 = arith.addi %get3A_117, %add3A_119 : vector<16xi32>
    %swap3A_121 = arith.constant 48 : index
    %swap3A_122 = tpu.vector_load %arg12[%swap3A_121] {strides = array<i32>} : memref<64xi32, #tpu.memory_space<vmem>>, vector<16xi32>,
    %swap3A_123 = vector.shape_cast %swap3A_122 : vector<16xi32> to vector<16xi32>
    %swap3A_124 = vector.shape_cast %add3A_120 : vector<16xi32> to vector<16xi32>
    tpu.vector_store %arg12[%swap3A_121], %swap3A_124 {strides = array<i32>} : memref<64xi32, #tpu.memory_space<vmem>>, vector<16xi32>,
    %dma_start3A_125 = arith.constant 0 : i32
    %dma_start3A_126 = arith.constant 0 : i32
    %dma_start3A_127 = tpu.memref_slice %arg3[%dma_start3A_125, %dma_start3A_126] : memref<300000x64xf32, #tpu.memory_space<hbm>> -> memref<300000x64xf32, #tpu.memory_space<hbm>>
    tpu.enqueue_indirect_dma source(%dma_start3A_127 : memref<300000x64xf32, #tpu.memory_space<hbm>>) target(%arg16 : memref<64x64xf32, #tpu.memory_space<vmem>>) offsets(%arg12 : memref<64xi32, #tpu.memory_space<vmem>>) semaphore(%arg18 : memref<!tpu.dma_semaphore, #tpu.memory_space<semaphore_mem>>)
    %scan3A_128 = arith.constant 0 : i32
    %scan3A_129 = arith.constant 100000 : i32
    %scan3A_130 = arith.constant 0 : i32
    %scan3A_131 = arith.constant 60 : i32
    %scan3A_132 = arith.addi %scan3A_130, %scan3A_131 : i32
    %scan3A_133 = arith.constant 1 : i32
    scf.for %scan3A_351 = %scan3A_130 to %scan3A_132 step %scan3A_133  : i32 {
      %mul3A_352 = arith.constant 2 : i32
      %mul3A_353 = arith.muli %mul3A_352, %scan3A_351 : i32
      %add3A_354 = arith.constant 1 : i32
      %add3A_355 = arith.addi %mul3A_353, %add3A_354 : i32
      %mul3A_356 = arith.constant 64 : i32
      %mul3A_357 = arith.muli %add3A_355, %mul3A_356 : i32
      %add3A_358 = arith.constant 0 : i32
      %add3A_359 = arith.addi %mul3A_357, %add3A_358 : i32
      %get3A_360 = arith.index_cast %add3A_359 : i32 to index
      %get3A_361 = tpu.vector_load %arg10[%get3A_360] {strides = array<i32>} : memref<7680xi32, #tpu.memory_space<vmem>>, vector<16xi32>,
      %get3A_362 = vector.shape_cast %get3A_361 : vector<16xi32> to vector<16xi32>
      %add3A_363 = vector.broadcast %scan3A_129 : i32 to vector<16xi32>
      %add3A_364 = arith.addi %get3A_362, %add3A_363 : vector<16xi32>
      %swap3A_365 = arith.constant 0 : index
      %swap3A_366 = tpu.vector_load %arg13[%swap3A_365] {strides = array<i32>} : memref<64xi32, #tpu.memory_space<vmem>>, vector<16xi32>,
      %swap3A_367 = vector.shape_cast %swap3A_366 : vector<16xi32> to vector<16xi32>
      %swap3A_368 = vector.shape_cast %add3A_364 : vector<16xi32> to vector<16xi32>
      tpu.vector_store %arg13[%swap3A_365], %swap3A_368 {strides = array<i32>} : memref<64xi32, #tpu.memory_space<vmem>>, vector<16xi32>,
      %mul3A_369 = arith.constant 64 : i32
      %mul3A_370 = arith.muli %add3A_355, %mul3A_369 : i32
      %add3A_371 = arith.constant 16 : i32
      %add3A_372 = arith.addi %mul3A_370, %add3A_371 : i32
      %get3A_373 = arith.index_cast %add3A_372 : i32 to index
      %get3A_374 = tpu.vector_load %arg10[%get3A_373] {strides = array<i32>} : memref<7680xi32, #tpu.memory_space<vmem>>, vector<16xi32>,
      %get3A_375 = vector.shape_cast %get3A_374 : vector<16xi32> to vector<16xi32>
      %add3A_376 = vector.broadcast %scan3A_129 : i32 to vector<16xi32>
      %add3A_377 = arith.addi %get3A_375, %add3A_376 : vector<16xi32>
      %swap3A_378 = arith.constant 16 : index
      %swap3A_379 = tpu.vector_load %arg13[%swap3A_378] {strides = array<i32>} : memref<64xi32, #tpu.memory_space<vmem>>, vector<16xi32>,
      %swap3A_380 = vector.shape_cast %swap3A_379 : vector<16xi32> to vector<16xi32>
      %swap3A_381 = vector.shape_cast %add3A_377 : vector<16xi32> to vector<16xi32>
      tpu.vector_store %arg13[%swap3A_378], %swap3A_381 {strides = array<i32>} : memref<64xi32, #tpu.memory_space<vmem>>, vector<16xi32>,
      %mul3A_382 = arith.constant 64 : i32
      %mul3A_383 = arith.muli %add3A_355, %mul3A_382 : i32
      %add3A_384 = arith.constant 32 : i32
      %add3A_385 = arith.addi %mul3A_383, %add3A_384 : i32
      %get3A_386 = arith.index_cast %add3A_385 : i32 to index
      %get3A_387 = tpu.vector_load %arg10[%get3A_386] {strides = array<i32>} : memref<7680xi32, #tpu.memory_space<vmem>>, vector<16xi32>,
      %get3A_388 = vector.shape_cast %get3A_387 : vector<16xi32> to vector<16xi32>
      %add3A_389 = vector.broadcast %scan3A_129 : i32 to vector<16xi32>
      %add3A_390 = arith.addi %get3A_388, %add3A_389 : vector<16xi32>
      %swap3A_391 = arith.constant 32 : index
      %swap3A_392 = tpu.vector_load %arg13[%swap3A_391] {strides = array<i32>} : memref<64xi32, #tpu.memory_space<vmem>>, vector<16xi32>,
      %swap3A_393 = vector.shape_cast %swap3A_392 : vector<16xi32> to vector<16xi32>
      %swap3A_394 = vector.shape_cast %add3A_390 : vector<16xi32> to vector<16xi32>
      tpu.vector_store %arg13[%swap3A_391], %swap3A_394 {strides = array<i32>} : memref<64xi32, #tpu.memory_space<vmem>>, vector<16xi32>,
      %mul3A_395 = arith.constant 64 : i32
      %mul3A_396 = arith.muli %add3A_355, %mul3A_395 : i32
      %add3A_397 = arith.constant 48 : i32
      %add3A_398 = arith.addi %mul3A_396, %add3A_397 : i32
      %get3A_399 = arith.index_cast %add3A_398 : i32 to index
      %get3A_400 = tpu.vector_load %arg10[%get3A_399] {strides = array<i32>} : memref<7680xi32, #tpu.memory_space<vmem>>, vector<16xi32>,
      %get3A_401 = vector.shape_cast %get3A_400 : vector<16xi32> to vector<16xi32>
      %add3A_402 = vector.broadcast %scan3A_129 : i32 to vector<16xi32>
      %add3A_403 = arith.addi %get3A_401, %add3A_402 : vector<16xi32>
      %swap3A_404 = arith.constant 48 : index
      %swap3A_405 = tpu.vector_load %arg13[%swap3A_404] {strides = array<i32>} : memref<64xi32, #tpu.memory_space<vmem>>, vector<16xi32>,
      %swap3A_406 = vector.shape_cast %swap3A_405 : vector<16xi32> to vector<16xi32>
      %swap3A_407 = vector.shape_cast %add3A_403 : vector<16xi32> to vector<16xi32>
      tpu.vector_store %arg13[%swap3A_404], %swap3A_407 {strides = array<i32>} : memref<64xi32, #tpu.memory_space<vmem>>, vector<16xi32>,
      %dma_start3A_408 = arith.constant 0 : i32
      %dma_start3A_409 = arith.constant 0 : i32
      %dma_start3A_410 = tpu.memref_slice %arg3[%dma_start3A_408, %dma_start3A_409] : memref<300000x64xf32, #tpu.memory_space<hbm>> -> memref<300000x64xf32, #tpu.memory_space<hbm>>
      tpu.enqueue_indirect_dma source(%dma_start3A_410 : memref<300000x64xf32, #tpu.memory_space<hbm>>) target(%arg17 : memref<64x64xf32, #tpu.memory_space<vmem>>) offsets(%arg13 : memref<64xi32, #tpu.memory_space<vmem>>) semaphore(%arg19 : memref<!tpu.dma_semaphore, #tpu.memory_space<semaphore_mem>>)
      %dma_wait3A = arith.constant 0 : i32
      %dma_wait3A_411 = arith.constant 0 : i32
      %dma_wait3A_412 = tpu.memref_slice %arg3[%dma_wait3A, %dma_wait3A_411] : memref<300000x64xf32, #tpu.memory_space<hbm>> -> memref<300000x64xf32, #tpu.memory_space<hbm>>
      tpu.wait_indirect_dma semaphore(%arg18 : memref<!tpu.dma_semaphore, #tpu.memory_space<semaphore_mem>>) src(%dma_wait3A_412 : memref<300000x64xf32, #tpu.memory_space<hbm>>) dst(%arg16 : memref<64x64xf32, #tpu.memory_space<vmem>>)
      %jit3A = arith.constant 40 : i32
      %div3A = arith.divsi %mul3A_353, %jit3A : i32
      %sign3A = arith.constant 0 : i32
      %sign3A_413 = arith.cmpi sgt, %mul3A_353, %sign3A : i32
      %sign3A_414 = arith.extui %sign3A_413 : i1 to i32
      %sign3A_415 = arith.constant 0 : i32
      %sign3A_416 = arith.cmpi slt, %mul3A_353, %sign3A_415 : i32
      %sign3A_417 = arith.extui %sign3A_416 : i1 to i32
      %sign3A_418 = arith.subi %sign3A_414, %sign3A_417 : i32
      %sign3A_419 = arith.constant 0 : i32
      %sign3A_420 = arith.cmpi sgt, %jit3A, %sign3A_419 : i32
      %sign3A_421 = arith.extui %sign3A_420 : i1 to i32
      %sign3A_422 = arith.constant 0 : i32
      %sign3A_423 = arith.cmpi slt, %jit3A, %sign3A_422 : i32
      %sign3A_424 = arith.extui %sign3A_423 : i1 to i32
      %sign3A_425 = arith.subi %sign3A_421, %sign3A_424 : i32
      %ne3A = arith.cmpi ne, %sign3A_418, %sign3A_425 : i32
      %rem3A = arith.remsi %mul3A_353, %jit3A : i32
      %ne3A_426 = arith.constant 0 : i32
      %ne3A_427 = arith.cmpi ne, %rem3A, %ne3A_426 : i32
      %and3A = arith.andi %ne3A, %ne3A_427 : i1
      %sub3A = arith.constant 1 : i32
      %sub3A_428 = arith.subi %div3A, %sub3A : i32
      %select_n3A = arith.select %and3A, %sub3A_428, %div3A : i32
      %mul3A_429 = arith.constant 40 : i32
      %mul3A_430 = arith.muli %select_n3A, %mul3A_429 : i32
      %sub3A_431 = arith.subi %mul3A_353, %mul3A_430 : i32
      %jit3A_432 = arith.constant 20 : i32
      %div3A_433 = arith.divsi %sub3A_431, %jit3A_432 : i32
      %sign3A_434 = arith.constant 0 : i32
      %sign3A_435 = arith.cmpi sgt, %sub3A_431, %sign3A_434 : i32
      %sign3A_436 = arith.extui %sign3A_435 : i1 to i32
      %sign3A_437 = arith.constant 0 : i32
      %sign3A_438 = arith.cmpi slt, %sub3A_431, %sign3A_437 : i32
      %sign3A_439 = arith.extui %sign3A_438 : i1 to i32
      %sign3A_440 = arith.subi %sign3A_436, %sign3A_439 : i32
      %sign3A_441 = arith.constant 0 : i32
      %sign3A_442 = arith.cmpi sgt, %jit3A_432, %sign3A_441 : i32
      %sign3A_443 = arith.extui %sign3A_442 : i1 to i32
      %sign3A_444 = arith.constant 0 : i32
      %sign3A_445 = arith.cmpi slt, %jit3A_432, %sign3A_444 : i32
      %sign3A_446 = arith.extui %sign3A_445 : i1 to i32
      %sign3A_447 = arith.subi %sign3A_443, %sign3A_446 : i32
      %ne3A_448 = arith.cmpi ne, %sign3A_440, %sign3A_447 : i32
      %rem3A_449 = arith.remsi %sub3A_431, %jit3A_432 : i32
      %ne3A_450 = arith.constant 0 : i32
      %ne3A_451 = arith.cmpi ne, %rem3A_449, %ne3A_450 : i32
      %and3A_452 = arith.andi %ne3A_448, %ne3A_451 : i1
      %sub3A_453 = arith.constant 1 : i32
      %sub3A_454 = arith.subi %div3A_433, %sub3A_453 : i32
      %select_n3A_455 = arith.select %and3A_452, %sub3A_454, %div3A_433 : i32
      %mul3A_456 = arith.constant 20 : i32
      %mul3A_457 = arith.muli %select_n3A_455, %mul3A_456 : i32
      %sub3A_458 = arith.subi %sub3A_431, %mul3A_457 : i32
      %mul3A_459 = arith.constant 1280 : i32
      %mul3A_460 = arith.muli %select_n3A, %mul3A_459 : i32
      %add3A_461 = arith.addi %mul3A_84, %mul3A_460 : i32
      %mul3A_462 = arith.constant 64 : i32
      %mul3A_463 = arith.muli %sub3A_458, %mul3A_462 : i32
      %add3A_464 = arith.addi %add3A_461, %mul3A_463 : i32
      %mul3A_465 = arith.constant 64 : i32
      %mul3A_466 = arith.muli %select_n3A_455, %mul3A_465 : i32
      "tpu.region"() ({
        %run_scoped3A = tpu.sem_alloc : memref<!tpu.dma_semaphore, #tpu.memory_space<semaphore_mem>>
        %dma_start3A_538 = arith.constant 122880 : i32
        %dma_start3A_539 = arith.constant 0 : i32
        %dma_start3A_540 = tpu.memref_slice %arg8[%dma_start3A_538, %dma_start3A_539] : memref<368640x128xf32, #tpu.memory_space<hbm>> -> memref<122880x128xf32, #tpu.memory_space<hbm>>
        %dma_start3A_541 = tpu.memref_slice %dma_start3A_540[%add3A_464, %mul3A_466] : memref<122880x128xf32, #tpu.memory_space<hbm>> -> memref<64x64xf32, #tpu.memory_space<hbm>>
        %dma_start3A_542 = arith.constant 122880 : i32
        %dma_start3A_543 = arith.constant 0 : i32
        %dma_start3A_544 = tpu.memref_slice %arg8[%dma_start3A_542, %dma_start3A_543] : memref<368640x128xf32, #tpu.memory_space<hbm>> -> memref<122880x128xf32, #tpu.memory_space<hbm>>
        %dma_start3A_545 = tpu.memref_slice %dma_start3A_544[%add3A_464, %mul3A_466] : memref<122880x128xf32, #tpu.memory_space<hbm>> -> memref<64x64xf32, #tpu.memory_space<hbm>>
        tpu.enqueue_dma source(%arg16 : memref<64x64xf32, #tpu.memory_space<vmem>>) target(%dma_start3A_545 : memref<64x64xf32, #tpu.memory_space<hbm>>) target_semaphore(%run_scoped3A : memref<!tpu.dma_semaphore, #tpu.memory_space<semaphore_mem>>)
        %dma_wait3A_546 = arith.constant 122880 : i32
        %dma_wait3A_547 = arith.constant 0 : i32
        %dma_wait3A_548 = tpu.memref_slice %arg8[%dma_wait3A_546, %dma_wait3A_547] : memref<368640x128xf32, #tpu.memory_space<hbm>> -> memref<122880x128xf32, #tpu.memory_space<hbm>>
        %dma_wait3A_549 = tpu.memref_slice %dma_wait3A_548[%add3A_464, %mul3A_466] : memref<122880x128xf32, #tpu.memory_space<hbm>> -> memref<64x64xf32, #tpu.memory_space<hbm>>
        %dma_wait3A_550 = arith.constant 122880 : i32
        %dma_wait3A_551 = arith.constant 0 : i32
        %dma_wait3A_552 = tpu.memref_slice %arg8[%dma_wait3A_550, %dma_wait3A_551] : memref<368640x128xf32, #tpu.memory_space<hbm>> -> memref<122880x128xf32, #tpu.memory_space<hbm>>
        %dma_wait3A_553 = tpu.memref_slice %dma_wait3A_552[%add3A_464, %mul3A_466] : memref<122880x128xf32, #tpu.memory_space<hbm>> -> memref<64x64xf32, #tpu.memory_space<hbm>>
        tpu.wait_dma2 semaphore(%run_scoped3A : memref<!tpu.dma_semaphore, #tpu.memory_space<semaphore_mem>>) src(%arg16 : memref<64x64xf32, #tpu.memory_space<vmem>>) dst(%dma_wait3A_553 : memref<64x64xf32, #tpu.memory_space<hbm>>)
        tpu.yield
      }) : () -> ()
      %add3A_467 = arith.constant 2 : i32
      %add3A_468 = arith.addi %mul3A_353, %add3A_467 : i32
      %lt3A = arith.constant 120 : i32
      %lt3A_469 = arith.cmpi slt, %add3A_468, %lt3A : i32
      %convert_element_type3A = arith.extui %lt3A_469 : i1 to i32
      %cond3A = arith.constant 0 : i32
      %cond3A_470 = arith.cmpi ne, %convert_element_type3A, %cond3A : i32
      scf.if %cond3A_470 {
        %add3A_538 = arith.constant 2 : i32
        %add3A_539 = arith.addi %mul3A_353, %add3A_538 : i32
        %mul3A_540 = arith.constant 64 : i32
        %mul3A_541 = arith.muli %add3A_539, %mul3A_540 : i32
        %add3A_542 = arith.constant 0 : i32
        %add3A_543 = arith.addi %mul3A_541, %add3A_542 : i32
        %get3A_544 = arith.index_cast %add3A_543 : i32 to index
        %get3A_545 = tpu.vector_load %arg10[%get3A_544] {strides = array<i32>} : memref<7680xi32, #tpu.memory_space<vmem>>, vector<16xi32>,
        %get3A_546 = vector.shape_cast %get3A_545 : vector<16xi32> to vector<16xi32>
        %add3A_547 = vector.broadcast %scan3A_129 : i32 to vector<16xi32>
        %add3A_548 = arith.addi %get3A_546, %add3A_547 : vector<16xi32>
        %swap3A_549 = arith.constant 0 : index
        %swap3A_550 = tpu.vector_load %arg12[%swap3A_549] {strides = array<i32>} : memref<64xi32, #tpu.memory_space<vmem>>, vector<16xi32>,
        %swap3A_551 = vector.shape_cast %swap3A_550 : vector<16xi32> to vector<16xi32>
        %swap3A_552 = vector.shape_cast %add3A_548 : vector<16xi32> to vector<16xi32>
        tpu.vector_store %arg12[%swap3A_549], %swap3A_552 {strides = array<i32>} : memref<64xi32, #tpu.memory_space<vmem>>, vector<16xi32>,
        %mul3A_553 = arith.constant 64 : i32
        %mul3A_554 = arith.muli %add3A_539, %mul3A_553 : i32
        %add3A_555 = arith.constant 16 : i32
        %add3A_556 = arith.addi %mul3A_554, %add3A_555 : i32
        %get3A_557 = arith.index_cast %add3A_556 : i32 to index
        %get3A_558 = tpu.vector_load %arg10[%get3A_557] {strides = array<i32>} : memref<7680xi32, #tpu.memory_space<vmem>>, vector<16xi32>,
        %get3A_559 = vector.shape_cast %get3A_558 : vector<16xi32> to vector<16xi32>
        %add3A_560 = vector.broadcast %scan3A_129 : i32 to vector<16xi32>
        %add3A_561 = arith.addi %get3A_559, %add3A_560 : vector<16xi32>
        %swap3A_562 = arith.constant 16 : index
        %swap3A_563 = tpu.vector_load %arg12[%swap3A_562] {strides = array<i32>} : memref<64xi32, #tpu.memory_space<vmem>>, vector<16xi32>,
        %swap3A_564 = vector.shape_cast %swap3A_563 : vector<16xi32> to vector<16xi32>
        %swap3A_565 = vector.shape_cast %add3A_561 : vector<16xi32> to vector<16xi32>
        tpu.vector_store %arg12[%swap3A_562], %swap3A_565 {strides = array<i32>} : memref<64xi32, #tpu.memory_space<vmem>>, vector<16xi32>,
        %mul3A_566 = arith.constant 64 : i32
        %mul3A_567 = arith.muli %add3A_539, %mul3A_566 : i32
        %add3A_568 = arith.constant 32 : i32
        %add3A_569 = arith.addi %mul3A_567, %add3A_568 : i32
        %get3A_570 = arith.index_cast %add3A_569 : i32 to index
        %get3A_571 = tpu.vector_load %arg10[%get3A_570] {strides = array<i32>} : memref<7680xi32, #tpu.memory_space<vmem>>, vector<16xi32>,
        %get3A_572 = vector.shape_cast %get3A_571 : vector<16xi32> to vector<16xi32>
        %add3A_573 = vector.broadcast %scan3A_129 : i32 to vector<16xi32>
        %add3A_574 = arith.addi %get3A_572, %add3A_573 : vector<16xi32>
        %swap3A_575 = arith.constant 32 : index
        %swap3A_576 = tpu.vector_load %arg12[%swap3A_575] {strides = array<i32>} : memref<64xi32, #tpu.memory_space<vmem>>, vector<16xi32>,
        %swap3A_577 = vector.shape_cast %swap3A_576 : vector<16xi32> to vector<16xi32>
        %swap3A_578 = vector.shape_cast %add3A_574 : vector<16xi32> to vector<16xi32>
        tpu.vector_store %arg12[%swap3A_575], %swap3A_578 {strides = array<i32>} : memref<64xi32, #tpu.memory_space<vmem>>, vector<16xi32>,
        %mul3A_579 = arith.constant 64 : i32
        %mul3A_580 = arith.muli %add3A_539, %mul3A_579 : i32
        %add3A_581 = arith.constant 48 : i32
        %add3A_582 = arith.addi %mul3A_580, %add3A_581 : i32
        %get3A_583 = arith.index_cast %add3A_582 : i32 to index
        %get3A_584 = tpu.vector_load %arg10[%get3A_583] {strides = array<i32>} : memref<7680xi32, #tpu.memory_space<vmem>>, vector<16xi32>,
        %get3A_585 = vector.shape_cast %get3A_584 : vector<16xi32> to vector<16xi32>
        %add3A_586 = vector.broadcast %scan3A_129 : i32 to vector<16xi32>
        %add3A_587 = arith.addi %get3A_585, %add3A_586 : vector<16xi32>
        %swap3A_588 = arith.constant 48 : index
        %swap3A_589 = tpu.vector_load %arg12[%swap3A_588] {strides = array<i32>} : memref<64xi32, #tpu.memory_space<vmem>>, vector<16xi32>,
        %swap3A_590 = vector.shape_cast %swap3A_589 : vector<16xi32> to vector<16xi32>
        %swap3A_591 = vector.shape_cast %add3A_587 : vector<16xi32> to vector<16xi32>
        tpu.vector_store %arg12[%swap3A_588], %swap3A_591 {strides = array<i32>} : memref<64xi32, #tpu.memory_space<vmem>>, vector<16xi32>,
        %dma_start3A_592 = arith.constant 0 : i32
        %dma_start3A_593 = arith.constant 0 : i32
        %dma_start3A_594 = tpu.memref_slice %arg3[%dma_start3A_592, %dma_start3A_593] : memref<300000x64xf32, #tpu.memory_space<hbm>> -> memref<300000x64xf32, #tpu.memory_space<hbm>>
        tpu.enqueue_indirect_dma source(%dma_start3A_594 : memref<300000x64xf32, #tpu.memory_space<hbm>>) target(%arg16 : memref<64x64xf32, #tpu.memory_space<vmem>>) offsets(%arg12 : memref<64xi32, #tpu.memory_space<vmem>>) semaphore(%arg18 : memref<!tpu.dma_semaphore, #tpu.memory_space<semaphore_mem>>)
      } else {
      }
      %dma_wait3A_471 = arith.constant 0 : i32
      %dma_wait3A_472 = arith.constant 0 : i32
      %dma_wait3A_473 = tpu.memref_slice %arg3[%dma_wait3A_471, %dma_wait3A_472] : memref<300000x64xf32, #tpu.memory_space<hbm>> -> memref<300000x64xf32, #tpu.memory_space<hbm>>
      tpu.wait_indirect_dma semaphore(%arg19 : memref<!tpu.dma_semaphore, #tpu.memory_space<semaphore_mem>>) src(%dma_wait3A_473 : memref<300000x64xf32, #tpu.memory_space<hbm>>) dst(%arg17 : memref<64x64xf32, #tpu.memory_space<vmem>>)
      %add3A_474 = arith.constant 1 : i32
      %add3A_475 = arith.addi %mul3A_353, %add3A_474 : i32
      %jit3A_476 = arith.constant 40 : i32
      %div3A_477 = arith.divsi %add3A_475, %jit3A_476 : i32
      %sign3A_478 = arith.constant 0 : i32
      %sign3A_479 = arith.cmpi sgt, %add3A_475, %sign3A_478 : i32
      %sign3A_480 = arith.extui %sign3A_479 : i1 to i32
      %sign3A_481 = arith.constant 0 : i32
      %sign3A_482 = arith.cmpi slt, %add3A_475, %sign3A_481 : i32
      %sign3A_483 = arith.extui %sign3A_482 : i1 to i32
      %sign3A_484 = arith.subi %sign3A_480, %sign3A_483 : i32
      %sign3A_485 = arith.constant 0 : i32
      %sign3A_486 = arith.cmpi sgt, %jit3A_476, %sign3A_485 : i32
      %sign3A_487 = arith.extui %sign3A_486 : i1 to i32
      %sign3A_488 = arith.constant 0 : i32
      %sign3A_489 = arith.cmpi slt, %jit3A_476, %sign3A_488 : i32
      %sign3A_490 = arith.extui %sign3A_489 : i1 to i32
      %sign3A_491 = arith.subi %sign3A_487, %sign3A_490 : i32
      %ne3A_492 = arith.cmpi ne, %sign3A_484, %sign3A_491 : i32
      %rem3A_493 = arith.remsi %add3A_475, %jit3A_476 : i32
      %ne3A_494 = arith.constant 0 : i32
      %ne3A_495 = arith.cmpi ne, %rem3A_493, %ne3A_494 : i32
      %and3A_496 = arith.andi %ne3A_492, %ne3A_495 : i1
      %sub3A_497 = arith.constant 1 : i32
      %sub3A_498 = arith.subi %div3A_477, %sub3A_497 : i32
      %select_n3A_499 = arith.select %and3A_496, %sub3A_498, %div3A_477 : i32
      %mul3A_500 = arith.constant 40 : i32
      %mul3A_501 = arith.muli %select_n3A_499, %mul3A_500 : i32
      %sub3A_502 = arith.subi %add3A_475, %mul3A_501 : i32
      %jit3A_503 = arith.constant 20 : i32
      %div3A_504 = arith.divsi %sub3A_502, %jit3A_503 : i32
      %sign3A_505 = arith.constant 0 : i32
      %sign3A_506 = arith.cmpi sgt, %sub3A_502, %sign3A_505 : i32
      %sign3A_507 = arith.extui %sign3A_506 : i1 to i32
      %sign3A_508 = arith.constant 0 : i32
      %sign3A_509 = arith.cmpi slt, %sub3A_502, %sign3A_508 : i32
      %sign3A_510 = arith.extui %sign3A_509 : i1 to i32
      %sign3A_511 = arith.subi %sign3A_507, %sign3A_510 : i32
      %sign3A_512 = arith.constant 0 : i32
      %sign3A_513 = arith.cmpi sgt, %jit3A_503, %sign3A_512 : i32
      %sign3A_514 = arith.extui %sign3A_513 : i1 to i32
      %sign3A_515 = arith.constant 0 : i32
      %sign3A_516 = arith.cmpi slt, %jit3A_503, %sign3A_515 : i32
      %sign3A_517 = arith.extui %sign3A_516 : i1 to i32
      %sign3A_518 = arith.subi %sign3A_514, %sign3A_517 : i32
      %ne3A_519 = arith.cmpi ne, %sign3A_511, %sign3A_518 : i32
      %rem3A_520 = arith.remsi %sub3A_502, %jit3A_503 : i32
      %ne3A_521 = arith.constant 0 : i32
      %ne3A_522 = arith.cmpi ne, %rem3A_520, %ne3A_521 : i32
      %and3A_523 = arith.andi %ne3A_519, %ne3A_522 : i1
      %sub3A_524 = arith.constant 1 : i32
      %sub3A_525 = arith.subi %div3A_504, %sub3A_524 : i32
      %select_n3A_526 = arith.select %and3A_523, %sub3A_525, %div3A_504 : i32
      %mul3A_527 = arith.constant 20 : i32
      %mul3A_528 = arith.muli %select_n3A_526, %mul3A_527 : i32
      %sub3A_529 = arith.subi %sub3A_502, %mul3A_528 : i32
      %mul3A_530 = arith.constant 1280 : i32
      %mul3A_531 = arith.muli %select_n3A_499, %mul3A_530 : i32
      %add3A_532 = arith.addi %mul3A_84, %mul3A_531 : i32
      %mul3A_533 = arith.constant 64 : i32
      %mul3A_534 = arith.muli %sub3A_529, %mul3A_533 : i32
      %add3A_535 = arith.addi %add3A_532, %mul3A_534 : i32
      %mul3A_536 = arith.constant 64 : i32
      %mul3A_537 = arith.muli %select_n3A_526, %mul3A_536 : i32
      "tpu.region"() ({
        %run_scoped3A = tpu.sem_alloc : memref<!tpu.dma_semaphore, #tpu.memory_space<semaphore_mem>>
        %dma_start3A_538 = arith.constant 122880 : i32
        %dma_start3A_539 = arith.constant 0 : i32
        %dma_start3A_540 = tpu.memref_slice %arg8[%dma_start3A_538, %dma_start3A_539] : memref<368640x128xf32, #tpu.memory_space<hbm>> -> memref<122880x128xf32, #tpu.memory_space<hbm>>
        %dma_start3A_541 = tpu.memref_slice %dma_start3A_540[%add3A_535, %mul3A_537] : memref<122880x128xf32, #tpu.memory_space<hbm>> -> memref<64x64xf32, #tpu.memory_space<hbm>>
        %dma_start3A_542 = arith.constant 122880 : i32
        %dma_start3A_543 = arith.constant 0 : i32
        %dma_start3A_544 = tpu.memref_slice %arg8[%dma_start3A_542, %dma_start3A_543] : memref<368640x128xf32, #tpu.memory_space<hbm>> -> memref<122880x128xf32, #tpu.memory_space<hbm>>
        %dma_start3A_545 = tpu.memref_slice %dma_start3A_544[%add3A_535, %mul3A_537] : memref<122880x128xf32, #tpu.memory_space<hbm>> -> memref<64x64xf32, #tpu.memory_space<hbm>>
        tpu.enqueue_dma source(%arg17 : memref<64x64xf32, #tpu.memory_space<vmem>>) target(%dma_start3A_545 : memref<64x64xf32, #tpu.memory_space<hbm>>) target_semaphore(%run_scoped3A : memref<!tpu.dma_semaphore, #tpu.memory_space<semaphore_mem>>)
        %dma_wait3A_546 = arith.constant 122880 : i32
        %dma_wait3A_547 = arith.constant 0 : i32
        %dma_wait3A_548 = tpu.memref_slice %arg8[%dma_wait3A_546, %dma_wait3A_547] : memref<368640x128xf32, #tpu.memory_space<hbm>> -> memref<122880x128xf32, #tpu.memory_space<hbm>>
        %dma_wait3A_549 = tpu.memref_slice %dma_wait3A_548[%add3A_535, %mul3A_537] : memref<122880x128xf32, #tpu.memory_space<hbm>> -> memref<64x64xf32, #tpu.memory_space<hbm>>
        %dma_wait3A_550 = arith.constant 122880 : i32
        %dma_wait3A_551 = arith.constant 0 : i32
        %dma_wait3A_552 = tpu.memref_slice %arg8[%dma_wait3A_550, %dma_wait3A_551] : memref<368640x128xf32, #tpu.memory_space<hbm>> -> memref<122880x128xf32, #tpu.memory_space<hbm>>
        %dma_wait3A_553 = tpu.memref_slice %dma_wait3A_552[%add3A_535, %mul3A_537] : memref<122880x128xf32, #tpu.memory_space<hbm>> -> memref<64x64xf32, #tpu.memory_space<hbm>>
        tpu.wait_dma2 semaphore(%run_scoped3A : memref<!tpu.dma_semaphore, #tpu.memory_space<semaphore_mem>>) src(%arg17 : memref<64x64xf32, #tpu.memory_space<vmem>>) dst(%dma_wait3A_553 : memref<64x64xf32, #tpu.memory_space<hbm>>)
        tpu.yield
      }) : () -> ()
    }
    %scan3A_134 = arith.constant 60 : i32
    %mul3A_135 = arith.constant 60 : i32
    %mul3A_136 = arith.muli %add3A, %mul3A_135 : i32
    %mul3A_137 = arith.constant 64 : i32
    %mul3A_138 = arith.muli %mul3A_136, %mul3A_137 : i32
    %get3A_139 = arith.constant 0 : index
    %get3A_140 = tpu.vector_load %arg10[%get3A_139] {strides = array<i32>} : memref<7680xi32, #tpu.memory_space<vmem>>, vector<16xi32>,
    %get3A_141 = vector.shape_cast %get3A_140 : vector<16xi32> to vector<16xi32>
    %add3A_142 = arith.constant 200000 : i32
    %add3A_143 = vector.broadcast %add3A_142 : i32 to vector<16xi32>
    %add3A_144 = arith.addi %get3A_141, %add3A_143 : vector<16xi32>
    %swap3A_145 = arith.constant 0 : index
    %swap3A_146 = tpu.vector_load %arg12[%swap3A_145] {strides = array<i32>} : memref<64xi32, #tpu.memory_space<vmem>>, vector<16xi32>,
    %swap3A_147 = vector.shape_cast %swap3A_146 : vector<16xi32> to vector<16xi32>
    %swap3A_148 = vector.shape_cast %add3A_144 : vector<16xi32> to vector<16xi32>
    tpu.vector_store %arg12[%swap3A_145], %swap3A_148 {strides = array<i32>} : memref<64xi32, #tpu.memory_space<vmem>>, vector<16xi32>,
    %get3A_149 = arith.constant 16 : index
    %get3A_150 = tpu.vector_load %arg10[%get3A_149] {strides = array<i32>} : memref<7680xi32, #tpu.memory_space<vmem>>, vector<16xi32>,
    %get3A_151 = vector.shape_cast %get3A_150 : vector<16xi32> to vector<16xi32>
    %add3A_152 = arith.constant 200000 : i32
    %add3A_153 = vector.broadcast %add3A_152 : i32 to vector<16xi32>
    %add3A_154 = arith.addi %get3A_151, %add3A_153 : vector<16xi32>
    %swap3A_155 = arith.constant 16 : index
    %swap3A_156 = tpu.vector_load %arg12[%swap3A_155] {strides = array<i32>} : memref<64xi32, #tpu.memory_space<vmem>>, vector<16xi32>,
    %swap3A_157 = vector.shape_cast %swap3A_156 : vector<16xi32> to vector<16xi32>
    %swap3A_158 = vector.shape_cast %add3A_154 : vector<16xi32> to vector<16xi32>
    tpu.vector_store %arg12[%swap3A_155], %swap3A_158 {strides = array<i32>} : memref<64xi32, #tpu.memory_space<vmem>>, vector<16xi32>,
    %get3A_159 = arith.constant 32 : index
    %get3A_160 = tpu.vector_load %arg10[%get3A_159] {strides = array<i32>} : memref<7680xi32, #tpu.memory_space<vmem>>, vector<16xi32>,
    %get3A_161 = vector.shape_cast %get3A_160 : vector<16xi32> to vector<16xi32>
    %add3A_162 = arith.constant 200000 : i32
    %add3A_163 = vector.broadcast %add3A_162 : i32 to vector<16xi32>
    %add3A_164 = arith.addi %get3A_161, %add3A_163 : vector<16xi32>
    %swap3A_165 = arith.constant 32 : index
    %swap3A_166 = tpu.vector_load %arg12[%swap3A_165] {strides = array<i32>} : memref<64xi32, #tpu.memory_space<vmem>>, vector<16xi32>,
    %swap3A_167 = vector.shape_cast %swap3A_166 : vector<16xi32> to vector<16xi32>
    %swap3A_168 = vector.shape_cast %add3A_164 : vector<16xi32> to vector<16xi32>
    tpu.vector_store %arg12[%swap3A_165], %swap3A_168 {strides = array<i32>} : memref<64xi32, #tpu.memory_space<vmem>>, vector<16xi32>,
    %get3A_169 = arith.constant 48 : index
    %get3A_170 = tpu.vector_load %arg10[%get3A_169] {strides = array<i32>} : memref<7680xi32, #tpu.memory_space<vmem>>, vector<16xi32>,
    %get3A_171 = vector.shape_cast %get3A_170 : vector<16xi32> to vector<16xi32>
    %add3A_172 = arith.constant 200000 : i32
    %add3A_173 = vector.broadcast %add3A_172 : i32 to vector<16xi32>
    %add3A_174 = arith.addi %get3A_171, %add3A_173 : vector<16xi32>
    %swap3A_175 = arith.constant 48 : index
    %swap3A_176 = tpu.vector_load %arg12[%swap3A_175] {strides = array<i32>} : memref<64xi32, #tpu.memory_space<vmem>>, vector<16xi32>,
    %swap3A_177 = vector.shape_cast %swap3A_176 : vector<16xi32> to vector<16xi32>
    %swap3A_178 = vector.shape_cast %add3A_174 : vector<16xi32> to vector<16xi32>
    tpu.vector_store %arg12[%swap3A_175], %swap3A_178 {strides = array<i32>} : memref<64xi32, #tpu.memory_space<vmem>>, vector<16xi32>,
    %dma_start3A_179 = arith.constant 0 : i32
    %dma_start3A_180 = arith.constant 0 : i32
    %dma_start3A_181 = tpu.memref_slice %arg3[%dma_start3A_179, %dma_start3A_180] : memref<300000x64xf32, #tpu.memory_space<hbm>> -> memref<300000x64xf32, #tpu.memory_space<hbm>>
    tpu.enqueue_indirect_dma source(%dma_start3A_181 : memref<300000x64xf32, #tpu.memory_space<hbm>>) target(%arg16 : memref<64x64xf32, #tpu.memory_space<vmem>>) offsets(%arg12 : memref<64xi32, #tpu.memory_space<vmem>>) semaphore(%arg18 : memref<!tpu.dma_semaphore, #tpu.memory_space<semaphore_mem>>)
    %scan3A_182 = arith.constant 0 : i32
    %scan3A_183 = arith.constant 200000 : i32
    %scan3A_184 = arith.constant 0 : i32
    %scan3A_185 = arith.constant 60 : i32
    %scan3A_186 = arith.addi %scan3A_184, %scan3A_185 : i32
    %scan3A_187 = arith.constant 1 : i32
    scf.for %scan3A_351 = %scan3A_184 to %scan3A_186 step %scan3A_187  : i32 {
      %mul3A_352 = arith.constant 2 : i32
      %mul3A_353 = arith.muli %mul3A_352, %scan3A_351 : i32
      %add3A_354 = arith.constant 1 : i32
      %add3A_355 = arith.addi %mul3A_353, %add3A_354 : i32
      %mul3A_356 = arith.constant 64 : i32
      %mul3A_357 = arith.muli %add3A_355, %mul3A_356 : i32
      %add3A_358 = arith.constant 0 : i32
      %add3A_359 = arith.addi %mul3A_357, %add3A_358 : i32
      %get3A_360 = arith.index_cast %add3A_359 : i32 to index
      %get3A_361 = tpu.vector_load %arg10[%get3A_360] {strides = array<i32>} : memref<7680xi32, #tpu.memory_space<vmem>>, vector<16xi32>,
      %get3A_362 = vector.shape_cast %get3A_361 : vector<16xi32> to vector<16xi32>
      %add3A_363 = vector.broadcast %scan3A_183 : i32 to vector<16xi32>
      %add3A_364 = arith.addi %get3A_362, %add3A_363 : vector<16xi32>
      %swap3A_365 = arith.constant 0 : index
      %swap3A_366 = tpu.vector_load %arg13[%swap3A_365] {strides = array<i32>} : memref<64xi32, #tpu.memory_space<vmem>>, vector<16xi32>,
      %swap3A_367 = vector.shape_cast %swap3A_366 : vector<16xi32> to vector<16xi32>
      %swap3A_368 = vector.shape_cast %add3A_364 : vector<16xi32> to vector<16xi32>
      tpu.vector_store %arg13[%swap3A_365], %swap3A_368 {strides = array<i32>} : memref<64xi32, #tpu.memory_space<vmem>>, vector<16xi32>,
      %mul3A_369 = arith.constant 64 : i32
      %mul3A_370 = arith.muli %add3A_355, %mul3A_369 : i32
      %add3A_371 = arith.constant 16 : i32
      %add3A_372 = arith.addi %mul3A_370, %add3A_371 : i32
      %get3A_373 = arith.index_cast %add3A_372 : i32 to index
      %get3A_374 = tpu.vector_load %arg10[%get3A_373] {strides = array<i32>} : memref<7680xi32, #tpu.memory_space<vmem>>, vector<16xi32>,
      %get3A_375 = vector.shape_cast %get3A_374 : vector<16xi32> to vector<16xi32>
      %add3A_376 = vector.broadcast %scan3A_183 : i32 to vector<16xi32>
      %add3A_377 = arith.addi %get3A_375, %add3A_376 : vector<16xi32>
      %swap3A_378 = arith.constant 16 : index
      %swap3A_379 = tpu.vector_load %arg13[%swap3A_378] {strides = array<i32>} : memref<64xi32, #tpu.memory_space<vmem>>, vector<16xi32>,
      %swap3A_380 = vector.shape_cast %swap3A_379 : vector<16xi32> to vector<16xi32>
      %swap3A_381 = vector.shape_cast %add3A_377 : vector<16xi32> to vector<16xi32>
      tpu.vector_store %arg13[%swap3A_378], %swap3A_381 {strides = array<i32>} : memref<64xi32, #tpu.memory_space<vmem>>, vector<16xi32>,
      %mul3A_382 = arith.constant 64 : i32
      %mul3A_383 = arith.muli %add3A_355, %mul3A_382 : i32
      %add3A_384 = arith.constant 32 : i32
      %add3A_385 = arith.addi %mul3A_383, %add3A_384 : i32
      %get3A_386 = arith.index_cast %add3A_385 : i32 to index
      %get3A_387 = tpu.vector_load %arg10[%get3A_386] {strides = array<i32>} : memref<7680xi32, #tpu.memory_space<vmem>>, vector<16xi32>,
      %get3A_388 = vector.shape_cast %get3A_387 : vector<16xi32> to vector<16xi32>
      %add3A_389 = vector.broadcast %scan3A_183 : i32 to vector<16xi32>
      %add3A_390 = arith.addi %get3A_388, %add3A_389 : vector<16xi32>
      %swap3A_391 = arith.constant 32 : index
      %swap3A_392 = tpu.vector_load %arg13[%swap3A_391] {strides = array<i32>} : memref<64xi32, #tpu.memory_space<vmem>>, vector<16xi32>,
      %swap3A_393 = vector.shape_cast %swap3A_392 : vector<16xi32> to vector<16xi32>
      %swap3A_394 = vector.shape_cast %add3A_390 : vector<16xi32> to vector<16xi32>
      tpu.vector_store %arg13[%swap3A_391], %swap3A_394 {strides = array<i32>} : memref<64xi32, #tpu.memory_space<vmem>>, vector<16xi32>,
      %mul3A_395 = arith.constant 64 : i32
      %mul3A_396 = arith.muli %add3A_355, %mul3A_395 : i32
      %add3A_397 = arith.constant 48 : i32
      %add3A_398 = arith.addi %mul3A_396, %add3A_397 : i32
      %get3A_399 = arith.index_cast %add3A_398 : i32 to index
      %get3A_400 = tpu.vector_load %arg10[%get3A_399] {strides = array<i32>} : memref<7680xi32, #tpu.memory_space<vmem>>, vector<16xi32>,
      %get3A_401 = vector.shape_cast %get3A_400 : vector<16xi32> to vector<16xi32>
      %add3A_402 = vector.broadcast %scan3A_183 : i32 to vector<16xi32>
      %add3A_403 = arith.addi %get3A_401, %add3A_402 : vector<16xi32>
      %swap3A_404 = arith.constant 48 : index
      %swap3A_405 = tpu.vector_load %arg13[%swap3A_404] {strides = array<i32>} : memref<64xi32, #tpu.memory_space<vmem>>, vector<16xi32>,
      %swap3A_406 = vector.shape_cast %swap3A_405 : vector<16xi32> to vector<16xi32>
      %swap3A_407 = vector.shape_cast %add3A_403 : vector<16xi32> to vector<16xi32>
      tpu.vector_store %arg13[%swap3A_404], %swap3A_407 {strides = array<i32>} : memref<64xi32, #tpu.memory_space<vmem>>, vector<16xi32>,
      %dma_start3A_408 = arith.constant 0 : i32
      %dma_start3A_409 = arith.constant 0 : i32
      %dma_start3A_410 = tpu.memref_slice %arg3[%dma_start3A_408, %dma_start3A_409] : memref<300000x64xf32, #tpu.memory_space<hbm>> -> memref<300000x64xf32, #tpu.memory_space<hbm>>
      tpu.enqueue_indirect_dma source(%dma_start3A_410 : memref<300000x64xf32, #tpu.memory_space<hbm>>) target(%arg17 : memref<64x64xf32, #tpu.memory_space<vmem>>) offsets(%arg13 : memref<64xi32, #tpu.memory_space<vmem>>) semaphore(%arg19 : memref<!tpu.dma_semaphore, #tpu.memory_space<semaphore_mem>>)
      %dma_wait3A = arith.constant 0 : i32
      %dma_wait3A_411 = arith.constant 0 : i32
      %dma_wait3A_412 = tpu.memref_slice %arg3[%dma_wait3A, %dma_wait3A_411] : memref<300000x64xf32, #tpu.memory_space<hbm>> -> memref<300000x64xf32, #tpu.memory_space<hbm>>
      tpu.wait_indirect_dma semaphore(%arg18 : memref<!tpu.dma_semaphore, #tpu.memory_space<semaphore_mem>>) src(%dma_wait3A_412 : memref<300000x64xf32, #tpu.memory_space<hbm>>) dst(%arg16 : memref<64x64xf32, #tpu.memory_space<vmem>>)
      %jit3A = arith.constant 40 : i32
      %div3A = arith.divsi %mul3A_353, %jit3A : i32
      %sign3A = arith.constant 0 : i32
      %sign3A_413 = arith.cmpi sgt, %mul3A_353, %sign3A : i32
      %sign3A_414 = arith.extui %sign3A_413 : i1 to i32
      %sign3A_415 = arith.constant 0 : i32
      %sign3A_416 = arith.cmpi slt, %mul3A_353, %sign3A_415 : i32
      %sign3A_417 = arith.extui %sign3A_416 : i1 to i32
      %sign3A_418 = arith.subi %sign3A_414, %sign3A_417 : i32
      %sign3A_419 = arith.constant 0 : i32
      %sign3A_420 = arith.cmpi sgt, %jit3A, %sign3A_419 : i32
      %sign3A_421 = arith.extui %sign3A_420 : i1 to i32
      %sign3A_422 = arith.constant 0 : i32
      %sign3A_423 = arith.cmpi slt, %jit3A, %sign3A_422 : i32
      %sign3A_424 = arith.extui %sign3A_423 : i1 to i32
      %sign3A_425 = arith.subi %sign3A_421, %sign3A_424 : i32
      %ne3A = arith.cmpi ne, %sign3A_418, %sign3A_425 : i32
      %rem3A = arith.remsi %mul3A_353, %jit3A : i32
      %ne3A_426 = arith.constant 0 : i32
      %ne3A_427 = arith.cmpi ne, %rem3A, %ne3A_426 : i32
      %and3A = arith.andi %ne3A, %ne3A_427 : i1
      %sub3A = arith.constant 1 : i32
      %sub3A_428 = arith.subi %div3A, %sub3A : i32
      %select_n3A = arith.select %and3A, %sub3A_428, %div3A : i32
      %mul3A_429 = arith.constant 40 : i32
      %mul3A_430 = arith.muli %select_n3A, %mul3A_429 : i32
      %sub3A_431 = arith.subi %mul3A_353, %mul3A_430 : i32
      %jit3A_432 = arith.constant 20 : i32
      %div3A_433 = arith.divsi %sub3A_431, %jit3A_432 : i32
      %sign3A_434 = arith.constant 0 : i32
      %sign3A_435 = arith.cmpi sgt, %sub3A_431, %sign3A_434 : i32
      %sign3A_436 = arith.extui %sign3A_435 : i1 to i32
      %sign3A_437 = arith.constant 0 : i32
      %sign3A_438 = arith.cmpi slt, %sub3A_431, %sign3A_437 : i32
      %sign3A_439 = arith.extui %sign3A_438 : i1 to i32
      %sign3A_440 = arith.subi %sign3A_436, %sign3A_439 : i32
      %sign3A_441 = arith.constant 0 : i32
      %sign3A_442 = arith.cmpi sgt, %jit3A_432, %sign3A_441 : i32
      %sign3A_443 = arith.extui %sign3A_442 : i1 to i32
      %sign3A_444 = arith.constant 0 : i32
      %sign3A_445 = arith.cmpi slt, %jit3A_432, %sign3A_444 : i32
      %sign3A_446 = arith.extui %sign3A_445 : i1 to i32
      %sign3A_447 = arith.subi %sign3A_443, %sign3A_446 : i32
      %ne3A_448 = arith.cmpi ne, %sign3A_440, %sign3A_447 : i32
      %rem3A_449 = arith.remsi %sub3A_431, %jit3A_432 : i32
      %ne3A_450 = arith.constant 0 : i32
      %ne3A_451 = arith.cmpi ne, %rem3A_449, %ne3A_450 : i32
      %and3A_452 = arith.andi %ne3A_448, %ne3A_451 : i1
      %sub3A_453 = arith.constant 1 : i32
      %sub3A_454 = arith.subi %div3A_433, %sub3A_453 : i32
      %select_n3A_455 = arith.select %and3A_452, %sub3A_454, %div3A_433 : i32
      %mul3A_456 = arith.constant 20 : i32
      %mul3A_457 = arith.muli %select_n3A_455, %mul3A_456 : i32
      %sub3A_458 = arith.subi %sub3A_431, %mul3A_457 : i32
      %mul3A_459 = arith.constant 1280 : i32
      %mul3A_460 = arith.muli %select_n3A, %mul3A_459 : i32
      %add3A_461 = arith.addi %mul3A_138, %mul3A_460 : i32
      %mul3A_462 = arith.constant 64 : i32
      %mul3A_463 = arith.muli %sub3A_458, %mul3A_462 : i32
      %add3A_464 = arith.addi %add3A_461, %mul3A_463 : i32
      %mul3A_465 = arith.constant 64 : i32
      %mul3A_466 = arith.muli %select_n3A_455, %mul3A_465 : i32
      "tpu.region"() ({
        %run_scoped3A = tpu.sem_alloc : memref<!tpu.dma_semaphore, #tpu.memory_space<semaphore_mem>>
        %dma_start3A_538 = arith.constant 245760 : i32
        %dma_start3A_539 = arith.constant 0 : i32
        %dma_start3A_540 = tpu.memref_slice %arg8[%dma_start3A_538, %dma_start3A_539] : memref<368640x128xf32, #tpu.memory_space<hbm>> -> memref<122880x128xf32, #tpu.memory_space<hbm>>
        %dma_start3A_541 = tpu.memref_slice %dma_start3A_540[%add3A_464, %mul3A_466] : memref<122880x128xf32, #tpu.memory_space<hbm>> -> memref<64x64xf32, #tpu.memory_space<hbm>>
        %dma_start3A_542 = arith.constant 245760 : i32
        %dma_start3A_543 = arith.constant 0 : i32
        %dma_start3A_544 = tpu.memref_slice %arg8[%dma_start3A_542, %dma_start3A_543] : memref<368640x128xf32, #tpu.memory_space<hbm>> -> memref<122880x128xf32, #tpu.memory_space<hbm>>
        %dma_start3A_545 = tpu.memref_slice %dma_start3A_544[%add3A_464, %mul3A_466] : memref<122880x128xf32, #tpu.memory_space<hbm>> -> memref<64x64xf32, #tpu.memory_space<hbm>>
        tpu.enqueue_dma source(%arg16 : memref<64x64xf32, #tpu.memory_space<vmem>>) target(%dma_start3A_545 : memref<64x64xf32, #tpu.memory_space<hbm>>) target_semaphore(%run_scoped3A : memref<!tpu.dma_semaphore, #tpu.memory_space<semaphore_mem>>)
        %dma_wait3A_546 = arith.constant 245760 : i32
        %dma_wait3A_547 = arith.constant 0 : i32
        %dma_wait3A_548 = tpu.memref_slice %arg8[%dma_wait3A_546, %dma_wait3A_547] : memref<368640x128xf32, #tpu.memory_space<hbm>> -> memref<122880x128xf32, #tpu.memory_space<hbm>>
        %dma_wait3A_549 = tpu.memref_slice %dma_wait3A_548[%add3A_464, %mul3A_466] : memref<122880x128xf32, #tpu.memory_space<hbm>> -> memref<64x64xf32, #tpu.memory_space<hbm>>
        %dma_wait3A_550 = arith.constant 245760 : i32
        %dma_wait3A_551 = arith.constant 0 : i32
        %dma_wait3A_552 = tpu.memref_slice %arg8[%dma_wait3A_550, %dma_wait3A_551] : memref<368640x128xf32, #tpu.memory_space<hbm>> -> memref<122880x128xf32, #tpu.memory_space<hbm>>
        %dma_wait3A_553 = tpu.memref_slice %dma_wait3A_552[%add3A_464, %mul3A_466] : memref<122880x128xf32, #tpu.memory_space<hbm>> -> memref<64x64xf32, #tpu.memory_space<hbm>>
        tpu.wait_dma2 semaphore(%run_scoped3A : memref<!tpu.dma_semaphore, #tpu.memory_space<semaphore_mem>>) src(%arg16 : memref<64x64xf32, #tpu.memory_space<vmem>>) dst(%dma_wait3A_553 : memref<64x64xf32, #tpu.memory_space<hbm>>)
        tpu.yield
      }) : () -> ()
      %add3A_467 = arith.constant 2 : i32
      %add3A_468 = arith.addi %mul3A_353, %add3A_467 : i32
      %lt3A = arith.constant 120 : i32
      %lt3A_469 = arith.cmpi slt, %add3A_468, %lt3A : i32
      %convert_element_type3A = arith.extui %lt3A_469 : i1 to i32
      %cond3A = arith.constant 0 : i32
      %cond3A_470 = arith.cmpi ne, %convert_element_type3A, %cond3A : i32
      scf.if %cond3A_470 {
        %add3A_538 = arith.constant 2 : i32
        %add3A_539 = arith.addi %mul3A_353, %add3A_538 : i32
        %mul3A_540 = arith.constant 64 : i32
        %mul3A_541 = arith.muli %add3A_539, %mul3A_540 : i32
        %add3A_542 = arith.constant 0 : i32
        %add3A_543 = arith.addi %mul3A_541, %add3A_542 : i32
        %get3A_544 = arith.index_cast %add3A_543 : i32 to index
        %get3A_545 = tpu.vector_load %arg10[%get3A_544] {strides = array<i32>} : memref<7680xi32, #tpu.memory_space<vmem>>, vector<16xi32>,
        %get3A_546 = vector.shape_cast %get3A_545 : vector<16xi32> to vector<16xi32>
        %add3A_547 = vector.broadcast %scan3A_183 : i32 to vector<16xi32>
        %add3A_548 = arith.addi %get3A_546, %add3A_547 : vector<16xi32>
        %swap3A_549 = arith.constant 0 : index
        %swap3A_550 = tpu.vector_load %arg12[%swap3A_549] {strides = array<i32>} : memref<64xi32, #tpu.memory_space<vmem>>, vector<16xi32>,
        %swap3A_551 = vector.shape_cast %swap3A_550 : vector<16xi32> to vector<16xi32>
        %swap3A_552 = vector.shape_cast %add3A_548 : vector<16xi32> to vector<16xi32>
        tpu.vector_store %arg12[%swap3A_549], %swap3A_552 {strides = array<i32>} : memref<64xi32, #tpu.memory_space<vmem>>, vector<16xi32>,
        %mul3A_553 = arith.constant 64 : i32
        %mul3A_554 = arith.muli %add3A_539, %mul3A_553 : i32
        %add3A_555 = arith.constant 16 : i32
        %add3A_556 = arith.addi %mul3A_554, %add3A_555 : i32
        %get3A_557 = arith.index_cast %add3A_556 : i32 to index
        %get3A_558 = tpu.vector_load %arg10[%get3A_557] {strides = array<i32>} : memref<7680xi32, #tpu.memory_space<vmem>>, vector<16xi32>,
        %get3A_559 = vector.shape_cast %get3A_558 : vector<16xi32> to vector<16xi32>
        %add3A_560 = vector.broadcast %scan3A_183 : i32 to vector<16xi32>
        %add3A_561 = arith.addi %get3A_559, %add3A_560 : vector<16xi32>
        %swap3A_562 = arith.constant 16 : index
        %swap3A_563 = tpu.vector_load %arg12[%swap3A_562] {strides = array<i32>} : memref<64xi32, #tpu.memory_space<vmem>>, vector<16xi32>,
        %swap3A_564 = vector.shape_cast %swap3A_563 : vector<16xi32> to vector<16xi32>
        %swap3A_565 = vector.shape_cast %add3A_561 : vector<16xi32> to vector<16xi32>
        tpu.vector_store %arg12[%swap3A_562], %swap3A_565 {strides = array<i32>} : memref<64xi32, #tpu.memory_space<vmem>>, vector<16xi32>,
        %mul3A_566 = arith.constant 64 : i32
        %mul3A_567 = arith.muli %add3A_539, %mul3A_566 : i32
        %add3A_568 = arith.constant 32 : i32
        %add3A_569 = arith.addi %mul3A_567, %add3A_568 : i32
        %get3A_570 = arith.index_cast %add3A_569 : i32 to index
        %get3A_571 = tpu.vector_load %arg10[%get3A_570] {strides = array<i32>} : memref<7680xi32, #tpu.memory_space<vmem>>, vector<16xi32>,
        %get3A_572 = vector.shape_cast %get3A_571 : vector<16xi32> to vector<16xi32>
        %add3A_573 = vector.broadcast %scan3A_183 : i32 to vector<16xi32>
        %add3A_574 = arith.addi %get3A_572, %add3A_573 : vector<16xi32>
        %swap3A_575 = arith.constant 32 : index
        %swap3A_576 = tpu.vector_load %arg12[%swap3A_575] {strides = array<i32>} : memref<64xi32, #tpu.memory_space<vmem>>, vector<16xi32>,
        %swap3A_577 = vector.shape_cast %swap3A_576 : vector<16xi32> to vector<16xi32>
        %swap3A_578 = vector.shape_cast %add3A_574 : vector<16xi32> to vector<16xi32>
        tpu.vector_store %arg12[%swap3A_575], %swap3A_578 {strides = array<i32>} : memref<64xi32, #tpu.memory_space<vmem>>, vector<16xi32>,
        %mul3A_579 = arith.constant 64 : i32
        %mul3A_580 = arith.muli %add3A_539, %mul3A_579 : i32
        %add3A_581 = arith.constant 48 : i32
        %add3A_582 = arith.addi %mul3A_580, %add3A_581 : i32
        %get3A_583 = arith.index_cast %add3A_582 : i32 to index
        %get3A_584 = tpu.vector_load %arg10[%get3A_583] {strides = array<i32>} : memref<7680xi32, #tpu.memory_space<vmem>>, vector<16xi32>,
        %get3A_585 = vector.shape_cast %get3A_584 : vector<16xi32> to vector<16xi32>
        %add3A_586 = vector.broadcast %scan3A_183 : i32 to vector<16xi32>
        %add3A_587 = arith.addi %get3A_585, %add3A_586 : vector<16xi32>
        %swap3A_588 = arith.constant 48 : index
        %swap3A_589 = tpu.vector_load %arg12[%swap3A_588] {strides = array<i32>} : memref<64xi32, #tpu.memory_space<vmem>>, vector<16xi32>,
        %swap3A_590 = vector.shape_cast %swap3A_589 : vector<16xi32> to vector<16xi32>
        %swap3A_591 = vector.shape_cast %add3A_587 : vector<16xi32> to vector<16xi32>
        tpu.vector_store %arg12[%swap3A_588], %swap3A_591 {strides = array<i32>} : memref<64xi32, #tpu.memory_space<vmem>>, vector<16xi32>,
        %dma_start3A_592 = arith.constant 0 : i32
        %dma_start3A_593 = arith.constant 0 : i32
        %dma_start3A_594 = tpu.memref_slice %arg3[%dma_start3A_592, %dma_start3A_593] : memref<300000x64xf32, #tpu.memory_space<hbm>> -> memref<300000x64xf32, #tpu.memory_space<hbm>>
        tpu.enqueue_indirect_dma source(%dma_start3A_594 : memref<300000x64xf32, #tpu.memory_space<hbm>>) target(%arg16 : memref<64x64xf32, #tpu.memory_space<vmem>>) offsets(%arg12 : memref<64xi32, #tpu.memory_space<vmem>>) semaphore(%arg18 : memref<!tpu.dma_semaphore, #tpu.memory_space<semaphore_mem>>)
      } else {
      }
      %dma_wait3A_471 = arith.constant 0 : i32
      %dma_wait3A_472 = arith.constant 0 : i32
      %dma_wait3A_473 = tpu.memref_slice %arg3[%dma_wait3A_471, %dma_wait3A_472] : memref<300000x64xf32, #tpu.memory_space<hbm>> -> memref<300000x64xf32, #tpu.memory_space<hbm>>
      tpu.wait_indirect_dma semaphore(%arg19 : memref<!tpu.dma_semaphore, #tpu.memory_space<semaphore_mem>>) src(%dma_wait3A_473 : memref<300000x64xf32, #tpu.memory_space<hbm>>) dst(%arg17 : memref<64x64xf32, #tpu.memory_space<vmem>>)
      %add3A_474 = arith.constant 1 : i32
      %add3A_475 = arith.addi %mul3A_353, %add3A_474 : i32
      %jit3A_476 = arith.constant 40 : i32
      %div3A_477 = arith.divsi %add3A_475, %jit3A_476 : i32
      %sign3A_478 = arith.constant 0 : i32
      %sign3A_479 = arith.cmpi sgt, %add3A_475, %sign3A_478 : i32
      %sign3A_480 = arith.extui %sign3A_479 : i1 to i32
      %sign3A_481 = arith.constant 0 : i32
      %sign3A_482 = arith.cmpi slt, %add3A_475, %sign3A_481 : i32
      %sign3A_483 = arith.extui %sign3A_482 : i1 to i32
      %sign3A_484 = arith.subi %sign3A_480, %sign3A_483 : i32
      %sign3A_485 = arith.constant 0 : i32
      %sign3A_486 = arith.cmpi sgt, %jit3A_476, %sign3A_485 : i32
      %sign3A_487 = arith.extui %sign3A_486 : i1 to i32
      %sign3A_488 = arith.constant 0 : i32
      %sign3A_489 = arith.cmpi slt, %jit3A_476, %sign3A_488 : i32
      %sign3A_490 = arith.extui %sign3A_489 : i1 to i32
      %sign3A_491 = arith.subi %sign3A_487, %sign3A_490 : i32
      %ne3A_492 = arith.cmpi ne, %sign3A_484, %sign3A_491 : i32
      %rem3A_493 = arith.remsi %add3A_475, %jit3A_476 : i32
      %ne3A_494 = arith.constant 0 : i32
      %ne3A_495 = arith.cmpi ne, %rem3A_493, %ne3A_494 : i32
      %and3A_496 = arith.andi %ne3A_492, %ne3A_495 : i1
      %sub3A_497 = arith.constant 1 : i32
      %sub3A_498 = arith.subi %div3A_477, %sub3A_497 : i32
      %select_n3A_499 = arith.select %and3A_496, %sub3A_498, %div3A_477 : i32
      %mul3A_500 = arith.constant 40 : i32
      %mul3A_501 = arith.muli %select_n3A_499, %mul3A_500 : i32
      %sub3A_502 = arith.subi %add3A_475, %mul3A_501 : i32
      %jit3A_503 = arith.constant 20 : i32
      %div3A_504 = arith.divsi %sub3A_502, %jit3A_503 : i32
      %sign3A_505 = arith.constant 0 : i32
      %sign3A_506 = arith.cmpi sgt, %sub3A_502, %sign3A_505 : i32
      %sign3A_507 = arith.extui %sign3A_506 : i1 to i32
      %sign3A_508 = arith.constant 0 : i32
      %sign3A_509 = arith.cmpi slt, %sub3A_502, %sign3A_508 : i32
      %sign3A_510 = arith.extui %sign3A_509 : i1 to i32
      %sign3A_511 = arith.subi %sign3A_507, %sign3A_510 : i32
      %sign3A_512 = arith.constant 0 : i32
      %sign3A_513 = arith.cmpi sgt, %jit3A_503, %sign3A_512 : i32
      %sign3A_514 = arith.extui %sign3A_513 : i1 to i32
      %sign3A_515 = arith.constant 0 : i32
      %sign3A_516 = arith.cmpi slt, %jit3A_503, %sign3A_515 : i32
      %sign3A_517 = arith.extui %sign3A_516 : i1 to i32
      %sign3A_518 = arith.subi %sign3A_514, %sign3A_517 : i32
      %ne3A_519 = arith.cmpi ne, %sign3A_511, %sign3A_518 : i32
      %rem3A_520 = arith.remsi %sub3A_502, %jit3A_503 : i32
      %ne3A_521 = arith.constant 0 : i32
      %ne3A_522 = arith.cmpi ne, %rem3A_520, %ne3A_521 : i32
      %and3A_523 = arith.andi %ne3A_519, %ne3A_522 : i1
      %sub3A_524 = arith.constant 1 : i32
      %sub3A_525 = arith.subi %div3A_504, %sub3A_524 : i32
      %select_n3A_526 = arith.select %and3A_523, %sub3A_525, %div3A_504 : i32
      %mul3A_527 = arith.constant 20 : i32
      %mul3A_528 = arith.muli %select_n3A_526, %mul3A_527 : i32
      %sub3A_529 = arith.subi %sub3A_502, %mul3A_528 : i32
      %mul3A_530 = arith.constant 1280 : i32
      %mul3A_531 = arith.muli %select_n3A_499, %mul3A_530 : i32
      %add3A_532 = arith.addi %mul3A_138, %mul3A_531 : i32
      %mul3A_533 = arith.constant 64 : i32
      %mul3A_534 = arith.muli %sub3A_529, %mul3A_533 : i32
      %add3A_535 = arith.addi %add3A_532, %mul3A_534 : i32
      %mul3A_536 = arith.constant 64 : i32
      %mul3A_537 = arith.muli %select_n3A_526, %mul3A_536 : i32
      "tpu.region"() ({
        %run_scoped3A = tpu.sem_alloc : memref<!tpu.dma_semaphore, #tpu.memory_space<semaphore_mem>>
        %dma_start3A_538 = arith.constant 245760 : i32
        %dma_start3A_539 = arith.constant 0 : i32
        %dma_start3A_540 = tpu.memref_slice %arg8[%dma_start3A_538, %dma_start3A_539] : memref<368640x128xf32, #tpu.memory_space<hbm>> -> memref<122880x128xf32, #tpu.memory_space<hbm>>
        %dma_start3A_541 = tpu.memref_slice %dma_start3A_540[%add3A_535, %mul3A_537] : memref<122880x128xf32, #tpu.memory_space<hbm>> -> memref<64x64xf32, #tpu.memory_space<hbm>>
        %dma_start3A_542 = arith.constant 245760 : i32
        %dma_start3A_543 = arith.constant 0 : i32
        %dma_start3A_544 = tpu.memref_slice %arg8[%dma_start3A_542, %dma_start3A_543] : memref<368640x128xf32, #tpu.memory_space<hbm>> -> memref<122880x128xf32, #tpu.memory_space<hbm>>
        %dma_start3A_545 = tpu.memref_slice %dma_start3A_544[%add3A_535, %mul3A_537] : memref<122880x128xf32, #tpu.memory_space<hbm>> -> memref<64x64xf32, #tpu.memory_space<hbm>>
        tpu.enqueue_dma source(%arg17 : memref<64x64xf32, #tpu.memory_space<vmem>>) target(%dma_start3A_545 : memref<64x64xf32, #tpu.memory_space<hbm>>) target_semaphore(%run_scoped3A : memref<!tpu.dma_semaphore, #tpu.memory_space<semaphore_mem>>)
        %dma_wait3A_546 = arith.constant 245760 : i32
        %dma_wait3A_547 = arith.constant 0 : i32
        %dma_wait3A_548 = tpu.memref_slice %arg8[%dma_wait3A_546, %dma_wait3A_547] : memref<368640x128xf32, #tpu.memory_space<hbm>> -> memref<122880x128xf32, #tpu.memory_space<hbm>>
        %dma_wait3A_549 = tpu.memref_slice %dma_wait3A_548[%add3A_535, %mul3A_537] : memref<122880x128xf32, #tpu.memory_space<hbm>> -> memref<64x64xf32, #tpu.memory_space<hbm>>
        %dma_wait3A_550 = arith.constant 245760 : i32
        %dma_wait3A_551 = arith.constant 0 : i32
        %dma_wait3A_552 = tpu.memref_slice %arg8[%dma_wait3A_550, %dma_wait3A_551] : memref<368640x128xf32, #tpu.memory_space<hbm>> -> memref<122880x128xf32, #tpu.memory_space<hbm>>
        %dma_wait3A_553 = tpu.memref_slice %dma_wait3A_552[%add3A_535, %mul3A_537] : memref<122880x128xf32, #tpu.memory_space<hbm>> -> memref<64x64xf32, #tpu.memory_space<hbm>>
        tpu.wait_dma2 semaphore(%run_scoped3A : memref<!tpu.dma_semaphore, #tpu.memory_space<semaphore_mem>>) src(%arg17 : memref<64x64xf32, #tpu.memory_space<vmem>>) dst(%dma_wait3A_553 : memref<64x64xf32, #tpu.memory_space<hbm>>)
        tpu.yield
      }) : () -> ()
    }
    %scan3A_188 = arith.constant 60 : i32
    %mul3A_189 = arith.constant 3 : i32
    %mul3A_190 = arith.muli %add3A, %mul3A_189 : i32
    %mul3A_191 = arith.constant 64 : i32
    %mul3A_192 = arith.muli %mul3A_190, %mul3A_191 : i32
    %get3A_193 = arith.constant 0 : index
    %get3A_194 = tpu.vector_load %arg11[%get3A_193] {strides = array<i32>} : memref<384xi32, #tpu.memory_space<vmem>>, vector<16xi32>,
    %get3A_195 = vector.shape_cast %get3A_194 : vector<16xi32> to vector<16xi32>
    %add3A_196 = arith.constant 0 : i32
    %add3A_197 = vector.broadcast %add3A_196 : i32 to vector<16xi32>
    %add3A_198 = arith.addi %get3A_195, %add3A_197 : vector<16xi32>
    %swap3A_199 = arith.constant 0 : index
    %swap3A_200 = tpu.vector_load %arg12[%swap3A_199] {strides = array<i32>} : memref<64xi32, #tpu.memory_space<vmem>>, vector<16xi32>,
    %swap3A_201 = vector.shape_cast %swap3A_200 : vector<16xi32> to vector<16xi32>
    %swap3A_202 = vector.shape_cast %add3A_198 : vector<16xi32> to vector<16xi32>
    tpu.vector_store %arg12[%swap3A_199], %swap3A_202 {strides = array<i32>} : memref<64xi32, #tpu.memory_space<vmem>>, vector<16xi32>,
    %get3A_203 = arith.constant 16 : index
    %get3A_204 = tpu.vector_load %arg11[%get3A_203] {strides = array<i32>} : memref<384xi32, #tpu.memory_space<vmem>>, vector<16xi32>,
    %get3A_205 = vector.shape_cast %get3A_204 : vector<16xi32> to vector<16xi32>
    %add3A_206 = arith.constant 0 : i32
    %add3A_207 = vector.broadcast %add3A_206 : i32 to vector<16xi32>
    %add3A_208 = arith.addi %get3A_205, %add3A_207 : vector<16xi32>
    %swap3A_209 = arith.constant 16 : index
    %swap3A_210 = tpu.vector_load %arg12[%swap3A_209] {strides = array<i32>} : memref<64xi32, #tpu.memory_space<vmem>>, vector<16xi32>,
    %swap3A_211 = vector.shape_cast %swap3A_210 : vector<16xi32> to vector<16xi32>
    %swap3A_212 = vector.shape_cast %add3A_208 : vector<16xi32> to vector<16xi32>
    tpu.vector_store %arg12[%swap3A_209], %swap3A_212 {strides = array<i32>} : memref<64xi32, #tpu.memory_space<vmem>>, vector<16xi32>,
    %get3A_213 = arith.constant 32 : index
    %get3A_214 = tpu.vector_load %arg11[%get3A_213] {strides = array<i32>} : memref<384xi32, #tpu.memory_space<vmem>>, vector<16xi32>,
    %get3A_215 = vector.shape_cast %get3A_214 : vector<16xi32> to vector<16xi32>
    %add3A_216 = arith.constant 0 : i32
    %add3A_217 = vector.broadcast %add3A_216 : i32 to vector<16xi32>
    %add3A_218 = arith.addi %get3A_215, %add3A_217 : vector<16xi32>
    %swap3A_219 = arith.constant 32 : index
    %swap3A_220 = tpu.vector_load %arg12[%swap3A_219] {strides = array<i32>} : memref<64xi32, #tpu.memory_space<vmem>>, vector<16xi32>,
    %swap3A_221 = vector.shape_cast %swap3A_220 : vector<16xi32> to vector<16xi32>
    %swap3A_222 = vector.shape_cast %add3A_218 : vector<16xi32> to vector<16xi32>
    tpu.vector_store %arg12[%swap3A_219], %swap3A_222 {strides = array<i32>} : memref<64xi32, #tpu.memory_space<vmem>>, vector<16xi32>,
    %get3A_223 = arith.constant 48 : index
    %get3A_224 = tpu.vector_load %arg11[%get3A_223] {strides = array<i32>} : memref<384xi32, #tpu.memory_space<vmem>>, vector<16xi32>,
    %get3A_225 = vector.shape_cast %get3A_224 : vector<16xi32> to vector<16xi32>
    %add3A_226 = arith.constant 0 : i32
    %add3A_227 = vector.broadcast %add3A_226 : i32 to vector<16xi32>
    %add3A_228 = arith.addi %get3A_225, %add3A_227 : vector<16xi32>
    %swap3A_229 = arith.constant 48 : index
    %swap3A_230 = tpu.vector_load %arg12[%swap3A_229] {strides = array<i32>} : memref<64xi32, #tpu.memory_space<vmem>>, vector<16xi32>,
    %swap3A_231 = vector.shape_cast %swap3A_230 : vector<16xi32> to vector<16xi32>
    %swap3A_232 = vector.shape_cast %add3A_228 : vector<16xi32> to vector<16xi32>
    tpu.vector_store %arg12[%swap3A_229], %swap3A_232 {strides = array<i32>} : memref<64xi32, #tpu.memory_space<vmem>>, vector<16xi32>,
    %dma_start3A_233 = arith.constant 0 : i32
    %dma_start3A_234 = arith.constant 0 : i32
    %dma_start3A_235 = tpu.memref_slice %arg3[%dma_start3A_233, %dma_start3A_234] : memref<300000x64xf32, #tpu.memory_space<hbm>> -> memref<300000x64xf32, #tpu.memory_space<hbm>>
    tpu.enqueue_indirect_dma source(%dma_start3A_235 : memref<300000x64xf32, #tpu.memory_space<hbm>>) target(%arg16 : memref<64x64xf32, #tpu.memory_space<vmem>>) offsets(%arg12 : memref<64xi32, #tpu.memory_space<vmem>>) semaphore(%arg18 : memref<!tpu.dma_semaphore, #tpu.memory_space<semaphore_mem>>)
    %scan3A_236 = arith.constant 0 : i32
    %scan3A_237 = arith.constant 0 : i32
    %scan3A_238 = arith.constant 0 : i32
    %scan3A_239 = arith.constant 3 : i32
    %scan3A_240 = arith.addi %scan3A_238, %scan3A_239 : i32
    %scan3A_241 = arith.constant 1 : i32
    scf.for %scan3A_351 = %scan3A_238 to %scan3A_240 step %scan3A_241  : i32 {
      %mul3A_352 = arith.constant 2 : i32
      %mul3A_353 = arith.muli %mul3A_352, %scan3A_351 : i32
      %add3A_354 = arith.constant 1 : i32
      %add3A_355 = arith.addi %mul3A_353, %add3A_354 : i32
      %mul3A_356 = arith.constant 64 : i32
      %mul3A_357 = arith.muli %add3A_355, %mul3A_356 : i32
      %add3A_358 = arith.constant 0 : i32
      %add3A_359 = arith.addi %mul3A_357, %add3A_358 : i32
      %get3A_360 = arith.index_cast %add3A_359 : i32 to index
      %get3A_361 = tpu.vector_load %arg11[%get3A_360] {strides = array<i32>} : memref<384xi32, #tpu.memory_space<vmem>>, vector<16xi32>,
      %get3A_362 = vector.shape_cast %get3A_361 : vector<16xi32> to vector<16xi32>
      %add3A_363 = vector.broadcast %scan3A_237 : i32 to vector<16xi32>
      %add3A_364 = arith.addi %get3A_362, %add3A_363 : vector<16xi32>
      %swap3A_365 = arith.constant 0 : index
      %swap3A_366 = tpu.vector_load %arg13[%swap3A_365] {strides = array<i32>} : memref<64xi32, #tpu.memory_space<vmem>>, vector<16xi32>,
      %swap3A_367 = vector.shape_cast %swap3A_366 : vector<16xi32> to vector<16xi32>
      %swap3A_368 = vector.shape_cast %add3A_364 : vector<16xi32> to vector<16xi32>
      tpu.vector_store %arg13[%swap3A_365], %swap3A_368 {strides = array<i32>} : memref<64xi32, #tpu.memory_space<vmem>>, vector<16xi32>,
      %mul3A_369 = arith.constant 64 : i32
      %mul3A_370 = arith.muli %add3A_355, %mul3A_369 : i32
      %add3A_371 = arith.constant 16 : i32
      %add3A_372 = arith.addi %mul3A_370, %add3A_371 : i32
      %get3A_373 = arith.index_cast %add3A_372 : i32 to index
      %get3A_374 = tpu.vector_load %arg11[%get3A_373] {strides = array<i32>} : memref<384xi32, #tpu.memory_space<vmem>>, vector<16xi32>,
      %get3A_375 = vector.shape_cast %get3A_374 : vector<16xi32> to vector<16xi32>
      %add3A_376 = vector.broadcast %scan3A_237 : i32 to vector<16xi32>
      %add3A_377 = arith.addi %get3A_375, %add3A_376 : vector<16xi32>
      %swap3A_378 = arith.constant 16 : index
      %swap3A_379 = tpu.vector_load %arg13[%swap3A_378] {strides = array<i32>} : memref<64xi32, #tpu.memory_space<vmem>>, vector<16xi32>,
      %swap3A_380 = vector.shape_cast %swap3A_379 : vector<16xi32> to vector<16xi32>
      %swap3A_381 = vector.shape_cast %add3A_377 : vector<16xi32> to vector<16xi32>
      tpu.vector_store %arg13[%swap3A_378], %swap3A_381 {strides = array<i32>} : memref<64xi32, #tpu.memory_space<vmem>>, vector<16xi32>,
      %mul3A_382 = arith.constant 64 : i32
      %mul3A_383 = arith.muli %add3A_355, %mul3A_382 : i32
      %add3A_384 = arith.constant 32 : i32
      %add3A_385 = arith.addi %mul3A_383, %add3A_384 : i32
      %get3A_386 = arith.index_cast %add3A_385 : i32 to index
      %get3A_387 = tpu.vector_load %arg11[%get3A_386] {strides = array<i32>} : memref<384xi32, #tpu.memory_space<vmem>>, vector<16xi32>,
      %get3A_388 = vector.shape_cast %get3A_387 : vector<16xi32> to vector<16xi32>
      %add3A_389 = vector.broadcast %scan3A_237 : i32 to vector<16xi32>
      %add3A_390 = arith.addi %get3A_388, %add3A_389 : vector<16xi32>
      %swap3A_391 = arith.constant 32 : index
      %swap3A_392 = tpu.vector_load %arg13[%swap3A_391] {strides = array<i32>} : memref<64xi32, #tpu.memory_space<vmem>>, vector<16xi32>,
      %swap3A_393 = vector.shape_cast %swap3A_392 : vector<16xi32> to vector<16xi32>
      %swap3A_394 = vector.shape_cast %add3A_390 : vector<16xi32> to vector<16xi32>
      tpu.vector_store %arg13[%swap3A_391], %swap3A_394 {strides = array<i32>} : memref<64xi32, #tpu.memory_space<vmem>>, vector<16xi32>,
      %mul3A_395 = arith.constant 64 : i32
      %mul3A_396 = arith.muli %add3A_355, %mul3A_395 : i32
      %add3A_397 = arith.constant 48 : i32
      %add3A_398 = arith.addi %mul3A_396, %add3A_397 : i32
      %get3A_399 = arith.index_cast %add3A_398 : i32 to index
      %get3A_400 = tpu.vector_load %arg11[%get3A_399] {strides = array<i32>} : memref<384xi32, #tpu.memory_space<vmem>>, vector<16xi32>,
      %get3A_401 = vector.shape_cast %get3A_400 : vector<16xi32> to vector<16xi32>
      %add3A_402 = vector.broadcast %scan3A_237 : i32 to vector<16xi32>
      %add3A_403 = arith.addi %get3A_401, %add3A_402 : vector<16xi32>
      %swap3A_404 = arith.constant 48 : index
      %swap3A_405 = tpu.vector_load %arg13[%swap3A_404] {strides = array<i32>} : memref<64xi32, #tpu.memory_space<vmem>>, vector<16xi32>,
      %swap3A_406 = vector.shape_cast %swap3A_405 : vector<16xi32> to vector<16xi32>
      %swap3A_407 = vector.shape_cast %add3A_403 : vector<16xi32> to vector<16xi32>
      tpu.vector_store %arg13[%swap3A_404], %swap3A_407 {strides = array<i32>} : memref<64xi32, #tpu.memory_space<vmem>>, vector<16xi32>,
      %dma_start3A_408 = arith.constant 0 : i32
      %dma_start3A_409 = arith.constant 0 : i32
      %dma_start3A_410 = tpu.memref_slice %arg3[%dma_start3A_408, %dma_start3A_409] : memref<300000x64xf32, #tpu.memory_space<hbm>> -> memref<300000x64xf32, #tpu.memory_space<hbm>>
      tpu.enqueue_indirect_dma source(%dma_start3A_410 : memref<300000x64xf32, #tpu.memory_space<hbm>>) target(%arg17 : memref<64x64xf32, #tpu.memory_space<vmem>>) offsets(%arg13 : memref<64xi32, #tpu.memory_space<vmem>>) semaphore(%arg19 : memref<!tpu.dma_semaphore, #tpu.memory_space<semaphore_mem>>)
      %dma_wait3A = arith.constant 0 : i32
      %dma_wait3A_411 = arith.constant 0 : i32
      %dma_wait3A_412 = tpu.memref_slice %arg3[%dma_wait3A, %dma_wait3A_411] : memref<300000x64xf32, #tpu.memory_space<hbm>> -> memref<300000x64xf32, #tpu.memory_space<hbm>>
      tpu.wait_indirect_dma semaphore(%arg18 : memref<!tpu.dma_semaphore, #tpu.memory_space<semaphore_mem>>) src(%dma_wait3A_412 : memref<300000x64xf32, #tpu.memory_space<hbm>>) dst(%arg16 : memref<64x64xf32, #tpu.memory_space<vmem>>)
      %jit3A = arith.constant 2 : i32
      %div3A = arith.divsi %mul3A_353, %jit3A : i32
      %sign3A = arith.constant 0 : i32
      %sign3A_413 = arith.cmpi sgt, %mul3A_353, %sign3A : i32
      %sign3A_414 = arith.extui %sign3A_413 : i1 to i32
      %sign3A_415 = arith.constant 0 : i32
      %sign3A_416 = arith.cmpi slt, %mul3A_353, %sign3A_415 : i32
      %sign3A_417 = arith.extui %sign3A_416 : i1 to i32
      %sign3A_418 = arith.subi %sign3A_414, %sign3A_417 : i32
      %sign3A_419 = arith.constant 0 : i32
      %sign3A_420 = arith.cmpi sgt, %jit3A, %sign3A_419 : i32
      %sign3A_421 = arith.extui %sign3A_420 : i1 to i32
      %sign3A_422 = arith.constant 0 : i32
      %sign3A_423 = arith.cmpi slt, %jit3A, %sign3A_422 : i32
      %sign3A_424 = arith.extui %sign3A_423 : i1 to i32
      %sign3A_425 = arith.subi %sign3A_421, %sign3A_424 : i32
      %ne3A = arith.cmpi ne, %sign3A_418, %sign3A_425 : i32
      %rem3A = arith.remsi %mul3A_353, %jit3A : i32
      %ne3A_426 = arith.constant 0 : i32
      %ne3A_427 = arith.cmpi ne, %rem3A, %ne3A_426 : i32
      %and3A = arith.andi %ne3A, %ne3A_427 : i1
      %sub3A = arith.constant 1 : i32
      %sub3A_428 = arith.subi %div3A, %sub3A : i32
      %select_n3A = arith.select %and3A, %sub3A_428, %div3A : i32
      %mul3A_429 = arith.constant 2 : i32
      %mul3A_430 = arith.muli %select_n3A, %mul3A_429 : i32
      %sub3A_431 = arith.subi %mul3A_353, %mul3A_430 : i32
      %jit3A_432 = arith.constant 1 : i32
      %div3A_433 = arith.divsi %sub3A_431, %jit3A_432 : i32
      %sign3A_434 = arith.constant 0 : i32
      %sign3A_435 = arith.cmpi sgt, %sub3A_431, %sign3A_434 : i32
      %sign3A_436 = arith.extui %sign3A_435 : i1 to i32
      %sign3A_437 = arith.constant 0 : i32
      %sign3A_438 = arith.cmpi slt, %sub3A_431, %sign3A_437 : i32
      %sign3A_439 = arith.extui %sign3A_438 : i1 to i32
      %sign3A_440 = arith.subi %sign3A_436, %sign3A_439 : i32
      %sign3A_441 = arith.constant 0 : i32
      %sign3A_442 = arith.cmpi sgt, %jit3A_432, %sign3A_441 : i32
      %sign3A_443 = arith.extui %sign3A_442 : i1 to i32
      %sign3A_444 = arith.constant 0 : i32
      %sign3A_445 = arith.cmpi slt, %jit3A_432, %sign3A_444 : i32
      %sign3A_446 = arith.extui %sign3A_445 : i1 to i32
      %sign3A_447 = arith.subi %sign3A_443, %sign3A_446 : i32
      %ne3A_448 = arith.cmpi ne, %sign3A_440, %sign3A_447 : i32
      %rem3A_449 = arith.remsi %sub3A_431, %jit3A_432 : i32
      %ne3A_450 = arith.constant 0 : i32
      %ne3A_451 = arith.cmpi ne, %rem3A_449, %ne3A_450 : i32
      %and3A_452 = arith.andi %ne3A_448, %ne3A_451 : i1
      %sub3A_453 = arith.constant 1 : i32
      %sub3A_454 = arith.subi %div3A_433, %sub3A_453 : i32
      %select_n3A_455 = arith.select %and3A_452, %sub3A_454, %div3A_433 : i32
      %mul3A_456 = arith.constant 1 : i32
      %mul3A_457 = arith.muli %select_n3A_455, %mul3A_456 : i32
      %sub3A_458 = arith.subi %sub3A_431, %mul3A_457 : i32
      %mul3A_459 = arith.constant 64 : i32
      %mul3A_460 = arith.muli %select_n3A, %mul3A_459 : i32
      %add3A_461 = arith.addi %mul3A_192, %mul3A_460 : i32
      %mul3A_462 = arith.constant 64 : i32
      %mul3A_463 = arith.muli %sub3A_458, %mul3A_462 : i32
      %add3A_464 = arith.addi %add3A_461, %mul3A_463 : i32
      %mul3A_465 = arith.constant 64 : i32
      %mul3A_466 = arith.muli %select_n3A_455, %mul3A_465 : i32
      "tpu.region"() ({
        %run_scoped3A = tpu.sem_alloc : memref<!tpu.dma_semaphore, #tpu.memory_space<semaphore_mem>>
        %dma_start3A_538 = arith.constant 0 : i32
        %dma_start3A_539 = arith.constant 0 : i32
        %dma_start3A_540 = tpu.memref_slice %arg9[%dma_start3A_538, %dma_start3A_539] : memref<18432x128xf32, #tpu.memory_space<hbm>> -> memref<6144x128xf32, #tpu.memory_space<hbm>>
        %dma_start3A_541 = tpu.memref_slice %dma_start3A_540[%add3A_464, %mul3A_466] : memref<6144x128xf32, #tpu.memory_space<hbm>> -> memref<64x64xf32, #tpu.memory_space<hbm>>
        %dma_start3A_542 = arith.constant 0 : i32
        %dma_start3A_543 = arith.constant 0 : i32
        %dma_start3A_544 = tpu.memref_slice %arg9[%dma_start3A_542, %dma_start3A_543] : memref<18432x128xf32, #tpu.memory_space<hbm>> -> memref<6144x128xf32, #tpu.memory_space<hbm>>
        %dma_start3A_545 = tpu.memref_slice %dma_start3A_544[%add3A_464, %mul3A_466] : memref<6144x128xf32, #tpu.memory_space<hbm>> -> memref<64x64xf32, #tpu.memory_space<hbm>>
        tpu.enqueue_dma source(%arg16 : memref<64x64xf32, #tpu.memory_space<vmem>>) target(%dma_start3A_545 : memref<64x64xf32, #tpu.memory_space<hbm>>) target_semaphore(%run_scoped3A : memref<!tpu.dma_semaphore, #tpu.memory_space<semaphore_mem>>)
        %dma_wait3A_546 = arith.constant 0 : i32
        %dma_wait3A_547 = arith.constant 0 : i32
        %dma_wait3A_548 = tpu.memref_slice %arg9[%dma_wait3A_546, %dma_wait3A_547] : memref<18432x128xf32, #tpu.memory_space<hbm>> -> memref<6144x128xf32, #tpu.memory_space<hbm>>
        %dma_wait3A_549 = tpu.memref_slice %dma_wait3A_548[%add3A_464, %mul3A_466] : memref<6144x128xf32, #tpu.memory_space<hbm>> -> memref<64x64xf32, #tpu.memory_space<hbm>>
        %dma_wait3A_550 = arith.constant 0 : i32
        %dma_wait3A_551 = arith.constant 0 : i32
        %dma_wait3A_552 = tpu.memref_slice %arg9[%dma_wait3A_550, %dma_wait3A_551] : memref<18432x128xf32, #tpu.memory_space<hbm>> -> memref<6144x128xf32, #tpu.memory_space<hbm>>
        %dma_wait3A_553 = tpu.memref_slice %dma_wait3A_552[%add3A_464, %mul3A_466] : memref<6144x128xf32, #tpu.memory_space<hbm>> -> memref<64x64xf32, #tpu.memory_space<hbm>>
        tpu.wait_dma2 semaphore(%run_scoped3A : memref<!tpu.dma_semaphore, #tpu.memory_space<semaphore_mem>>) src(%arg16 : memref<64x64xf32, #tpu.memory_space<vmem>>) dst(%dma_wait3A_553 : memref<64x64xf32, #tpu.memory_space<hbm>>)
        tpu.yield
      }) : () -> ()
      %add3A_467 = arith.constant 2 : i32
      %add3A_468 = arith.addi %mul3A_353, %add3A_467 : i32
      %lt3A = arith.constant 6 : i32
      %lt3A_469 = arith.cmpi slt, %add3A_468, %lt3A : i32
      %convert_element_type3A = arith.extui %lt3A_469 : i1 to i32
      %cond3A = arith.constant 0 : i32
      %cond3A_470 = arith.cmpi ne, %convert_element_type3A, %cond3A : i32
      scf.if %cond3A_470 {
        %add3A_538 = arith.constant 2 : i32
        %add3A_539 = arith.addi %mul3A_353, %add3A_538 : i32
        %mul3A_540 = arith.constant 64 : i32
        %mul3A_541 = arith.muli %add3A_539, %mul3A_540 : i32
        %add3A_542 = arith.constant 0 : i32
        %add3A_543 = arith.addi %mul3A_541, %add3A_542 : i32
        %get3A_544 = arith.index_cast %add3A_543 : i32 to index
        %get3A_545 = tpu.vector_load %arg11[%get3A_544] {strides = array<i32>} : memref<384xi32, #tpu.memory_space<vmem>>, vector<16xi32>,
        %get3A_546 = vector.shape_cast %get3A_545 : vector<16xi32> to vector<16xi32>
        %add3A_547 = vector.broadcast %scan3A_237 : i32 to vector<16xi32>
        %add3A_548 = arith.addi %get3A_546, %add3A_547 : vector<16xi32>
        %swap3A_549 = arith.constant 0 : index
        %swap3A_550 = tpu.vector_load %arg12[%swap3A_549] {strides = array<i32>} : memref<64xi32, #tpu.memory_space<vmem>>, vector<16xi32>,
        %swap3A_551 = vector.shape_cast %swap3A_550 : vector<16xi32> to vector<16xi32>
        %swap3A_552 = vector.shape_cast %add3A_548 : vector<16xi32> to vector<16xi32>
        tpu.vector_store %arg12[%swap3A_549], %swap3A_552 {strides = array<i32>} : memref<64xi32, #tpu.memory_space<vmem>>, vector<16xi32>,
        %mul3A_553 = arith.constant 64 : i32
        %mul3A_554 = arith.muli %add3A_539, %mul3A_553 : i32
        %add3A_555 = arith.constant 16 : i32
        %add3A_556 = arith.addi %mul3A_554, %add3A_555 : i32
        %get3A_557 = arith.index_cast %add3A_556 : i32 to index
        %get3A_558 = tpu.vector_load %arg11[%get3A_557] {strides = array<i32>} : memref<384xi32, #tpu.memory_space<vmem>>, vector<16xi32>,
        %get3A_559 = vector.shape_cast %get3A_558 : vector<16xi32> to vector<16xi32>
        %add3A_560 = vector.broadcast %scan3A_237 : i32 to vector<16xi32>
        %add3A_561 = arith.addi %get3A_559, %add3A_560 : vector<16xi32>
        %swap3A_562 = arith.constant 16 : index
        %swap3A_563 = tpu.vector_load %arg12[%swap3A_562] {strides = array<i32>} : memref<64xi32, #tpu.memory_space<vmem>>, vector<16xi32>,
        %swap3A_564 = vector.shape_cast %swap3A_563 : vector<16xi32> to vector<16xi32>
        %swap3A_565 = vector.shape_cast %add3A_561 : vector<16xi32> to vector<16xi32>
        tpu.vector_store %arg12[%swap3A_562], %swap3A_565 {strides = array<i32>} : memref<64xi32, #tpu.memory_space<vmem>>, vector<16xi32>,
        %mul3A_566 = arith.constant 64 : i32
        %mul3A_567 = arith.muli %add3A_539, %mul3A_566 : i32
        %add3A_568 = arith.constant 32 : i32
        %add3A_569 = arith.addi %mul3A_567, %add3A_568 : i32
        %get3A_570 = arith.index_cast %add3A_569 : i32 to index
        %get3A_571 = tpu.vector_load %arg11[%get3A_570] {strides = array<i32>} : memref<384xi32, #tpu.memory_space<vmem>>, vector<16xi32>,
        %get3A_572 = vector.shape_cast %get3A_571 : vector<16xi32> to vector<16xi32>
        %add3A_573 = vector.broadcast %scan3A_237 : i32 to vector<16xi32>
        %add3A_574 = arith.addi %get3A_572, %add3A_573 : vector<16xi32>
        %swap3A_575 = arith.constant 32 : index
        %swap3A_576 = tpu.vector_load %arg12[%swap3A_575] {strides = array<i32>} : memref<64xi32, #tpu.memory_space<vmem>>, vector<16xi32>,
        %swap3A_577 = vector.shape_cast %swap3A_576 : vector<16xi32> to vector<16xi32>
        %swap3A_578 = vector.shape_cast %add3A_574 : vector<16xi32> to vector<16xi32>
        tpu.vector_store %arg12[%swap3A_575], %swap3A_578 {strides = array<i32>} : memref<64xi32, #tpu.memory_space<vmem>>, vector<16xi32>,
        %mul3A_579 = arith.constant 64 : i32
        %mul3A_580 = arith.muli %add3A_539, %mul3A_579 : i32
        %add3A_581 = arith.constant 48 : i32
        %add3A_582 = arith.addi %mul3A_580, %add3A_581 : i32
        %get3A_583 = arith.index_cast %add3A_582 : i32 to index
        %get3A_584 = tpu.vector_load %arg11[%get3A_583] {strides = array<i32>} : memref<384xi32, #tpu.memory_space<vmem>>, vector<16xi32>,
        %get3A_585 = vector.shape_cast %get3A_584 : vector<16xi32> to vector<16xi32>
        %add3A_586 = vector.broadcast %scan3A_237 : i32 to vector<16xi32>
        %add3A_587 = arith.addi %get3A_585, %add3A_586 : vector<16xi32>
        %swap3A_588 = arith.constant 48 : index
        %swap3A_589 = tpu.vector_load %arg12[%swap3A_588] {strides = array<i32>} : memref<64xi32, #tpu.memory_space<vmem>>, vector<16xi32>,
        %swap3A_590 = vector.shape_cast %swap3A_589 : vector<16xi32> to vector<16xi32>
        %swap3A_591 = vector.shape_cast %add3A_587 : vector<16xi32> to vector<16xi32>
        tpu.vector_store %arg12[%swap3A_588], %swap3A_591 {strides = array<i32>} : memref<64xi32, #tpu.memory_space<vmem>>, vector<16xi32>,
        %dma_start3A_592 = arith.constant 0 : i32
        %dma_start3A_593 = arith.constant 0 : i32
        %dma_start3A_594 = tpu.memref_slice %arg3[%dma_start3A_592, %dma_start3A_593] : memref<300000x64xf32, #tpu.memory_space<hbm>> -> memref<300000x64xf32, #tpu.memory_space<hbm>>
        tpu.enqueue_indirect_dma source(%dma_start3A_594 : memref<300000x64xf32, #tpu.memory_space<hbm>>) target(%arg16 : memref<64x64xf32, #tpu.memory_space<vmem>>) offsets(%arg12 : memref<64xi32, #tpu.memory_space<vmem>>) semaphore(%arg18 : memref<!tpu.dma_semaphore, #tpu.memory_space<semaphore_mem>>)
      } else {
      }
      %dma_wait3A_471 = arith.constant 0 : i32
      %dma_wait3A_472 = arith.constant 0 : i32
      %dma_wait3A_473 = tpu.memref_slice %arg3[%dma_wait3A_471, %dma_wait3A_472] : memref<300000x64xf32, #tpu.memory_space<hbm>> -> memref<300000x64xf32, #tpu.memory_space<hbm>>
      tpu.wait_indirect_dma semaphore(%arg19 : memref<!tpu.dma_semaphore, #tpu.memory_space<semaphore_mem>>) src(%dma_wait3A_473 : memref<300000x64xf32, #tpu.memory_space<hbm>>) dst(%arg17 : memref<64x64xf32, #tpu.memory_space<vmem>>)
      %add3A_474 = arith.constant 1 : i32
      %add3A_475 = arith.addi %mul3A_353, %add3A_474 : i32
      %jit3A_476 = arith.constant 2 : i32
      %div3A_477 = arith.divsi %add3A_475, %jit3A_476 : i32
      %sign3A_478 = arith.constant 0 : i32
      %sign3A_479 = arith.cmpi sgt, %add3A_475, %sign3A_478 : i32
      %sign3A_480 = arith.extui %sign3A_479 : i1 to i32
      %sign3A_481 = arith.constant 0 : i32
      %sign3A_482 = arith.cmpi slt, %add3A_475, %sign3A_481 : i32
      %sign3A_483 = arith.extui %sign3A_482 : i1 to i32
      %sign3A_484 = arith.subi %sign3A_480, %sign3A_483 : i32
      %sign3A_485 = arith.constant 0 : i32
      %sign3A_486 = arith.cmpi sgt, %jit3A_476, %sign3A_485 : i32
      %sign3A_487 = arith.extui %sign3A_486 : i1 to i32
      %sign3A_488 = arith.constant 0 : i32
      %sign3A_489 = arith.cmpi slt, %jit3A_476, %sign3A_488 : i32
      %sign3A_490 = arith.extui %sign3A_489 : i1 to i32
      %sign3A_491 = arith.subi %sign3A_487, %sign3A_490 : i32
      %ne3A_492 = arith.cmpi ne, %sign3A_484, %sign3A_491 : i32
      %rem3A_493 = arith.remsi %add3A_475, %jit3A_476 : i32
      %ne3A_494 = arith.constant 0 : i32
      %ne3A_495 = arith.cmpi ne, %rem3A_493, %ne3A_494 : i32
      %and3A_496 = arith.andi %ne3A_492, %ne3A_495 : i1
      %sub3A_497 = arith.constant 1 : i32
      %sub3A_498 = arith.subi %div3A_477, %sub3A_497 : i32
      %select_n3A_499 = arith.select %and3A_496, %sub3A_498, %div3A_477 : i32
      %mul3A_500 = arith.constant 2 : i32
      %mul3A_501 = arith.muli %select_n3A_499, %mul3A_500 : i32
      %sub3A_502 = arith.subi %add3A_475, %mul3A_501 : i32
      %jit3A_503 = arith.constant 1 : i32
      %div3A_504 = arith.divsi %sub3A_502, %jit3A_503 : i32
      %sign3A_505 = arith.constant 0 : i32
      %sign3A_506 = arith.cmpi sgt, %sub3A_502, %sign3A_505 : i32
      %sign3A_507 = arith.extui %sign3A_506 : i1 to i32
      %sign3A_508 = arith.constant 0 : i32
      %sign3A_509 = arith.cmpi slt, %sub3A_502, %sign3A_508 : i32
      %sign3A_510 = arith.extui %sign3A_509 : i1 to i32
      %sign3A_511 = arith.subi %sign3A_507, %sign3A_510 : i32
      %sign3A_512 = arith.constant 0 : i32
      %sign3A_513 = arith.cmpi sgt, %jit3A_503, %sign3A_512 : i32
      %sign3A_514 = arith.extui %sign3A_513 : i1 to i32
      %sign3A_515 = arith.constant 0 : i32
      %sign3A_516 = arith.cmpi slt, %jit3A_503, %sign3A_515 : i32
      %sign3A_517 = arith.extui %sign3A_516 : i1 to i32
      %sign3A_518 = arith.subi %sign3A_514, %sign3A_517 : i32
      %ne3A_519 = arith.cmpi ne, %sign3A_511, %sign3A_518 : i32
      %rem3A_520 = arith.remsi %sub3A_502, %jit3A_503 : i32
      %ne3A_521 = arith.constant 0 : i32
      %ne3A_522 = arith.cmpi ne, %rem3A_520, %ne3A_521 : i32
      %and3A_523 = arith.andi %ne3A_519, %ne3A_522 : i1
      %sub3A_524 = arith.constant 1 : i32
      %sub3A_525 = arith.subi %div3A_504, %sub3A_524 : i32
      %select_n3A_526 = arith.select %and3A_523, %sub3A_525, %div3A_504 : i32
      %mul3A_527 = arith.constant 1 : i32
      %mul3A_528 = arith.muli %select_n3A_526, %mul3A_527 : i32
      %sub3A_529 = arith.subi %sub3A_502, %mul3A_528 : i32
      %mul3A_530 = arith.constant 64 : i32
      %mul3A_531 = arith.muli %select_n3A_499, %mul3A_530 : i32
      %add3A_532 = arith.addi %mul3A_192, %mul3A_531 : i32
      %mul3A_533 = arith.constant 64 : i32
      %mul3A_534 = arith.muli %sub3A_529, %mul3A_533 : i32
      %add3A_535 = arith.addi %add3A_532, %mul3A_534 : i32
      %mul3A_536 = arith.constant 64 : i32
      %mul3A_537 = arith.muli %select_n3A_526, %mul3A_536 : i32
      "tpu.region"() ({
        %run_scoped3A = tpu.sem_alloc : memref<!tpu.dma_semaphore, #tpu.memory_space<semaphore_mem>>
        %dma_start3A_538 = arith.constant 0 : i32
        %dma_start3A_539 = arith.constant 0 : i32
        %dma_start3A_540 = tpu.memref_slice %arg9[%dma_start3A_538, %dma_start3A_539] : memref<18432x128xf32, #tpu.memory_space<hbm>> -> memref<6144x128xf32, #tpu.memory_space<hbm>>
        %dma_start3A_541 = tpu.memref_slice %dma_start3A_540[%add3A_535, %mul3A_537] : memref<6144x128xf32, #tpu.memory_space<hbm>> -> memref<64x64xf32, #tpu.memory_space<hbm>>
        %dma_start3A_542 = arith.constant 0 : i32
        %dma_start3A_543 = arith.constant 0 : i32
        %dma_start3A_544 = tpu.memref_slice %arg9[%dma_start3A_542, %dma_start3A_543] : memref<18432x128xf32, #tpu.memory_space<hbm>> -> memref<6144x128xf32, #tpu.memory_space<hbm>>
        %dma_start3A_545 = tpu.memref_slice %dma_start3A_544[%add3A_535, %mul3A_537] : memref<6144x128xf32, #tpu.memory_space<hbm>> -> memref<64x64xf32, #tpu.memory_space<hbm>>
        tpu.enqueue_dma source(%arg17 : memref<64x64xf32, #tpu.memory_space<vmem>>) target(%dma_start3A_545 : memref<64x64xf32, #tpu.memory_space<hbm>>) target_semaphore(%run_scoped3A : memref<!tpu.dma_semaphore, #tpu.memory_space<semaphore_mem>>)
        %dma_wait3A_546 = arith.constant 0 : i32
        %dma_wait3A_547 = arith.constant 0 : i32
        %dma_wait3A_548 = tpu.memref_slice %arg9[%dma_wait3A_546, %dma_wait3A_547] : memref<18432x128xf32, #tpu.memory_space<hbm>> -> memref<6144x128xf32, #tpu.memory_space<hbm>>
        %dma_wait3A_549 = tpu.memref_slice %dma_wait3A_548[%add3A_535, %mul3A_537] : memref<6144x128xf32, #tpu.memory_space<hbm>> -> memref<64x64xf32, #tpu.memory_space<hbm>>
        %dma_wait3A_550 = arith.constant 0 : i32
        %dma_wait3A_551 = arith.constant 0 : i32
        %dma_wait3A_552 = tpu.memref_slice %arg9[%dma_wait3A_550, %dma_wait3A_551] : memref<18432x128xf32, #tpu.memory_space<hbm>> -> memref<6144x128xf32, #tpu.memory_space<hbm>>
        %dma_wait3A_553 = tpu.memref_slice %dma_wait3A_552[%add3A_535, %mul3A_537] : memref<6144x128xf32, #tpu.memory_space<hbm>> -> memref<64x64xf32, #tpu.memory_space<hbm>>
        tpu.wait_dma2 semaphore(%run_scoped3A : memref<!tpu.dma_semaphore, #tpu.memory_space<semaphore_mem>>) src(%arg17 : memref<64x64xf32, #tpu.memory_space<vmem>>) dst(%dma_wait3A_553 : memref<64x64xf32, #tpu.memory_space<hbm>>)
        tpu.yield
      }) : () -> ()
    }
    %scan3A_242 = arith.constant 3 : i32
    %mul3A_243 = arith.constant 3 : i32
    %mul3A_244 = arith.muli %add3A, %mul3A_243 : i32
    %mul3A_245 = arith.constant 64 : i32
    %mul3A_246 = arith.muli %mul3A_244, %mul3A_245 : i32
    %get3A_247 = arith.constant 0 : index
    %get3A_248 = tpu.vector_load %arg11[%get3A_247] {strides = array<i32>} : memref<384xi32, #tpu.memory_space<vmem>>, vector<16xi32>,
    %get3A_249 = vector.shape_cast %get3A_248 : vector<16xi32> to vector<16xi32>
    %add3A_250 = arith.constant 100000 : i32
    %add3A_251 = vector.broadcast %add3A_250 : i32 to vector<16xi32>
    %add3A_252 = arith.addi %get3A_249, %add3A_251 : vector<16xi32>
    %swap3A_253 = arith.constant 0 : index
    %swap3A_254 = tpu.vector_load %arg12[%swap3A_253] {strides = array<i32>} : memref<64xi32, #tpu.memory_space<vmem>>, vector<16xi32>,
    %swap3A_255 = vector.shape_cast %swap3A_254 : vector<16xi32> to vector<16xi32>
    %swap3A_256 = vector.shape_cast %add3A_252 : vector<16xi32> to vector<16xi32>
    tpu.vector_store %arg12[%swap3A_253], %swap3A_256 {strides = array<i32>} : memref<64xi32, #tpu.memory_space<vmem>>, vector<16xi32>,
    %get3A_257 = arith.constant 16 : index
    %get3A_258 = tpu.vector_load %arg11[%get3A_257] {strides = array<i32>} : memref<384xi32, #tpu.memory_space<vmem>>, vector<16xi32>,
    %get3A_259 = vector.shape_cast %get3A_258 : vector<16xi32> to vector<16xi32>
    %add3A_260 = arith.constant 100000 : i32
    %add3A_261 = vector.broadcast %add3A_260 : i32 to vector<16xi32>
    %add3A_262 = arith.addi %get3A_259, %add3A_261 : vector<16xi32>
    %swap3A_263 = arith.constant 16 : index
    %swap3A_264 = tpu.vector_load %arg12[%swap3A_263] {strides = array<i32>} : memref<64xi32, #tpu.memory_space<vmem>>, vector<16xi32>,
    %swap3A_265 = vector.shape_cast %swap3A_264 : vector<16xi32> to vector<16xi32>
    %swap3A_266 = vector.shape_cast %add3A_262 : vector<16xi32> to vector<16xi32>
    tpu.vector_store %arg12[%swap3A_263], %swap3A_266 {strides = array<i32>} : memref<64xi32, #tpu.memory_space<vmem>>, vector<16xi32>,
    %get3A_267 = arith.constant 32 : index
    %get3A_268 = tpu.vector_load %arg11[%get3A_267] {strides = array<i32>} : memref<384xi32, #tpu.memory_space<vmem>>, vector<16xi32>,
    %get3A_269 = vector.shape_cast %get3A_268 : vector<16xi32> to vector<16xi32>
    %add3A_270 = arith.constant 100000 : i32
    %add3A_271 = vector.broadcast %add3A_270 : i32 to vector<16xi32>
    %add3A_272 = arith.addi %get3A_269, %add3A_271 : vector<16xi32>
    %swap3A_273 = arith.constant 32 : index
    %swap3A_274 = tpu.vector_load %arg12[%swap3A_273] {strides = array<i32>} : memref<64xi32, #tpu.memory_space<vmem>>, vector<16xi32>,
    %swap3A_275 = vector.shape_cast %swap3A_274 : vector<16xi32> to vector<16xi32>
    %swap3A_276 = vector.shape_cast %add3A_272 : vector<16xi32> to vector<16xi32>
    tpu.vector_store %arg12[%swap3A_273], %swap3A_276 {strides = array<i32>} : memref<64xi32, #tpu.memory_space<vmem>>, vector<16xi32>,
    %get3A_277 = arith.constant 48 : index
    %get3A_278 = tpu.vector_load %arg11[%get3A_277] {strides = array<i32>} : memref<384xi32, #tpu.memory_space<vmem>>, vector<16xi32>,
    %get3A_279 = vector.shape_cast %get3A_278 : vector<16xi32> to vector<16xi32>
    %add3A_280 = arith.constant 100000 : i32
    %add3A_281 = vector.broadcast %add3A_280 : i32 to vector<16xi32>
    %add3A_282 = arith.addi %get3A_279, %add3A_281 : vector<16xi32>
    %swap3A_283 = arith.constant 48 : index
    %swap3A_284 = tpu.vector_load %arg12[%swap3A_283] {strides = array<i32>} : memref<64xi32, #tpu.memory_space<vmem>>, vector<16xi32>,
    %swap3A_285 = vector.shape_cast %swap3A_284 : vector<16xi32> to vector<16xi32>
    %swap3A_286 = vector.shape_cast %add3A_282 : vector<16xi32> to vector<16xi32>
    tpu.vector_store %arg12[%swap3A_283], %swap3A_286 {strides = array<i32>} : memref<64xi32, #tpu.memory_space<vmem>>, vector<16xi32>,
    %dma_start3A_287 = arith.constant 0 : i32
    %dma_start3A_288 = arith.constant 0 : i32
    %dma_start3A_289 = tpu.memref_slice %arg3[%dma_start3A_287, %dma_start3A_288] : memref<300000x64xf32, #tpu.memory_space<hbm>> -> memref<300000x64xf32, #tpu.memory_space<hbm>>
    tpu.enqueue_indirect_dma source(%dma_start3A_289 : memref<300000x64xf32, #tpu.memory_space<hbm>>) target(%arg16 : memref<64x64xf32, #tpu.memory_space<vmem>>) offsets(%arg12 : memref<64xi32, #tpu.memory_space<vmem>>) semaphore(%arg18 : memref<!tpu.dma_semaphore, #tpu.memory_space<semaphore_mem>>)
    %scan3A_290 = arith.constant 0 : i32
    %scan3A_291 = arith.constant 100000 : i32
    %scan3A_292 = arith.constant 0 : i32
    %scan3A_293 = arith.constant 3 : i32
    %scan3A_294 = arith.addi %scan3A_292, %scan3A_293 : i32
    %scan3A_295 = arith.constant 1 : i32
    scf.for %scan3A_351 = %scan3A_292 to %scan3A_294 step %scan3A_295  : i32 {
      %mul3A_352 = arith.constant 2 : i32
      %mul3A_353 = arith.muli %mul3A_352, %scan3A_351 : i32
      %add3A_354 = arith.constant 1 : i32
      %add3A_355 = arith.addi %mul3A_353, %add3A_354 : i32
      %mul3A_356 = arith.constant 64 : i32
      %mul3A_357 = arith.muli %add3A_355, %mul3A_356 : i32
      %add3A_358 = arith.constant 0 : i32
      %add3A_359 = arith.addi %mul3A_357, %add3A_358 : i32
      %get3A_360 = arith.index_cast %add3A_359 : i32 to index
      %get3A_361 = tpu.vector_load %arg11[%get3A_360] {strides = array<i32>} : memref<384xi32, #tpu.memory_space<vmem>>, vector<16xi32>,
      %get3A_362 = vector.shape_cast %get3A_361 : vector<16xi32> to vector<16xi32>
      %add3A_363 = vector.broadcast %scan3A_291 : i32 to vector<16xi32>
      %add3A_364 = arith.addi %get3A_362, %add3A_363 : vector<16xi32>
      %swap3A_365 = arith.constant 0 : index
      %swap3A_366 = tpu.vector_load %arg13[%swap3A_365] {strides = array<i32>} : memref<64xi32, #tpu.memory_space<vmem>>, vector<16xi32>,
      %swap3A_367 = vector.shape_cast %swap3A_366 : vector<16xi32> to vector<16xi32>
      %swap3A_368 = vector.shape_cast %add3A_364 : vector<16xi32> to vector<16xi32>
      tpu.vector_store %arg13[%swap3A_365], %swap3A_368 {strides = array<i32>} : memref<64xi32, #tpu.memory_space<vmem>>, vector<16xi32>,
      %mul3A_369 = arith.constant 64 : i32
      %mul3A_370 = arith.muli %add3A_355, %mul3A_369 : i32
      %add3A_371 = arith.constant 16 : i32
      %add3A_372 = arith.addi %mul3A_370, %add3A_371 : i32
      %get3A_373 = arith.index_cast %add3A_372 : i32 to index
      %get3A_374 = tpu.vector_load %arg11[%get3A_373] {strides = array<i32>} : memref<384xi32, #tpu.memory_space<vmem>>, vector<16xi32>,
      %get3A_375 = vector.shape_cast %get3A_374 : vector<16xi32> to vector<16xi32>
      %add3A_376 = vector.broadcast %scan3A_291 : i32 to vector<16xi32>
      %add3A_377 = arith.addi %get3A_375, %add3A_376 : vector<16xi32>
      %swap3A_378 = arith.constant 16 : index
      %swap3A_379 = tpu.vector_load %arg13[%swap3A_378] {strides = array<i32>} : memref<64xi32, #tpu.memory_space<vmem>>, vector<16xi32>,
      %swap3A_380 = vector.shape_cast %swap3A_379 : vector<16xi32> to vector<16xi32>
      %swap3A_381 = vector.shape_cast %add3A_377 : vector<16xi32> to vector<16xi32>
      tpu.vector_store %arg13[%swap3A_378], %swap3A_381 {strides = array<i32>} : memref<64xi32, #tpu.memory_space<vmem>>, vector<16xi32>,
      %mul3A_382 = arith.constant 64 : i32
      %mul3A_383 = arith.muli %add3A_355, %mul3A_382 : i32
      %add3A_384 = arith.constant 32 : i32
      %add3A_385 = arith.addi %mul3A_383, %add3A_384 : i32
      %get3A_386 = arith.index_cast %add3A_385 : i32 to index
      %get3A_387 = tpu.vector_load %arg11[%get3A_386] {strides = array<i32>} : memref<384xi32, #tpu.memory_space<vmem>>, vector<16xi32>,
      %get3A_388 = vector.shape_cast %get3A_387 : vector<16xi32> to vector<16xi32>
      %add3A_389 = vector.broadcast %scan3A_291 : i32 to vector<16xi32>
      %add3A_390 = arith.addi %get3A_388, %add3A_389 : vector<16xi32>
      %swap3A_391 = arith.constant 32 : index
      %swap3A_392 = tpu.vector_load %arg13[%swap3A_391] {strides = array<i32>} : memref<64xi32, #tpu.memory_space<vmem>>, vector<16xi32>,
      %swap3A_393 = vector.shape_cast %swap3A_392 : vector<16xi32> to vector<16xi32>
      %swap3A_394 = vector.shape_cast %add3A_390 : vector<16xi32> to vector<16xi32>
      tpu.vector_store %arg13[%swap3A_391], %swap3A_394 {strides = array<i32>} : memref<64xi32, #tpu.memory_space<vmem>>, vector<16xi32>,
      %mul3A_395 = arith.constant 64 : i32
      %mul3A_396 = arith.muli %add3A_355, %mul3A_395 : i32
      %add3A_397 = arith.constant 48 : i32
      %add3A_398 = arith.addi %mul3A_396, %add3A_397 : i32
      %get3A_399 = arith.index_cast %add3A_398 : i32 to index
      %get3A_400 = tpu.vector_load %arg11[%get3A_399] {strides = array<i32>} : memref<384xi32, #tpu.memory_space<vmem>>, vector<16xi32>,
      %get3A_401 = vector.shape_cast %get3A_400 : vector<16xi32> to vector<16xi32>
      %add3A_402 = vector.broadcast %scan3A_291 : i32 to vector<16xi32>
      %add3A_403 = arith.addi %get3A_401, %add3A_402 : vector<16xi32>
      %swap3A_404 = arith.constant 48 : index
      %swap3A_405 = tpu.vector_load %arg13[%swap3A_404] {strides = array<i32>} : memref<64xi32, #tpu.memory_space<vmem>>, vector<16xi32>,
      %swap3A_406 = vector.shape_cast %swap3A_405 : vector<16xi32> to vector<16xi32>
      %swap3A_407 = vector.shape_cast %add3A_403 : vector<16xi32> to vector<16xi32>
      tpu.vector_store %arg13[%swap3A_404], %swap3A_407 {strides = array<i32>} : memref<64xi32, #tpu.memory_space<vmem>>, vector<16xi32>,
      %dma_start3A_408 = arith.constant 0 : i32
      %dma_start3A_409 = arith.constant 0 : i32
      %dma_start3A_410 = tpu.memref_slice %arg3[%dma_start3A_408, %dma_start3A_409] : memref<300000x64xf32, #tpu.memory_space<hbm>> -> memref<300000x64xf32, #tpu.memory_space<hbm>>
      tpu.enqueue_indirect_dma source(%dma_start3A_410 : memref<300000x64xf32, #tpu.memory_space<hbm>>) target(%arg17 : memref<64x64xf32, #tpu.memory_space<vmem>>) offsets(%arg13 : memref<64xi32, #tpu.memory_space<vmem>>) semaphore(%arg19 : memref<!tpu.dma_semaphore, #tpu.memory_space<semaphore_mem>>)
      %dma_wait3A = arith.constant 0 : i32
      %dma_wait3A_411 = arith.constant 0 : i32
      %dma_wait3A_412 = tpu.memref_slice %arg3[%dma_wait3A, %dma_wait3A_411] : memref<300000x64xf32, #tpu.memory_space<hbm>> -> memref<300000x64xf32, #tpu.memory_space<hbm>>
      tpu.wait_indirect_dma semaphore(%arg18 : memref<!tpu.dma_semaphore, #tpu.memory_space<semaphore_mem>>) src(%dma_wait3A_412 : memref<300000x64xf32, #tpu.memory_space<hbm>>) dst(%arg16 : memref<64x64xf32, #tpu.memory_space<vmem>>)
      %jit3A = arith.constant 2 : i32
      %div3A = arith.divsi %mul3A_353, %jit3A : i32
      %sign3A = arith.constant 0 : i32
      %sign3A_413 = arith.cmpi sgt, %mul3A_353, %sign3A : i32
      %sign3A_414 = arith.extui %sign3A_413 : i1 to i32
      %sign3A_415 = arith.constant 0 : i32
      %sign3A_416 = arith.cmpi slt, %mul3A_353, %sign3A_415 : i32
      %sign3A_417 = arith.extui %sign3A_416 : i1 to i32
      %sign3A_418 = arith.subi %sign3A_414, %sign3A_417 : i32
      %sign3A_419 = arith.constant 0 : i32
      %sign3A_420 = arith.cmpi sgt, %jit3A, %sign3A_419 : i32
      %sign3A_421 = arith.extui %sign3A_420 : i1 to i32
      %sign3A_422 = arith.constant 0 : i32
      %sign3A_423 = arith.cmpi slt, %jit3A, %sign3A_422 : i32
      %sign3A_424 = arith.extui %sign3A_423 : i1 to i32
      %sign3A_425 = arith.subi %sign3A_421, %sign3A_424 : i32
      %ne3A = arith.cmpi ne, %sign3A_418, %sign3A_425 : i32
      %rem3A = arith.remsi %mul3A_353, %jit3A : i32
      %ne3A_426 = arith.constant 0 : i32
      %ne3A_427 = arith.cmpi ne, %rem3A, %ne3A_426 : i32
      %and3A = arith.andi %ne3A, %ne3A_427 : i1
      %sub3A = arith.constant 1 : i32
      %sub3A_428 = arith.subi %div3A, %sub3A : i32
      %select_n3A = arith.select %and3A, %sub3A_428, %div3A : i32
      %mul3A_429 = arith.constant 2 : i32
      %mul3A_430 = arith.muli %select_n3A, %mul3A_429 : i32
      %sub3A_431 = arith.subi %mul3A_353, %mul3A_430 : i32
      %jit3A_432 = arith.constant 1 : i32
      %div3A_433 = arith.divsi %sub3A_431, %jit3A_432 : i32
      %sign3A_434 = arith.constant 0 : i32
      %sign3A_435 = arith.cmpi sgt, %sub3A_431, %sign3A_434 : i32
      %sign3A_436 = arith.extui %sign3A_435 : i1 to i32
      %sign3A_437 = arith.constant 0 : i32
      %sign3A_438 = arith.cmpi slt, %sub3A_431, %sign3A_437 : i32
      %sign3A_439 = arith.extui %sign3A_438 : i1 to i32
      %sign3A_440 = arith.subi %sign3A_436, %sign3A_439 : i32
      %sign3A_441 = arith.constant 0 : i32
      %sign3A_442 = arith.cmpi sgt, %jit3A_432, %sign3A_441 : i32
      %sign3A_443 = arith.extui %sign3A_442 : i1 to i32
      %sign3A_444 = arith.constant 0 : i32
      %sign3A_445 = arith.cmpi slt, %jit3A_432, %sign3A_444 : i32
      %sign3A_446 = arith.extui %sign3A_445 : i1 to i32
      %sign3A_447 = arith.subi %sign3A_443, %sign3A_446 : i32
      %ne3A_448 = arith.cmpi ne, %sign3A_440, %sign3A_447 : i32
      %rem3A_449 = arith.remsi %sub3A_431, %jit3A_432 : i32
      %ne3A_450 = arith.constant 0 : i32
      %ne3A_451 = arith.cmpi ne, %rem3A_449, %ne3A_450 : i32
      %and3A_452 = arith.andi %ne3A_448, %ne3A_451 : i1
      %sub3A_453 = arith.constant 1 : i32
      %sub3A_454 = arith.subi %div3A_433, %sub3A_453 : i32
      %select_n3A_455 = arith.select %and3A_452, %sub3A_454, %div3A_433 : i32
      %mul3A_456 = arith.constant 1 : i32
      %mul3A_457 = arith.muli %select_n3A_455, %mul3A_456 : i32
      %sub3A_458 = arith.subi %sub3A_431, %mul3A_457 : i32
      %mul3A_459 = arith.constant 64 : i32
      %mul3A_460 = arith.muli %select_n3A, %mul3A_459 : i32
      %add3A_461 = arith.addi %mul3A_246, %mul3A_460 : i32
      %mul3A_462 = arith.constant 64 : i32
      %mul3A_463 = arith.muli %sub3A_458, %mul3A_462 : i32
      %add3A_464 = arith.addi %add3A_461, %mul3A_463 : i32
      %mul3A_465 = arith.constant 64 : i32
      %mul3A_466 = arith.muli %select_n3A_455, %mul3A_465 : i32
      "tpu.region"() ({
        %run_scoped3A = tpu.sem_alloc : memref<!tpu.dma_semaphore, #tpu.memory_space<semaphore_mem>>
        %dma_start3A_538 = arith.constant 6144 : i32
        %dma_start3A_539 = arith.constant 0 : i32
        %dma_start3A_540 = tpu.memref_slice %arg9[%dma_start3A_538, %dma_start3A_539] : memref<18432x128xf32, #tpu.memory_space<hbm>> -> memref<6144x128xf32, #tpu.memory_space<hbm>>
        %dma_start3A_541 = tpu.memref_slice %dma_start3A_540[%add3A_464, %mul3A_466] : memref<6144x128xf32, #tpu.memory_space<hbm>> -> memref<64x64xf32, #tpu.memory_space<hbm>>
        %dma_start3A_542 = arith.constant 6144 : i32
        %dma_start3A_543 = arith.constant 0 : i32
        %dma_start3A_544 = tpu.memref_slice %arg9[%dma_start3A_542, %dma_start3A_543] : memref<18432x128xf32, #tpu.memory_space<hbm>> -> memref<6144x128xf32, #tpu.memory_space<hbm>>
        %dma_start3A_545 = tpu.memref_slice %dma_start3A_544[%add3A_464, %mul3A_466] : memref<6144x128xf32, #tpu.memory_space<hbm>> -> memref<64x64xf32, #tpu.memory_space<hbm>>
        tpu.enqueue_dma source(%arg16 : memref<64x64xf32, #tpu.memory_space<vmem>>) target(%dma_start3A_545 : memref<64x64xf32, #tpu.memory_space<hbm>>) target_semaphore(%run_scoped3A : memref<!tpu.dma_semaphore, #tpu.memory_space<semaphore_mem>>)
        %dma_wait3A_546 = arith.constant 6144 : i32
        %dma_wait3A_547 = arith.constant 0 : i32
        %dma_wait3A_548 = tpu.memref_slice %arg9[%dma_wait3A_546, %dma_wait3A_547] : memref<18432x128xf32, #tpu.memory_space<hbm>> -> memref<6144x128xf32, #tpu.memory_space<hbm>>
        %dma_wait3A_549 = tpu.memref_slice %dma_wait3A_548[%add3A_464, %mul3A_466] : memref<6144x128xf32, #tpu.memory_space<hbm>> -> memref<64x64xf32, #tpu.memory_space<hbm>>
        %dma_wait3A_550 = arith.constant 6144 : i32
        %dma_wait3A_551 = arith.constant 0 : i32
        %dma_wait3A_552 = tpu.memref_slice %arg9[%dma_wait3A_550, %dma_wait3A_551] : memref<18432x128xf32, #tpu.memory_space<hbm>> -> memref<6144x128xf32, #tpu.memory_space<hbm>>
        %dma_wait3A_553 = tpu.memref_slice %dma_wait3A_552[%add3A_464, %mul3A_466] : memref<6144x128xf32, #tpu.memory_space<hbm>> -> memref<64x64xf32, #tpu.memory_space<hbm>>
        tpu.wait_dma2 semaphore(%run_scoped3A : memref<!tpu.dma_semaphore, #tpu.memory_space<semaphore_mem>>) src(%arg16 : memref<64x64xf32, #tpu.memory_space<vmem>>) dst(%dma_wait3A_553 : memref<64x64xf32, #tpu.memory_space<hbm>>)
        tpu.yield
      }) : () -> ()
      %add3A_467 = arith.constant 2 : i32
      %add3A_468 = arith.addi %mul3A_353, %add3A_467 : i32
      %lt3A = arith.constant 6 : i32
      %lt3A_469 = arith.cmpi slt, %add3A_468, %lt3A : i32
      %convert_element_type3A = arith.extui %lt3A_469 : i1 to i32
      %cond3A = arith.constant 0 : i32
      %cond3A_470 = arith.cmpi ne, %convert_element_type3A, %cond3A : i32
      scf.if %cond3A_470 {
        %add3A_538 = arith.constant 2 : i32
        %add3A_539 = arith.addi %mul3A_353, %add3A_538 : i32
        %mul3A_540 = arith.constant 64 : i32
        %mul3A_541 = arith.muli %add3A_539, %mul3A_540 : i32
        %add3A_542 = arith.constant 0 : i32
        %add3A_543 = arith.addi %mul3A_541, %add3A_542 : i32
        %get3A_544 = arith.index_cast %add3A_543 : i32 to index
        %get3A_545 = tpu.vector_load %arg11[%get3A_544] {strides = array<i32>} : memref<384xi32, #tpu.memory_space<vmem>>, vector<16xi32>,
        %get3A_546 = vector.shape_cast %get3A_545 : vector<16xi32> to vector<16xi32>
        %add3A_547 = vector.broadcast %scan3A_291 : i32 to vector<16xi32>
        %add3A_548 = arith.addi %get3A_546, %add3A_547 : vector<16xi32>
        %swap3A_549 = arith.constant 0 : index
        %swap3A_550 = tpu.vector_load %arg12[%swap3A_549] {strides = array<i32>} : memref<64xi32, #tpu.memory_space<vmem>>, vector<16xi32>,
        %swap3A_551 = vector.shape_cast %swap3A_550 : vector<16xi32> to vector<16xi32>
        %swap3A_552 = vector.shape_cast %add3A_548 : vector<16xi32> to vector<16xi32>
        tpu.vector_store %arg12[%swap3A_549], %swap3A_552 {strides = array<i32>} : memref<64xi32, #tpu.memory_space<vmem>>, vector<16xi32>,
        %mul3A_553 = arith.constant 64 : i32
        %mul3A_554 = arith.muli %add3A_539, %mul3A_553 : i32
        %add3A_555 = arith.constant 16 : i32
        %add3A_556 = arith.addi %mul3A_554, %add3A_555 : i32
        %get3A_557 = arith.index_cast %add3A_556 : i32 to index
        %get3A_558 = tpu.vector_load %arg11[%get3A_557] {strides = array<i32>} : memref<384xi32, #tpu.memory_space<vmem>>, vector<16xi32>,
        %get3A_559 = vector.shape_cast %get3A_558 : vector<16xi32> to vector<16xi32>
        %add3A_560 = vector.broadcast %scan3A_291 : i32 to vector<16xi32>
        %add3A_561 = arith.addi %get3A_559, %add3A_560 : vector<16xi32>
        %swap3A_562 = arith.constant 16 : index
        %swap3A_563 = tpu.vector_load %arg12[%swap3A_562] {strides = array<i32>} : memref<64xi32, #tpu.memory_space<vmem>>, vector<16xi32>,
        %swap3A_564 = vector.shape_cast %swap3A_563 : vector<16xi32> to vector<16xi32>
        %swap3A_565 = vector.shape_cast %add3A_561 : vector<16xi32> to vector<16xi32>
        tpu.vector_store %arg12[%swap3A_562], %swap3A_565 {strides = array<i32>} : memref<64xi32, #tpu.memory_space<vmem>>, vector<16xi32>,
        %mul3A_566 = arith.constant 64 : i32
        %mul3A_567 = arith.muli %add3A_539, %mul3A_566 : i32
        %add3A_568 = arith.constant 32 : i32
        %add3A_569 = arith.addi %mul3A_567, %add3A_568 : i32
        %get3A_570 = arith.index_cast %add3A_569 : i32 to index
        %get3A_571 = tpu.vector_load %arg11[%get3A_570] {strides = array<i32>} : memref<384xi32, #tpu.memory_space<vmem>>, vector<16xi32>,
        %get3A_572 = vector.shape_cast %get3A_571 : vector<16xi32> to vector<16xi32>
        %add3A_573 = vector.broadcast %scan3A_291 : i32 to vector<16xi32>
        %add3A_574 = arith.addi %get3A_572, %add3A_573 : vector<16xi32>
        %swap3A_575 = arith.constant 32 : index
        %swap3A_576 = tpu.vector_load %arg12[%swap3A_575] {strides = array<i32>} : memref<64xi32, #tpu.memory_space<vmem>>, vector<16xi32>,
        %swap3A_577 = vector.shape_cast %swap3A_576 : vector<16xi32> to vector<16xi32>
        %swap3A_578 = vector.shape_cast %add3A_574 : vector<16xi32> to vector<16xi32>
        tpu.vector_store %arg12[%swap3A_575], %swap3A_578 {strides = array<i32>} : memref<64xi32, #tpu.memory_space<vmem>>, vector<16xi32>,
        %mul3A_579 = arith.constant 64 : i32
        %mul3A_580 = arith.muli %add3A_539, %mul3A_579 : i32
        %add3A_581 = arith.constant 48 : i32
        %add3A_582 = arith.addi %mul3A_580, %add3A_581 : i32
        %get3A_583 = arith.index_cast %add3A_582 : i32 to index
        %get3A_584 = tpu.vector_load %arg11[%get3A_583] {strides = array<i32>} : memref<384xi32, #tpu.memory_space<vmem>>, vector<16xi32>,
        %get3A_585 = vector.shape_cast %get3A_584 : vector<16xi32> to vector<16xi32>
        %add3A_586 = vector.broadcast %scan3A_291 : i32 to vector<16xi32>
        %add3A_587 = arith.addi %get3A_585, %add3A_586 : vector<16xi32>
        %swap3A_588 = arith.constant 48 : index
        %swap3A_589 = tpu.vector_load %arg12[%swap3A_588] {strides = array<i32>} : memref<64xi32, #tpu.memory_space<vmem>>, vector<16xi32>,
        %swap3A_590 = vector.shape_cast %swap3A_589 : vector<16xi32> to vector<16xi32>
        %swap3A_591 = vector.shape_cast %add3A_587 : vector<16xi32> to vector<16xi32>
        tpu.vector_store %arg12[%swap3A_588], %swap3A_591 {strides = array<i32>} : memref<64xi32, #tpu.memory_space<vmem>>, vector<16xi32>,
        %dma_start3A_592 = arith.constant 0 : i32
        %dma_start3A_593 = arith.constant 0 : i32
        %dma_start3A_594 = tpu.memref_slice %arg3[%dma_start3A_592, %dma_start3A_593] : memref<300000x64xf32, #tpu.memory_space<hbm>> -> memref<300000x64xf32, #tpu.memory_space<hbm>>
        tpu.enqueue_indirect_dma source(%dma_start3A_594 : memref<300000x64xf32, #tpu.memory_space<hbm>>) target(%arg16 : memref<64x64xf32, #tpu.memory_space<vmem>>) offsets(%arg12 : memref<64xi32, #tpu.memory_space<vmem>>) semaphore(%arg18 : memref<!tpu.dma_semaphore, #tpu.memory_space<semaphore_mem>>)
      } else {
      }
      %dma_wait3A_471 = arith.constant 0 : i32
      %dma_wait3A_472 = arith.constant 0 : i32
      %dma_wait3A_473 = tpu.memref_slice %arg3[%dma_wait3A_471, %dma_wait3A_472] : memref<300000x64xf32, #tpu.memory_space<hbm>> -> memref<300000x64xf32, #tpu.memory_space<hbm>>
      tpu.wait_indirect_dma semaphore(%arg19 : memref<!tpu.dma_semaphore, #tpu.memory_space<semaphore_mem>>) src(%dma_wait3A_473 : memref<300000x64xf32, #tpu.memory_space<hbm>>) dst(%arg17 : memref<64x64xf32, #tpu.memory_space<vmem>>)
      %add3A_474 = arith.constant 1 : i32
      %add3A_475 = arith.addi %mul3A_353, %add3A_474 : i32
      %jit3A_476 = arith.constant 2 : i32
      %div3A_477 = arith.divsi %add3A_475, %jit3A_476 : i32
      %sign3A_478 = arith.constant 0 : i32
      %sign3A_479 = arith.cmpi sgt, %add3A_475, %sign3A_478 : i32
      %sign3A_480 = arith.extui %sign3A_479 : i1 to i32
      %sign3A_481 = arith.constant 0 : i32
      %sign3A_482 = arith.cmpi slt, %add3A_475, %sign3A_481 : i32
      %sign3A_483 = arith.extui %sign3A_482 : i1 to i32
      %sign3A_484 = arith.subi %sign3A_480, %sign3A_483 : i32
      %sign3A_485 = arith.constant 0 : i32
      %sign3A_486 = arith.cmpi sgt, %jit3A_476, %sign3A_485 : i32
      %sign3A_487 = arith.extui %sign3A_486 : i1 to i32
      %sign3A_488 = arith.constant 0 : i32
      %sign3A_489 = arith.cmpi slt, %jit3A_476, %sign3A_488 : i32
      %sign3A_490 = arith.extui %sign3A_489 : i1 to i32
      %sign3A_491 = arith.subi %sign3A_487, %sign3A_490 : i32
      %ne3A_492 = arith.cmpi ne, %sign3A_484, %sign3A_491 : i32
      %rem3A_493 = arith.remsi %add3A_475, %jit3A_476 : i32
      %ne3A_494 = arith.constant 0 : i32
      %ne3A_495 = arith.cmpi ne, %rem3A_493, %ne3A_494 : i32
      %and3A_496 = arith.andi %ne3A_492, %ne3A_495 : i1
      %sub3A_497 = arith.constant 1 : i32
      %sub3A_498 = arith.subi %div3A_477, %sub3A_497 : i32
      %select_n3A_499 = arith.select %and3A_496, %sub3A_498, %div3A_477 : i32
      %mul3A_500 = arith.constant 2 : i32
      %mul3A_501 = arith.muli %select_n3A_499, %mul3A_500 : i32
      %sub3A_502 = arith.subi %add3A_475, %mul3A_501 : i32
      %jit3A_503 = arith.constant 1 : i32
      %div3A_504 = arith.divsi %sub3A_502, %jit3A_503 : i32
      %sign3A_505 = arith.constant 0 : i32
      %sign3A_506 = arith.cmpi sgt, %sub3A_502, %sign3A_505 : i32
      %sign3A_507 = arith.extui %sign3A_506 : i1 to i32
      %sign3A_508 = arith.constant 0 : i32
      %sign3A_509 = arith.cmpi slt, %sub3A_502, %sign3A_508 : i32
      %sign3A_510 = arith.extui %sign3A_509 : i1 to i32
      %sign3A_511 = arith.subi %sign3A_507, %sign3A_510 : i32
      %sign3A_512 = arith.constant 0 : i32
      %sign3A_513 = arith.cmpi sgt, %jit3A_503, %sign3A_512 : i32
      %sign3A_514 = arith.extui %sign3A_513 : i1 to i32
      %sign3A_515 = arith.constant 0 : i32
      %sign3A_516 = arith.cmpi slt, %jit3A_503, %sign3A_515 : i32
      %sign3A_517 = arith.extui %sign3A_516 : i1 to i32
      %sign3A_518 = arith.subi %sign3A_514, %sign3A_517 : i32
      %ne3A_519 = arith.cmpi ne, %sign3A_511, %sign3A_518 : i32
      %rem3A_520 = arith.remsi %sub3A_502, %jit3A_503 : i32
      %ne3A_521 = arith.constant 0 : i32
      %ne3A_522 = arith.cmpi ne, %rem3A_520, %ne3A_521 : i32
      %and3A_523 = arith.andi %ne3A_519, %ne3A_522 : i1
      %sub3A_524 = arith.constant 1 : i32
      %sub3A_525 = arith.subi %div3A_504, %sub3A_524 : i32
      %select_n3A_526 = arith.select %and3A_523, %sub3A_525, %div3A_504 : i32
      %mul3A_527 = arith.constant 1 : i32
      %mul3A_528 = arith.muli %select_n3A_526, %mul3A_527 : i32
      %sub3A_529 = arith.subi %sub3A_502, %mul3A_528 : i32
      %mul3A_530 = arith.constant 64 : i32
      %mul3A_531 = arith.muli %select_n3A_499, %mul3A_530 : i32
      %add3A_532 = arith.addi %mul3A_246, %mul3A_531 : i32
      %mul3A_533 = arith.constant 64 : i32
      %mul3A_534 = arith.muli %sub3A_529, %mul3A_533 : i32
      %add3A_535 = arith.addi %add3A_532, %mul3A_534 : i32
      %mul3A_536 = arith.constant 64 : i32
      %mul3A_537 = arith.muli %select_n3A_526, %mul3A_536 : i32
      "tpu.region"() ({
        %run_scoped3A = tpu.sem_alloc : memref<!tpu.dma_semaphore, #tpu.memory_space<semaphore_mem>>
        %dma_start3A_538 = arith.constant 6144 : i32
        %dma_start3A_539 = arith.constant 0 : i32
        %dma_start3A_540 = tpu.memref_slice %arg9[%dma_start3A_538, %dma_start3A_539] : memref<18432x128xf32, #tpu.memory_space<hbm>> -> memref<6144x128xf32, #tpu.memory_space<hbm>>
        %dma_start3A_541 = tpu.memref_slice %dma_start3A_540[%add3A_535, %mul3A_537] : memref<6144x128xf32, #tpu.memory_space<hbm>> -> memref<64x64xf32, #tpu.memory_space<hbm>>
        %dma_start3A_542 = arith.constant 6144 : i32
        %dma_start3A_543 = arith.constant 0 : i32
        %dma_start3A_544 = tpu.memref_slice %arg9[%dma_start3A_542, %dma_start3A_543] : memref<18432x128xf32, #tpu.memory_space<hbm>> -> memref<6144x128xf32, #tpu.memory_space<hbm>>
        %dma_start3A_545 = tpu.memref_slice %dma_start3A_544[%add3A_535, %mul3A_537] : memref<6144x128xf32, #tpu.memory_space<hbm>> -> memref<64x64xf32, #tpu.memory_space<hbm>>
        tpu.enqueue_dma source(%arg17 : memref<64x64xf32, #tpu.memory_space<vmem>>) target(%dma_start3A_545 : memref<64x64xf32, #tpu.memory_space<hbm>>) target_semaphore(%run_scoped3A : memref<!tpu.dma_semaphore, #tpu.memory_space<semaphore_mem>>)
        %dma_wait3A_546 = arith.constant 6144 : i32
        %dma_wait3A_547 = arith.constant 0 : i32
        %dma_wait3A_548 = tpu.memref_slice %arg9[%dma_wait3A_546, %dma_wait3A_547] : memref<18432x128xf32, #tpu.memory_space<hbm>> -> memref<6144x128xf32, #tpu.memory_space<hbm>>
        %dma_wait3A_549 = tpu.memref_slice %dma_wait3A_548[%add3A_535, %mul3A_537] : memref<6144x128xf32, #tpu.memory_space<hbm>> -> memref<64x64xf32, #tpu.memory_space<hbm>>
        %dma_wait3A_550 = arith.constant 6144 : i32
        %dma_wait3A_551 = arith.constant 0 : i32
        %dma_wait3A_552 = tpu.memref_slice %arg9[%dma_wait3A_550, %dma_wait3A_551] : memref<18432x128xf32, #tpu.memory_space<hbm>> -> memref<6144x128xf32, #tpu.memory_space<hbm>>
        %dma_wait3A_553 = tpu.memref_slice %dma_wait3A_552[%add3A_535, %mul3A_537] : memref<6144x128xf32, #tpu.memory_space<hbm>> -> memref<64x64xf32, #tpu.memory_space<hbm>>
        tpu.wait_dma2 semaphore(%run_scoped3A : memref<!tpu.dma_semaphore, #tpu.memory_space<semaphore_mem>>) src(%arg17 : memref<64x64xf32, #tpu.memory_space<vmem>>) dst(%dma_wait3A_553 : memref<64x64xf32, #tpu.memory_space<hbm>>)
        tpu.yield
      }) : () -> ()
    }
    %scan3A_296 = arith.constant 3 : i32
    %mul3A_297 = arith.constant 3 : i32
    %mul3A_298 = arith.muli %add3A, %mul3A_297 : i32
    %mul3A_299 = arith.constant 64 : i32
    %mul3A_300 = arith.muli %mul3A_298, %mul3A_299 : i32
    %get3A_301 = arith.constant 0 : index
    %get3A_302 = tpu.vector_load %arg11[%get3A_301] {strides = array<i32>} : memref<384xi32, #tpu.memory_space<vmem>>, vector<16xi32>,
    %get3A_303 = vector.shape_cast %get3A_302 : vector<16xi32> to vector<16xi32>
    %add3A_304 = arith.constant 200000 : i32
    %add3A_305 = vector.broadcast %add3A_304 : i32 to vector<16xi32>
    %add3A_306 = arith.addi %get3A_303, %add3A_305 : vector<16xi32>
    %swap3A_307 = arith.constant 0 : index
    %swap3A_308 = tpu.vector_load %arg12[%swap3A_307] {strides = array<i32>} : memref<64xi32, #tpu.memory_space<vmem>>, vector<16xi32>,
    %swap3A_309 = vector.shape_cast %swap3A_308 : vector<16xi32> to vector<16xi32>
    %swap3A_310 = vector.shape_cast %add3A_306 : vector<16xi32> to vector<16xi32>
    tpu.vector_store %arg12[%swap3A_307], %swap3A_310 {strides = array<i32>} : memref<64xi32, #tpu.memory_space<vmem>>, vector<16xi32>,
    %get3A_311 = arith.constant 16 : index
    %get3A_312 = tpu.vector_load %arg11[%get3A_311] {strides = array<i32>} : memref<384xi32, #tpu.memory_space<vmem>>, vector<16xi32>,
    %get3A_313 = vector.shape_cast %get3A_312 : vector<16xi32> to vector<16xi32>
    %add3A_314 = arith.constant 200000 : i32
    %add3A_315 = vector.broadcast %add3A_314 : i32 to vector<16xi32>
    %add3A_316 = arith.addi %get3A_313, %add3A_315 : vector<16xi32>
    %swap3A_317 = arith.constant 16 : index
    %swap3A_318 = tpu.vector_load %arg12[%swap3A_317] {strides = array<i32>} : memref<64xi32, #tpu.memory_space<vmem>>, vector<16xi32>,
    %swap3A_319 = vector.shape_cast %swap3A_318 : vector<16xi32> to vector<16xi32>
    %swap3A_320 = vector.shape_cast %add3A_316 : vector<16xi32> to vector<16xi32>
    tpu.vector_store %arg12[%swap3A_317], %swap3A_320 {strides = array<i32>} : memref<64xi32, #tpu.memory_space<vmem>>, vector<16xi32>,
    %get3A_321 = arith.constant 32 : index
    %get3A_322 = tpu.vector_load %arg11[%get3A_321] {strides = array<i32>} : memref<384xi32, #tpu.memory_space<vmem>>, vector<16xi32>,
    %get3A_323 = vector.shape_cast %get3A_322 : vector<16xi32> to vector<16xi32>
    %add3A_324 = arith.constant 200000 : i32
    %add3A_325 = vector.broadcast %add3A_324 : i32 to vector<16xi32>
    %add3A_326 = arith.addi %get3A_323, %add3A_325 : vector<16xi32>
    %swap3A_327 = arith.constant 32 : index
    %swap3A_328 = tpu.vector_load %arg12[%swap3A_327] {strides = array<i32>} : memref<64xi32, #tpu.memory_space<vmem>>, vector<16xi32>,
    %swap3A_329 = vector.shape_cast %swap3A_328 : vector<16xi32> to vector<16xi32>
    %swap3A_330 = vector.shape_cast %add3A_326 : vector<16xi32> to vector<16xi32>
    tpu.vector_store %arg12[%swap3A_327], %swap3A_330 {strides = array<i32>} : memref<64xi32, #tpu.memory_space<vmem>>, vector<16xi32>,
    %get3A_331 = arith.constant 48 : index
    %get3A_332 = tpu.vector_load %arg11[%get3A_331] {strides = array<i32>} : memref<384xi32, #tpu.memory_space<vmem>>, vector<16xi32>,
    %get3A_333 = vector.shape_cast %get3A_332 : vector<16xi32> to vector<16xi32>
    %add3A_334 = arith.constant 200000 : i32
    %add3A_335 = vector.broadcast %add3A_334 : i32 to vector<16xi32>
    %add3A_336 = arith.addi %get3A_333, %add3A_335 : vector<16xi32>
    %swap3A_337 = arith.constant 48 : index
    %swap3A_338 = tpu.vector_load %arg12[%swap3A_337] {strides = array<i32>} : memref<64xi32, #tpu.memory_space<vmem>>, vector<16xi32>,
    %swap3A_339 = vector.shape_cast %swap3A_338 : vector<16xi32> to vector<16xi32>
    %swap3A_340 = vector.shape_cast %add3A_336 : vector<16xi32> to vector<16xi32>
    tpu.vector_store %arg12[%swap3A_337], %swap3A_340 {strides = array<i32>} : memref<64xi32, #tpu.memory_space<vmem>>, vector<16xi32>,
    %dma_start3A_341 = arith.constant 0 : i32
    %dma_start3A_342 = arith.constant 0 : i32
    %dma_start3A_343 = tpu.memref_slice %arg3[%dma_start3A_341, %dma_start3A_342] : memref<300000x64xf32, #tpu.memory_space<hbm>> -> memref<300000x64xf32, #tpu.memory_space<hbm>>
    tpu.enqueue_indirect_dma source(%dma_start3A_343 : memref<300000x64xf32, #tpu.memory_space<hbm>>) target(%arg16 : memref<64x64xf32, #tpu.memory_space<vmem>>) offsets(%arg12 : memref<64xi32, #tpu.memory_space<vmem>>) semaphore(%arg18 : memref<!tpu.dma_semaphore, #tpu.memory_space<semaphore_mem>>)
    %scan3A_344 = arith.constant 0 : i32
    %scan3A_345 = arith.constant 200000 : i32
    %scan3A_346 = arith.constant 0 : i32
    %scan3A_347 = arith.constant 3 : i32
    %scan3A_348 = arith.addi %scan3A_346, %scan3A_347 : i32
    %scan3A_349 = arith.constant 1 : i32
    scf.for %scan3A_351 = %scan3A_346 to %scan3A_348 step %scan3A_349  : i32 {
      %mul3A_352 = arith.constant 2 : i32
      %mul3A_353 = arith.muli %mul3A_352, %scan3A_351 : i32
      %add3A_354 = arith.constant 1 : i32
      %add3A_355 = arith.addi %mul3A_353, %add3A_354 : i32
      %mul3A_356 = arith.constant 64 : i32
      %mul3A_357 = arith.muli %add3A_355, %mul3A_356 : i32
      %add3A_358 = arith.constant 0 : i32
      %add3A_359 = arith.addi %mul3A_357, %add3A_358 : i32
      %get3A_360 = arith.index_cast %add3A_359 : i32 to index
      %get3A_361 = tpu.vector_load %arg11[%get3A_360] {strides = array<i32>} : memref<384xi32, #tpu.memory_space<vmem>>, vector<16xi32>,
      %get3A_362 = vector.shape_cast %get3A_361 : vector<16xi32> to vector<16xi32>
      %add3A_363 = vector.broadcast %scan3A_345 : i32 to vector<16xi32>
      %add3A_364 = arith.addi %get3A_362, %add3A_363 : vector<16xi32>
      %swap3A_365 = arith.constant 0 : index
      %swap3A_366 = tpu.vector_load %arg13[%swap3A_365] {strides = array<i32>} : memref<64xi32, #tpu.memory_space<vmem>>, vector<16xi32>,
      %swap3A_367 = vector.shape_cast %swap3A_366 : vector<16xi32> to vector<16xi32>
      %swap3A_368 = vector.shape_cast %add3A_364 : vector<16xi32> to vector<16xi32>
      tpu.vector_store %arg13[%swap3A_365], %swap3A_368 {strides = array<i32>} : memref<64xi32, #tpu.memory_space<vmem>>, vector<16xi32>,
      %mul3A_369 = arith.constant 64 : i32
      %mul3A_370 = arith.muli %add3A_355, %mul3A_369 : i32
      %add3A_371 = arith.constant 16 : i32
      %add3A_372 = arith.addi %mul3A_370, %add3A_371 : i32
      %get3A_373 = arith.index_cast %add3A_372 : i32 to index
      %get3A_374 = tpu.vector_load %arg11[%get3A_373] {strides = array<i32>} : memref<384xi32, #tpu.memory_space<vmem>>, vector<16xi32>,
      %get3A_375 = vector.shape_cast %get3A_374 : vector<16xi32> to vector<16xi32>
      %add3A_376 = vector.broadcast %scan3A_345 : i32 to vector<16xi32>
      %add3A_377 = arith.addi %get3A_375, %add3A_376 : vector<16xi32>
      %swap3A_378 = arith.constant 16 : index
      %swap3A_379 = tpu.vector_load %arg13[%swap3A_378] {strides = array<i32>} : memref<64xi32, #tpu.memory_space<vmem>>, vector<16xi32>,
      %swap3A_380 = vector.shape_cast %swap3A_379 : vector<16xi32> to vector<16xi32>
      %swap3A_381 = vector.shape_cast %add3A_377 : vector<16xi32> to vector<16xi32>
      tpu.vector_store %arg13[%swap3A_378], %swap3A_381 {strides = array<i32>} : memref<64xi32, #tpu.memory_space<vmem>>, vector<16xi32>,
      %mul3A_382 = arith.constant 64 : i32
      %mul3A_383 = arith.muli %add3A_355, %mul3A_382 : i32
      %add3A_384 = arith.constant 32 : i32
      %add3A_385 = arith.addi %mul3A_383, %add3A_384 : i32
      %get3A_386 = arith.index_cast %add3A_385 : i32 to index
      %get3A_387 = tpu.vector_load %arg11[%get3A_386] {strides = array<i32>} : memref<384xi32, #tpu.memory_space<vmem>>, vector<16xi32>,
      %get3A_388 = vector.shape_cast %get3A_387 : vector<16xi32> to vector<16xi32>
      %add3A_389 = vector.broadcast %scan3A_345 : i32 to vector<16xi32>
      %add3A_390 = arith.addi %get3A_388, %add3A_389 : vector<16xi32>
      %swap3A_391 = arith.constant 32 : index
      %swap3A_392 = tpu.vector_load %arg13[%swap3A_391] {strides = array<i32>} : memref<64xi32, #tpu.memory_space<vmem>>, vector<16xi32>,
      %swap3A_393 = vector.shape_cast %swap3A_392 : vector<16xi32> to vector<16xi32>
      %swap3A_394 = vector.shape_cast %add3A_390 : vector<16xi32> to vector<16xi32>
      tpu.vector_store %arg13[%swap3A_391], %swap3A_394 {strides = array<i32>} : memref<64xi32, #tpu.memory_space<vmem>>, vector<16xi32>,
      %mul3A_395 = arith.constant 64 : i32
      %mul3A_396 = arith.muli %add3A_355, %mul3A_395 : i32
      %add3A_397 = arith.constant 48 : i32
      %add3A_398 = arith.addi %mul3A_396, %add3A_397 : i32
      %get3A_399 = arith.index_cast %add3A_398 : i32 to index
      %get3A_400 = tpu.vector_load %arg11[%get3A_399] {strides = array<i32>} : memref<384xi32, #tpu.memory_space<vmem>>, vector<16xi32>,
      %get3A_401 = vector.shape_cast %get3A_400 : vector<16xi32> to vector<16xi32>
      %add3A_402 = vector.broadcast %scan3A_345 : i32 to vector<16xi32>
      %add3A_403 = arith.addi %get3A_401, %add3A_402 : vector<16xi32>
      %swap3A_404 = arith.constant 48 : index
      %swap3A_405 = tpu.vector_load %arg13[%swap3A_404] {strides = array<i32>} : memref<64xi32, #tpu.memory_space<vmem>>, vector<16xi32>,
      %swap3A_406 = vector.shape_cast %swap3A_405 : vector<16xi32> to vector<16xi32>
      %swap3A_407 = vector.shape_cast %add3A_403 : vector<16xi32> to vector<16xi32>
      tpu.vector_store %arg13[%swap3A_404], %swap3A_407 {strides = array<i32>} : memref<64xi32, #tpu.memory_space<vmem>>, vector<16xi32>,
      %dma_start3A_408 = arith.constant 0 : i32
      %dma_start3A_409 = arith.constant 0 : i32
      %dma_start3A_410 = tpu.memref_slice %arg3[%dma_start3A_408, %dma_start3A_409] : memref<300000x64xf32, #tpu.memory_space<hbm>> -> memref<300000x64xf32, #tpu.memory_space<hbm>>
      tpu.enqueue_indirect_dma source(%dma_start3A_410 : memref<300000x64xf32, #tpu.memory_space<hbm>>) target(%arg17 : memref<64x64xf32, #tpu.memory_space<vmem>>) offsets(%arg13 : memref<64xi32, #tpu.memory_space<vmem>>) semaphore(%arg19 : memref<!tpu.dma_semaphore, #tpu.memory_space<semaphore_mem>>)
      %dma_wait3A = arith.constant 0 : i32
      %dma_wait3A_411 = arith.constant 0 : i32
      %dma_wait3A_412 = tpu.memref_slice %arg3[%dma_wait3A, %dma_wait3A_411] : memref<300000x64xf32, #tpu.memory_space<hbm>> -> memref<300000x64xf32, #tpu.memory_space<hbm>>
      tpu.wait_indirect_dma semaphore(%arg18 : memref<!tpu.dma_semaphore, #tpu.memory_space<semaphore_mem>>) src(%dma_wait3A_412 : memref<300000x64xf32, #tpu.memory_space<hbm>>) dst(%arg16 : memref<64x64xf32, #tpu.memory_space<vmem>>)
      %jit3A = arith.constant 2 : i32
      %div3A = arith.divsi %mul3A_353, %jit3A : i32
      %sign3A = arith.constant 0 : i32
      %sign3A_413 = arith.cmpi sgt, %mul3A_353, %sign3A : i32
      %sign3A_414 = arith.extui %sign3A_413 : i1 to i32
      %sign3A_415 = arith.constant 0 : i32
      %sign3A_416 = arith.cmpi slt, %mul3A_353, %sign3A_415 : i32
      %sign3A_417 = arith.extui %sign3A_416 : i1 to i32
      %sign3A_418 = arith.subi %sign3A_414, %sign3A_417 : i32
      %sign3A_419 = arith.constant 0 : i32
      %sign3A_420 = arith.cmpi sgt, %jit3A, %sign3A_419 : i32
      %sign3A_421 = arith.extui %sign3A_420 : i1 to i32
      %sign3A_422 = arith.constant 0 : i32
      %sign3A_423 = arith.cmpi slt, %jit3A, %sign3A_422 : i32
      %sign3A_424 = arith.extui %sign3A_423 : i1 to i32
      %sign3A_425 = arith.subi %sign3A_421, %sign3A_424 : i32
      %ne3A = arith.cmpi ne, %sign3A_418, %sign3A_425 : i32
      %rem3A = arith.remsi %mul3A_353, %jit3A : i32
      %ne3A_426 = arith.constant 0 : i32
      %ne3A_427 = arith.cmpi ne, %rem3A, %ne3A_426 : i32
      %and3A = arith.andi %ne3A, %ne3A_427 : i1
      %sub3A = arith.constant 1 : i32
      %sub3A_428 = arith.subi %div3A, %sub3A : i32
      %select_n3A = arith.select %and3A, %sub3A_428, %div3A : i32
      %mul3A_429 = arith.constant 2 : i32
      %mul3A_430 = arith.muli %select_n3A, %mul3A_429 : i32
      %sub3A_431 = arith.subi %mul3A_353, %mul3A_430 : i32
      %jit3A_432 = arith.constant 1 : i32
      %div3A_433 = arith.divsi %sub3A_431, %jit3A_432 : i32
      %sign3A_434 = arith.constant 0 : i32
      %sign3A_435 = arith.cmpi sgt, %sub3A_431, %sign3A_434 : i32
      %sign3A_436 = arith.extui %sign3A_435 : i1 to i32
      %sign3A_437 = arith.constant 0 : i32
      %sign3A_438 = arith.cmpi slt, %sub3A_431, %sign3A_437 : i32
      %sign3A_439 = arith.extui %sign3A_438 : i1 to i32
      %sign3A_440 = arith.subi %sign3A_436, %sign3A_439 : i32
      %sign3A_441 = arith.constant 0 : i32
      %sign3A_442 = arith.cmpi sgt, %jit3A_432, %sign3A_441 : i32
      %sign3A_443 = arith.extui %sign3A_442 : i1 to i32
      %sign3A_444 = arith.constant 0 : i32
      %sign3A_445 = arith.cmpi slt, %jit3A_432, %sign3A_444 : i32
      %sign3A_446 = arith.extui %sign3A_445 : i1 to i32
      %sign3A_447 = arith.subi %sign3A_443, %sign3A_446 : i32
      %ne3A_448 = arith.cmpi ne, %sign3A_440, %sign3A_447 : i32
      %rem3A_449 = arith.remsi %sub3A_431, %jit3A_432 : i32
      %ne3A_450 = arith.constant 0 : i32
      %ne3A_451 = arith.cmpi ne, %rem3A_449, %ne3A_450 : i32
      %and3A_452 = arith.andi %ne3A_448, %ne3A_451 : i1
      %sub3A_453 = arith.constant 1 : i32
      %sub3A_454 = arith.subi %div3A_433, %sub3A_453 : i32
      %select_n3A_455 = arith.select %and3A_452, %sub3A_454, %div3A_433 : i32
      %mul3A_456 = arith.constant 1 : i32
      %mul3A_457 = arith.muli %select_n3A_455, %mul3A_456 : i32
      %sub3A_458 = arith.subi %sub3A_431, %mul3A_457 : i32
      %mul3A_459 = arith.constant 64 : i32
      %mul3A_460 = arith.muli %select_n3A, %mul3A_459 : i32
      %add3A_461 = arith.addi %mul3A_300, %mul3A_460 : i32
      %mul3A_462 = arith.constant 64 : i32
      %mul3A_463 = arith.muli %sub3A_458, %mul3A_462 : i32
      %add3A_464 = arith.addi %add3A_461, %mul3A_463 : i32
      %mul3A_465 = arith.constant 64 : i32
      %mul3A_466 = arith.muli %select_n3A_455, %mul3A_465 : i32
      "tpu.region"() ({
        %run_scoped3A = tpu.sem_alloc : memref<!tpu.dma_semaphore, #tpu.memory_space<semaphore_mem>>
        %dma_start3A_538 = arith.constant 12288 : i32
        %dma_start3A_539 = arith.constant 0 : i32
        %dma_start3A_540 = tpu.memref_slice %arg9[%dma_start3A_538, %dma_start3A_539] : memref<18432x128xf32, #tpu.memory_space<hbm>> -> memref<6144x128xf32, #tpu.memory_space<hbm>>
        %dma_start3A_541 = tpu.memref_slice %dma_start3A_540[%add3A_464, %mul3A_466] : memref<6144x128xf32, #tpu.memory_space<hbm>> -> memref<64x64xf32, #tpu.memory_space<hbm>>
        %dma_start3A_542 = arith.constant 12288 : i32
        %dma_start3A_543 = arith.constant 0 : i32
        %dma_start3A_544 = tpu.memref_slice %arg9[%dma_start3A_542, %dma_start3A_543] : memref<18432x128xf32, #tpu.memory_space<hbm>> -> memref<6144x128xf32, #tpu.memory_space<hbm>>
        %dma_start3A_545 = tpu.memref_slice %dma_start3A_544[%add3A_464, %mul3A_466] : memref<6144x128xf32, #tpu.memory_space<hbm>> -> memref<64x64xf32, #tpu.memory_space<hbm>>
        tpu.enqueue_dma source(%arg16 : memref<64x64xf32, #tpu.memory_space<vmem>>) target(%dma_start3A_545 : memref<64x64xf32, #tpu.memory_space<hbm>>) target_semaphore(%run_scoped3A : memref<!tpu.dma_semaphore, #tpu.memory_space<semaphore_mem>>)
        %dma_wait3A_546 = arith.constant 12288 : i32
        %dma_wait3A_547 = arith.constant 0 : i32
        %dma_wait3A_548 = tpu.memref_slice %arg9[%dma_wait3A_546, %dma_wait3A_547] : memref<18432x128xf32, #tpu.memory_space<hbm>> -> memref<6144x128xf32, #tpu.memory_space<hbm>>
        %dma_wait3A_549 = tpu.memref_slice %dma_wait3A_548[%add3A_464, %mul3A_466] : memref<6144x128xf32, #tpu.memory_space<hbm>> -> memref<64x64xf32, #tpu.memory_space<hbm>>
        %dma_wait3A_550 = arith.constant 12288 : i32
        %dma_wait3A_551 = arith.constant 0 : i32
        %dma_wait3A_552 = tpu.memref_slice %arg9[%dma_wait3A_550, %dma_wait3A_551] : memref<18432x128xf32, #tpu.memory_space<hbm>> -> memref<6144x128xf32, #tpu.memory_space<hbm>>
        %dma_wait3A_553 = tpu.memref_slice %dma_wait3A_552[%add3A_464, %mul3A_466] : memref<6144x128xf32, #tpu.memory_space<hbm>> -> memref<64x64xf32, #tpu.memory_space<hbm>>
        tpu.wait_dma2 semaphore(%run_scoped3A : memref<!tpu.dma_semaphore, #tpu.memory_space<semaphore_mem>>) src(%arg16 : memref<64x64xf32, #tpu.memory_space<vmem>>) dst(%dma_wait3A_553 : memref<64x64xf32, #tpu.memory_space<hbm>>)
        tpu.yield
      }) : () -> ()
      %add3A_467 = arith.constant 2 : i32
      %add3A_468 = arith.addi %mul3A_353, %add3A_467 : i32
      %lt3A = arith.constant 6 : i32
      %lt3A_469 = arith.cmpi slt, %add3A_468, %lt3A : i32
      %convert_element_type3A = arith.extui %lt3A_469 : i1 to i32
      %cond3A = arith.constant 0 : i32
      %cond3A_470 = arith.cmpi ne, %convert_element_type3A, %cond3A : i32
      scf.if %cond3A_470 {
        %add3A_538 = arith.constant 2 : i32
        %add3A_539 = arith.addi %mul3A_353, %add3A_538 : i32
        %mul3A_540 = arith.constant 64 : i32
        %mul3A_541 = arith.muli %add3A_539, %mul3A_540 : i32
        %add3A_542 = arith.constant 0 : i32
        %add3A_543 = arith.addi %mul3A_541, %add3A_542 : i32
        %get3A_544 = arith.index_cast %add3A_543 : i32 to index
        %get3A_545 = tpu.vector_load %arg11[%get3A_544] {strides = array<i32>} : memref<384xi32, #tpu.memory_space<vmem>>, vector<16xi32>,
        %get3A_546 = vector.shape_cast %get3A_545 : vector<16xi32> to vector<16xi32>
        %add3A_547 = vector.broadcast %scan3A_345 : i32 to vector<16xi32>
        %add3A_548 = arith.addi %get3A_546, %add3A_547 : vector<16xi32>
        %swap3A_549 = arith.constant 0 : index
        %swap3A_550 = tpu.vector_load %arg12[%swap3A_549] {strides = array<i32>} : memref<64xi32, #tpu.memory_space<vmem>>, vector<16xi32>,
        %swap3A_551 = vector.shape_cast %swap3A_550 : vector<16xi32> to vector<16xi32>
        %swap3A_552 = vector.shape_cast %add3A_548 : vector<16xi32> to vector<16xi32>
        tpu.vector_store %arg12[%swap3A_549], %swap3A_552 {strides = array<i32>} : memref<64xi32, #tpu.memory_space<vmem>>, vector<16xi32>,
        %mul3A_553 = arith.constant 64 : i32
        %mul3A_554 = arith.muli %add3A_539, %mul3A_553 : i32
        %add3A_555 = arith.constant 16 : i32
        %add3A_556 = arith.addi %mul3A_554, %add3A_555 : i32
        %get3A_557 = arith.index_cast %add3A_556 : i32 to index
        %get3A_558 = tpu.vector_load %arg11[%get3A_557] {strides = array<i32>} : memref<384xi32, #tpu.memory_space<vmem>>, vector<16xi32>,
        %get3A_559 = vector.shape_cast %get3A_558 : vector<16xi32> to vector<16xi32>
        %add3A_560 = vector.broadcast %scan3A_345 : i32 to vector<16xi32>
        %add3A_561 = arith.addi %get3A_559, %add3A_560 : vector<16xi32>
        %swap3A_562 = arith.constant 16 : index
        %swap3A_563 = tpu.vector_load %arg12[%swap3A_562] {strides = array<i32>} : memref<64xi32, #tpu.memory_space<vmem>>, vector<16xi32>,
        %swap3A_564 = vector.shape_cast %swap3A_563 : vector<16xi32> to vector<16xi32>
        %swap3A_565 = vector.shape_cast %add3A_561 : vector<16xi32> to vector<16xi32>
        tpu.vector_store %arg12[%swap3A_562], %swap3A_565 {strides = array<i32>} : memref<64xi32, #tpu.memory_space<vmem>>, vector<16xi32>,
        %mul3A_566 = arith.constant 64 : i32
        %mul3A_567 = arith.muli %add3A_539, %mul3A_566 : i32
        %add3A_568 = arith.constant 32 : i32
        %add3A_569 = arith.addi %mul3A_567, %add3A_568 : i32
        %get3A_570 = arith.index_cast %add3A_569 : i32 to index
        %get3A_571 = tpu.vector_load %arg11[%get3A_570] {strides = array<i32>} : memref<384xi32, #tpu.memory_space<vmem>>, vector<16xi32>,
        %get3A_572 = vector.shape_cast %get3A_571 : vector<16xi32> to vector<16xi32>
        %add3A_573 = vector.broadcast %scan3A_345 : i32 to vector<16xi32>
        %add3A_574 = arith.addi %get3A_572, %add3A_573 : vector<16xi32>
        %swap3A_575 = arith.constant 32 : index
        %swap3A_576 = tpu.vector_load %arg12[%swap3A_575] {strides = array<i32>} : memref<64xi32, #tpu.memory_space<vmem>>, vector<16xi32>,
        %swap3A_577 = vector.shape_cast %swap3A_576 : vector<16xi32> to vector<16xi32>
        %swap3A_578 = vector.shape_cast %add3A_574 : vector<16xi32> to vector<16xi32>
        tpu.vector_store %arg12[%swap3A_575], %swap3A_578 {strides = array<i32>} : memref<64xi32, #tpu.memory_space<vmem>>, vector<16xi32>,
        %mul3A_579 = arith.constant 64 : i32
        %mul3A_580 = arith.muli %add3A_539, %mul3A_579 : i32
        %add3A_581 = arith.constant 48 : i32
        %add3A_582 = arith.addi %mul3A_580, %add3A_581 : i32
        %get3A_583 = arith.index_cast %add3A_582 : i32 to index
        %get3A_584 = tpu.vector_load %arg11[%get3A_583] {strides = array<i32>} : memref<384xi32, #tpu.memory_space<vmem>>, vector<16xi32>,
        %get3A_585 = vector.shape_cast %get3A_584 : vector<16xi32> to vector<16xi32>
        %add3A_586 = vector.broadcast %scan3A_345 : i32 to vector<16xi32>
        %add3A_587 = arith.addi %get3A_585, %add3A_586 : vector<16xi32>
        %swap3A_588 = arith.constant 48 : index
        %swap3A_589 = tpu.vector_load %arg12[%swap3A_588] {strides = array<i32>} : memref<64xi32, #tpu.memory_space<vmem>>, vector<16xi32>,
        %swap3A_590 = vector.shape_cast %swap3A_589 : vector<16xi32> to vector<16xi32>
        %swap3A_591 = vector.shape_cast %add3A_587 : vector<16xi32> to vector<16xi32>
        tpu.vector_store %arg12[%swap3A_588], %swap3A_591 {strides = array<i32>} : memref<64xi32, #tpu.memory_space<vmem>>, vector<16xi32>,
        %dma_start3A_592 = arith.constant 0 : i32
        %dma_start3A_593 = arith.constant 0 : i32
        %dma_start3A_594 = tpu.memref_slice %arg3[%dma_start3A_592, %dma_start3A_593] : memref<300000x64xf32, #tpu.memory_space<hbm>> -> memref<300000x64xf32, #tpu.memory_space<hbm>>
        tpu.enqueue_indirect_dma source(%dma_start3A_594 : memref<300000x64xf32, #tpu.memory_space<hbm>>) target(%arg16 : memref<64x64xf32, #tpu.memory_space<vmem>>) offsets(%arg12 : memref<64xi32, #tpu.memory_space<vmem>>) semaphore(%arg18 : memref<!tpu.dma_semaphore, #tpu.memory_space<semaphore_mem>>)
      } else {
      }
      %dma_wait3A_471 = arith.constant 0 : i32
      %dma_wait3A_472 = arith.constant 0 : i32
      %dma_wait3A_473 = tpu.memref_slice %arg3[%dma_wait3A_471, %dma_wait3A_472] : memref<300000x64xf32, #tpu.memory_space<hbm>> -> memref<300000x64xf32, #tpu.memory_space<hbm>>
      tpu.wait_indirect_dma semaphore(%arg19 : memref<!tpu.dma_semaphore, #tpu.memory_space<semaphore_mem>>) src(%dma_wait3A_473 : memref<300000x64xf32, #tpu.memory_space<hbm>>) dst(%arg17 : memref<64x64xf32, #tpu.memory_space<vmem>>)
      %add3A_474 = arith.constant 1 : i32
      %add3A_475 = arith.addi %mul3A_353, %add3A_474 : i32
      %jit3A_476 = arith.constant 2 : i32
      %div3A_477 = arith.divsi %add3A_475, %jit3A_476 : i32
      %sign3A_478 = arith.constant 0 : i32
      %sign3A_479 = arith.cmpi sgt, %add3A_475, %sign3A_478 : i32
      %sign3A_480 = arith.extui %sign3A_479 : i1 to i32
      %sign3A_481 = arith.constant 0 : i32
      %sign3A_482 = arith.cmpi slt, %add3A_475, %sign3A_481 : i32
      %sign3A_483 = arith.extui %sign3A_482 : i1 to i32
      %sign3A_484 = arith.subi %sign3A_480, %sign3A_483 : i32
      %sign3A_485 = arith.constant 0 : i32
      %sign3A_486 = arith.cmpi sgt, %jit3A_476, %sign3A_485 : i32
      %sign3A_487 = arith.extui %sign3A_486 : i1 to i32
      %sign3A_488 = arith.constant 0 : i32
      %sign3A_489 = arith.cmpi slt, %jit3A_476, %sign3A_488 : i32
      %sign3A_490 = arith.extui %sign3A_489 : i1 to i32
      %sign3A_491 = arith.subi %sign3A_487, %sign3A_490 : i32
      %ne3A_492 = arith.cmpi ne, %sign3A_484, %sign3A_491 : i32
      %rem3A_493 = arith.remsi %add3A_475, %jit3A_476 : i32
      %ne3A_494 = arith.constant 0 : i32
      %ne3A_495 = arith.cmpi ne, %rem3A_493, %ne3A_494 : i32
      %and3A_496 = arith.andi %ne3A_492, %ne3A_495 : i1
      %sub3A_497 = arith.constant 1 : i32
      %sub3A_498 = arith.subi %div3A_477, %sub3A_497 : i32
      %select_n3A_499 = arith.select %and3A_496, %sub3A_498, %div3A_477 : i32
      %mul3A_500 = arith.constant 2 : i32
      %mul3A_501 = arith.muli %select_n3A_499, %mul3A_500 : i32
      %sub3A_502 = arith.subi %add3A_475, %mul3A_501 : i32
      %jit3A_503 = arith.constant 1 : i32
      %div3A_504 = arith.divsi %sub3A_502, %jit3A_503 : i32
      %sign3A_505 = arith.constant 0 : i32
      %sign3A_506 = arith.cmpi sgt, %sub3A_502, %sign3A_505 : i32
      %sign3A_507 = arith.extui %sign3A_506 : i1 to i32
      %sign3A_508 = arith.constant 0 : i32
      %sign3A_509 = arith.cmpi slt, %sub3A_502, %sign3A_508 : i32
      %sign3A_510 = arith.extui %sign3A_509 : i1 to i32
      %sign3A_511 = arith.subi %sign3A_507, %sign3A_510 : i32
      %sign3A_512 = arith.constant 0 : i32
      %sign3A_513 = arith.cmpi sgt, %jit3A_503, %sign3A_512 : i32
      %sign3A_514 = arith.extui %sign3A_513 : i1 to i32
      %sign3A_515 = arith.constant 0 : i32
      %sign3A_516 = arith.cmpi slt, %jit3A_503, %sign3A_515 : i32
      %sign3A_517 = arith.extui %sign3A_516 : i1 to i32
      %sign3A_518 = arith.subi %sign3A_514, %sign3A_517 : i32
      %ne3A_519 = arith.cmpi ne, %sign3A_511, %sign3A_518 : i32
      %rem3A_520 = arith.remsi %sub3A_502, %jit3A_503 : i32
      %ne3A_521 = arith.constant 0 : i32
      %ne3A_522 = arith.cmpi ne, %rem3A_520, %ne3A_521 : i32
      %and3A_523 = arith.andi %ne3A_519, %ne3A_522 : i1
      %sub3A_524 = arith.constant 1 : i32
      %sub3A_525 = arith.subi %div3A_504, %sub3A_524 : i32
      %select_n3A_526 = arith.select %and3A_523, %sub3A_525, %div3A_504 : i32
      %mul3A_527 = arith.constant 1 : i32
      %mul3A_528 = arith.muli %select_n3A_526, %mul3A_527 : i32
      %sub3A_529 = arith.subi %sub3A_502, %mul3A_528 : i32
      %mul3A_530 = arith.constant 64 : i32
      %mul3A_531 = arith.muli %select_n3A_499, %mul3A_530 : i32
      %add3A_532 = arith.addi %mul3A_300, %mul3A_531 : i32
      %mul3A_533 = arith.constant 64 : i32
      %mul3A_534 = arith.muli %sub3A_529, %mul3A_533 : i32
      %add3A_535 = arith.addi %add3A_532, %mul3A_534 : i32
      %mul3A_536 = arith.constant 64 : i32
      %mul3A_537 = arith.muli %select_n3A_526, %mul3A_536 : i32
      "tpu.region"() ({
        %run_scoped3A = tpu.sem_alloc : memref<!tpu.dma_semaphore, #tpu.memory_space<semaphore_mem>>
        %dma_start3A_538 = arith.constant 12288 : i32
        %dma_start3A_539 = arith.constant 0 : i32
        %dma_start3A_540 = tpu.memref_slice %arg9[%dma_start3A_538, %dma_start3A_539] : memref<18432x128xf32, #tpu.memory_space<hbm>> -> memref<6144x128xf32, #tpu.memory_space<hbm>>
        %dma_start3A_541 = tpu.memref_slice %dma_start3A_540[%add3A_535, %mul3A_537] : memref<6144x128xf32, #tpu.memory_space<hbm>> -> memref<64x64xf32, #tpu.memory_space<hbm>>
        %dma_start3A_542 = arith.constant 12288 : i32
        %dma_start3A_543 = arith.constant 0 : i32
        %dma_start3A_544 = tpu.memref_slice %arg9[%dma_start3A_542, %dma_start3A_543] : memref<18432x128xf32, #tpu.memory_space<hbm>> -> memref<6144x128xf32, #tpu.memory_space<hbm>>
        %dma_start3A_545 = tpu.memref_slice %dma_start3A_544[%add3A_535, %mul3A_537] : memref<6144x128xf32, #tpu.memory_space<hbm>> -> memref<64x64xf32, #tpu.memory_space<hbm>>
        tpu.enqueue_dma source(%arg17 : memref<64x64xf32, #tpu.memory_space<vmem>>) target(%dma_start3A_545 : memref<64x64xf32, #tpu.memory_space<hbm>>) target_semaphore(%run_scoped3A : memref<!tpu.dma_semaphore, #tpu.memory_space<semaphore_mem>>)
        %dma_wait3A_546 = arith.constant 12288 : i32
        %dma_wait3A_547 = arith.constant 0 : i32
        %dma_wait3A_548 = tpu.memref_slice %arg9[%dma_wait3A_546, %dma_wait3A_547] : memref<18432x128xf32, #tpu.memory_space<hbm>> -> memref<6144x128xf32, #tpu.memory_space<hbm>>
        %dma_wait3A_549 = tpu.memref_slice %dma_wait3A_548[%add3A_535, %mul3A_537] : memref<6144x128xf32, #tpu.memory_space<hbm>> -> memref<64x64xf32, #tpu.memory_space<hbm>>
        %dma_wait3A_550 = arith.constant 12288 : i32
        %dma_wait3A_551 = arith.constant 0 : i32
        %dma_wait3A_552 = tpu.memref_slice %arg9[%dma_wait3A_550, %dma_wait3A_551] : memref<18432x128xf32, #tpu.memory_space<hbm>> -> memref<6144x128xf32, #tpu.memory_space<hbm>>
        %dma_wait3A_553 = tpu.memref_slice %dma_wait3A_552[%add3A_535, %mul3A_537] : memref<6144x128xf32, #tpu.memory_space<hbm>> -> memref<64x64xf32, #tpu.memory_space<hbm>>
        tpu.wait_dma2 semaphore(%run_scoped3A : memref<!tpu.dma_semaphore, #tpu.memory_space<semaphore_mem>>) src(%arg17 : memref<64x64xf32, #tpu.memory_space<vmem>>) dst(%dma_wait3A_553 : memref<64x64xf32, #tpu.memory_space<hbm>>)
        tpu.yield
      }) : () -> ()
    }
    %scan3A_350 = arith.constant 3 : i32
    return
  }
}

module attributes {stable_mosaic.version = 14 : i64} {
  func.func @_tc_body(%arg0: i32, %arg1: i32, %arg2: memref<2560x128xf32, #tpu.memory_space<vmem>>, %arg3: memref<2560x16xf32, #tpu.memory_space<vmem>>, %arg4: memref<1x1x2560xf32, #tpu.memory_space<vmem>>, %arg5: memref<1x1x2560xf32, #tpu.memory_space<vmem>>, %arg6: memref<1280x128xf32, #tpu.memory_space<vmem>>, %arg7: memref<1280x128xf32, #tpu.memory_space<vmem>>, %arg8: memref<1280x128xf32, #tpu.memory_space<vmem>>, %arg9: memref<64x128xf32, #tpu.memory_space<vmem>>, %arg10: memref<64x128xf32, #tpu.memory_space<vmem>>, %arg11: memref<64x128xf32, #tpu.memory_space<vmem>>, %arg12: memref<64x128xf32, #tpu.memory_space<vmem>>, %arg13: memref<64x128xf32, #tpu.memory_space<vmem>>, %arg14: memref<64x128xf32, #tpu.memory_space<vmem>>, %arg15: memref<64x128xf32, #tpu.memory_space<vmem>>, %arg16: memref<64x128xf32, #tpu.memory_space<vmem>>, %arg17: memref<64x128xf32, #tpu.memory_space<vmem>>, %arg18: memref<128x128xf32, #tpu.memory_space<vmem>>, %arg19: memref<100x1xf32, #tpu.memory_space<vmem>>, %arg20: memref<100x1xf32, #tpu.memory_space<vmem>>, %arg21: memref<128x128xf32, #tpu.memory_space<vmem>>, %arg22: memref<16x128xf32, #tpu.memory_space<vmem>>, %arg23: memref<100x128xf32, #tpu.memory_space<vmem>>, %arg24: memref<192x128xf32, #tpu.memory_space<vmem>>, %arg25: memref<192x128xf32, #tpu.memory_space<vmem>>, %arg26: memref<1x128xf32, #tpu.memory_space<vmem>>, %arg27: memref<128x128xf32, #tpu.memory_space<vmem>>, %arg28: memref<128x128xf32, #tpu.memory_space<vmem>>, %arg29: memref<1x128xf32, #tpu.memory_space<vmem>>, %arg30: memref<128x128xf32, #tpu.memory_space<vmem>>, %arg31: memref<128x128xf32, #tpu.memory_space<vmem>>, %arg32: memref<1x128xf32, #tpu.memory_space<vmem>>, %arg33: memref<1x128xf32, #tpu.memory_space<vmem>>, %arg34: memref<1x1xf32, #tpu.memory_space<vmem>>, %arg35: memref<128x1xf32, #tpu.memory_space<vmem>>, %arg36: memref<128x1xf32, #tpu.memory_space<vmem>>, %arg37: memref<128x128xf32, #tpu.memory_space<vmem>>, %arg38: memref<128x128xf32, #tpu.memory_space<vmem>>, %arg39: memref<128x128xf32, #tpu.memory_space<vmem>>) attributes {dimension_semantics = [#tpu.dimension_semantics<arbitrary>, #tpu.dimension_semantics<arbitrary>], iteration_bounds = array<i64: 32, 3>, scalar_prefetch = 0 : i64, scratch_operands = 3 : i64, tpu.core_type = #tpu.core_type<tc>, window_params = [{transform_indices = @transform_0, window_bounds = array<i64: 2560, 128>}, {transform_indices = @transform_1, window_bounds = array<i64: 2560, 16>}, {transform_indices = @transform_2, window_bounds = array<i64: 1, 1, 2560>}, {transform_indices = @transform_3, window_bounds = array<i64: 1, 1, 2560>}, {transform_indices = @transform_4, window_bounds = array<i64: 1280, 128>}, {transform_indices = @transform_5, window_bounds = array<i64: 1280, 128>}, {transform_indices = @transform_6, window_bounds = array<i64: 1280, 128>}, {transform_indices = @transform_7, window_bounds = array<i64: 64, 128>}, {transform_indices = @transform_8, window_bounds = array<i64: 64, 128>}, {transform_indices = @transform_9, window_bounds = array<i64: 64, 128>}, {transform_indices = @transform_10, window_bounds = array<i64: 64, 128>}, {transform_indices = @transform_11, window_bounds = array<i64: 64, 128>}, {transform_indices = @transform_12, window_bounds = array<i64: 64, 128>}, {transform_indices = @transform_13, window_bounds = array<i64: 64, 128>}, {transform_indices = @transform_14, window_bounds = array<i64: 64, 128>}, {transform_indices = @transform_15, window_bounds = array<i64: 64, 128>}, {transform_indices = @transform_16, window_bounds = array<i64: 128, 128>}, {pipeline_mode = #tpu.pipeline_mode<synchronous>, transform_indices = @transform_17, window_bounds = array<i64: 100, 1>}, {pipeline_mode = #tpu.pipeline_mode<synchronous>, transform_indices = @transform_18, window_bounds = array<i64: 100, 1>}, {pipeline_mode = #tpu.pipeline_mode<synchronous>, transform_indices = @transform_19, window_bounds = array<i64: 128, 128>}, {pipeline_mode = #tpu.pipeline_mode<synchronous>, transform_indices = @transform_20, window_bounds = array<i64: 16, 128>}, {pipeline_mode = #tpu.pipeline_mode<synchronous>, transform_indices = @transform_21, window_bounds = array<i64: 100, 128>}, {pipeline_mode = #tpu.pipeline_mode<synchronous>, transform_indices = @transform_22, window_bounds = array<i64: 192, 128>}, {pipeline_mode = #tpu.pipeline_mode<synchronous>, transform_indices = @transform_23, window_bounds = array<i64: 192, 128>}, {pipeline_mode = #tpu.pipeline_mode<synchronous>, transform_indices = @transform_24, window_bounds = array<i64: 1, 128>}, {pipeline_mode = #tpu.pipeline_mode<synchronous>, transform_indices = @transform_25, window_bounds = array<i64: 128, 128>}, {pipeline_mode = #tpu.pipeline_mode<synchronous>, transform_indices = @transform_26, window_bounds = array<i64: 128, 128>}, {pipeline_mode = #tpu.pipeline_mode<synchronous>, transform_indices = @transform_27, window_bounds = array<i64: 1, 128>}, {pipeline_mode = #tpu.pipeline_mode<synchronous>, transform_indices = @transform_28, window_bounds = array<i64: 128, 128>}, {pipeline_mode = #tpu.pipeline_mode<synchronous>, transform_indices = @transform_29, window_bounds = array<i64: 128, 128>}, {pipeline_mode = #tpu.pipeline_mode<synchronous>, transform_indices = @transform_30, window_bounds = array<i64: 1, 128>}, {pipeline_mode = #tpu.pipeline_mode<synchronous>, transform_indices = @transform_31, window_bounds = array<i64: 1, 128>}, {pipeline_mode = #tpu.pipeline_mode<synchronous>, transform_indices = @transform_32, window_bounds = array<i64: 1, 1>}, {transform_indices = @transform_33, window_bounds = array<i64: 128, 1>}, {transform_indices = @transform_34, window_bounds = array<i64: 128, 1>}]} {
    %get3A = arith.constant 0 : index
    %get3A_0 = arith.constant 0 : index
    %get3A_1 = arith.constant 0 : index
    %get3A_2 = vector.load %arg5[%get3A, %get3A_0, %get3A_1] : memref<1x1x2560xf32, #tpu.memory_space<vmem>>, vector<1x1x2560xf32>
    %get3A_3 = vector.shape_cast %get3A_2 : vector<1x1x2560xf32> to vector<1x2560xf32>
    %get3A_4 = arith.constant 0 : index
    %get3A_5 = arith.constant 0 : index
    %get3A_6 = arith.constant 0 : index
    %get3A_7 = vector.load %arg4[%get3A_4, %get3A_5, %get3A_6] : memref<1x1x2560xf32, #tpu.memory_space<vmem>>, vector<1x1x2560xf32>
    %get3A_8 = vector.shape_cast %get3A_7 : vector<1x1x2560xf32> to vector<1x2560xf32>
    %sub3A = arith.subf %get3A_3, %get3A_8 : vector<1x2560xf32>
    %get3A_9 = arith.constant 0 : index
    %get3A_10 = arith.constant 0 : index
    %get3A_11 = vector.load %arg19[%get3A_9, %get3A_10] : memref<100x1xf32, #tpu.memory_space<vmem>>, vector<100x1xf32>
    %mul3A = vector.broadcast %get3A_11 : vector<100x1xf32> to vector<100x2560xf32>
    %mul3A_12 = vector.broadcast %sub3A : vector<1x2560xf32> to vector<100x2560xf32>
    %mul3A_13 = arith.mulf %mul3A, %mul3A_12 : vector<100x2560xf32>
    %get3A_14 = arith.constant 0 : index
    %get3A_15 = arith.constant 0 : index
    %get3A_16 = vector.load %arg20[%get3A_14, %get3A_15] : memref<100x1xf32, #tpu.memory_space<vmem>>, vector<100x1xf32>
    %add3A = vector.broadcast %get3A_16 : vector<100x1xf32> to vector<100x2560xf32>
    %add3A_17 = arith.addf %mul3A_13, %add3A : vector<100x2560xf32>
    %mul3A_18 = arith.constant 0.159154937 : f32
    %mul3A_19 = vector.broadcast %mul3A_18 : f32 to vector<100x2560xf32>
    %mul3A_20 = arith.mulf %add3A_17, %mul3A_19 : vector<100x2560xf32>
    %add3A_21 = arith.constant 5.000000e-01 : f32
    %add3A_22 = vector.broadcast %add3A_21 : f32 to vector<100x2560xf32>
    %add3A_23 = arith.addf %mul3A_20, %add3A_22 : vector<100x2560xf32>
    %floor3A = math.floor %add3A_23 : vector<100x2560xf32>
    %mul3A_24 = arith.constant 6.28318548 : f32
    %mul3A_25 = vector.broadcast %mul3A_24 : f32 to vector<100x2560xf32>
    %mul3A_26 = arith.mulf %floor3A, %mul3A_25 : vector<100x2560xf32>
    %sub3A_27 = arith.subf %add3A_17, %mul3A_26 : vector<100x2560xf32>
    %mul3A_28 = arith.mulf %sub3A_27, %sub3A_27 : vector<100x2560xf32>
    %mul3A_29 = arith.constant 1.7202727E-9 : f32
    %mul3A_30 = vector.broadcast %mul3A_29 : f32 to vector<100x2560xf32>
    %mul3A_31 = arith.mulf %mul3A_30, %mul3A_28 : vector<100x2560xf32>
    %add3A_32 = arith.constant -2.70674605E-7 : f32
    %add3A_33 = vector.broadcast %add3A_32 : f32 to vector<100x2560xf32>
    %add3A_34 = arith.addf %mul3A_31, %add3A_33 : vector<100x2560xf32>
    %mul3A_35 = arith.mulf %add3A_34, %mul3A_28 : vector<100x2560xf32>
    %add3A_36 = arith.constant 2.47687076E-5 : f32
    %add3A_37 = vector.broadcast %add3A_36 : f32 to vector<100x2560xf32>
    %add3A_38 = arith.addf %mul3A_35, %add3A_37 : vector<100x2560xf32>
    %mul3A_39 = arith.mulf %add3A_38, %mul3A_28 : vector<100x2560xf32>
    %add3A_40 = arith.constant -0.00138877495 : f32
    %add3A_41 = vector.broadcast %add3A_40 : f32 to vector<100x2560xf32>
    %add3A_42 = arith.addf %mul3A_39, %add3A_41 : vector<100x2560xf32>
    %mul3A_43 = arith.mulf %add3A_42, %mul3A_28 : vector<100x2560xf32>
    %add3A_44 = arith.constant 0.0416664779 : f32
    %add3A_45 = vector.broadcast %add3A_44 : f32 to vector<100x2560xf32>
    %add3A_46 = arith.addf %mul3A_43, %add3A_45 : vector<100x2560xf32>
    %mul3A_47 = arith.mulf %add3A_46, %mul3A_28 : vector<100x2560xf32>
    %add3A_48 = arith.constant -0.499999881 : f32
    %add3A_49 = vector.broadcast %add3A_48 : f32 to vector<100x2560xf32>
    %add3A_50 = arith.addf %mul3A_47, %add3A_49 : vector<100x2560xf32>
    %mul3A_51 = arith.mulf %add3A_50, %mul3A_28 : vector<100x2560xf32>
    %add3A_52 = arith.constant 1.000000e+00 : f32
    %add3A_53 = vector.broadcast %add3A_52 : f32 to vector<100x2560xf32>
    %add3A_54 = arith.addf %mul3A_51, %add3A_53 : vector<100x2560xf32>
    %get3A_55 = arith.constant 0 : index
    %get3A_56 = arith.constant 0 : index
    %get3A_57 = vector.load %arg2[%get3A_55, %get3A_56] : memref<2560x128xf32, #tpu.memory_space<vmem>>, vector<2560x128xf32>
    %get3A_58 = arith.constant 0 : index
    %get3A_59 = arith.constant 0 : index
    %get3A_60 = vector.load %arg21[%get3A_58, %get3A_59] : memref<128x128xf32, #tpu.memory_space<vmem>>, vector<128x128xf32>
    %dot_general3A = arith.constant dense<0.000000e+00> : vector<2560x128xf32>
    %dot_general3A_61 = tpu.matmul %get3A_57, %get3A_60, %dot_general3A {dimension_numbers = #tpu.dot_dimension_numbers<[1], [0], [0], [1], [0, 0, 1, 1], [], []>, transpose_lhs_hint = false} : vector<2560x128xf32>, vector<128x128xf32>, vector<2560x128xf32> -> vector<2560x128xf32>
    %get3A_62 = arith.constant 0 : index
    %get3A_63 = arith.constant 0 : index
    %get3A_64 = vector.load %arg3[%get3A_62, %get3A_63] : memref<2560x16xf32, #tpu.memory_space<vmem>>, vector<2560x16xf32>
    %get3A_65 = arith.constant 0 : index
    %get3A_66 = arith.constant 0 : index
    %get3A_67 = vector.load %arg22[%get3A_65, %get3A_66] : memref<16x128xf32, #tpu.memory_space<vmem>>, vector<16x128xf32>
    %dot_general3A_68 = arith.constant dense<0.000000e+00> : vector<2560x128xf32>
    %dot_general3A_69 = tpu.matmul %get3A_64, %get3A_67, %dot_general3A_68 {dimension_numbers = #tpu.dot_dimension_numbers<[1], [0], [0], [1], [0, 0, 1, 1], [], []>, transpose_lhs_hint = false} : vector<2560x16xf32>, vector<16x128xf32>, vector<2560x128xf32> -> vector<2560x128xf32>
    %add3A_70 = arith.addf %dot_general3A_61, %dot_general3A_69 : vector<2560x128xf32>
    %get3A_71 = arith.constant 0 : index
    %get3A_72 = arith.constant 0 : index
    %get3A_73 = vector.load %arg23[%get3A_71, %get3A_72] : memref<100x128xf32, #tpu.memory_space<vmem>>, vector<100x128xf32>
    %dot_general3A_74 = arith.constant dense<0.000000e+00> : vector<2560x128xf32>
    %dot_general3A_75 = tpu.matmul %add3A_54, %get3A_73, %dot_general3A_74 {dimension_numbers = #tpu.dot_dimension_numbers<[0], [0], [1], [1], [0, 1, 1, 1], [], []>, transpose_lhs_hint = false} : vector<100x2560xf32>, vector<100x128xf32>, vector<2560x128xf32> -> vector<2560x128xf32>
    %add3A_76 = arith.addf %add3A_70, %dot_general3A_75 : vector<2560x128xf32>
    %get3A_77 = arith.constant 0 : index
    %get3A_78 = arith.constant 0 : index
    %get3A_79 = vector.load %arg26[%get3A_77, %get3A_78] : memref<1x128xf32, #tpu.memory_space<vmem>>, vector<1x128xf32>
    %add3A_80 = vector.broadcast %get3A_79 : vector<1x128xf32> to vector<2560x128xf32>
    %add3A_81 = arith.addf %add3A_76, %add3A_80 : vector<2560x128xf32>
    %broadcast_in_dim3A = arith.constant 0.000000e+00 : f32
    %broadcast_in_dim3A_82 = vector.broadcast %broadcast_in_dim3A : f32 to vector<2560x128xf32>
    %get3A_83 = arith.constant 0 : index
    %get3A_84 = arith.constant 0 : index
    %get3A_85 = vector.load %arg6[%get3A_83, %get3A_84] : memref<1280x128xf32, #tpu.memory_space<vmem>>, vector<1280x128xf32>
    %slice3A = vector.extract_strided_slice %get3A_85 {offsets = [0, 0], sizes = [1280, 64], strides = [1, 1]} : vector<1280x128xf32> to vector<1280x64xf32>
    %slice3A_86 = vector.extract_strided_slice %get3A_85 {offsets = [0, 64], sizes = [1280, 64], strides = [1, 1]} : vector<1280x128xf32> to vector<1280x64xf32>
    %concatenate3A = tpu.concatenate %slice3A, %slice3A_86 in 0 : vector<1280x64xf32>, vector<1280x64xf32> -> vector<2560x64xf32>
    %get3A_87 = arith.constant 0 : index
    %get3A_88 = arith.constant 0 : index
    %get3A_89 = vector.load %arg9[%get3A_87, %get3A_88] : memref<64x128xf32, #tpu.memory_space<vmem>>, vector<64x128xf32>
    %slice3A_90 = vector.extract_strided_slice %get3A_89 {offsets = [0, 0], sizes = [64, 64], strides = [1, 1]} : vector<64x128xf32> to vector<64x64xf32>
    %slice3A_91 = vector.extract_strided_slice %get3A_89 {offsets = [0, 64], sizes = [64, 64], strides = [1, 1]} : vector<64x128xf32> to vector<64x64xf32>
    %concatenate3A_92 = tpu.concatenate %slice3A_90, %slice3A_91 in 0 : vector<64x64xf32>, vector<64x64xf32> -> vector<128x64xf32>
    %broadcast_in_dim3A_93 = vector.shape_cast %concatenate3A_92 : vector<128x64xf32> to vector<128x1x64xf32>
    %broadcast_in_dim3A_94 = vector.shape_cast %broadcast_in_dim3A_93 : vector<128x1x64xf32> to vector<128x1x64xf32>
    %broadcast_in_dim3A_95 = vector.broadcast %broadcast_in_dim3A_94 : vector<128x1x64xf32> to vector<128x20x64xf32>
    %reshape3A = vector.shape_cast %broadcast_in_dim3A_95 : vector<128x20x64xf32> to vector<2560x64xf32>
    %mul3A_96 = arith.mulf %concatenate3A, %reshape3A : vector<2560x64xf32>
    %get3A_97 = arith.constant 0 : index
    %get3A_98 = arith.constant 0 : index
    %get3A_99 = vector.load %arg24[%get3A_97, %get3A_98] : memref<192x128xf32, #tpu.memory_space<vmem>>, vector<64x128xf32>
    %dot_general3A_100 = arith.constant dense<0.000000e+00> : vector<2560x128xf32>
    %dot_general3A_101 = tpu.matmul %mul3A_96, %get3A_99, %dot_general3A_100 {dimension_numbers = #tpu.dot_dimension_numbers<[1], [0], [0], [1], [0, 0, 1, 1], [], []>, transpose_lhs_hint = false} : vector<2560x64xf32>, vector<64x128xf32>, vector<2560x128xf32> -> vector<2560x128xf32>
    %add3A_102 = arith.addf %add3A_81, %dot_general3A_101 : vector<2560x128xf32>
    %get3A_103 = arith.constant 0 : index
    %get3A_104 = arith.constant 0 : index
    %get3A_105 = vector.load %arg12[%get3A_103, %get3A_104] : memref<64x128xf32, #tpu.memory_space<vmem>>, vector<64x128xf32>
    %slice3A_106 = vector.extract_strided_slice %get3A_105 {offsets = [0, 0], sizes = [64, 64], strides = [1, 1]} : vector<64x128xf32> to vector<64x64xf32>
    %slice3A_107 = vector.extract_strided_slice %get3A_105 {offsets = [0, 64], sizes = [64, 64], strides = [1, 1]} : vector<64x128xf32> to vector<64x64xf32>
    %concatenate3A_108 = tpu.concatenate %slice3A_106, %slice3A_107 in 0 : vector<64x64xf32>, vector<64x64xf32> -> vector<128x64xf32>
    %broadcast_in_dim3A_109 = vector.shape_cast %concatenate3A_108 : vector<128x64xf32> to vector<128x1x64xf32>
    %broadcast_in_dim3A_110 = vector.shape_cast %broadcast_in_dim3A_109 : vector<128x1x64xf32> to vector<128x1x64xf32>
    %broadcast_in_dim3A_111 = vector.broadcast %broadcast_in_dim3A_110 : vector<128x1x64xf32> to vector<128x20x64xf32>
    %reshape3A_112 = vector.shape_cast %broadcast_in_dim3A_111 : vector<128x20x64xf32> to vector<2560x64xf32>
    %mul3A_113 = arith.mulf %concatenate3A, %reshape3A_112 : vector<2560x64xf32>
    %get3A_114 = arith.constant 0 : index
    %get3A_115 = arith.constant 0 : index
    %get3A_116 = vector.load %arg25[%get3A_114, %get3A_115] : memref<192x128xf32, #tpu.memory_space<vmem>>, vector<64x128xf32>
    %dot_general3A_117 = arith.constant dense<0.000000e+00> : vector<2560x128xf32>
    %dot_general3A_118 = tpu.matmul %mul3A_113, %get3A_116, %dot_general3A_117 {dimension_numbers = #tpu.dot_dimension_numbers<[1], [0], [0], [1], [0, 0, 1, 1], [], []>, transpose_lhs_hint = false} : vector<2560x64xf32>, vector<64x128xf32>, vector<2560x128xf32> -> vector<2560x128xf32>
    %add3A_119 = arith.addf %broadcast_in_dim3A_82, %dot_general3A_118 : vector<2560x128xf32>
    %get3A_120 = arith.constant 0 : index
    %get3A_121 = arith.constant 0 : index
    %get3A_122 = vector.load %arg7[%get3A_120, %get3A_121] : memref<1280x128xf32, #tpu.memory_space<vmem>>, vector<1280x128xf32>
    %slice3A_123 = vector.extract_strided_slice %get3A_122 {offsets = [0, 0], sizes = [1280, 64], strides = [1, 1]} : vector<1280x128xf32> to vector<1280x64xf32>
    %slice3A_124 = vector.extract_strided_slice %get3A_122 {offsets = [0, 64], sizes = [1280, 64], strides = [1, 1]} : vector<1280x128xf32> to vector<1280x64xf32>
    %concatenate3A_125 = tpu.concatenate %slice3A_123, %slice3A_124 in 0 : vector<1280x64xf32>, vector<1280x64xf32> -> vector<2560x64xf32>
    %get3A_126 = arith.constant 0 : index
    %get3A_127 = arith.constant 0 : index
    %get3A_128 = vector.load %arg10[%get3A_126, %get3A_127] : memref<64x128xf32, #tpu.memory_space<vmem>>, vector<64x128xf32>
    %slice3A_129 = vector.extract_strided_slice %get3A_128 {offsets = [0, 0], sizes = [64, 64], strides = [1, 1]} : vector<64x128xf32> to vector<64x64xf32>
    %slice3A_130 = vector.extract_strided_slice %get3A_128 {offsets = [0, 64], sizes = [64, 64], strides = [1, 1]} : vector<64x128xf32> to vector<64x64xf32>
    %concatenate3A_131 = tpu.concatenate %slice3A_129, %slice3A_130 in 0 : vector<64x64xf32>, vector<64x64xf32> -> vector<128x64xf32>
    %broadcast_in_dim3A_132 = vector.shape_cast %concatenate3A_131 : vector<128x64xf32> to vector<128x1x64xf32>
    %broadcast_in_dim3A_133 = vector.shape_cast %broadcast_in_dim3A_132 : vector<128x1x64xf32> to vector<128x1x64xf32>
    %broadcast_in_dim3A_134 = vector.broadcast %broadcast_in_dim3A_133 : vector<128x1x64xf32> to vector<128x20x64xf32>
    %reshape3A_135 = vector.shape_cast %broadcast_in_dim3A_134 : vector<128x20x64xf32> to vector<2560x64xf32>
    %mul3A_136 = arith.mulf %concatenate3A_125, %reshape3A_135 : vector<2560x64xf32>
    %get3A_137 = arith.constant 64 : index
    %get3A_138 = arith.constant 0 : index
    %get3A_139 = vector.load %arg24[%get3A_137, %get3A_138] : memref<192x128xf32, #tpu.memory_space<vmem>>, vector<64x128xf32>
    %dot_general3A_140 = arith.constant dense<0.000000e+00> : vector<2560x128xf32>
    %dot_general3A_141 = tpu.matmul %mul3A_136, %get3A_139, %dot_general3A_140 {dimension_numbers = #tpu.dot_dimension_numbers<[1], [0], [0], [1], [0, 0, 1, 1], [], []>, transpose_lhs_hint = false} : vector<2560x64xf32>, vector<64x128xf32>, vector<2560x128xf32> -> vector<2560x128xf32>
    %add3A_142 = arith.addf %add3A_102, %dot_general3A_141 : vector<2560x128xf32>
    %get3A_143 = arith.constant 0 : index
    %get3A_144 = arith.constant 0 : index
    %get3A_145 = vector.load %arg13[%get3A_143, %get3A_144] : memref<64x128xf32, #tpu.memory_space<vmem>>, vector<64x128xf32>
    %slice3A_146 = vector.extract_strided_slice %get3A_145 {offsets = [0, 0], sizes = [64, 64], strides = [1, 1]} : vector<64x128xf32> to vector<64x64xf32>
    %slice3A_147 = vector.extract_strided_slice %get3A_145 {offsets = [0, 64], sizes = [64, 64], strides = [1, 1]} : vector<64x128xf32> to vector<64x64xf32>
    %concatenate3A_148 = tpu.concatenate %slice3A_146, %slice3A_147 in 0 : vector<64x64xf32>, vector<64x64xf32> -> vector<128x64xf32>
    %broadcast_in_dim3A_149 = vector.shape_cast %concatenate3A_148 : vector<128x64xf32> to vector<128x1x64xf32>
    %broadcast_in_dim3A_150 = vector.shape_cast %broadcast_in_dim3A_149 : vector<128x1x64xf32> to vector<128x1x64xf32>
    %broadcast_in_dim3A_151 = vector.broadcast %broadcast_in_dim3A_150 : vector<128x1x64xf32> to vector<128x20x64xf32>
    %reshape3A_152 = vector.shape_cast %broadcast_in_dim3A_151 : vector<128x20x64xf32> to vector<2560x64xf32>
    %mul3A_153 = arith.mulf %concatenate3A_125, %reshape3A_152 : vector<2560x64xf32>
    %get3A_154 = arith.constant 64 : index
    %get3A_155 = arith.constant 0 : index
    %get3A_156 = vector.load %arg25[%get3A_154, %get3A_155] : memref<192x128xf32, #tpu.memory_space<vmem>>, vector<64x128xf32>
    %dot_general3A_157 = arith.constant dense<0.000000e+00> : vector<2560x128xf32>
    %dot_general3A_158 = tpu.matmul %mul3A_153, %get3A_156, %dot_general3A_157 {dimension_numbers = #tpu.dot_dimension_numbers<[1], [0], [0], [1], [0, 0, 1, 1], [], []>, transpose_lhs_hint = false} : vector<2560x64xf32>, vector<64x128xf32>, vector<2560x128xf32> -> vector<2560x128xf32>
    %add3A_159 = arith.addf %add3A_119, %dot_general3A_158 : vector<2560x128xf32>
    %get3A_160 = arith.constant 0 : index
    %get3A_161 = arith.constant 0 : index
    %get3A_162 = vector.load %arg8[%get3A_160, %get3A_161] : memref<1280x128xf32, #tpu.memory_space<vmem>>, vector<1280x128xf32>
    %slice3A_163 = vector.extract_strided_slice %get3A_162 {offsets = [0, 0], sizes = [1280, 64], strides = [1, 1]} : vector<1280x128xf32> to vector<1280x64xf32>
    %slice3A_164 = vector.extract_strided_slice %get3A_162 {offsets = [0, 64], sizes = [1280, 64], strides = [1, 1]} : vector<1280x128xf32> to vector<1280x64xf32>
    %concatenate3A_165 = tpu.concatenate %slice3A_163, %slice3A_164 in 0 : vector<1280x64xf32>, vector<1280x64xf32> -> vector<2560x64xf32>
    %get3A_166 = arith.constant 0 : index
    %get3A_167 = arith.constant 0 : index
    %get3A_168 = vector.load %arg11[%get3A_166, %get3A_167] : memref<64x128xf32, #tpu.memory_space<vmem>>, vector<64x128xf32>
    %slice3A_169 = vector.extract_strided_slice %get3A_168 {offsets = [0, 0], sizes = [64, 64], strides = [1, 1]} : vector<64x128xf32> to vector<64x64xf32>
    %slice3A_170 = vector.extract_strided_slice %get3A_168 {offsets = [0, 64], sizes = [64, 64], strides = [1, 1]} : vector<64x128xf32> to vector<64x64xf32>
    %concatenate3A_171 = tpu.concatenate %slice3A_169, %slice3A_170 in 0 : vector<64x64xf32>, vector<64x64xf32> -> vector<128x64xf32>
    %broadcast_in_dim3A_172 = vector.shape_cast %concatenate3A_171 : vector<128x64xf32> to vector<128x1x64xf32>
    %broadcast_in_dim3A_173 = vector.shape_cast %broadcast_in_dim3A_172 : vector<128x1x64xf32> to vector<128x1x64xf32>
    %broadcast_in_dim3A_174 = vector.broadcast %broadcast_in_dim3A_173 : vector<128x1x64xf32> to vector<128x20x64xf32>
    %reshape3A_175 = vector.shape_cast %broadcast_in_dim3A_174 : vector<128x20x64xf32> to vector<2560x64xf32>
    %mul3A_176 = arith.mulf %concatenate3A_165, %reshape3A_175 : vector<2560x64xf32>
    %get3A_177 = arith.constant 128 : index
    %get3A_178 = arith.constant 0 : index
    %get3A_179 = vector.load %arg24[%get3A_177, %get3A_178] : memref<192x128xf32, #tpu.memory_space<vmem>>, vector<64x128xf32>
    %dot_general3A_180 = arith.constant dense<0.000000e+00> : vector<2560x128xf32>
    %dot_general3A_181 = tpu.matmul %mul3A_176, %get3A_179, %dot_general3A_180 {dimension_numbers = #tpu.dot_dimension_numbers<[1], [0], [0], [1], [0, 0, 1, 1], [], []>, transpose_lhs_hint = false} : vector<2560x64xf32>, vector<64x128xf32>, vector<2560x128xf32> -> vector<2560x128xf32>
    %add3A_182 = arith.addf %add3A_142, %dot_general3A_181 : vector<2560x128xf32>
    %get3A_183 = arith.constant 0 : index
    %get3A_184 = arith.constant 0 : index
    %get3A_185 = vector.load %arg14[%get3A_183, %get3A_184] : memref<64x128xf32, #tpu.memory_space<vmem>>, vector<64x128xf32>
    %slice3A_186 = vector.extract_strided_slice %get3A_185 {offsets = [0, 0], sizes = [64, 64], strides = [1, 1]} : vector<64x128xf32> to vector<64x64xf32>
    %slice3A_187 = vector.extract_strided_slice %get3A_185 {offsets = [0, 64], sizes = [64, 64], strides = [1, 1]} : vector<64x128xf32> to vector<64x64xf32>
    %concatenate3A_188 = tpu.concatenate %slice3A_186, %slice3A_187 in 0 : vector<64x64xf32>, vector<64x64xf32> -> vector<128x64xf32>
    %broadcast_in_dim3A_189 = vector.shape_cast %concatenate3A_188 : vector<128x64xf32> to vector<128x1x64xf32>
    %broadcast_in_dim3A_190 = vector.shape_cast %broadcast_in_dim3A_189 : vector<128x1x64xf32> to vector<128x1x64xf32>
    %broadcast_in_dim3A_191 = vector.broadcast %broadcast_in_dim3A_190 : vector<128x1x64xf32> to vector<128x20x64xf32>
    %reshape3A_192 = vector.shape_cast %broadcast_in_dim3A_191 : vector<128x20x64xf32> to vector<2560x64xf32>
    %mul3A_193 = arith.mulf %concatenate3A_165, %reshape3A_192 : vector<2560x64xf32>
    %get3A_194 = arith.constant 128 : index
    %get3A_195 = arith.constant 0 : index
    %get3A_196 = vector.load %arg25[%get3A_194, %get3A_195] : memref<192x128xf32, #tpu.memory_space<vmem>>, vector<64x128xf32>
    %dot_general3A_197 = arith.constant dense<0.000000e+00> : vector<2560x128xf32>
    %dot_general3A_198 = tpu.matmul %mul3A_193, %get3A_196, %dot_general3A_197 {dimension_numbers = #tpu.dot_dimension_numbers<[1], [0], [0], [1], [0, 0, 1, 1], [], []>, transpose_lhs_hint = false} : vector<2560x64xf32>, vector<64x128xf32>, vector<2560x128xf32> -> vector<2560x128xf32>
    %add3A_199 = arith.addf %add3A_159, %dot_general3A_198 : vector<2560x128xf32>
    %add3A_200 = arith.addf %add3A_182, %add3A_199 : vector<2560x128xf32>
    %max3A = arith.constant 0.000000e+00 : f32
    %max3A_201 = vector.broadcast %max3A : f32 to vector<2560x128xf32>
    %max3A_202 = arith.maximumf %add3A_200, %max3A_201 : vector<2560x128xf32>
    %reshape3A_203 = vector.shape_cast %max3A_202 : vector<2560x128xf32> to vector<128x20x128xf32>
    %reduce_sum3A = arith.constant dense<0.000000e+00> : vector<128x128xf32>
    %reduce_sum3A_204 = vector.multi_reduction <add>, %reshape3A_203, %reduce_sum3A [1] : vector<128x20x128xf32> to vector<128x128xf32>
    %div3A = arith.constant 2.000000e+01 : f32
    %div3A_205 = vector.broadcast %div3A : f32 to vector<128x128xf32>
    %div3A_206 = arith.divf %reduce_sum3A_204, %div3A_205 : vector<128x128xf32>
    %get3A_207 = arith.constant 0 : index
    %get3A_208 = arith.constant 0 : index
    %get3A_209 = vector.load %arg18[%get3A_207, %get3A_208] : memref<128x128xf32, #tpu.memory_space<vmem>>, vector<128x128xf32>
    %get3A_210 = arith.constant 0 : index
    %get3A_211 = arith.constant 0 : index
    %get3A_212 = vector.load %arg27[%get3A_210, %get3A_211] : memref<128x128xf32, #tpu.memory_space<vmem>>, vector<128x128xf32>
    %get3A_213 = arith.constant 0 : index
    %get3A_214 = arith.constant 0 : index
    %get3A_215 = vector.load %arg28[%get3A_213, %get3A_214] : memref<128x128xf32, #tpu.memory_space<vmem>>, vector<128x128xf32>
    %get3A_216 = arith.constant 0 : index
    %get3A_217 = arith.constant 0 : index
    %get3A_218 = vector.load %arg29[%get3A_216, %get3A_217] : memref<1x128xf32, #tpu.memory_space<vmem>>, vector<1x128xf32>
    %dot_general3A_219 = arith.constant dense<0.000000e+00> : vector<128x128xf32>
    %dot_general3A_220 = tpu.matmul %get3A_209, %get3A_215, %dot_general3A_219 {dimension_numbers = #tpu.dot_dimension_numbers<[1], [0], [0], [1], [0, 0, 1, 1], [], []>, transpose_lhs_hint = false} : vector<128x128xf32>, vector<128x128xf32>, vector<128x128xf32> -> vector<128x128xf32>
    %add3A_221 = vector.broadcast %get3A_218 : vector<1x128xf32> to vector<128x128xf32>
    %add3A_222 = arith.addf %dot_general3A_220, %add3A_221 : vector<128x128xf32>
    %dot_general3A_223 = arith.constant dense<0.000000e+00> : vector<128x128xf32>
    %dot_general3A_224 = tpu.matmul %div3A_206, %get3A_212, %dot_general3A_223 {dimension_numbers = #tpu.dot_dimension_numbers<[1], [0], [0], [1], [0, 0, 1, 1], [], []>, transpose_lhs_hint = false} : vector<128x128xf32>, vector<128x128xf32>, vector<128x128xf32> -> vector<128x128xf32>
    %add3A_225 = arith.addf %dot_general3A_224, %add3A_222 : vector<128x128xf32>
    %eq3A = arith.constant 0 : i32
    %eq3A_226 = arith.cmpi eq, %arg1, %eq3A : i32
    %convert_element_type3A = arith.extui %eq3A_226 : i1 to i32
    %cond3A = arith.constant 0 : i32
    %cond3A_227 = arith.cmpi ne, %convert_element_type3A, %cond3A : i32
    scf.if %cond3A_227 {
      %swap3A = arith.constant 0 : index
      %swap3A_238 = arith.constant 0 : index
      %swap3A_239 = vector.load %arg37[%swap3A, %swap3A_238] : memref<128x128xf32, #tpu.memory_space<vmem>>, vector<128x128xf32>
      tpu.vector_store %arg37[%swap3A, %swap3A_238], %add3A_225 {strides = array<i32>} : memref<128x128xf32, #tpu.memory_space<vmem>>, vector<128x128xf32>,
      %get3A_240 = arith.constant 0 : index
      %get3A_241 = arith.constant 0 : index
      %get3A_242 = vector.load %arg6[%get3A_240, %get3A_241] : memref<1280x128xf32, #tpu.memory_space<vmem>>, vector<1280x128xf32>
      %slice3A_243 = vector.extract_strided_slice %get3A_242 {offsets = [0, 0], sizes = [1280, 64], strides = [1, 1]} : vector<1280x128xf32> to vector<1280x64xf32>
      %slice3A_244 = vector.extract_strided_slice %get3A_242 {offsets = [0, 64], sizes = [1280, 64], strides = [1, 1]} : vector<1280x128xf32> to vector<1280x64xf32>
      %concatenate3A_245 = tpu.concatenate %slice3A_243, %slice3A_244 in 0 : vector<1280x64xf32>, vector<1280x64xf32> -> vector<2560x64xf32>
      %get3A_246 = arith.constant 0 : index
      %get3A_247 = arith.constant 0 : index
      %get3A_248 = vector.load %arg15[%get3A_246, %get3A_247] : memref<64x128xf32, #tpu.memory_space<vmem>>, vector<64x128xf32>
      %slice3A_249 = vector.extract_strided_slice %get3A_248 {offsets = [0, 0], sizes = [64, 64], strides = [1, 1]} : vector<64x128xf32> to vector<64x64xf32>
      %slice3A_250 = vector.extract_strided_slice %get3A_248 {offsets = [0, 64], sizes = [64, 64], strides = [1, 1]} : vector<64x128xf32> to vector<64x64xf32>
      %concatenate3A_251 = tpu.concatenate %slice3A_249, %slice3A_250 in 0 : vector<64x64xf32>, vector<64x64xf32> -> vector<128x64xf32>
      %broadcast_in_dim3A_252 = vector.shape_cast %concatenate3A_251 : vector<128x64xf32> to vector<128x1x64xf32>
      %broadcast_in_dim3A_253 = vector.shape_cast %broadcast_in_dim3A_252 : vector<128x1x64xf32> to vector<128x1x64xf32>
      %broadcast_in_dim3A_254 = vector.broadcast %broadcast_in_dim3A_253 : vector<128x1x64xf32> to vector<128x20x64xf32>
      %reshape3A_255 = vector.shape_cast %broadcast_in_dim3A_254 : vector<128x20x64xf32> to vector<2560x64xf32>
      %mul3A_256 = arith.mulf %concatenate3A_245, %reshape3A_255 : vector<2560x64xf32>
      %get3A_257 = arith.constant 0 : index
      %get3A_258 = arith.constant 0 : index
      %get3A_259 = vector.load %arg25[%get3A_257, %get3A_258] : memref<192x128xf32, #tpu.memory_space<vmem>>, vector<64x128xf32>
      %dot_general3A_260 = arith.constant dense<0.000000e+00> : vector<2560x128xf32>
      %dot_general3A_261 = tpu.matmul %mul3A_256, %get3A_259, %dot_general3A_260 {dimension_numbers = #tpu.dot_dimension_numbers<[1], [0], [0], [1], [0, 0, 1, 1], [], []>, transpose_lhs_hint = false} : vector<2560x64xf32>, vector<64x128xf32>, vector<2560x128xf32> -> vector<2560x128xf32>
      %add3A_262 = arith.addf %add3A_182, %dot_general3A_261 : vector<2560x128xf32>
      %get3A_263 = arith.constant 0 : index
      %get3A_264 = arith.constant 0 : index
      %get3A_265 = vector.load %arg7[%get3A_263, %get3A_264] : memref<1280x128xf32, #tpu.memory_space<vmem>>, vector<1280x128xf32>
      %slice3A_266 = vector.extract_strided_slice %get3A_265 {offsets = [0, 0], sizes = [1280, 64], strides = [1, 1]} : vector<1280x128xf32> to vector<1280x64xf32>
      %slice3A_267 = vector.extract_strided_slice %get3A_265 {offsets = [0, 64], sizes = [1280, 64], strides = [1, 1]} : vector<1280x128xf32> to vector<1280x64xf32>
      %concatenate3A_268 = tpu.concatenate %slice3A_266, %slice3A_267 in 0 : vector<1280x64xf32>, vector<1280x64xf32> -> vector<2560x64xf32>
      %get3A_269 = arith.constant 0 : index
      %get3A_270 = arith.constant 0 : index
      %get3A_271 = vector.load %arg16[%get3A_269, %get3A_270] : memref<64x128xf32, #tpu.memory_space<vmem>>, vector<64x128xf32>
      %slice3A_272 = vector.extract_strided_slice %get3A_271 {offsets = [0, 0], sizes = [64, 64], strides = [1, 1]} : vector<64x128xf32> to vector<64x64xf32>
      %slice3A_273 = vector.extract_strided_slice %get3A_271 {offsets = [0, 64], sizes = [64, 64], strides = [1, 1]} : vector<64x128xf32> to vector<64x64xf32>
      %concatenate3A_274 = tpu.concatenate %slice3A_272, %slice3A_273 in 0 : vector<64x64xf32>, vector<64x64xf32> -> vector<128x64xf32>
      %broadcast_in_dim3A_275 = vector.shape_cast %concatenate3A_274 : vector<128x64xf32> to vector<128x1x64xf32>
      %broadcast_in_dim3A_276 = vector.shape_cast %broadcast_in_dim3A_275 : vector<128x1x64xf32> to vector<128x1x64xf32>
      %broadcast_in_dim3A_277 = vector.broadcast %broadcast_in_dim3A_276 : vector<128x1x64xf32> to vector<128x20x64xf32>
      %reshape3A_278 = vector.shape_cast %broadcast_in_dim3A_277 : vector<128x20x64xf32> to vector<2560x64xf32>
      %mul3A_279 = arith.mulf %concatenate3A_268, %reshape3A_278 : vector<2560x64xf32>
      %get3A_280 = arith.constant 64 : index
      %get3A_281 = arith.constant 0 : index
      %get3A_282 = vector.load %arg25[%get3A_280, %get3A_281] : memref<192x128xf32, #tpu.memory_space<vmem>>, vector<64x128xf32>
      %dot_general3A_283 = arith.constant dense<0.000000e+00> : vector<2560x128xf32>
      %dot_general3A_284 = tpu.matmul %mul3A_279, %get3A_282, %dot_general3A_283 {dimension_numbers = #tpu.dot_dimension_numbers<[1], [0], [0], [1], [0, 0, 1, 1], [], []>, transpose_lhs_hint = false} : vector<2560x64xf32>, vector<64x128xf32>, vector<2560x128xf32> -> vector<2560x128xf32>
      %add3A_285 = arith.addf %add3A_262, %dot_general3A_284 : vector<2560x128xf32>
      %get3A_286 = arith.constant 0 : index
      %get3A_287 = arith.constant 0 : index
      %get3A_288 = vector.load %arg8[%get3A_286, %get3A_287] : memref<1280x128xf32, #tpu.memory_space<vmem>>, vector<1280x128xf32>
      %slice3A_289 = vector.extract_strided_slice %get3A_288 {offsets = [0, 0], sizes = [1280, 64], strides = [1, 1]} : vector<1280x128xf32> to vector<1280x64xf32>
      %slice3A_290 = vector.extract_strided_slice %get3A_288 {offsets = [0, 64], sizes = [1280, 64], strides = [1, 1]} : vector<1280x128xf32> to vector<1280x64xf32>
      %concatenate3A_291 = tpu.concatenate %slice3A_289, %slice3A_290 in 0 : vector<1280x64xf32>, vector<1280x64xf32> -> vector<2560x64xf32>
      %get3A_292 = arith.constant 0 : index
      %get3A_293 = arith.constant 0 : index
      %get3A_294 = vector.load %arg17[%get3A_292, %get3A_293] : memref<64x128xf32, #tpu.memory_space<vmem>>, vector<64x128xf32>
      %slice3A_295 = vector.extract_strided_slice %get3A_294 {offsets = [0, 0], sizes = [64, 64], strides = [1, 1]} : vector<64x128xf32> to vector<64x64xf32>
      %slice3A_296 = vector.extract_strided_slice %get3A_294 {offsets = [0, 64], sizes = [64, 64], strides = [1, 1]} : vector<64x128xf32> to vector<64x64xf32>
      %concatenate3A_297 = tpu.concatenate %slice3A_295, %slice3A_296 in 0 : vector<64x64xf32>, vector<64x64xf32> -> vector<128x64xf32>
      %broadcast_in_dim3A_298 = vector.shape_cast %concatenate3A_297 : vector<128x64xf32> to vector<128x1x64xf32>
      %broadcast_in_dim3A_299 = vector.shape_cast %broadcast_in_dim3A_298 : vector<128x1x64xf32> to vector<128x1x64xf32>
      %broadcast_in_dim3A_300 = vector.broadcast %broadcast_in_dim3A_299 : vector<128x1x64xf32> to vector<128x20x64xf32>
      %reshape3A_301 = vector.shape_cast %broadcast_in_dim3A_300 : vector<128x20x64xf32> to vector<2560x64xf32>
      %mul3A_302 = arith.mulf %concatenate3A_291, %reshape3A_301 : vector<2560x64xf32>
      %get3A_303 = arith.constant 128 : index
      %get3A_304 = arith.constant 0 : index
      %get3A_305 = vector.load %arg25[%get3A_303, %get3A_304] : memref<192x128xf32, #tpu.memory_space<vmem>>, vector<64x128xf32>
      %dot_general3A_306 = arith.constant dense<0.000000e+00> : vector<2560x128xf32>
      %dot_general3A_307 = tpu.matmul %mul3A_302, %get3A_305, %dot_general3A_306 {dimension_numbers = #tpu.dot_dimension_numbers<[1], [0], [0], [1], [0, 0, 1, 1], [], []>, transpose_lhs_hint = false} : vector<2560x64xf32>, vector<64x128xf32>, vector<2560x128xf32> -> vector<2560x128xf32>
      %add3A_308 = arith.addf %add3A_285, %dot_general3A_307 : vector<2560x128xf32>
      %max3A_309 = arith.constant 0.000000e+00 : f32
      %max3A_310 = vector.broadcast %max3A_309 : f32 to vector<2560x128xf32>
      %max3A_311 = arith.maximumf %add3A_308, %max3A_310 : vector<2560x128xf32>
      %reshape3A_312 = vector.shape_cast %max3A_311 : vector<2560x128xf32> to vector<128x20x128xf32>
      %reduce_sum3A_313 = arith.constant dense<0.000000e+00> : vector<128x128xf32>
      %reduce_sum3A_314 = vector.multi_reduction <add>, %reshape3A_312, %reduce_sum3A_313 [1] : vector<128x20x128xf32> to vector<128x128xf32>
      %div3A_315 = arith.constant 2.000000e+01 : f32
      %div3A_316 = vector.broadcast %div3A_315 : f32 to vector<128x128xf32>
      %div3A_317 = arith.divf %reduce_sum3A_314, %div3A_316 : vector<128x128xf32>
      %dot_general3A_318 = arith.constant dense<0.000000e+00> : vector<128x128xf32>
      %dot_general3A_319 = tpu.matmul %div3A_317, %get3A_212, %dot_general3A_318 {dimension_numbers = #tpu.dot_dimension_numbers<[1], [0], [0], [1], [0, 0, 1, 1], [], []>, transpose_lhs_hint = false} : vector<128x128xf32>, vector<128x128xf32>, vector<128x128xf32> -> vector<128x128xf32>
      %add3A_320 = arith.addf %dot_general3A_319, %add3A_222 : vector<128x128xf32>
      %swap3A_321 = arith.constant 0 : index
      %swap3A_322 = arith.constant 0 : index
      %swap3A_323 = vector.load %arg38[%swap3A_321, %swap3A_322] : memref<128x128xf32, #tpu.memory_space<vmem>>, vector<128x128xf32>
      tpu.vector_store %arg38[%swap3A_321, %swap3A_322], %add3A_320 {strides = array<i32>} : memref<128x128xf32, #tpu.memory_space<vmem>>, vector<128x128xf32>,
    } else {
    }
    %eq3A_228 = arith.constant 1 : i32
    %eq3A_229 = arith.cmpi eq, %arg1, %eq3A_228 : i32
    %convert_element_type3A_230 = arith.extui %eq3A_229 : i1 to i32
    %cond3A_231 = arith.constant 0 : i32
    %cond3A_232 = arith.cmpi ne, %convert_element_type3A_230, %cond3A_231 : i32
    scf.if %cond3A_232 {
      %swap3A = arith.constant 0 : index
      %swap3A_238 = arith.constant 0 : index
      %swap3A_239 = vector.load %arg39[%swap3A, %swap3A_238] : memref<128x128xf32, #tpu.memory_space<vmem>>, vector<128x128xf32>
      tpu.vector_store %arg39[%swap3A, %swap3A_238], %add3A_225 {strides = array<i32>} : memref<128x128xf32, #tpu.memory_space<vmem>>, vector<128x128xf32>,
    } else {
    }
    %eq3A_233 = arith.constant 2 : i32
    %eq3A_234 = arith.cmpi eq, %arg1, %eq3A_233 : i32
    %convert_element_type3A_235 = arith.extui %eq3A_234 : i1 to i32
    %cond3A_236 = arith.constant 0 : i32
    %cond3A_237 = arith.cmpi ne, %convert_element_type3A_235, %cond3A_236 : i32
    scf.if %cond3A_237 {
      %get3A_238 = arith.constant 0 : index
      %get3A_239 = arith.constant 0 : index
      %get3A_240 = vector.load %arg30[%get3A_238, %get3A_239] : memref<128x128xf32, #tpu.memory_space<vmem>>, vector<128x128xf32>
      %get3A_241 = arith.constant 0 : index
      %get3A_242 = arith.constant 0 : index
      %get3A_243 = vector.load %arg31[%get3A_241, %get3A_242] : memref<128x128xf32, #tpu.memory_space<vmem>>, vector<128x128xf32>
      %get3A_244 = arith.constant 0 : index
      %get3A_245 = arith.constant 0 : index
      %get3A_246 = vector.load %arg32[%get3A_244, %get3A_245] : memref<1x128xf32, #tpu.memory_space<vmem>>, vector<1x128xf32>
      %get3A_247 = arith.constant 0 : index
      %get3A_248 = arith.constant 0 : index
      %get3A_249 = vector.load %arg33[%get3A_247, %get3A_248] : memref<1x128xf32, #tpu.memory_space<vmem>>, vector<1x128xf32>
      %get3A_250 = arith.constant 0 : index
      %get3A_251 = arith.constant 0 : index
      %get3A_252 = vector.load %arg34[%get3A_250, %get3A_251] : memref<1x1xf32, #tpu.memory_space<vmem>>, vector<1x1xf32>
      %get3A_253 = arith.constant 0 : index
      %get3A_254 = arith.constant 0 : index
      %get3A_255 = vector.load %arg37[%get3A_253, %get3A_254] : memref<128x128xf32, #tpu.memory_space<vmem>>, vector<128x128xf32>
      %dot_general3A_256 = arith.constant dense<0.000000e+00> : vector<128x128xf32>
      %dot_general3A_257 = tpu.matmul %get3A_255, %get3A_240, %dot_general3A_256 {dimension_numbers = #tpu.dot_dimension_numbers<[1], [0], [0], [1], [0, 0, 1, 1], [], []>, transpose_lhs_hint = false} : vector<128x128xf32>, vector<128x128xf32>, vector<128x128xf32> -> vector<128x128xf32>
      %get3A_258 = arith.constant 0 : index
      %get3A_259 = arith.constant 0 : index
      %get3A_260 = vector.load %arg39[%get3A_258, %get3A_259] : memref<128x128xf32, #tpu.memory_space<vmem>>, vector<128x128xf32>
      %dot_general3A_261 = arith.constant dense<0.000000e+00> : vector<128x128xf32>
      %dot_general3A_262 = tpu.matmul %get3A_260, %get3A_243, %dot_general3A_261 {dimension_numbers = #tpu.dot_dimension_numbers<[1], [0], [0], [1], [0, 0, 1, 1], [], []>, transpose_lhs_hint = false} : vector<128x128xf32>, vector<128x128xf32>, vector<128x128xf32> -> vector<128x128xf32>
      %add3A_263 = arith.addf %dot_general3A_257, %dot_general3A_262 : vector<128x128xf32>
      %add3A_264 = vector.broadcast %get3A_246 : vector<1x128xf32> to vector<128x128xf32>
      %add3A_265 = arith.addf %add3A_263, %add3A_264 : vector<128x128xf32>
      %max3A_266 = arith.constant 0.000000e+00 : f32
      %max3A_267 = vector.broadcast %max3A_266 : f32 to vector<128x128xf32>
      %max3A_268 = arith.maximumf %add3A_265, %max3A_267 : vector<128x128xf32>
      %mul3A_269 = vector.broadcast %get3A_249 : vector<1x128xf32> to vector<128x128xf32>
      %mul3A_270 = arith.mulf %max3A_268, %mul3A_269 : vector<128x128xf32>
      %reduce_sum3A_271 = arith.constant dense<0.000000e+00> : vector<128xf32>
      %reduce_sum3A_272 = vector.multi_reduction <add>, %mul3A_270, %reduce_sum3A_271 [1] : vector<128x128xf32> to vector<128xf32>
      %broadcast_in_dim3A_273 = vector.shape_cast %reduce_sum3A_272 : vector<128xf32> to vector<128x1xf32>
      %add3A_274 = vector.broadcast %get3A_252 : vector<1x1xf32> to vector<128x1xf32>
      %add3A_275 = arith.addf %broadcast_in_dim3A_273, %add3A_274 : vector<128x1xf32>
      %logistic3A = arith.negf %add3A_275 : vector<128x1xf32>
      %logistic3A_276 = math.exp %logistic3A : vector<128x1xf32>
      %logistic3A_277 = arith.constant 1.000000e+00 : f32
      %logistic3A_278 = vector.broadcast %logistic3A_277 : f32 to vector<128x1xf32>
      %logistic3A_279 = arith.addf %logistic3A_278, %logistic3A_276 : vector<128x1xf32>
      %logistic3A_280 = arith.divf %logistic3A_278, %logistic3A_279 : vector<128x1xf32>
      %swap3A = arith.constant 0 : index
      %swap3A_281 = arith.constant 0 : index
      %swap3A_282 = vector.load %arg35[%swap3A, %swap3A_281] : memref<128x1xf32, #tpu.memory_space<vmem>>, vector<128x1xf32>
      tpu.vector_store %arg35[%swap3A, %swap3A_281], %logistic3A_280 {strides = array<i32>} : memref<128x1xf32, #tpu.memory_space<vmem>>, vector<128x1xf32>,
      %get3A_283 = arith.constant 0 : index
      %get3A_284 = arith.constant 0 : index
      %get3A_285 = vector.load %arg38[%get3A_283, %get3A_284] : memref<128x128xf32, #tpu.memory_space<vmem>>, vector<128x128xf32>
      %dot_general3A_286 = arith.constant dense<0.000000e+00> : vector<128x128xf32>
      %dot_general3A_287 = tpu.matmul %get3A_285, %get3A_240, %dot_general3A_286 {dimension_numbers = #tpu.dot_dimension_numbers<[1], [0], [0], [1], [0, 0, 1, 1], [], []>, transpose_lhs_hint = false} : vector<128x128xf32>, vector<128x128xf32>, vector<128x128xf32> -> vector<128x128xf32>
      %dot_general3A_288 = arith.constant dense<0.000000e+00> : vector<128x128xf32>
      %dot_general3A_289 = tpu.matmul %add3A_225, %get3A_243, %dot_general3A_288 {dimension_numbers = #tpu.dot_dimension_numbers<[1], [0], [0], [1], [0, 0, 1, 1], [], []>, transpose_lhs_hint = false} : vector<128x128xf32>, vector<128x128xf32>, vector<128x128xf32> -> vector<128x128xf32>
      %add3A_290 = arith.addf %dot_general3A_287, %dot_general3A_289 : vector<128x128xf32>
      %add3A_291 = vector.broadcast %get3A_246 : vector<1x128xf32> to vector<128x128xf32>
      %add3A_292 = arith.addf %add3A_290, %add3A_291 : vector<128x128xf32>
      %max3A_293 = arith.constant 0.000000e+00 : f32
      %max3A_294 = vector.broadcast %max3A_293 : f32 to vector<128x128xf32>
      %max3A_295 = arith.maximumf %add3A_292, %max3A_294 : vector<128x128xf32>
      %mul3A_296 = vector.broadcast %get3A_249 : vector<1x128xf32> to vector<128x128xf32>
      %mul3A_297 = arith.mulf %max3A_295, %mul3A_296 : vector<128x128xf32>
      %reduce_sum3A_298 = arith.constant dense<0.000000e+00> : vector<128xf32>
      %reduce_sum3A_299 = vector.multi_reduction <add>, %mul3A_297, %reduce_sum3A_298 [1] : vector<128x128xf32> to vector<128xf32>
      %broadcast_in_dim3A_300 = vector.shape_cast %reduce_sum3A_299 : vector<128xf32> to vector<128x1xf32>
      %add3A_301 = vector.broadcast %get3A_252 : vector<1x1xf32> to vector<128x1xf32>
      %add3A_302 = arith.addf %broadcast_in_dim3A_300, %add3A_301 : vector<128x1xf32>
      %logistic3A_303 = arith.negf %add3A_302 : vector<128x1xf32>
      %logistic3A_304 = math.exp %logistic3A_303 : vector<128x1xf32>
      %logistic3A_305 = arith.constant 1.000000e+00 : f32
      %logistic3A_306 = vector.broadcast %logistic3A_305 : f32 to vector<128x1xf32>
      %logistic3A_307 = arith.addf %logistic3A_306, %logistic3A_304 : vector<128x1xf32>
      %logistic3A_308 = arith.divf %logistic3A_306, %logistic3A_307 : vector<128x1xf32>
      %swap3A_309 = arith.constant 0 : index
      %swap3A_310 = arith.constant 0 : index
      %swap3A_311 = vector.load %arg36[%swap3A_309, %swap3A_310] : memref<128x1xf32, #tpu.memory_space<vmem>>, vector<128x1xf32>
      tpu.vector_store %arg36[%swap3A_309, %swap3A_310], %logistic3A_308 {strides = array<i32>} : memref<128x1xf32, #tpu.memory_space<vmem>>, vector<128x1xf32>,
    } else {
    }
    return
  }
  func.func @transform_0(%arg0: i32, %arg1: i32) -> (i32, i32) {
    %mul3A = arith.constant 32 : i32
    %mul3A_0 = arith.muli %arg1, %mul3A : i32
    %add3A = arith.addi %mul3A_0, %arg0 : i32
    %c0_i32 = arith.constant 0 : i32
    %c0_i32_1 = arith.constant 0 : i32
    return %add3A, %c0_i32 : i32, i32
  }
  func.func @transform_1(%arg0: i32, %arg1: i32) -> (i32, i32) {
    %mul3A = arith.constant 32 : i32
    %mul3A_0 = arith.muli %arg1, %mul3A : i32
    %add3A = arith.addi %mul3A_0, %arg0 : i32
    %c0_i32 = arith.constant 0 : i32
    %c0_i32_1 = arith.constant 0 : i32
    return %add3A, %c0_i32 : i32, i32
  }
  func.func @transform_2(%arg0: i32, %arg1: i32) -> (i32, i32, i32) {
    %mul3A = arith.constant 32 : i32
    %mul3A_0 = arith.muli %arg1, %mul3A : i32
    %add3A = arith.addi %mul3A_0, %arg0 : i32
    %c0_i32 = arith.constant 0 : i32
    %c0_i32_1 = arith.constant 0 : i32
    %c0_i32_2 = arith.constant 0 : i32
    return %add3A, %c0_i32, %c0_i32_1 : i32, i32, i32
  }
  func.func @transform_3(%arg0: i32, %arg1: i32) -> (i32, i32, i32) {
    %c0_i32 = arith.constant 0 : i32
    %c0_i32_0 = arith.constant 0 : i32
    %c0_i32_1 = arith.constant 0 : i32
    return %arg0, %c0_i32, %c0_i32_0 : i32, i32, i32
  }
  func.func @transform_4(%arg0: i32, %arg1: i32) -> (i32, i32) {
    %mul3A = arith.constant 32 : i32
    %mul3A_0 = arith.muli %arg1, %mul3A : i32
    %add3A = arith.constant 0 : i32
    %add3A_1 = arith.addi %add3A, %mul3A_0 : i32
    %add3A_2 = arith.addi %add3A_1, %arg0 : i32
    %c0_i32 = arith.constant 0 : i32
    %c0_i32_3 = arith.constant 0 : i32
    return %add3A_2, %c0_i32 : i32, i32
  }
  func.func @transform_5(%arg0: i32, %arg1: i32) -> (i32, i32) {
    %mul3A = arith.constant 32 : i32
    %mul3A_0 = arith.muli %arg1, %mul3A : i32
    %add3A = arith.constant 96 : i32
    %add3A_1 = arith.addi %add3A, %mul3A_0 : i32
    %add3A_2 = arith.addi %add3A_1, %arg0 : i32
    %c0_i32 = arith.constant 0 : i32
    %c0_i32_3 = arith.constant 0 : i32
    return %add3A_2, %c0_i32 : i32, i32
  }
  func.func @transform_6(%arg0: i32, %arg1: i32) -> (i32, i32) {
    %mul3A = arith.constant 32 : i32
    %mul3A_0 = arith.muli %arg1, %mul3A : i32
    %add3A = arith.constant 192 : i32
    %add3A_1 = arith.addi %add3A, %mul3A_0 : i32
    %add3A_2 = arith.addi %add3A_1, %arg0 : i32
    %c0_i32 = arith.constant 0 : i32
    %c0_i32_3 = arith.constant 0 : i32
    return %add3A_2, %c0_i32 : i32, i32
  }
  func.func @transform_7(%arg0: i32, %arg1: i32) -> (i32, i32) {
    %mul3A = arith.constant 32 : i32
    %mul3A_0 = arith.muli %arg1, %mul3A : i32
    %add3A = arith.constant 0 : i32
    %add3A_1 = arith.addi %add3A, %mul3A_0 : i32
    %add3A_2 = arith.addi %add3A_1, %arg0 : i32
    %c0_i32 = arith.constant 0 : i32
    %c0_i32_3 = arith.constant 0 : i32
    return %add3A_2, %c0_i32 : i32, i32
  }
  func.func @transform_8(%arg0: i32, %arg1: i32) -> (i32, i32) {
    %mul3A = arith.constant 32 : i32
    %mul3A_0 = arith.muli %arg1, %mul3A : i32
    %add3A = arith.constant 96 : i32
    %add3A_1 = arith.addi %add3A, %mul3A_0 : i32
    %add3A_2 = arith.addi %add3A_1, %arg0 : i32
    %c0_i32 = arith.constant 0 : i32
    %c0_i32_3 = arith.constant 0 : i32
    return %add3A_2, %c0_i32 : i32, i32
  }
  func.func @transform_9(%arg0: i32, %arg1: i32) -> (i32, i32) {
    %mul3A = arith.constant 32 : i32
    %mul3A_0 = arith.muli %arg1, %mul3A : i32
    %add3A = arith.constant 192 : i32
    %add3A_1 = arith.addi %add3A, %mul3A_0 : i32
    %add3A_2 = arith.addi %add3A_1, %arg0 : i32
    %c0_i32 = arith.constant 0 : i32
    %c0_i32_3 = arith.constant 0 : i32
    return %add3A_2, %c0_i32 : i32, i32
  }
  func.func @transform_10(%arg0: i32, %arg1: i32) -> (i32, i32) {
    %eq3A = arith.constant 0 : i32
    %eq3A_0 = arith.cmpi eq, %arg1, %eq3A : i32
    %jit3A = arith.constant 32 : i32
    %jit3A_1 = arith.constant 0 : i32
    %select_n3A = arith.select %eq3A_0, %jit3A, %jit3A_1 : i32
    %add3A = arith.constant 0 : i32
    %add3A_2 = arith.addi %add3A, %select_n3A : i32
    %add3A_3 = arith.addi %add3A_2, %arg0 : i32
    %c0_i32 = arith.constant 0 : i32
    %c0_i32_4 = arith.constant 0 : i32
    return %add3A_3, %c0_i32 : i32, i32
  }
  func.func @transform_11(%arg0: i32, %arg1: i32) -> (i32, i32) {
    %eq3A = arith.constant 0 : i32
    %eq3A_0 = arith.cmpi eq, %arg1, %eq3A : i32
    %jit3A = arith.constant 32 : i32
    %jit3A_1 = arith.constant 0 : i32
    %select_n3A = arith.select %eq3A_0, %jit3A, %jit3A_1 : i32
    %add3A = arith.constant 96 : i32
    %add3A_2 = arith.addi %add3A, %select_n3A : i32
    %add3A_3 = arith.addi %add3A_2, %arg0 : i32
    %c0_i32 = arith.constant 0 : i32
    %c0_i32_4 = arith.constant 0 : i32
    return %add3A_3, %c0_i32 : i32, i32
  }
  func.func @transform_12(%arg0: i32, %arg1: i32) -> (i32, i32) {
    %eq3A = arith.constant 0 : i32
    %eq3A_0 = arith.cmpi eq, %arg1, %eq3A : i32
    %jit3A = arith.constant 32 : i32
    %jit3A_1 = arith.constant 0 : i32
    %select_n3A = arith.select %eq3A_0, %jit3A, %jit3A_1 : i32
    %add3A = arith.constant 192 : i32
    %add3A_2 = arith.addi %add3A, %select_n3A : i32
    %add3A_3 = arith.addi %add3A_2, %arg0 : i32
    %c0_i32 = arith.constant 0 : i32
    %c0_i32_4 = arith.constant 0 : i32
    return %add3A_3, %c0_i32 : i32, i32
  }
  func.func @transform_13(%arg0: i32, %arg1: i32) -> (i32, i32) {
    %add3A = arith.constant 64 : i32
    %add3A_0 = arith.addi %add3A, %arg0 : i32
    %c0_i32 = arith.constant 0 : i32
    %c0_i32_1 = arith.constant 0 : i32
    return %add3A_0, %c0_i32 : i32, i32
  }
  func.func @transform_14(%arg0: i32, %arg1: i32) -> (i32, i32) {
    %add3A = arith.constant 160 : i32
    %add3A_0 = arith.addi %add3A, %arg0 : i32
    %c0_i32 = arith.constant 0 : i32
    %c0_i32_1 = arith.constant 0 : i32
    return %add3A_0, %c0_i32 : i32, i32
  }
  func.func @transform_15(%arg0: i32, %arg1: i32) -> (i32, i32) {
    %add3A = arith.constant 256 : i32
    %add3A_0 = arith.addi %add3A, %arg0 : i32
    %c0_i32 = arith.constant 0 : i32
    %c0_i32_1 = arith.constant 0 : i32
    return %add3A_0, %c0_i32 : i32, i32
  }
  func.func @transform_16(%arg0: i32, %arg1: i32) -> (i32, i32) {
    %mul3A = arith.constant 32 : i32
    %mul3A_0 = arith.muli %arg1, %mul3A : i32
    %add3A = arith.addi %mul3A_0, %arg0 : i32
    %c0_i32 = arith.constant 0 : i32
    %c0_i32_1 = arith.constant 0 : i32
    return %add3A, %c0_i32 : i32, i32
  }
  func.func @transform_17(%arg0: i32, %arg1: i32) -> (i32, i32) {
    %c0_i32 = arith.constant 0 : i32
    %c0_i32_0 = arith.constant 0 : i32
    %c0_i32_1 = arith.constant 0 : i32
    return %c0_i32, %c0_i32_0 : i32, i32
  }
  func.func @transform_18(%arg0: i32, %arg1: i32) -> (i32, i32) {
    %c0_i32 = arith.constant 0 : i32
    %c0_i32_0 = arith.constant 0 : i32
    %c0_i32_1 = arith.constant 0 : i32
    return %c0_i32, %c0_i32_0 : i32, i32
  }
  func.func @transform_19(%arg0: i32, %arg1: i32) -> (i32, i32) {
    %c0_i32 = arith.constant 0 : i32
    %c0_i32_0 = arith.constant 0 : i32
    %c0_i32_1 = arith.constant 0 : i32
    return %c0_i32, %c0_i32_0 : i32, i32
  }
  func.func @transform_20(%arg0: i32, %arg1: i32) -> (i32, i32) {
    %c0_i32 = arith.constant 0 : i32
    %c0_i32_0 = arith.constant 0 : i32
    %c0_i32_1 = arith.constant 0 : i32
    return %c0_i32, %c0_i32_0 : i32, i32
  }
  func.func @transform_21(%arg0: i32, %arg1: i32) -> (i32, i32) {
    %c0_i32 = arith.constant 0 : i32
    %c0_i32_0 = arith.constant 0 : i32
    %c0_i32_1 = arith.constant 0 : i32
    return %c0_i32, %c0_i32_0 : i32, i32
  }
  func.func @transform_22(%arg0: i32, %arg1: i32) -> (i32, i32) {
    %c0_i32 = arith.constant 0 : i32
    %c0_i32_0 = arith.constant 0 : i32
    %c0_i32_1 = arith.constant 0 : i32
    return %c0_i32, %c0_i32_0 : i32, i32
  }
  func.func @transform_23(%arg0: i32, %arg1: i32) -> (i32, i32) {
    %c0_i32 = arith.constant 0 : i32
    %c0_i32_0 = arith.constant 0 : i32
    %c0_i32_1 = arith.constant 0 : i32
    return %c0_i32, %c0_i32_0 : i32, i32
  }
  func.func @transform_24(%arg0: i32, %arg1: i32) -> (i32, i32) {
    %c0_i32 = arith.constant 0 : i32
    %c0_i32_0 = arith.constant 0 : i32
    %c0_i32_1 = arith.constant 0 : i32
    return %c0_i32, %c0_i32_0 : i32, i32
  }
  func.func @transform_25(%arg0: i32, %arg1: i32) -> (i32, i32) {
    %c0_i32 = arith.constant 0 : i32
    %c0_i32_0 = arith.constant 0 : i32
    %c0_i32_1 = arith.constant 0 : i32
    return %c0_i32, %c0_i32_0 : i32, i32
  }
  func.func @transform_26(%arg0: i32, %arg1: i32) -> (i32, i32) {
    %c0_i32 = arith.constant 0 : i32
    %c0_i32_0 = arith.constant 0 : i32
    %c0_i32_1 = arith.constant 0 : i32
    return %c0_i32, %c0_i32_0 : i32, i32
  }
  func.func @transform_27(%arg0: i32, %arg1: i32) -> (i32, i32) {
    %c0_i32 = arith.constant 0 : i32
    %c0_i32_0 = arith.constant 0 : i32
    %c0_i32_1 = arith.constant 0 : i32
    return %c0_i32, %c0_i32_0 : i32, i32
  }
  func.func @transform_28(%arg0: i32, %arg1: i32) -> (i32, i32) {
    %c0_i32 = arith.constant 0 : i32
    %c0_i32_0 = arith.constant 0 : i32
    %c0_i32_1 = arith.constant 0 : i32
    return %c0_i32, %c0_i32_0 : i32, i32
  }
  func.func @transform_29(%arg0: i32, %arg1: i32) -> (i32, i32) {
    %c0_i32 = arith.constant 0 : i32
    %c0_i32_0 = arith.constant 0 : i32
    %c0_i32_1 = arith.constant 0 : i32
    return %c0_i32, %c0_i32_0 : i32, i32
  }
  func.func @transform_30(%arg0: i32, %arg1: i32) -> (i32, i32) {
    %c0_i32 = arith.constant 0 : i32
    %c0_i32_0 = arith.constant 0 : i32
    %c0_i32_1 = arith.constant 0 : i32
    return %c0_i32, %c0_i32_0 : i32, i32
  }
  func.func @transform_31(%arg0: i32, %arg1: i32) -> (i32, i32) {
    %c0_i32 = arith.constant 0 : i32
    %c0_i32_0 = arith.constant 0 : i32
    %c0_i32_1 = arith.constant 0 : i32
    return %c0_i32, %c0_i32_0 : i32, i32
  }
  func.func @transform_32(%arg0: i32, %arg1: i32) -> (i32, i32) {
    %c0_i32 = arith.constant 0 : i32
    %c0_i32_0 = arith.constant 0 : i32
    %c0_i32_1 = arith.constant 0 : i32
    return %c0_i32, %c0_i32_0 : i32, i32
  }
  func.func @transform_33(%arg0: i32, %arg1: i32) -> (i32, i32) {
    %c0_i32 = arith.constant 0 : i32
    %c0_i32_0 = arith.constant 0 : i32
    return %arg0, %c0_i32 : i32, i32
  }
  func.func @transform_34(%arg0: i32, %arg1: i32) -> (i32, i32) {
    %c0_i32 = arith.constant 0 : i32
    %c0_i32_0 = arith.constant 0 : i32
    return %arg0, %c0_i32 : i32, i32
  }
}

</mosaic_0001>

<sc_bundles>
// kernel: kernel.4.cloned.1.call-start
scs
__scs_entry_jumppad:
0x0: {  	(pc) =	sbr.rel $0x88, $3  }
0x1: {  	(tag) =	ssettag $0x0;
	lr =	simm.s32 $0x1  }
0x2: {  	[smem:$0x3F8E] =	sst lr;
	_ =	strace $0xD0000000  }
0x3: {  	_ = 	snop  }
0x4: {  	_ = 	snop  }
0x5: {  	_ = 	snop  }
0x6: {  	_ = 	snop  }
0x7: {  	_ = 	snop  }
__scs_overlays_trampoline_lowered:
0x8: {  	[smem:$0x3F9D] =	sst s0  }
0x9: {  	[smem:$0x3F9E] =	sst s1  }
0xa: {  	[smem:$0x3F9F] =	sst s2  }
0xb: {  	[smem:$0x3FA0] =	sst s3  }
0xc: {  	[smem:$0x3FA1] =	sst s4  }
0xd: {  	[smem:$0x3FA2] =	sst s5  }
0xe: {  	[smem:$0x3FA3] =	sst s6  }
0xf: {  	[smem:$0x3FA4] =	sst s7  }
0x10: {  	[smem:$0x3FA5] =	sst s8  }
0x11: {  	[smem:$0x3FA6] =	sst s9;
	s0 =	simm.s32 @!p0 $0x0  }
0x12: {  	s1 =	sld [smem:$0x3F8C];
	s0 =	simm.s32 @p0 $0x1  }
0x13: {  	[smem:$0x3FA7] =	sst s0;
	s0 =	simm.s32 @!p1 $0x0  }
0x14: {  	s2 =	sld [smem:$0x3F8B];
	s0 =	simm.s32 @p1 $0x1  }
0x15: {  	[smem:$0x3FA8] =	sst s0;
	s0 =	simm.s32 @!p2 $0x0  }
0x16: {  	s3 =	sld [smem:$0x3FDB];
	s0 =	simm.s32 @p2 $0x1  }
0x17: {  	s4 =	simm.s32 $0x1BF5;
	[smem:$0x3FAA] =	sst s0  }
0x18: {  	s0 =	sld [smem:$0x3F8D];
	_ =	swait.ge [sflag:s4], $0x0  }
0x19: {  	s7 =	sld [smem:$0x3F8E]  }
0x1a: {  	s8 =	sadd.s32 $0xFFFFE003, lr  }
0x1b: {  	s9 =	sadd.s32 $0xFFFFFEF7, lr;
	s5 =	simm.s32 $0xFFFFFFFF;
	p2 =	slt.u32 s8, $0xFFFFF086  }
0x1c: {  	p1 =	slt.u32 s9, $0xF7A;
	s5 =	simm.s32 @!p2 $0x0  }
0x1d: {  	s5 =	simm.s32 @p1 $0x1;
	p0 =	seq.s32 s7, s2  }
0x1e: {  	s7 =	smul.u32 @!p0 $0xF7A, s2;
	p2 =	seq.s32 @!p0 s5, $0x0  }
0x1f: {  	s9 =	smul.u32 $0xF7A, s1;
	s8 =	simm.s32 @!p0 $0x1BF5;
	p2 =	por !p2, p0  }
0x20: {  	[sflag:s8] =	ssyncset.s32 @!p0 $0xFFFFF086;
	s6 =	sadd.s32 @!p0 s3, s7;
	s7 =	simm.s32 @!p0 $0x108  }
0x21: {  	s3 =	sadd.s32 s3, s9;
	s6 =	sadd.s32 @!p0 $0x88, s6;
	s7 =	simm.s32 @p2 $0x1082  }
0x22: {  	[simem:s7], [sflag:s8] =	dma.local @!p0 [hbm:s6], $0xF7A  }
0x23: {  	s9 =	sor.u32 $0xD0000000, s2;
	s6 =	simm.s32 $0x108;
	_ =	swait.ge @!p0 [sflag:s8], $0x0  }
0x24: {  	s3 =	sadd.s32 $0x88, s3;
	s6 =	simm.s32 @!p1 $0x1082;
	[sflag:s4] =	ssyncset.s32 $0xFFFFF086  }
0x25: {  	[simem:s6], [sflag:s4] =	dma.local [hbm:s3], $0xF7A  }
0x26: {  	[smem:$0x3F8E] =	sst s1;
	(tag) =	ssettag s2;
	_ =	strace s9  }
0x27: {  	s1 =	sld [smem:$0x3F9E]  }
0x28: {  	s2 =	sld [smem:$0x3F9F]  }
0x29: {  	s4 =	sld [smem:$0x3FA1]  }
0x2a: {  	p0 =	seq.s32 s5, $0x0;
	s5 =	sld [smem:$0x3FA2]  }
0x2b: {  	s6 =	sld [smem:$0x3FA3]  }
0x2c: {  	s7 =	sld [smem:$0x3FA4]  }
0x2d: {  	s3 =	simm.s32 $0x108;
	s8 =	sld [smem:$0x3FA5]  }
0x2e: {  	s3 =	simm.s32 @!p0 $0x1082;
	s9 =	sld [smem:$0x3FA6]  }
0x2f: {  	lr =	sadd.s32 s0, s3;
	s0 =	sld [smem:$0x3F9D]  }
0x30: {  	s3 =	sld [smem:$0x3FA0]  }
0x31: {  	[smem:$0x3FA9] =	sst s10  }
0x32: {  	s10 =	sld [smem:$0x3FA7];
	_ =	sdelay $0x3  }
0x33: {  	p0 =	seq.s32 s10, $0x1;
	s10 =	sld [smem:$0x3FA9];
	_ =	sdelay $0x3  }
0x34: {  	[smem:$0x3FA9] =	sst s10  }
0x35: {  	s10 =	sld [smem:$0x3FA8];
	_ =	sdelay $0x3  }
0x36: {  	p1 =	seq.s32 s10, $0x1;
	s10 =	sld [smem:$0x3FA9];
	_ =	sdelay $0x3  }
0x37: {  	[smem:$0x3FA9] =	sst s10  }
0x38: {  	s10 =	sld [smem:$0x3FAA]  }
0x39: {  	_ = 	snop;
	(pc) =	sbr.ind lr, $3  }
0x3a: {  	_ = 	snop  }
0x3b: {  	_ = 	snop  }
0x3c: {  	p2 =	seq.s32 s10, $0x1;
	s10 =	sld [smem:$0x3FA9]  }
0x3d: {  	_ =	shalt  }
0x3e: {  	_ =	shalt  }
0x3f: {  	_ =	shalt  }
0x40: {  	_ =	shalt  }
0x41: {  	_ =	shalt  }
0x42: {  	_ =	shalt  }
0x43: {  	_ =	shalt  }
0x44: {  	_ =	shalt  }
0x45: {  	_ =	shalt  }
0x46: {  	_ =	shalt  }
0x47: {  	_ =	shalt  }
0x48: {  	_ =	shalt  }
0x49: {  	_ =	shalt  }
0x4a: {  	_ =	shalt  }
0x4b: {  	_ =	shalt  }
0x4c: {  	_ =	shalt  }
0x4d: {  	_ =	shalt  }
0x4e: {  	_ =	shalt  }
0x4f: {  	_ =	shalt  }
0x50: {  	_ =	shalt  }
0x51: {  	_ =	shalt  }
0x52: {  	_ =	shalt  }
0x53: {  	_ =	shalt  }
0x54: {  	_ =	shalt  }
0x55: {  	_ =	shalt  }
0x56: {  	_ =	shalt  }
0x57: {  	_ =	shalt  }
0x58: {  	_ =	shalt  }
0x59: {  	_ =	shalt  }
0x5a: {  	_ =	shalt  }
0x5b: {  	_ =	shalt  }
0x5c: {  	_ =	shalt  }
0x5d: {  	_ =	shalt  }
0x5e: {  	_ =	shalt  }
0x5f: {  	_ =	shalt  }
0x60: {  	_ =	shalt  }
0x61: {  	_ =	shalt  }
0x62: {  	_ =	shalt  }
0x63: {  	_ =	shalt  }
0x64: {  	_ =	shalt  }
0x65: {  	_ =	shalt  }
0x66: {  	_ =	shalt  }
0x67: {  	_ =	shalt  }
0x68: {  	_ =	shalt  }
0x69: {  	_ =	shalt  }
0x6a: {  	_ =	shalt  }
0x6b: {  	_ =	shalt  }
0x6c: {  	_ =	shalt  }
0x6d: {  	_ =	shalt  }
0x6e: {  	_ =	shalt  }
0x6f: {  	_ =	shalt  }
0x70: {  	_ =	shalt  }
0x71: {  	_ =	shalt  }
0x72: {  	_ =	shalt  }
0x73: {  	_ =	shalt  }
0x74: {  	_ =	shalt  }
0x75: {  	_ =	shalt  }
0x76: {  	_ =	shalt  }
0x77: {  	_ =	shalt  }
0x78: {  	_ =	shalt  }
0x79: {  	_ =	shalt  }
0x7a: {  	_ =	shalt  }
0x7b: {  	_ =	shalt  }
0x7c: {  	_ =	shalt  }
0x7d: {  	_ =	shalt  }
0x7e: {  	_ =	shalt  }
0x7f: {  	_ =	shalt  }
0x80: {  	_ =	shalt  }
0x81: {  	_ =	shalt  }
0x82: {  	_ =	shalt  }
0x83: {  	_ =	shalt  }
0x84: {  	_ =	shalt  }
0x85: {  	_ =	shalt  }
0x86: {  	_ =	shalt  }
0x87: {  	_ =	shalt  }
.Lfunc_end0:
.L_simem_size_0:
called_computation_lowered:
.L_overlay_start_0:
0x88: {  	s2 =	sld [smem:$0x3FD9]  }
0x89: {  	s3 =	sld [smem:$0x3FFE];
	_ =	sdelay $0x1  }
0x8a: {  	s1 =	srdreg.scid  }
0x8b: {  	s0 =	sand.u32 $0x1, s1  }
0x8c: {  	s17 =	sshll.u32 s0, $0xA;
	s2 =	sadd.s32 s3, s2  }
0x8d: {  	s2 =	sadd.s32 s2, s17  }
0x8e: {  	[smem:$0x3FB5] =	sst s2  }
0x8f: {  	_ = 	snop  }
0x90: {  	s2 =	sld [smem:$0x3FC2];
	(tm) =	ssettm $0x1  }
0x91: {  	s18 =	sld [smem:$0x3FFB];
	_ =	sdelay $0x3  }
0x92: {  	_ =	strace s18  }
0x93: {  	s3 =	sld [smem:$0x3FFC];
	_ =	sdelay $0x3  }
0x94: {  	_ =	strace s3  }
0x95: {  	s3 =	sld [smem:$0x3FFD];
	_ =	sdelay $0x3  }
0x96: {  	_ =	strace s3  }
0x97: {  	_ =	strace $0x8FFFFFFF  }
0x98: {  	s19 =	sld [smem:$0x3FDB];
	_ =	sdelay $0x1  }
0x99: {  	s4 =	simm.s32 $_scs_section_size  }
0x9a: {  	s5 =	simm.s32 $_size__tile_overlayer_lowered;
	s6 =	simm.s32 $_tile_overlayer_lowered  }
0x9b: {  	s22 =	simm.s32 $0x1BFF;
	s21 =	sshll.u32 s6, $0x1;
	s3 =	sadd.s32 s4, s19  }
0x9c: {  	s7 =	simm.s32 $0x0;
	s20 =	sshll.u32 s5, $0x1;
	s5 =	sadd.s32 s21, s3  }
0x9d: {  	[timem:s7], [sflag:s22] =	dma.local [hbm:s5], s20  }
0x9e: {  	_ =	swait.ge [sflag:s22], s20  }
0x9f: {  	s4 =	ssub.s32 $0x0, s20;
	[sflag:s22] =	ssyncset.done $0x0  }
0xa0: {  	[sflag:s22] =	ssyncadd.s32 s4;
	_ =	sdelay $0x1  }
0xa1: {  	s23 =	simm.s32 $0x1B8B  }
0xa2: {  	_ =	swait.ge [sflag:s23], $0x1  }
0xa3: {  	[sflag:s23] =	ssyncset.done $0x0  }
0xa4: {  	s25 =	simm.s32 $0x1B8E;
	s24 =	sld [smem:$0x3FFE];
	[sflag:s23] =	ssyncadd.s32 $0xFFFFFFFF  }
0xa5: {  	s26 =	simm.s32 $execute0_lowered;
	[smem:$0x3FD2] =	sst s25  }
0xa6: {  	s5 =	sshll.u32 s26, $0x1;
	_ =	strace $0x80000046;
	[dreg:$0x1] =	wrdreg $0xFFFFFFFF  }
0xa7: {  	s28 =	simm.s32 $_size_execute0_lowered;
	s3 =	sadd.s32 s3, s5;
	[dreg:$0x0] =	wrdreg $0x0  }
0xa8: {  	s5 =	sshll.u32 s28, $0x1;
	[dreg:$0x2] =	wrdreg s3  }
0xa9: {  	[dreg:$0x3] =	wrdreg s5  }
0xaa: {  	[dreg:$0x4] =	wrdreg $0xC0  }
0xab: {  	_ =	task [dreg:s7], $0x5FFFF  }
0xac: {  	[dreg:$0x1] =	wrdreg $0xFFFFFFFF  }
0xad: {  	[dreg:$0x0] =	wrdreg $0x60  }
0xae: {  	[dreg:$0x2] =	wrdreg s2  }
0xaf: {  	[dreg:$0x3] =	wrdreg s24  }
0xb0: {  	[dreg:$0x4] =	wrdreg $0x9  }
0xb1: {  	_ =	task.clear_ibuf [dreg:s7], $0x5FFFF;
	_ =	strace $0x90000046  }
0xb2: {  	s29 =	simm.s32 $0x9;
	_ =	strace $0x80000048  }
0xb3: {  	_ =	swait.ge [sflag:s29], $0x1  }
0xb4: {  	[sflag:s29] =	ssyncadd.s32 $0xFFFFFFFF  }
0xb5: {  	_ =	strace $0x90000048  }
0xb6: {  	_ =	sfence  }
0xb7: {  	s30 =	sld [smem:$0x0];
	_ =	sdelay $0x2  }
0xb8: {  	s31 =	sshll.u32 s1, $0xD;
	s1 =	sshrl.u32 s1, $0x2  }
0xb9: {  	s3 =	sand.u32 $0x4000, s31;
	s1 =	sadd.s32 s1, s30  }
0xba: {  	s0 =	sor.u32 s3, s0;
	s1 =	sshll.u32 s1, $0x11  }
0xbb: {  	s0 =	sor.u32 s1, s0  }
0xbc: {  	s0 =	sadd.s32 $0x8F2B, s0  }
0xbd: {  	[sflag:s0] =	ssyncadd.remote.s32 $0x1  }
0xbe: {  	_ =	sfence.sel $0xFFFF  }
0xbf: {  	[dreg:$0x0] =	wrdreg $0xFFFFFFFF;
	(pc) =	sbr.abs _section_cstart, $3  }
0xc0: {  	[dreg:$0x1] =	wrdreg $0xFFFFFFFF  }
0xc1: {  	_ =	task.clear_ibuf [dreg:s7], $0x2FFFF;
	_ =	strace $0x9FFFFFFF  }
0xc2: {  	(tm) =	ssettm $0x7FFFFFFF  }
0xc3: {  	_ =	shalt  }
tec
execute0_lowered:
.L_overlay_start_1:
0x0: {  	(tag) =	ssettag $0x1  }
0x1: {  	s0 =	srdreg.scid;
	s2 =	rddreg [dreg:$0x0]  }
0x2: {  	s11 =	stileid.u32;
	s6 =	rddreg [dreg:$0x1]  }
0x3: {  	s3 =	simm.s32 $0x0;
	s29 =	simm.s32 $0x1FC0;
	s24 =	smul.u32 $0x1E0000, s11  }
0x4: {  	s0 =	sand.u32 $0x1, s0;
	s1 =	sshll.u32 s11, $0x1;
	s30 =	smul.u32 $0x3C00, s11  }
0x5: {  	[smem:$0x7FF] =	sst s3;
	s13 =	sadd.s32 $0x83400, s6;
	s26 =	smul.u32 $0xF0000, s0  }
0x6: {  	s1 =	sor.u32 s0, s1;
	s8 =	ssub.s32 $0x2, s0;
	s0 =	smul.u32 $0x1E00, s0  }
0x7: {  	s14 =	sadd.s32 $0x53400, s6;
	s16 =	sadd.s32 $0xB400, s6;
	s4 =	smul.u32 $0x1E00, s1  }
0x8: {  	s12 =	sadd.s32 $0x23400, s6;
	s11 =	simm.s32 $0x1E00;
	s5 =	smul.u32 $0x30, s1  }
0x9: {  	_ =	strace $0x80000047;
	[dreg:$0x5] =	wrdreg s12;
	s15 =	smul.u32 $0xF0000, s1  }
0xa: {  	s12 =	simm.s32 $0x0;
	s10 =	sshrl.u32 s8, $0x1;
	s18 =	smul.u32 $0xC000, s1  }
0xb: {  	s21 =	smul.u32 $0x6000, s1;
	s17 =	ssub.s32 s8, s10;
	s8 =	sadd.s32 $0x8C1400, s6  }
0xc: {  	s10 =	sadd.s32 $0xAA1400, s6;
	s7 =	sshrl.u32 s4, $0x3;
	s4 =	sadd.s32 $0x497400, s6  }
0xd: {  	s9 =	sadd.s32 s5, s6;
	s5 =	sadd.s32 $0x6E1400, s6;
	s23 =	smax.u32 s17, $0x1  }
0xe: {  	s28 =	sshrl.u32 s18, $0x3;
	s9 =	sadd.s32 $0xAE00, s9;
	[dreg:$0x7] =	wrdreg s23  }
0xf: {  	s7 =	sadd.s32 s7, s6;
	s6 =	sadd.s32 $0x3B400, s6;
	[dreg:$0x4] =	wrdreg s9  }
0x10: {  	s15 =	sshrl.u32 s15, $0x3;
	s31 =	sadd.s32 s14, s28;
	[dreg:$0x6] =	wrdreg s6  }
0x11: {  	s15 =	sadd.s32 s13, s15;
	s7 =	sadd.s32 $0x3600, s7;
	[dreg:$0xa] =	wrdreg s31  }
0x12: {  	s22 =	smul.u32 $0x1E000, s1;
	s25 =	sadd.s32 $0x1D800, s15;
	[dreg:$0x3] =	wrdreg s7  }
0x13: {  	s0 =	sadd.s32 s0, s30;
	s9 =	sshrl.u32 s21, $0x3;
	[dreg:$0x8] =	wrdreg s25  }
0x14: {  	s0 =	sshll.u32 s0, $0x4;
	s30 =	sadd.s32 $0x800, s31;
	[dreg:$0xe] =	wrdreg s9  }
0x15: {  	s6 =	sadd.s32 s13, s22;
	s31 =	sadd.s32 $0x1000, s31;
	[dreg:$0x1a] =	wrdreg s30  }
0x16: {  	s18 =	simm.s32 $0x40;
	s6 =	sadd.s32 $0x1DC00, s6;
	[dreg:$0x1b] =	wrdreg s31  }
0x17: {  	s0 =	sadd.s32 s0, s13;
	s19 =	sadd.s32 s16, s9;
	[dreg:$0x9] =	wrdreg s6  }
0x18: {  	s7 =	smul.u32 $0xF00, s1;
	s20 =	sor.u32 $0x8, s9;
	[dreg:$0xf] =	wrdreg s19  }
0x19: {  	s1 =	smul.u32 $0x1800, s1;
	s21 =	sadd.s32 $0x400, s9;
	[dreg:$0x10] =	wrdreg s20  }
0x1a: {  	s25 =	sadd.s32 $0x800, s9;
	s6 =	sadd.s32 s26, s24;
	[dreg:$0x11] =	wrdreg s21  }
0x1b: {  	s23 =	sadd.s32 s16, s21;
	s24 =	sadd.s32 $0x408, s9;
	[dreg:$0x16] =	wrdreg s25  }
0x1c: {  	s26 =	sadd.s32 $0x808, s9;
	s19 =	simm.s32 $0x4000;
	[dreg:$0x13] =	wrdreg s23  }
0x1d: {  	s21 =	simm.s32 $0x2;
	s1 =	sadd.s32 s14, s1;
	[dreg:$0x14] =	wrdreg s24  }
0x1e: {  	s17 =	sshrl.u32 s6, $0x3;
	[dreg:$0x17] =	wrdreg s26;
	s28 =	sadd.s32 s16, s26  }
0x1f: {  	s6 =	sadd.s32 $0x400, s0;
	s14 =	sadd.s32 $0x400, s1;
	[dreg:$0x19] =	wrdreg s28  }
0x20: {  	s26 =	simm.s32 $0x6000;
	s15 =	sadd.s32 $0xC00, s1;
	[dreg:$0xb] =	wrdreg s14  }
0x21: {  	s0 =	simm.s32 $0x80;
	s1 =	sadd.s32 $0x1400, s1;
	[dreg:$0xc] =	wrdreg s15  }
0x22: {  	s22 =	sadd.s32 s17, s13;
	[dreg:$0xd] =	wrdreg s1;
	s1 =	sadd.s32 s16, s20  }
0x23: {  	s17 =	simm.s32 $0x2000;
	[dreg:$0x12] =	wrdreg s1;
	s1 =	sadd.s32 s16, s24  }
0x24: {  	s14 =	simm.s32 $0x3;
	[dreg:$0x15] =	wrdreg s1;
	s1 =	sadd.s32 s16, s25  }
0x25: {  	s15 =	simm.s32 $0x1;
	[dreg:$0x18] =	wrdreg s1;
	s1 =	simm.s32 $0x7000  }
.LBB2_1:
0x26: {  	[dreg:$0x1c] =	wrdreg s12  }
0x27: {  	s9 =	rddreg [dreg:$0x3]  }
0x28: {  	[tilespmem:s3], [sflag:$0x3] =	stream.linear.gather [hbm4b:s9+s3], $0x1E00, $0x38;
	[tilespmem:$0x8000] =	vst v63  }
0x29: {  	_ =	swait.ge [sflag:s14], $0x1E00  }
0x2a: {  	[sflag:s14] =	ssyncset.done $0x0  }
0x2b: {  	s28 =	rddreg [dreg:$0x4];
	[sflag:s14] =	ssyncadd.s32 $0xFFFFE200  }
0x2c: {  	[tilespmem:s11], [sflag:$0x3] =	stream.linear.gather [hbm4b:s28+s3], $0x180, $0x38;
	[tilespmem:$0x8000] =	vst v63  }
0x2d: {  	_ =	swait.ge [sflag:s14], $0x180  }
0x2e: {  	[sflag:s14] =	ssyncset.done $0x0  }
0x2f: {  	[sflag:s14] =	ssyncadd.s32 $0xFFFFFE80  }
0x30: {  	[tilespmem:s17], [sflag:$0x1] =	stream.indirect.gather [hbm4b:s2+s18], $0x80, s3, s18, $0xb8;
	[tilespmem:$0x8000] =	vst v63  }
0x31: {  	_ = 	snop  }
0x32: {  	[tilespmem:s19], [sflag:$0x2] =	stream.indirect.gather [hbm4b:s2+s18], $0x80, s18, s18, $0xb8;
	[tilespmem:$0x8000] =	vst v63  }
0x33: {  	_ =	swait.ge [sflag:s15], $0x2000  }
0x34: {  	[sflag:s15] =	ssyncset.done $0x0  }
0x35: {  	s13 =	sadd.s32 $0x0, s22;
	[sflag:s15] =	ssyncadd.s32 $0xFFFFE000  }
0x36: {  	[hbm4b:s13+s3] =	stream.linear.scatter [tilespmem:s17], [sflag:$0x3], $0x2000, $0x38;
	[tilespmem:$0x8000] =	vst v63  }
0x37: {  	_ =	swait.ge [sflag:s14], $0x2000  }
0x38: {  	[sflag:s14] =	ssyncset.done $0x0  }
0x39: {  	s30 =	simm.s32 $0x80;
	[sflag:s14] =	ssyncadd.s32 $0xFFFFE000  }
0x3a: {  	[tilespmem:s17], [sflag:$0x1] =	stream.indirect.gather [hbm4b:s2+s18], $0x80, s30, s18, $0xb8;
	[tilespmem:$0x8000] =	vst v63  }
0x3b: {  	_ =	swait.ge [sflag:s21], $0x2000  }
0x3c: {  	[sflag:s21] =	ssyncset.done $0x0  }
0x3d: {  	s31 =	sadd.s32 $0x0, s6;
	[sflag:s21] =	ssyncadd.s32 $0xFFFFE000  }
0x3e: {  	[hbm4b:s31+s3] =	stream.linear.scatter [tilespmem:s19], [sflag:$0x3], $0x2000, $0x38;
	[tilespmem:$0x8000] =	vst v63  }
0x3f: {  	_ =	swait.ge [sflag:s14], $0x2000  }
0x40: {  	s16 =	simm.s32 $0x40;
	s13 =	simm.s32 $0x800;
	[sflag:s14] =	ssyncset.done $0x0  }
.LBB2_2:
0x41: {  	p0 =	sne.s32 s13, $0x1D000;
	[sflag:s14] =	ssyncadd.s32 $0xFFFFE000;
	s16 =	sadd.s32 $0x80, s16  }
0x42: {  	[tilespmem:s19], [sflag:$0x2] =	stream.indirect.gather [hbm4b:s2+s18], $0x80, s16, s18, $0xb8;
	[tilespmem:$0x8000] =	vst v63  }
0x43: {  	s23 =	smov.u32 s13;
	s13 =	sadd.s32 $0x800, s13;
	_ =	swait.ge [sflag:s15], $0x2000  }
0x44: {  	[sflag:s15] =	ssyncset.done $0x0  }
0x45: {  	s24 =	sadd.s32 s23, s22;
	[sflag:s15] =	ssyncadd.s32 $0xFFFFE000  }
0x46: {  	[hbm4b:s24+s3] =	stream.linear.scatter [tilespmem:s17], [sflag:$0x3], $0x2000, $0x38;
	[tilespmem:$0x8000] =	vst v63  }
0x47: {  	_ =	swait.ge [sflag:s14], $0x2000  }
0x48: {  	[sflag:s14] =	ssyncset.done $0x0  }
0x49: {  	s24 =	sadd.s32 $0x40, s16;
	[sflag:s14] =	ssyncadd.s32 $0xFFFFE000  }
0x4a: {  	[tilespmem:s17], [sflag:$0x1] =	stream.indirect.gather [hbm4b:s2+s18], $0x80, s24, s18, $0xb8;
	[tilespmem:$0x8000] =	vst v63  }
0x4b: {  	_ =	swait.ge [sflag:s21], $0x2000  }
.Ltmp0:
0x4c: {  	[sflag:s21] =	ssyncset.done $0x0;
	(pc) =	sbr.rel @p0 .LBB2_2-.Ltmp0, $4  }
0x4d: {  	s23 =	sadd.s32 s23, s6;
	[sflag:s21] =	ssyncadd.s32 $0xFFFFE000  }
0x4e: {  	[hbm4b:s23+s3] =	stream.linear.scatter [tilespmem:s19], [sflag:$0x3], $0x2000, $0x38;
	[tilespmem:$0x8000] =	vst v63  }
0x4f: {  	_ =	swait.ge [sflag:s14], $0x2000  }
0x50: {  	[sflag:s14] =	ssyncset.done $0x0  }
0x51: {  	[sflag:s14] =	ssyncadd.s32 $0xFFFFE000;
	s9 =	simm.s32 $0x1DC0  }
0x52: {  	[tilespmem:s19], [sflag:$0x2] =	stream.indirect.gather [hbm4b:s2+s18], $0x80, s9, s18, $0xb8;
	[tilespmem:$0x8000] =	vst v63  }
0x53: {  	_ =	swait.ge [sflag:s15], $0x2000  }
0x54: {  	[sflag:s15] =	ssyncset.done $0x0  }
0x55: {  	s13 =	simm.s32 $0x0;
	s28 =	rddreg [dreg:$0x8];
	[sflag:s15] =	ssyncadd.s32 $0xFFFFE000  }
0x56: {  	[hbm4b:s28+s13] =	stream.linear.scatter [tilespmem:s17], [sflag:$0x3], $0x2000, $0x38;
	[tilespmem:$0x8000] =	vst v63  }
0x57: {  	_ =	swait.ge [sflag:s14], $0x2000  }
0x58: {  	[sflag:s14] =	ssyncset.done $0x0  }
0x59: {  	[sflag:s14] =	ssyncadd.s32 $0xFFFFE000  }
0x5a: {  	_ =	swait.ge [sflag:s21], $0x2000  }
0x5b: {  	[sflag:s21] =	ssyncset.done $0x0  }
0x5c: {  	s30 =	rddreg [dreg:$0x9];
	[sflag:s21] =	ssyncadd.s32 $0xFFFFE000  }
0x5d: {  	[hbm4b:s30+s13] =	stream.linear.scatter [tilespmem:s19], [sflag:$0x3], $0x2000, $0x38;
	[tilespmem:$0x8000] =	vst v63  }
0x5e: {  	_ =	swait.ge [sflag:s14], $0x2000  }
0x5f: {  	[sflag:s14] =	ssyncset.done $0x0  }
0x60: {  	[sflag:s14] =	ssyncadd.s32 $0xFFFFE000  }
0x61: {  	[tilespmem:s17], [sflag:$0x1] =	stream.indirect.gather [hbm4b:s2+s18], $0x80, s11, s18, $0xb8;
	[tilespmem:$0x8000] =	vst v63  }
0x62: {  	s31 =	simm.s32 $0x1E40  }
0x63: {  	[tilespmem:s19], [sflag:$0x2] =	stream.indirect.gather [hbm4b:s2+s18], $0x80, s31, s18, $0xb8;
	[tilespmem:$0x8000] =	vst v63  }
0x64: {  	_ =	swait.ge [sflag:s15], $0x2000  }
0x65: {  	[sflag:s15] =	ssyncset.done $0x0  }
0x66: {  	s11 =	rddreg [dreg:$0xa];
	[sflag:s15] =	ssyncadd.s32 $0xFFFFE000  }
0x67: {  	[hbm4b:s11+s13] =	stream.linear.scatter [tilespmem:s17], [sflag:$0x3], $0x2000, $0x38;
	[tilespmem:$0x8000] =	vst v63  }
0x68: {  	_ =	swait.ge [sflag:s14], $0x2000  }
0x69: {  	[sflag:s14] =	ssyncset.done $0x0  }
0x6a: {  	s12 =	simm.s32 $0x1E80;
	[sflag:s14] =	ssyncadd.s32 $0xFFFFE000  }
0x6b: {  	[tilespmem:s17], [sflag:$0x1] =	stream.indirect.gather [hbm4b:s2+s18], $0x80, s12, s18, $0xb8;
	[tilespmem:$0x8000] =	vst v63  }
0x6c: {  	_ =	swait.ge [sflag:s21], $0x2000  }
0x6d: {  	[sflag:s21] =	ssyncset.done $0x0  }
0x6e: {  	s16 =	rddreg [dreg:$0xb];
	[sflag:s21] =	ssyncadd.s32 $0xFFFFE000  }
0x6f: {  	[hbm4b:s16+s13] =	stream.linear.scatter [tilespmem:s19], [sflag:$0x3], $0x2000, $0x38;
	[tilespmem:$0x8000] =	vst v63  }
0x70: {  	_ =	swait.ge [sflag:s14], $0x2000  }
0x71: {  	[sflag:s14] =	ssyncset.done $0x0  }
0x72: {  	s20 =	simm.s32 $0x1EC0;
	[sflag:s14] =	ssyncadd.s32 $0xFFFFE000  }
0x73: {  	[tilespmem:s19], [sflag:$0x2] =	stream.indirect.gather [hbm4b:s2+s18], $0x80, s20, s18, $0xb8;
	[tilespmem:$0x8000] =	vst v63  }
0x74: {  	_ =	swait.ge [sflag:s15], $0x2000  }
0x75: {  	[sflag:s15] =	ssyncset.done $0x0  }
0x76: {  	s23 =	rddreg [dreg:$0x1a];
	[sflag:s15] =	ssyncadd.s32 $0xFFFFE000  }
0x77: {  	[hbm4b:s23+s13] =	stream.linear.scatter [tilespmem:s17], [sflag:$0x3], $0x2000, $0x38;
	[tilespmem:$0x8000] =	vst v63  }
0x78: {  	_ =	swait.ge [sflag:s14], $0x2000  }
0x79: {  	[sflag:s14] =	ssyncset.done $0x0  }
0x7a: {  	s24 =	simm.s32 $0x1F00;
	[sflag:s14] =	ssyncadd.s32 $0xFFFFE000  }
0x7b: {  	[tilespmem:s17], [sflag:$0x1] =	stream.indirect.gather [hbm4b:s2+s18], $0x80, s24, s18, $0xb8;
	[tilespmem:$0x8000] =	vst v63  }
0x7c: {  	_ =	swait.ge [sflag:s21], $0x2000  }
0x7d: {  	[sflag:s21] =	ssyncset.done $0x0  }
0x7e: {  	s25 =	rddreg [dreg:$0xc];
	[sflag:s21] =	ssyncadd.s32 $0xFFFFE000  }
0x7f: {  	[hbm4b:s25+s13] =	stream.linear.scatter [tilespmem:s19], [sflag:$0x3], $0x2000, $0x38;
	[tilespmem:$0x8000] =	vst v63  }
0x80: {  	_ =	swait.ge [sflag:s14], $0x2000  }
0x81: {  	[sflag:s14] =	ssyncset.done $0x0  }
0x82: {  	s28 =	simm.s32 $0x1F40;
	[sflag:s14] =	ssyncadd.s32 $0xFFFFE000  }
0x83: {  	[tilespmem:s19], [sflag:$0x2] =	stream.indirect.gather [hbm4b:s2+s18], $0x80, s28, s18, $0xb8;
	[tilespmem:$0x8000] =	vst v63  }
0x84: {  	_ =	swait.ge [sflag:s15], $0x2000  }
0x85: {  	[sflag:s15] =	ssyncset.done $0x0  }
0x86: {  	s30 =	rddreg [dreg:$0x1b];
	[sflag:s15] =	ssyncadd.s32 $0xFFFFE000  }
0x87: {  	[hbm4b:s30+s13] =	stream.linear.scatter [tilespmem:s17], [sflag:$0x3], $0x2000, $0x38;
	[tilespmem:$0x8000] =	vst v63  }
0x88: {  	_ =	swait.ge [sflag:s14], $0x2000  }
0x89: {  	[sflag:s14] =	ssyncset.done $0x0  }
0x8a: {  	[sflag:s14] =	ssyncadd.s32 $0xFFFFE000  }
0x8b: {  	_ =	swait.ge [sflag:s21], $0x2000  }
0x8c: {  	[sflag:s21] =	ssyncset.done $0x0  }
0x8d: {  	s31 =	rddreg [dreg:$0xd];
	[sflag:s21] =	ssyncadd.s32 $0xFFFFE000  }
0x8e: {  	[hbm4b:s31+s13] =	stream.linear.scatter [tilespmem:s19], [sflag:$0x3], $0x2000, $0x38;
	[tilespmem:$0x8000] =	vst v63  }
0x8f: {  	_ =	swait.ge [sflag:s14], $0x2000  }
0x90: {  	[sflag:s14] =	ssyncset.done $0x0  }
0x91: {  	[sflag:s14] =	ssyncadd.s32 $0xFFFFE000  }
0x92: {  	v0 =	vld [tilespmem:$0x0]  }
0x93: {  	v1 =	vld [tilespmem:$0x10]  }
0x94: {  	v2 =	vld [tilespmem:$0x20]  }
0x95: {  	v3 =	vld [tilespmem:$0x30];
	_ =	sdelay $0x1  }
0x96: {  	[tilespmem:$0x1F80] =	vst v0  }
0x97: {  	[tilespmem:$0x1F90] =	vst v1  }
0x98: {  	[tilespmem:$0x1FA0] =	vst v2  }
0x99: {  	s11 =	simm.s32 $0x1F80;
	s16 =	simm.s32 $0x60;
	s23 =	smulhi.u32 $0xCCCCCCCD, s13;
	[tilespmem:$0x1FB0] =	vst v3  }
0x9a: {  	[tilespmem:s26], [sflag:$0x1] =	stream.indirect.gather [hbm4b:s4+s18], $0x40, s11, s18, $0xb8;
	[tilespmem:$0x8000] =	vst v63  }
0x9b: {  	s23 =	sshrl.u32 s23, $0x4;
	v0 =	vld [tilespmem:s16+$0xFFFFFFE0]  }
0x9c: {  	s23 =	smul.u32 $0x28, s23;
	_ =	sdelay $0x1  }
0x9d: {  	s23 =	ssub.s32 $0x1, s23  }
0x9e: {  	s23 =	sadd.s32 $0x0, s23  }
0x9f: {  	s24 =	sadd.s32 $0xFFFFFFFF, s23;
	[tilespmem:$0x1FC0] =	vst v0  }
0xa0: {  	s28 =	sshll.u32 s24, $0x18;
	v0 =	vld [tilespmem:s16+$0xFFFFFFF0]  }
0xa1: {  	s28 =	sshra.s32 s28, $0x18  }
0xa2: {  	s28 =	smul.u32 $0x67, s28;
	_ =	sdelay $0x1  }
0xa3: {  	s30 =	sshrl.u32 s28, $0x1F;
	s28 =	sshra.s32 s28, $0xB  }
0xa4: {  	s28 =	sadd.s32 s30, s28;
	[tilespmem:$0x1FD0] =	vst v0  }
0xa5: {  	s30 =	smul.u32 $0xFFFFFFEC, s28;
	v0 =	vld [tilespmem:s16+$0x0]  }
0xa6: {  	s31 =	ssub.s32 $0x1, s23  }
0xa7: {  	s30 =	sand.u32 $0xFC, s30;
	s31 =	sand.u32 $0xFF, s31  }
0xa8: {  	p1 =	slt.s32 s24, $0x1;
	s13 =	smul.u32 $0xCD, s13;
	p0 =	sne.s32 s30, s31  }
0xa9: {  	p0 =	por !p1, !p0  }
0xaa: {  	s13 =	sshrl.u32 s13, $0xC;
	s30 =	simm.s32 $0x1;
	p0 =	por !p0, !p0;
	[tilespmem:$0x1FE0] =	vst v0  }
0xab: {  	s13 =	sand.u32 $0xF, s13;
	s30 =	simm.s32 @!p0 $0x0;
	v0 =	vld [tilespmem:s16+$0x10]  }
0xac: {  	s13 =	smul.u32 $0x500, s13;
	s28 =	ssub.s32 s28, s30  }
0xad: {  	s30 =	smul.u32 $0x7FFEC, s28  }
0xae: {  	s13 =	sadd.s32 s7, s13  }
0xaf: {  	s28 =	sshll.u32 s28, $0x6;
	s13 =	sshll.u32 s13, $0x7;
	s24 =	sadd.s32 s24, s30  }
0xb0: {  	s28 =	sadd.s32 s13, s28;
	s24 =	sshll.u32 s24, $0xD;
	[tilespmem:$0x1FF0] =	vst v0  }
0xb1: {  	[tilespmem:s1], [sflag:$0x2] =	stream.indirect.gather [hbm4b:s4+s18], $0x40, s29, s18, $0xb8;
	[tilespmem:$0x8000] =	vst v63  }
0xb2: {  	s24 =	sadd.s32 s24, s28;
	_ =	swait.ge [sflag:s15], $0x1000  }
0xb3: {  	s24 =	sshrl.u32 s24, $0x3;
	[sflag:s15] =	ssyncset.done $0x0  }
0xb4: {  	s24 =	sadd.s32 s5, s24;
	[sflag:s15] =	ssyncadd.s32 $0xFFFFF000  }
0xb5: {  	[hbm4b:s24+s18] =	stream.strided.scatter [tilespmem:s26], [sflag:$0x3], $0x1000, s0, s18, $0x38;
	[tilespmem:$0x8000] =	vst v63  }
0xb6: {  	_ =	swait.ge [sflag:s14], $0x1000  }
0xb7: {  	[sflag:s14] =	ssyncset.done $0x0  }
0xb8: {  	p0 =	por $0x0, $0x0;
	[sflag:s14] =	ssyncadd.s32 $0xFFFFF000  }
0xb9: {  	v0 =	vld @!p0 [tilespmem:s16+$0x20];
	_ =	sdelay $0x4  }
0xba: {  	[tilespmem:$0x1F80] =	vst @!p0 v0  }
0xbb: {  	v0 =	vld @!p0 [tilespmem:s16+$0x30];
	_ =	sdelay $0x4  }
0xbc: {  	[tilespmem:$0x1F90] =	vst @!p0 v0  }
0xbd: {  	s12 =	sshll.u32 s23, $0x18;
	v0 =	vld @!p0 [tilespmem:s16+$0x40]  }
0xbe: {  	s24 =	sshra.s32 s12, $0x18  }
0xbf: {  	s24 =	smul.u32 $0x67, s24;
	_ =	sdelay $0x1  }
0xc0: {  	s20 =	sshrl.u32 s24, $0x1F;
	s24 =	sshra.s32 s24, $0xB  }
0xc1: {  	s25 =	sshra.s32 s23, $0x1F;
	s24 =	sadd.s32 s20, s24;
	[tilespmem:$0x1FA0] =	vst @!p0 v0  }
0xc2: {  	s24 =	sadd.s32 s24, s25;
	v0 =	vld @!p0 [tilespmem:s16+$0x50]  }
0xc3: {  	s28 =	smul.u32 $0x7FFEC, s24;
	_ =	sdelay $0x1  }
0xc4: {  	s30 =	sshll.u32 s24, $0x6;
	s16 =	sadd.s32 s28, s23  }
0xc5: {  	s24 =	simm.s32 @!p0 $0x6000;
	s13 =	sadd.s32 s13, s30;
	s16 =	sshll.u32 s16, $0xD  }
0xc6: {  	s23 =	simm.s32 @!p0 $0x1F80;
	s13 =	sadd.s32 s16, s13;
	s16 =	simm.s32 @!p0 $0x40;
	[tilespmem:$0x1FB0] =	vst @!p0 v0  }
0xc7: {  	[tilespmem:s24], [sflag:$0x1] =	stream.indirect.gather @!p0 [hbm4b:s4+s16], $0x40, s23, s16, $0xb8;
	[tilespmem:$0x8000] =	vst v63  }
0xc8: {  	s31 =	sshrl.u32 s13, $0x3;
	_ =	swait.ge [sflag:s21], $0x1000  }
0xc9: {  	s13 =	simm.s32 $0x2;
	s24 =	sadd.s32 s5, s31;
	[sflag:s21] =	ssyncset.done $0x0  }
0xca: {  	s16 =	simm.s32 $0x1;
	s23 =	simm.s32 $0xE0;
	[sflag:s21] =	ssyncadd.s32 $0xFFFFF000  }
.LBB2_4:
0xcb: {  	[hbm4b:s24+s18] =	stream.strided.scatter [tilespmem:s1], [sflag:$0x3], $0x1000, s0, s18, $0x38;
	[tilespmem:$0x8000] =	vst v63  }
0xcc: {  	s24 =	smov.u32 s13  }
0xcd: {  	s28 =	smulhi.u32 $0xCCCCCCCD, s16;
	s13 =	sadd.s32 $0x2, s13;
	_ =	swait.ge [sflag:s14], $0x1000  }
0xce: {  	p0 =	sne.s32 s13, $0x78;
	[sflag:s14] =	ssyncset.done $0x0  }
0xcf: {  	s28 =	sshrl.u32 s28, $0x4;
	[sflag:s14] =	ssyncadd.s32 $0xFFFFF000  }
0xd0: {  	s28 =	smul.u32 $0x28, s28  }
0xd1: {  	v0 =	vld [tilespmem:s23+$0xFFFFFFE0]  }
0xd2: {  	s28 =	ssub.s32 $0x1, s28  }
0xd3: {  	s28 =	sadd.s32 s28, s24  }
0xd4: {  	s30 =	sadd.s32 $0xFFFFFFFF, s28;
	s31 =	ssub.s32 $0x1, s28;
	s20 =	sshll.u32 s28, $0x18  }
0xd5: {  	s11 =	sshll.u32 s30, $0x18;
	s20 =	sshra.s32 s20, $0x18  }
0xd6: {  	s11 =	sshra.s32 s11, $0x18;
	s20 =	smul.u32 $0x67, s20;
	[tilespmem:$0x1FC0] =	vst v0  }
0xd7: {  	s11 =	smul.u32 $0x67, s11;
	v0 =	vld [tilespmem:s23+$0xFFFFFFF0]  }
0xd8: {  	s25 =	sshra.s32 s28, $0x1F;
	s12 =	sshrl.u32 s20, $0x1F;
	s20 =	sshra.s32 s20, $0xB  }
0xd9: {  	s9 =	sshrl.u32 s11, $0x1F;
	s11 =	sshra.s32 s11, $0xB;
	s12 =	sadd.s32 s12, s20  }
0xda: {  	s9 =	sadd.s32 s9, s11;
	s11 =	sadd.s32 s12, s25  }
0xdb: {  	s12 =	smul.u32 $0xFFFFFFEC, s9  }
0xdc: {  	s20 =	smul.u32 $0x7FFEC, s11;
	[tilespmem:$0x1FD0] =	vst v0  }
0xdd: {  	s25 =	sand.u32 $0xFF, s31;
	s12 =	sand.u32 $0xFC, s12;
	v0 =	vld [tilespmem:s23+$0x0]  }
0xde: {  	p1 =	slt.s32 s30, $0x1;
	s31 =	smul.u32 $0xCD, s16;
	p2 =	sne.s32 s12, s25  }
0xdf: {  	s12 =	sadd.s32 s20, s28;
	p1 =	por !p1, !p2  }
0xe0: {  	s20 =	sshrl.u32 s31, $0xC;
	s25 =	simm.s32 $0x1;
	p1 =	por !p1, !p1  }
0xe1: {  	s20 =	sand.u32 $0xF, s20;
	s25 =	simm.s32 @!p1 $0x0  }
0xe2: {  	s20 =	smul.u32 $0x500, s20;
	s9 =	ssub.s32 s9, s25;
	[tilespmem:$0x1FE0] =	vst v0  }
0xe3: {  	s25 =	smul.u32 $0x7FFEC, s9;
	s9 =	sshll.u32 s9, $0x6;
	v0 =	vld [tilespmem:s23+$0x10]  }
0xe4: {  	s11 =	sshll.u32 s11, $0x6;
	s20 =	sadd.s32 s7, s20  }
0xe5: {  	s12 =	sshll.u32 s12, $0xD;
	s20 =	sshll.u32 s20, $0x7;
	s25 =	sadd.s32 s30, s25  }
0xe6: {  	s9 =	sadd.s32 s20, s9;
	s11 =	sadd.s32 s20, s11;
	s25 =	sshll.u32 s25, $0xD  }
0xe7: {  	s11 =	sadd.s32 s12, s11;
	s9 =	sadd.s32 s25, s9  }
0xe8: {  	s9 =	sshrl.u32 s9, $0x3;
	[tilespmem:$0x1FF0] =	vst v0  }
0xe9: {  	[tilespmem:s1], [sflag:$0x2] =	stream.indirect.gather [hbm4b:s4+s18], $0x40, s29, s18, $0xb8;
	[tilespmem:$0x8000] =	vst v63  }
0xea: {  	_ =	swait.ge [sflag:s15], $0x1000  }
0xeb: {  	s9 =	sadd.s32 s5, s9;
	[sflag:s15] =	ssyncset.done $0x0  }
0xec: {  	[sflag:s15] =	ssyncadd.s32 $0xFFFFF000  }
0xed: {  	[hbm4b:s9+s18] =	stream.strided.scatter [tilespmem:s26], [sflag:$0x3], $0x1000, s0, s18, $0x38;
	[tilespmem:$0x8000] =	vst v63  }
0xee: {  	_ =	swait.ge [sflag:s14], $0x1000  }
0xef: {  	p1 =	seq.s32 s24, $0x76;
	[sflag:s14] =	ssyncset.done $0x0  }
0xf0: {  	[sflag:s14] =	ssyncadd.s32 $0xFFFFF000  }
0xf1: {  	v0 =	vld @!p1 [tilespmem:s23+$0x20];
	_ =	sdelay $0x4  }
0xf2: {  	[tilespmem:$0x1F80] =	vst @!p1 v0  }
0xf3: {  	v0 =	vld @!p1 [tilespmem:s23+$0x30];
	_ =	sdelay $0x4  }
0xf4: {  	[tilespmem:$0x1F90] =	vst @!p1 v0  }
0xf5: {  	v0 =	vld @!p1 [tilespmem:s23+$0x40];
	_ =	sdelay $0x4  }
0xf6: {  	[tilespmem:$0x1FA0] =	vst @!p1 v0  }
0xf7: {  	v0 =	vld @!p1 [tilespmem:s23+$0x50];
	_ =	sdelay $0x1  }
0xf8: {  	s20 =	simm.s32 @!p1 $0x6000;
	s12 =	simm.s32 @!p1 $0x1F80;
	s9 =	simm.s32 @!p1 $0x40  }
0xf9: {  	_ = 	snop  }
0xfa: {  	s11 =	sshrl.u32 s11, $0x3  }
.Ltmp1:
0xfb: {  	s24 =	sadd.s32 s5, s11;
	[tilespmem:$0x1FB0] =	vst @!p1 v0;
	(pc) =	sbr.rel @p0 .LBB2_4-.Ltmp1, $4  }
0xfc: {  	[tilespmem:s20], [sflag:$0x1] =	stream.indirect.gather @!p1 [hbm4b:s4+s9], $0x40, s12, s9, $0xb8;
	[tilespmem:$0x8000] =	vst v63  }
0xfd: {  	_ =	swait.ge [sflag:s21], $0x1000  }
0xfe: {  	[sflag:s21] =	ssyncset.done $0x0  }
0xff: {  	s16 =	sadd.s32 $0x1, s16;
	s23 =	sadd.s32 $0x80, s23;
	[sflag:s21] =	ssyncadd.s32 $0xFFFFF000  }
0x100: {  	[hbm4b:s24+s18] =	stream.strided.scatter [tilespmem:s1], [sflag:$0x3], $0x1000, s0, s18, $0x38;
	[tilespmem:$0x8000] =	vst v63  }
0x101: {  	_ =	swait.ge [sflag:s14], $0x1000  }
0x102: {  	[sflag:s14] =	ssyncset.done $0x0  }
0x103: {  	[sflag:s14] =	ssyncadd.s32 $0xFFFFF000  }
0x104: {  	v0 =	vld [tilespmem:$0x0]  }
0x105: {  	v1 =	vld [tilespmem:$0x10]  }
0x106: {  	v2 =	vld [tilespmem:$0x20]  }
0x107: {  	v3 =	vld [tilespmem:$0x30];
	_ =	sdelay $0x1  }
0x108: {  	v0 =	vadd.s32 $0x186A0, v0  }
0x109: {  	v61 =	vadd.s32 $0x186A0, v1;
	[tilespmem:$0x1F80] =	vst v0  }
0x10a: {  	v62 =	vadd.s32 $0x186A0, v2;
	[tilespmem:$0x1F90] =	vst v61  }
0x10b: {  	v63 =	vadd.s32 $0x186A0, v3;
	[tilespmem:$0x1FA0] =	vst v62  }
0x10c: {  	s9 =	simm.s32 $0x1F80;
	s16 =	simm.s32 $0x60;
	[tilespmem:$0x1FB0] =	vst v63  }
0x10d: {  	[tilespmem:s26], [sflag:$0x1] =	stream.indirect.gather [hbm4b:s4+s18], $0x40, s9, s18, $0xb8;
	[tilespmem:$0x8000] =	vst v63  }
0x10e: {  	v0 =	vld [tilespmem:s16+$0xFFFFFFE0]  }
0x10f: {  	s13 =	simm.s32 $0x0  }
0x110: {  	s30 =	smulhi.u32 $0xCCCCCCCD, s13;
	_ =	sdelay $0x1  }
0x111: {  	s9 =	sshrl.u32 s30, $0x4  }
0x112: {  	s9 =	smul.u32 $0x28, s9;
	v0 =	vadd.s32 $0x186A0, v0  }
0x113: {  	[tilespmem:$0x1FC0] =	vst v0  }
0x114: {  	s9 =	ssub.s32 $0x1, s9;
	v0 =	vld [tilespmem:s16+$0xFFFFFFF0]  }
0x115: {  	s23 =	sadd.s32 $0x0, s9  }
0x116: {  	s9 =	sadd.s32 $0xFFFFFFFF, s23  }
0x117: {  	s11 =	sshll.u32 s9, $0x18  }
0x118: {  	s11 =	sshra.s32 s11, $0x18  }
0x119: {  	s11 =	smul.u32 $0x67, s11;
	v0 =	vadd.s32 $0x186A0, v0  }
0x11a: {  	[tilespmem:$0x1FD0] =	vst v0  }
0x11b: {  	s12 =	sshrl.u32 s11, $0x1F;
	s11 =	sshra.s32 s11, $0xB;
	v0 =	vld [tilespmem:s16+$0x0]  }
0x11c: {  	s11 =	sadd.s32 s12, s11  }
0x11d: {  	s12 =	smul.u32 $0xFFFFFFEC, s11  }
0x11e: {  	s20 =	ssub.s32 $0x1, s23  }
0x11f: {  	s20 =	sand.u32 $0xFF, s20;
	s12 =	sand.u32 $0xFC, s12  }
0x120: {  	s31 =	smul.u32 $0xCD, s13;
	p0 =	slt.s32 s9, $0x1;
	p1 =	sne.s32 s12, s20;
	v0 =	vadd.s32 $0x186A0, v0  }
0x121: {  	p0 =	por !p0, !p1;
	[tilespmem:$0x1FE0] =	vst v0  }
0x122: {  	s24 =	sshrl.u32 s31, $0xC;
	s20 =	simm.s32 $0x1;
	p0 =	por !p0, !p0;
	v0 =	vld [tilespmem:s16+$0x10]  }
0x123: {  	s12 =	sand.u32 $0xF, s24;
	s20 =	simm.s32 @!p0 $0x0  }
0x124: {  	s12 =	smul.u32 $0x500, s12;
	s11 =	ssub.s32 s11, s20  }
0x125: {  	s20 =	smul.u32 $0x7FFEC, s11  }
0x126: {  	s12 =	sadd.s32 s7, s12  }
0x127: {  	s12 =	sshll.u32 s12, $0x7;
	s11 =	sshll.u32 s11, $0x6;
	s9 =	sadd.s32 s9, s20;
	v0 =	vadd.s32 $0x186A0, v0  }
0x128: {  	s11 =	sadd.s32 s12, s11;
	s9 =	sshll.u32 s9, $0xD;
	[tilespmem:$0x1FF0] =	vst v0  }
0x129: {  	[tilespmem:s1], [sflag:$0x2] =	stream.indirect.gather [hbm4b:s4+s18], $0x40, s29, s18, $0xb8;
	[tilespmem:$0x8000] =	vst v63  }
0x12a: {  	s9 =	sadd.s32 s9, s11;
	_ =	swait.ge [sflag:s15], $0x1000  }
0x12b: {  	s9 =	sshrl.u32 s9, $0x3;
	[sflag:s15] =	ssyncset.done $0x0  }
0x12c: {  	s9 =	sadd.s32 s9, s8;
	[sflag:s15] =	ssyncadd.s32 $0xFFFFF000  }
0x12d: {  	[hbm4b:s9+s18] =	stream.strided.scatter [tilespmem:s26], [sflag:$0x3], $0x1000, s0, s18, $0x38;
	[tilespmem:$0x8000] =	vst v63  }
0x12e: {  	_ =	swait.ge [sflag:s14], $0x1000  }
0x12f: {  	[sflag:s14] =	ssyncset.done $0x0  }
0x130: {  	p0 =	por $0x0, $0x0;
	[sflag:s14] =	ssyncadd.s32 $0xFFFFF000  }
0x131: {  	v0 =	vld @!p0 [tilespmem:s16+$0x20];
	_ =	sdelay $0x4  }
0x132: {  	v0 =	vadd.s32 @!p0 $0x186A0, v0  }
0x133: {  	[tilespmem:$0x1F80] =	vst @!p0 v0  }
0x134: {  	v0 =	vld @!p0 [tilespmem:s16+$0x30];
	_ =	sdelay $0x4  }
0x135: {  	v0 =	vadd.s32 @!p0 $0x186A0, v0  }
0x136: {  	[tilespmem:$0x1F90] =	vst @!p0 v0  }
0x137: {  	v0 =	vld @!p0 [tilespmem:s16+$0x40];
	_ =	sdelay $0x2  }
0x138: {  	s25 =	sshll.u32 s23, $0x18  }
0x139: {  	s9 =	sshra.s32 s25, $0x18  }
0x13a: {  	s9 =	smul.u32 $0x67, s9;
	v0 =	vadd.s32 @!p0 $0x186A0, v0  }
0x13b: {  	[tilespmem:$0x1FA0] =	vst @!p0 v0  }
0x13c: {  	s28 =	sshrl.u32 s9, $0x1F;
	s9 =	sshra.s32 s9, $0xB;
	v0 =	vld @!p0 [tilespmem:s16+$0x50]  }
0x13d: {  	s30 =	sshra.s32 s23, $0x1F;
	s9 =	sadd.s32 s28, s9  }
0x13e: {  	s9 =	sadd.s32 s9, s30  }
0x13f: {  	s31 =	smul.u32 $0x7FFEC, s9  }
0x140: {  	s9 =	sshll.u32 s9, $0x6  }
0x141: {  	s20 =	simm.s32 @!p0 $0x6000;
	s9 =	sadd.s32 s12, s9;
	s11 =	sadd.s32 s31, s23;
	v0 =	vadd.s32 @!p0 $0x186A0, v0  }
0x142: {  	s12 =	simm.s32 @!p0 $0x40;
	s11 =	sshll.u32 s11, $0xD;
	s16 =	simm.s32 @!p0 $0x1F80;
	[tilespmem:$0x1FB0] =	vst @!p0 v0  }
0x143: {  	[tilespmem:s20], [sflag:$0x1] =	stream.indirect.gather @!p0 [hbm4b:s4+s12], $0x40, s16, s12, $0xb8;
	[tilespmem:$0x8000] =	vst v63  }
0x144: {  	s9 =	sadd.s32 s11, s9;
	_ =	swait.ge [sflag:s21], $0x1000  }
0x145: {  	s9 =	sshrl.u32 s9, $0x3;
	[sflag:s21] =	ssyncset.done $0x0  }
0x146: {  	s9 =	sadd.s32 s9, s8;
	[sflag:s21] =	ssyncadd.s32 $0xFFFFF000  }
0x147: {  	[hbm4b:s9+s18] =	stream.strided.scatter [tilespmem:s1], [sflag:$0x3], $0x1000, s0, s18, $0x38;
	[tilespmem:$0x8000] =	vst v63  }
0x148: {  	s23 =	simm.s32 $0xE0;
	s16 =	simm.s32 $0x2;
	_ =	swait.ge [sflag:s14], $0x1000  }
.LBB2_6:
0x149: {  	[sflag:s14] =	ssyncset.done $0x0  }
0x14a: {  	s13 =	sadd.s32 $0x1, s13;
	s24 =	smov.u32 s16;
	s16 =	sadd.s32 $0x2, s16  }
0x14b: {  	p0 =	sne.s32 s16, $0x78;
	[sflag:s14] =	ssyncadd.s32 $0xFFFFF000  }
0x14c: {  	v0 =	vld [tilespmem:s23+$0xFFFFFFE0];
	_ =	sdelay $0x1  }
0x14d: {  	s9 =	smulhi.u32 $0xCCCCCCCD, s13;
	_ =	sdelay $0x1  }
0x14e: {  	s9 =	sshrl.u32 s9, $0x4  }
0x14f: {  	s9 =	smul.u32 $0x28, s9;
	v0 =	vadd.s32 $0x186A0, v0  }
0x150: {  	[tilespmem:$0x1FC0] =	vst v0  }
0x151: {  	s9 =	ssub.s32 $0x1, s9;
	v0 =	vld [tilespmem:s23+$0xFFFFFFF0]  }
0x152: {  	s9 =	sadd.s32 s9, s24  }
0x153: {  	s11 =	sadd.s32 $0xFFFFFFFF, s9;
	s12 =	ssub.s32 $0x1, s9;
	s20 =	sshll.u32 s9, $0x18  }
0x154: {  	s28 =	sshra.s32 s9, $0x1F;
	s25 =	sshll.u32 s11, $0x18;
	s20 =	sshra.s32 s20, $0x18  }
0x155: {  	s25 =	sshra.s32 s25, $0x18;
	s20 =	smul.u32 $0x67, s20  }
0x156: {  	s25 =	smul.u32 $0x67, s25;
	v0 =	vadd.s32 $0x186A0, v0  }
0x157: {  	s30 =	sshrl.u32 s20, $0x1F;
	s20 =	sshra.s32 s20, $0xB;
	[tilespmem:$0x1FD0] =	vst v0  }
0x158: {  	s31 =	sshrl.u32 s25, $0x1F;
	s25 =	sshra.s32 s25, $0xB;
	s20 =	sadd.s32 s30, s20;
	v0 =	vld [tilespmem:s23+$0x0]  }
0x159: {  	s25 =	sadd.s32 s31, s25  }
0x15a: {  	s20 =	sadd.s32 s20, s28;
	s30 =	smul.u32 $0xFFFFFFEC, s25  }
0x15b: {  	s28 =	smul.u32 $0x7FFEC, s20  }
0x15c: {  	s12 =	sand.u32 $0xFF, s12;
	s30 =	sand.u32 $0xFC, s30  }
0x15d: {  	p1 =	slt.s32 s11, $0x1;
	s31 =	smul.u32 $0xCD, s13;
	p2 =	sne.s32 s30, s12;
	v0 =	vadd.s32 $0x186A0, v0  }
0x15e: {  	s9 =	sadd.s32 s28, s9;
	p1 =	por !p1, !p2;
	[tilespmem:$0x1FE0] =	vst v0  }
0x15f: {  	s28 =	simm.s32 $0x1;
	s12 =	sshrl.u32 s31, $0xC;
	p1 =	por !p1, !p1;
	v0 =	vld [tilespmem:s23+$0x10]  }
0x160: {  	s12 =	sand.u32 $0xF, s12;
	s28 =	simm.s32 @!p1 $0x0  }
0x161: {  	s12 =	smul.u32 $0x500, s12;
	s25 =	ssub.s32 s25, s28  }
0x162: {  	s28 =	smul.u32 $0x7FFEC, s25;
	s25 =	sshll.u32 s25, $0x6  }
0x163: {  	s9 =	sshll.u32 s9, $0xD;
	s12 =	sadd.s32 s7, s12  }
0x164: {  	s20 =	sshll.u32 s20, $0x6;
	s12 =	sshll.u32 s12, $0x7;
	s11 =	sadd.s32 s11, s28;
	v0 =	vadd.s32 $0x186A0, v0  }
0x165: {  	s25 =	sadd.s32 s12, s25;
	s12 =	sadd.s32 s12, s20;
	s11 =	sshll.u32 s11, $0xD;
	[tilespmem:$0x1FF0] =	vst v0  }
0x166: {  	[tilespmem:s1], [sflag:$0x2] =	stream.indirect.gather [hbm4b:s4+s18], $0x40, s29, s18, $0xb8;
	[tilespmem:$0x8000] =	vst v63  }
0x167: {  	s9 =	sadd.s32 s9, s12;
	s11 =	sadd.s32 s11, s25;
	_ =	swait.ge [sflag:s15], $0x1000  }
0x168: {  	s9 =	sshrl.u32 s9, $0x3;
	s11 =	sshrl.u32 s11, $0x3;
	[sflag:s15] =	ssyncset.done $0x0  }
0x169: {  	s11 =	sadd.s32 s11, s8;
	[sflag:s15] =	ssyncadd.s32 $0xFFFFF000  }
0x16a: {  	[hbm4b:s11+s18] =	stream.strided.scatter [tilespmem:s26], [sflag:$0x3], $0x1000, s0, s18, $0x38;
	[tilespmem:$0x8000] =	vst v63  }
0x16b: {  	_ =	swait.ge [sflag:s14], $0x1000  }
0x16c: {  	p1 =	seq.s32 s24, $0x76;
	[sflag:s14] =	ssyncset.done $0x0  }
0x16d: {  	[sflag:s14] =	ssyncadd.s32 $0xFFFFF000  }
0x16e: {  	v0 =	vld @!p1 [tilespmem:s23+$0x20];
	_ =	sdelay $0x4  }
0x16f: {  	v0 =	vadd.s32 @!p1 $0x186A0, v0  }
0x170: {  	[tilespmem:$0x1F80] =	vst @!p1 v0  }
0x171: {  	v0 =	vld @!p1 [tilespmem:s23+$0x30];
	_ =	sdelay $0x4  }
0x172: {  	v0 =	vadd.s32 @!p1 $0x186A0, v0  }
0x173: {  	[tilespmem:$0x1F90] =	vst @!p1 v0  }
0x174: {  	v0 =	vld @!p1 [tilespmem:s23+$0x40];
	_ =	sdelay $0x4  }
0x175: {  	v0 =	vadd.s32 @!p1 $0x186A0, v0  }
0x176: {  	[tilespmem:$0x1FA0] =	vst @!p1 v0  }
0x177: {  	v0 =	vld @!p1 [tilespmem:s23+$0x50];
	_ =	sdelay $0x4  }
0x178: {  	s20 =	simm.s32 @!p1 $0x6000;
	s12 =	simm.s32 @!p1 $0x1F80;
	s11 =	simm.s32 @!p1 $0x40;
	v0 =	vadd.s32 @!p1 $0x186A0, v0  }
0x179: {  	[tilespmem:$0x1FB0] =	vst @!p1 v0  }
0x17a: {  	[tilespmem:s20], [sflag:$0x1] =	stream.indirect.gather @!p1 [hbm4b:s4+s11], $0x40, s12, s11, $0xb8;
	[tilespmem:$0x8000] =	vst v63  }
.Ltmp2:
0x17b: {  	_ =	swait.ge [sflag:s21], $0x1000;
	(pc) =	sbr.rel @p0 .LBB2_6-.Ltmp2, $4  }
0x17c: {  	s9 =	sadd.s32 s9, s8;
	[sflag:s21] =	ssyncset.done $0x0  }
0x17d: {  	[sflag:s21] =	ssyncadd.s32 $0xFFFFF000  }
0x17e: {  	[hbm4b:s9+s18] =	stream.strided.scatter [tilespmem:s1], [sflag:$0x3], $0x1000, s0, s18, $0x38;
	[tilespmem:$0x8000] =	vst v63  }
0x17f: {  	s23 =	sadd.s32 $0x80, s23;
	_ =	swait.ge [sflag:s14], $0x1000  }
0x180: {  	[sflag:s14] =	ssyncset.done $0x0  }
0x181: {  	[sflag:s14] =	ssyncadd.s32 $0xFFFFF000  }
0x182: {  	v0 =	vld [tilespmem:$0x0]  }
0x183: {  	v1 =	vld [tilespmem:$0x10]  }
0x184: {  	v2 =	vld [tilespmem:$0x20]  }
0x185: {  	v3 =	vld [tilespmem:$0x30];
	_ =	sdelay $0x1  }
0x186: {  	v0 =	vadd.s32 $0x30D40, v0  }
0x187: {  	v61 =	vadd.s32 $0x30D40, v1;
	[tilespmem:$0x1F80] =	vst v0  }
0x188: {  	v62 =	vadd.s32 $0x30D40, v2;
	[tilespmem:$0x1F90] =	vst v61  }
0x189: {  	v63 =	vadd.s32 $0x30D40, v3;
	[tilespmem:$0x1FA0] =	vst v62  }
0x18a: {  	s9 =	simm.s32 $0x1F80;
	s16 =	simm.s32 $0x60;
	[tilespmem:$0x1FB0] =	vst v63  }
0x18b: {  	[tilespmem:s26], [sflag:$0x1] =	stream.indirect.gather [hbm4b:s4+s18], $0x40, s9, s18, $0xb8;
	[tilespmem:$0x8000] =	vst v63  }
0x18c: {  	v0 =	vld [tilespmem:s16+$0xFFFFFFE0]  }
0x18d: {  	s13 =	simm.s32 $0x0  }
0x18e: {  	s23 =	smulhi.u32 $0xCCCCCCCD, s13;
	_ =	sdelay $0x1  }
0x18f: {  	s9 =	sshrl.u32 s23, $0x4  }
0x190: {  	s9 =	smul.u32 $0x28, s9;
	v0 =	vadd.s32 $0x30D40, v0  }
0x191: {  	[tilespmem:$0x1FC0] =	vst v0  }
0x192: {  	s9 =	ssub.s32 $0x1, s9;
	v0 =	vld [tilespmem:s16+$0xFFFFFFF0]  }
0x193: {  	s23 =	sadd.s32 $0x0, s9  }
0x194: {  	s9 =	sadd.s32 $0xFFFFFFFF, s23  }
0x195: {  	s11 =	sshll.u32 s9, $0x18  }
0x196: {  	s11 =	sshra.s32 s11, $0x18  }
0x197: {  	s11 =	smul.u32 $0x67, s11;
	v0 =	vadd.s32 $0x30D40, v0  }
0x198: {  	[tilespmem:$0x1FD0] =	vst v0  }
0x199: {  	s12 =	sshrl.u32 s11, $0x1F;
	s11 =	sshra.s32 s11, $0xB;
	v0 =	vld [tilespmem:s16+$0x0]  }
0x19a: {  	s11 =	sadd.s32 s12, s11  }
0x19b: {  	s12 =	smul.u32 $0xFFFFFFEC, s11  }
0x19c: {  	s20 =	ssub.s32 $0x1, s23  }
0x19d: {  	s20 =	sand.u32 $0xFF, s20;
	s12 =	sand.u32 $0xFC, s12  }
0x19e: {  	s24 =	smul.u32 $0xCD, s13;
	p0 =	slt.s32 s9, $0x1;
	p1 =	sne.s32 s12, s20;
	v0 =	vadd.s32 $0x30D40, v0  }
0x19f: {  	p0 =	por !p0, !p1;
	[tilespmem:$0x1FE0] =	vst v0  }
0x1a0: {  	s24 =	sshrl.u32 s24, $0xC;
	s20 =	simm.s32 $0x1;
	p0 =	por !p0, !p0;
	v0 =	vld [tilespmem:s16+$0x10]  }
0x1a1: {  	s12 =	sand.u32 $0xF, s24;
	s20 =	simm.s32 @!p0 $0x0  }
0x1a2: {  	s12 =	smul.u32 $0x500, s12;
	s11 =	ssub.s32 s11, s20  }
0x1a3: {  	s20 =	smul.u32 $0x7FFEC, s11  }
0x1a4: {  	s12 =	sadd.s32 s7, s12  }
0x1a5: {  	s12 =	sshll.u32 s12, $0x7;
	s11 =	sshll.u32 s11, $0x6;
	s9 =	sadd.s32 s9, s20;
	v0 =	vadd.s32 $0x30D40, v0  }
0x1a6: {  	s11 =	sadd.s32 s12, s11;
	s9 =	sshll.u32 s9, $0xD;
	[tilespmem:$0x1FF0] =	vst v0  }
0x1a7: {  	[tilespmem:s1], [sflag:$0x2] =	stream.indirect.gather [hbm4b:s4+s18], $0x40, s29, s18, $0xb8;
	[tilespmem:$0x8000] =	vst v63  }
0x1a8: {  	s9 =	sadd.s32 s9, s11;
	_ =	swait.ge [sflag:s15], $0x1000  }
0x1a9: {  	s9 =	sshrl.u32 s9, $0x3;
	[sflag:s15] =	ssyncset.done $0x0  }
0x1aa: {  	s9 =	sadd.s32 s9, s10;
	[sflag:s15] =	ssyncadd.s32 $0xFFFFF000  }
0x1ab: {  	[hbm4b:s9+s18] =	stream.strided.scatter [tilespmem:s26], [sflag:$0x3], $0x1000, s0, s18, $0x38;
	[tilespmem:$0x8000] =	vst v63  }
0x1ac: {  	_ =	swait.ge [sflag:s14], $0x1000  }
0x1ad: {  	[sflag:s14] =	ssyncset.done $0x0  }
0x1ae: {  	p0 =	por $0x0, $0x0;
	[sflag:s14] =	ssyncadd.s32 $0xFFFFF000  }
0x1af: {  	v0 =	vld @!p0 [tilespmem:s16+$0x20];
	_ =	sdelay $0x4  }
0x1b0: {  	v0 =	vadd.s32 @!p0 $0x30D40, v0  }
0x1b1: {  	[tilespmem:$0x1F80] =	vst @!p0 v0  }
0x1b2: {  	v0 =	vld @!p0 [tilespmem:s16+$0x30];
	_ =	sdelay $0x4  }
0x1b3: {  	v0 =	vadd.s32 @!p0 $0x30D40, v0  }
0x1b4: {  	[tilespmem:$0x1F90] =	vst @!p0 v0  }
0x1b5: {  	v0 =	vld @!p0 [tilespmem:s16+$0x40];
	_ =	sdelay $0x2  }
0x1b6: {  	s25 =	sshll.u32 s23, $0x18  }
0x1b7: {  	s9 =	sshra.s32 s25, $0x18  }
0x1b8: {  	s9 =	smul.u32 $0x67, s9;
	v0 =	vadd.s32 @!p0 $0x30D40, v0  }
0x1b9: {  	[tilespmem:$0x1FA0] =	vst @!p0 v0  }
0x1ba: {  	s28 =	sshrl.u32 s9, $0x1F;
	s9 =	sshra.s32 s9, $0xB;
	v0 =	vld @!p0 [tilespmem:s16+$0x50]  }
0x1bb: {  	s30 =	sshra.s32 s23, $0x1F;
	s9 =	sadd.s32 s28, s9  }
0x1bc: {  	s9 =	sadd.s32 s9, s30  }
0x1bd: {  	s31 =	smul.u32 $0x7FFEC, s9  }
0x1be: {  	s9 =	sshll.u32 s9, $0x6  }
0x1bf: {  	s20 =	simm.s32 @!p0 $0x6000;
	s9 =	sadd.s32 s12, s9;
	s11 =	sadd.s32 s31, s23;
	v0 =	vadd.s32 @!p0 $0x30D40, v0  }
0x1c0: {  	s12 =	simm.s32 @!p0 $0x40;
	s11 =	sshll.u32 s11, $0xD;
	s16 =	simm.s32 @!p0 $0x1F80;
	[tilespmem:$0x1FB0] =	vst @!p0 v0  }
0x1c1: {  	[tilespmem:s20], [sflag:$0x1] =	stream.indirect.gather @!p0 [hbm4b:s4+s12], $0x40, s16, s12, $0xb8;
	[tilespmem:$0x8000] =	vst v63  }
0x1c2: {  	s9 =	sadd.s32 s11, s9;
	_ =	swait.ge [sflag:s21], $0x1000  }
0x1c3: {  	s9 =	sshrl.u32 s9, $0x3;
	[sflag:s21] =	ssyncset.done $0x0  }
0x1c4: {  	s9 =	sadd.s32 s9, s10;
	[sflag:s21] =	ssyncadd.s32 $0xFFFFF000  }
0x1c5: {  	[hbm4b:s9+s18] =	stream.strided.scatter [tilespmem:s1], [sflag:$0x3], $0x1000, s0, s18, $0x38;
	[tilespmem:$0x8000] =	vst v63  }
0x1c6: {  	s23 =	simm.s32 $0xE0;
	s16 =	simm.s32 $0x2;
	_ =	swait.ge [sflag:s14], $0x1000  }
.LBB2_8:
0x1c7: {  	[sflag:s14] =	ssyncset.done $0x0  }
0x1c8: {  	s13 =	sadd.s32 $0x1, s13;
	s24 =	smov.u32 s16;
	s16 =	sadd.s32 $0x2, s16  }
0x1c9: {  	p0 =	sne.s32 s16, $0x78;
	[sflag:s14] =	ssyncadd.s32 $0xFFFFF000  }
0x1ca: {  	v0 =	vld [tilespmem:s23+$0xFFFFFFE0];
	_ =	sdelay $0x1  }
0x1cb: {  	s9 =	smulhi.u32 $0xCCCCCCCD, s13;
	_ =	sdelay $0x1  }
0x1cc: {  	s9 =	sshrl.u32 s9, $0x4  }
0x1cd: {  	s9 =	smul.u32 $0x28, s9;
	v0 =	vadd.s32 $0x30D40, v0  }
0x1ce: {  	[tilespmem:$0x1FC0] =	vst v0  }
0x1cf: {  	s9 =	ssub.s32 $0x1, s9;
	v0 =	vld [tilespmem:s23+$0xFFFFFFF0]  }
0x1d0: {  	s9 =	sadd.s32 s9, s24  }
0x1d1: {  	s11 =	sadd.s32 $0xFFFFFFFF, s9;
	s12 =	ssub.s32 $0x1, s9;
	s20 =	sshll.u32 s9, $0x18  }
0x1d2: {  	s28 =	sshra.s32 s9, $0x1F;
	s25 =	sshll.u32 s11, $0x18;
	s20 =	sshra.s32 s20, $0x18  }
0x1d3: {  	s25 =	sshra.s32 s25, $0x18;
	s20 =	smul.u32 $0x67, s20  }
0x1d4: {  	s25 =	smul.u32 $0x67, s25;
	v0 =	vadd.s32 $0x30D40, v0  }
0x1d5: {  	s30 =	sshrl.u32 s20, $0x1F;
	s20 =	sshra.s32 s20, $0xB;
	[tilespmem:$0x1FD0] =	vst v0  }
0x1d6: {  	s31 =	sshrl.u32 s25, $0x1F;
	s25 =	sshra.s32 s25, $0xB;
	s20 =	sadd.s32 s30, s20;
	v0 =	vld [tilespmem:s23+$0x0]  }
0x1d7: {  	s25 =	sadd.s32 s31, s25  }
0x1d8: {  	s20 =	sadd.s32 s20, s28;
	s30 =	smul.u32 $0xFFFFFFEC, s25  }
0x1d9: {  	s28 =	smul.u32 $0x7FFEC, s20  }
0x1da: {  	s12 =	sand.u32 $0xFF, s12;
	s30 =	sand.u32 $0xFC, s30  }
0x1db: {  	p1 =	slt.s32 s11, $0x1;
	s31 =	smul.u32 $0xCD, s13;
	p2 =	sne.s32 s30, s12;
	v0 =	vadd.s32 $0x30D40, v0  }
0x1dc: {  	s9 =	sadd.s32 s28, s9;
	p1 =	por !p1, !p2;
	[tilespmem:$0x1FE0] =	vst v0  }
0x1dd: {  	s28 =	simm.s32 $0x1;
	s12 =	sshrl.u32 s31, $0xC;
	p1 =	por !p1, !p1;
	v0 =	vld [tilespmem:s23+$0x10]  }
0x1de: {  	s12 =	sand.u32 $0xF, s12;
	s28 =	simm.s32 @!p1 $0x0  }
0x1df: {  	s12 =	smul.u32 $0x500, s12;
	s25 =	ssub.s32 s25, s28  }
0x1e0: {  	s28 =	smul.u32 $0x7FFEC, s25;
	s25 =	sshll.u32 s25, $0x6  }
0x1e1: {  	s9 =	sshll.u32 s9, $0xD;
	s12 =	sadd.s32 s7, s12  }
0x1e2: {  	s20 =	sshll.u32 s20, $0x6;
	s12 =	sshll.u32 s12, $0x7;
	s11 =	sadd.s32 s11, s28;
	v0 =	vadd.s32 $0x30D40, v0  }
0x1e3: {  	s25 =	sadd.s32 s12, s25;
	s12 =	sadd.s32 s12, s20;
	s11 =	sshll.u32 s11, $0xD;
	[tilespmem:$0x1FF0] =	vst v0  }
0x1e4: {  	[tilespmem:s1], [sflag:$0x2] =	stream.indirect.gather [hbm4b:s4+s18], $0x40, s29, s18, $0xb8;
	[tilespmem:$0x8000] =	vst v63  }
0x1e5: {  	s9 =	sadd.s32 s9, s12;
	s11 =	sadd.s32 s11, s25;
	_ =	swait.ge [sflag:s15], $0x1000  }
0x1e6: {  	s9 =	sshrl.u32 s9, $0x3;
	s11 =	sshrl.u32 s11, $0x3;
	[sflag:s15] =	ssyncset.done $0x0  }
0x1e7: {  	s11 =	sadd.s32 s11, s10;
	[sflag:s15] =	ssyncadd.s32 $0xFFFFF000  }
0x1e8: {  	[hbm4b:s11+s18] =	stream.strided.scatter [tilespmem:s26], [sflag:$0x3], $0x1000, s0, s18, $0x38;
	[tilespmem:$0x8000] =	vst v63  }
0x1e9: {  	_ =	swait.ge [sflag:s14], $0x1000  }
0x1ea: {  	p1 =	seq.s32 s24, $0x76;
	[sflag:s14] =	ssyncset.done $0x0  }
0x1eb: {  	[sflag:s14] =	ssyncadd.s32 $0xFFFFF000  }
0x1ec: {  	v0 =	vld @!p1 [tilespmem:s23+$0x20];
	_ =	sdelay $0x4  }
0x1ed: {  	v0 =	vadd.s32 @!p1 $0x30D40, v0  }
0x1ee: {  	[tilespmem:$0x1F80] =	vst @!p1 v0  }
0x1ef: {  	v0 =	vld @!p1 [tilespmem:s23+$0x30];
	_ =	sdelay $0x4  }
0x1f0: {  	v0 =	vadd.s32 @!p1 $0x30D40, v0  }
0x1f1: {  	[tilespmem:$0x1F90] =	vst @!p1 v0  }
0x1f2: {  	v0 =	vld @!p1 [tilespmem:s23+$0x40];
	_ =	sdelay $0x4  }
0x1f3: {  	v0 =	vadd.s32 @!p1 $0x30D40, v0  }
0x1f4: {  	[tilespmem:$0x1FA0] =	vst @!p1 v0  }
0x1f5: {  	v0 =	vld @!p1 [tilespmem:s23+$0x50];
	_ =	sdelay $0x4  }
0x1f6: {  	s20 =	simm.s32 @!p1 $0x6000;
	s12 =	simm.s32 @!p1 $0x1F80;
	s11 =	simm.s32 @!p1 $0x40;
	v0 =	vadd.s32 @!p1 $0x30D40, v0  }
0x1f7: {  	[tilespmem:$0x1FB0] =	vst @!p1 v0  }
0x1f8: {  	[tilespmem:s20], [sflag:$0x1] =	stream.indirect.gather @!p1 [hbm4b:s4+s11], $0x40, s12, s11, $0xb8;
	[tilespmem:$0x8000] =	vst v63  }
.Ltmp3:
0x1f9: {  	_ =	swait.ge [sflag:s21], $0x1000;
	(pc) =	sbr.rel @p0 .LBB2_8-.Ltmp3, $4  }
0x1fa: {  	s9 =	sadd.s32 s9, s10;
	[sflag:s21] =	ssyncset.done $0x0  }
0x1fb: {  	[sflag:s21] =	ssyncadd.s32 $0xFFFFF000  }
0x1fc: {  	[hbm4b:s9+s18] =	stream.strided.scatter [tilespmem:s1], [sflag:$0x3], $0x1000, s0, s18, $0x38;
	[tilespmem:$0x8000] =	vst v63  }
0x1fd: {  	s23 =	sadd.s32 $0x80, s23;
	_ =	swait.ge [sflag:s14], $0x1000  }
0x1fe: {  	[sflag:s14] =	ssyncset.done $0x0  }
0x1ff: {  	[sflag:s14] =	ssyncadd.s32 $0xFFFFF000  }
0x200: {  	v0 =	vld [tilespmem:$0x1E00]  }
0x201: {  	v1 =	vld [tilespmem:$0x1E10]  }
0x202: {  	v2 =	vld [tilespmem:$0x1E20]  }
0x203: {  	v3 =	vld [tilespmem:$0x1E30];
	_ =	sdelay $0x1  }
0x204: {  	[tilespmem:$0x1F80] =	vst v0  }
0x205: {  	[tilespmem:$0x1F90] =	vst v1  }
0x206: {  	[tilespmem:$0x1FA0] =	vst v2  }
0x207: {  	s25 =	simm.s32 $0x1F80;
	[tilespmem:$0x1FB0] =	vst v3  }
0x208: {  	[tilespmem:s26], [sflag:$0x1] =	stream.indirect.gather [hbm4b:s4+s18], $0x40, s25, s18, $0xb8;
	[tilespmem:$0x8000] =	vst v63  }
0x209: {  	v19 =	vld [tilespmem:$0x1E40]  }
0x20a: {  	v20 =	vld [tilespmem:$0x1E50]  }
0x20b: {  	v21 =	vld [tilespmem:$0x1E60]  }
0x20c: {  	v22 =	vld [tilespmem:$0x1E70];
	_ =	sdelay $0x1  }
0x20d: {  	[tilespmem:$0x1FC0] =	vst v19  }
0x20e: {  	[tilespmem:$0x1FD0] =	vst v20  }
0x20f: {  	[tilespmem:$0x1FE0] =	vst v21  }
0x210: {  	[tilespmem:$0x1FF0] =	vst v22  }
0x211: {  	[tilespmem:s1], [sflag:$0x2] =	stream.indirect.gather [hbm4b:s4+s18], $0x40, s29, s18, $0xb8;
	[tilespmem:$0x8000] =	vst v63  }
0x212: {  	_ =	swait.ge [sflag:s15], $0x1000  }
0x213: {  	[sflag:s15] =	ssyncset.done $0x0  }
0x214: {  	s9 =	rddreg [dreg:$0xf];
	[sflag:s15] =	ssyncadd.s32 $0xFFFFF000  }
0x215: {  	[hbm4b:s9+s18] =	stream.strided.scatter [tilespmem:s26], [sflag:$0x3], $0x1000, s0, s18, $0x38;
	[tilespmem:$0x8000] =	vst v63  }
0x216: {  	_ =	swait.ge [sflag:s14], $0x1000  }
0x217: {  	[sflag:s14] =	ssyncset.done $0x0  }
0x218: {  	[sflag:s14] =	ssyncadd.s32 $0xFFFFF000  }
0x219: {  	v23 =	vld [tilespmem:$0x1E80]  }
0x21a: {  	v24 =	vld [tilespmem:$0x1E90]  }
0x21b: {  	v25 =	vld [tilespmem:$0x1EA0]  }
0x21c: {  	v26 =	vld [tilespmem:$0x1EB0];
	_ =	sdelay $0x1  }
0x21d: {  	[tilespmem:$0x1F80] =	vst v23  }
0x21e: {  	[tilespmem:$0x1F90] =	vst v24  }
0x21f: {  	[tilespmem:$0x1FA0] =	vst v25  }
0x220: {  	[tilespmem:$0x1FB0] =	vst v26  }
0x221: {  	[tilespmem:s26], [sflag:$0x1] =	stream.indirect.gather [hbm4b:s4+s18], $0x40, s25, s18, $0xb8;
	[tilespmem:$0x8000] =	vst v63  }
0x222: {  	_ =	swait.ge [sflag:s21], $0x1000  }
0x223: {  	[sflag:s21] =	ssyncset.done $0x0  }
0x224: {  	s30 =	rddreg [dreg:$0x12];
	[sflag:s21] =	ssyncadd.s32 $0xFFFFF000  }
0x225: {  	[hbm4b:s30+s18] =	stream.strided.scatter [tilespmem:s1], [sflag:$0x3], $0x1000, s0, s18, $0x38;
	[tilespmem:$0x8000] =	vst v63  }
0x226: {  	_ =	swait.ge [sflag:s14], $0x1000  }
0x227: {  	[sflag:s14] =	ssyncset.done $0x0  }
0x228: {  	[sflag:s14] =	ssyncadd.s32 $0xFFFFF000  }
0x229: {  	v27 =	vld [tilespmem:$0x1EC0]  }
0x22a: {  	v28 =	vld [tilespmem:$0x1ED0]  }
0x22b: {  	v29 =	vld [tilespmem:$0x1EE0]  }
0x22c: {  	v30 =	vld [tilespmem:$0x1EF0];
	_ =	sdelay $0x1  }
0x22d: {  	[tilespmem:$0x1FC0] =	vst v27  }
0x22e: {  	[tilespmem:$0x1FD0] =	vst v28  }
0x22f: {  	[tilespmem:$0x1FE0] =	vst v29  }
0x230: {  	[tilespmem:$0x1FF0] =	vst v30  }
0x231: {  	[tilespmem:s1], [sflag:$0x2] =	stream.indirect.gather [hbm4b:s4+s18], $0x40, s29, s18, $0xb8;
	[tilespmem:$0x8000] =	vst v63  }
0x232: {  	_ =	swait.ge [sflag:s15], $0x1000  }
0x233: {  	[sflag:s15] =	ssyncset.done $0x0  }
0x234: {  	s31 =	rddreg [dreg:$0x13];
	[sflag:s15] =	ssyncadd.s32 $0xFFFFF000  }
0x235: {  	[hbm4b:s31+s18] =	stream.strided.scatter [tilespmem:s26], [sflag:$0x3], $0x1000, s0, s18, $0x38;
	[tilespmem:$0x8000] =	vst v63  }
0x236: {  	_ =	swait.ge [sflag:s14], $0x1000  }
0x237: {  	[sflag:s14] =	ssyncset.done $0x0  }
0x238: {  	[sflag:s14] =	ssyncadd.s32 $0xFFFFF000  }
0x239: {  	v31 =	vld [tilespmem:$0x1F00]  }
0x23a: {  	v32 =	vld [tilespmem:$0x1F10]  }
0x23b: {  	v33 =	vld [tilespmem:$0x1F20]  }
0x23c: {  	v34 =	vld [tilespmem:$0x1F30];
	_ =	sdelay $0x1  }
0x23d: {  	[tilespmem:$0x1F80] =	vst v31  }
0x23e: {  	[tilespmem:$0x1F90] =	vst v32  }
0x23f: {  	[tilespmem:$0x1FA0] =	vst v33  }
0x240: {  	[tilespmem:$0x1FB0] =	vst v34  }
0x241: {  	[tilespmem:s26], [sflag:$0x1] =	stream.indirect.gather [hbm4b:s4+s18], $0x40, s25, s18, $0xb8;
	[tilespmem:$0x8000] =	vst v63  }
0x242: {  	_ =	swait.ge [sflag:s21], $0x1000  }
0x243: {  	[sflag:s21] =	ssyncset.done $0x0  }
0x244: {  	s11 =	rddreg [dreg:$0x15];
	[sflag:s21] =	ssyncadd.s32 $0xFFFFF000  }
0x245: {  	[hbm4b:s11+s18] =	stream.strided.scatter [tilespmem:s1], [sflag:$0x3], $0x1000, s0, s18, $0x38;
	[tilespmem:$0x8000] =	vst v63  }
0x246: {  	_ =	swait.ge [sflag:s14], $0x1000  }
0x247: {  	[sflag:s14] =	ssyncset.done $0x0  }
0x248: {  	[sflag:s14] =	ssyncadd.s32 $0xFFFFF000  }
0x249: {  	v35 =	vld [tilespmem:$0x1F40]  }
0x24a: {  	v36 =	vld [tilespmem:$0x1F50]  }
0x24b: {  	v37 =	vld [tilespmem:$0x1F60]  }
0x24c: {  	v38 =	vld [tilespmem:$0x1F70];
	_ =	sdelay $0x1  }
0x24d: {  	[tilespmem:$0x1FC0] =	vst v35  }
0x24e: {  	[tilespmem:$0x1FD0] =	vst v36  }
0x24f: {  	[tilespmem:$0x1FE0] =	vst v37  }
0x250: {  	[tilespmem:$0x1FF0] =	vst v38  }
0x251: {  	[tilespmem:s1], [sflag:$0x2] =	stream.indirect.gather [hbm4b:s4+s18], $0x40, s29, s18, $0xb8;
	[tilespmem:$0x8000] =	vst v63  }
0x252: {  	_ =	swait.ge [sflag:s15], $0x1000  }
0x253: {  	[sflag:s15] =	ssyncset.done $0x0  }
0x254: {  	s12 =	rddreg [dreg:$0x18];
	[sflag:s15] =	ssyncadd.s32 $0xFFFFF000  }
0x255: {  	[hbm4b:s12+s18] =	stream.strided.scatter [tilespmem:s26], [sflag:$0x3], $0x1000, s0, s18, $0x38;
	[tilespmem:$0x8000] =	vst v63  }
0x256: {  	_ =	swait.ge [sflag:s14], $0x1000  }
0x257: {  	[sflag:s14] =	ssyncset.done $0x0  }
0x258: {  	[sflag:s14] =	ssyncadd.s32 $0xFFFFF000  }
0x259: {  	_ =	swait.ge [sflag:s21], $0x1000  }
0x25a: {  	[sflag:s21] =	ssyncset.done $0x0  }
0x25b: {  	s13 =	rddreg [dreg:$0x19];
	[sflag:s21] =	ssyncadd.s32 $0xFFFFF000  }
0x25c: {  	[hbm4b:s13+s18] =	stream.strided.scatter [tilespmem:s1], [sflag:$0x3], $0x1000, s0, s18, $0x38;
	[tilespmem:$0x8000] =	vst v63  }
0x25d: {  	_ =	swait.ge [sflag:s14], $0x1000  }
0x25e: {  	[sflag:s14] =	ssyncset.done $0x0  }
0x25f: {  	[sflag:s14] =	ssyncadd.s32 $0xFFFFF000  }
0x260: {  	v39 =	vld [tilespmem:$0x1E00]  }
0x261: {  	v40 =	vld [tilespmem:$0x1E10]  }
0x262: {  	v41 =	vld [tilespmem:$0x1E20]  }
0x263: {  	v42 =	vld [tilespmem:$0x1E30];
	_ =	sdelay $0x1  }
0x264: {  	v0 =	vadd.s32 $0x186A0, v39  }
0x265: {  	v43 =	vadd.s32 $0x186A0, v40;
	[tilespmem:$0x1F80] =	vst v0  }
0x266: {  	v44 =	vadd.s32 $0x186A0, v41;
	[tilespmem:$0x1F90] =	vst v43  }
0x267: {  	v45 =	vadd.s32 $0x186A0, v42;
	[tilespmem:$0x1FA0] =	vst v44  }
0x268: {  	[tilespmem:$0x1FB0] =	vst v45  }
0x269: {  	[tilespmem:s26], [sflag:$0x1] =	stream.indirect.gather [hbm4b:s4+s18], $0x40, s25, s18, $0xb8;
	[tilespmem:$0x8000] =	vst v63  }
0x26a: {  	v46 =	vld [tilespmem:$0x1E40]  }
0x26b: {  	v47 =	vld [tilespmem:$0x1E50]  }
0x26c: {  	v48 =	vld [tilespmem:$0x1E60]  }
0x26d: {  	v49 =	vld [tilespmem:$0x1E70];
	_ =	sdelay $0x1  }
0x26e: {  	v0 =	vadd.s32 $0x186A0, v46  }
0x26f: {  	v50 =	vadd.s32 $0x186A0, v47;
	[tilespmem:$0x1FC0] =	vst v0  }
0x270: {  	v51 =	vadd.s32 $0x186A0, v48;
	[tilespmem:$0x1FD0] =	vst v50  }
0x271: {  	v52 =	vadd.s32 $0x186A0, v49;
	[tilespmem:$0x1FE0] =	vst v51  }
0x272: {  	[tilespmem:$0x1FF0] =	vst v52  }
0x273: {  	[tilespmem:s1], [sflag:$0x2] =	stream.indirect.gather [hbm4b:s4+s18], $0x40, s29, s18, $0xb8;
	[tilespmem:$0x8000] =	vst v63  }
0x274: {  	_ =	swait.ge [sflag:s15], $0x1000  }
0x275: {  	s11 =	rddreg [dreg:$0x5]  }
0x276: {  	[sflag:s15] =	ssyncset.done $0x0;
	s12 =	rddreg [dreg:$0xe]  }
0x277: {  	[sflag:s15] =	ssyncadd.s32 $0xFFFFF000;
	s16 =	sadd.s32 s12, s11  }
0x278: {  	[hbm4b:s16+s18] =	stream.strided.scatter [tilespmem:s26], [sflag:$0x3], $0x1000, s0, s18, $0x38;
	[tilespmem:$0x8000] =	vst v63  }
0x279: {  	_ =	swait.ge [sflag:s14], $0x1000  }
0x27a: {  	[sflag:s14] =	ssyncset.done $0x0  }
0x27b: {  	[sflag:s14] =	ssyncadd.s32 $0xFFFFF000  }
0x27c: {  	v53 =	vld [tilespmem:$0x1E80]  }
0x27d: {  	v54 =	vld [tilespmem:$0x1E90]  }
0x27e: {  	v55 =	vld [tilespmem:$0x1EA0]  }
0x27f: {  	v56 =	vld [tilespmem:$0x1EB0];
	_ =	sdelay $0x1  }
0x280: {  	v0 =	vadd.s32 $0x186A0, v53  }
0x281: {  	v57 =	vadd.s32 $0x186A0, v54;
	[tilespmem:$0x1F80] =	vst v0  }
0x282: {  	v58 =	vadd.s32 $0x186A0, v55;
	[tilespmem:$0x1F90] =	vst v57  }
0x283: {  	v59 =	vadd.s32 $0x186A0, v56;
	[tilespmem:$0x1FA0] =	vst v58  }
0x284: {  	[tilespmem:$0x1FB0] =	vst v59  }
0x285: {  	[tilespmem:s26], [sflag:$0x1] =	stream.indirect.gather [hbm4b:s4+s18], $0x40, s25, s18, $0xb8;
	[tilespmem:$0x8000] =	vst v63  }
0x286: {  	_ =	swait.ge [sflag:s21], $0x1000  }
0x287: {  	[sflag:s21] =	ssyncset.done $0x0;
	s13 =	rddreg [dreg:$0x10]  }
0x288: {  	[sflag:s21] =	ssyncadd.s32 $0xFFFFF000;
	s20 =	sadd.s32 s13, s11  }
0x289: {  	[hbm4b:s20+s18] =	stream.strided.scatter [tilespmem:s1], [sflag:$0x3], $0x1000, s0, s18, $0x38;
	[tilespmem:$0x8000] =	vst v63  }
0x28a: {  	_ =	swait.ge [sflag:s14], $0x1000  }
0x28b: {  	[sflag:s14] =	ssyncset.done $0x0  }
0x28c: {  	[sflag:s14] =	ssyncadd.s32 $0xFFFFF000  }
0x28d: {  	v60 =	vld [tilespmem:$0x1EC0]  }
0x28e: {  	v61 =	vld [tilespmem:$0x1ED0]  }
0x28f: {  	v62 =	vld [tilespmem:$0x1EE0]  }
0x290: {  	v63 =	vld [tilespmem:$0x1EF0];
	_ =	sdelay $0x1  }
0x291: {  	v0 =	vadd.s32 $0x186A0, v60  }
0x292: {  	v5 =	vadd.s32 $0x186A0, v61;
	[tilespmem:$0x1FC0] =	vst v0  }
0x293: {  	v6 =	vadd.s32 $0x186A0, v62;
	[tilespmem:$0x1FD0] =	vst v5  }
0x294: {  	v7 =	vadd.s32 $0x186A0, v63;
	[tilespmem:$0x1FE0] =	vst v6  }
0x295: {  	[tilespmem:$0x1FF0] =	vst v7  }
0x296: {  	[tilespmem:s1], [sflag:$0x2] =	stream.indirect.gather [hbm4b:s4+s18], $0x40, s29, s18, $0xb8;
	[tilespmem:$0x8000] =	vst v63  }
0x297: {  	_ =	swait.ge [sflag:s15], $0x1000  }
0x298: {  	[sflag:s15] =	ssyncset.done $0x0;
	s16 =	rddreg [dreg:$0x11]  }
0x299: {  	[sflag:s15] =	ssyncadd.s32 $0xFFFFF000;
	s23 =	sadd.s32 s16, s11  }
0x29a: {  	[hbm4b:s23+s18] =	stream.strided.scatter [tilespmem:s26], [sflag:$0x3], $0x1000, s0, s18, $0x38;
	[tilespmem:$0x8000] =	vst v63  }
0x29b: {  	_ =	swait.ge [sflag:s14], $0x1000  }
0x29c: {  	[sflag:s14] =	ssyncset.done $0x0  }
0x29d: {  	[sflag:s14] =	ssyncadd.s32 $0xFFFFF000  }
0x29e: {  	v8 =	vld [tilespmem:$0x1F00]  }
0x29f: {  	v9 =	vld [tilespmem:$0x1F10]  }
0x2a0: {  	v10 =	vld [tilespmem:$0x1F20]  }
0x2a1: {  	v11 =	vld [tilespmem:$0x1F30];
	_ =	sdelay $0x1  }
0x2a2: {  	v0 =	vadd.s32 $0x186A0, v8  }
0x2a3: {  	v12 =	vadd.s32 $0x186A0, v9;
	[tilespmem:$0x1F80] =	vst v0  }
0x2a4: {  	v13 =	vadd.s32 $0x186A0, v10;
	[tilespmem:$0x1F90] =	vst v12  }
0x2a5: {  	v14 =	vadd.s32 $0x186A0, v11;
	[tilespmem:$0x1FA0] =	vst v13  }
0x2a6: {  	[tilespmem:$0x1FB0] =	vst v14  }
0x2a7: {  	[tilespmem:s26], [sflag:$0x1] =	stream.indirect.gather [hbm4b:s4+s18], $0x40, s25, s18, $0xb8;
	[tilespmem:$0x8000] =	vst v63  }
0x2a8: {  	_ =	swait.ge [sflag:s21], $0x1000  }
0x2a9: {  	[sflag:s21] =	ssyncset.done $0x0;
	s20 =	rddreg [dreg:$0x14]  }
0x2aa: {  	[sflag:s21] =	ssyncadd.s32 $0xFFFFF000;
	s24 =	sadd.s32 s20, s11  }
0x2ab: {  	[hbm4b:s24+s18] =	stream.strided.scatter [tilespmem:s1], [sflag:$0x3], $0x1000, s0, s18, $0x38;
	[tilespmem:$0x8000] =	vst v63  }
0x2ac: {  	_ =	swait.ge [sflag:s14], $0x1000  }
0x2ad: {  	[sflag:s14] =	ssyncset.done $0x0  }
0x2ae: {  	[sflag:s14] =	ssyncadd.s32 $0xFFFFF000  }
0x2af: {  	v15 =	vld [tilespmem:$0x1F40]  }
0x2b0: {  	v16 =	vld [tilespmem:$0x1F50]  }
0x2b1: {  	v17 =	vld [tilespmem:$0x1F60]  }
0x2b2: {  	v18 =	vld [tilespmem:$0x1F70];
	_ =	sdelay $0x1  }
0x2b3: {  	v0 =	vadd.s32 $0x186A0, v15  }
0x2b4: {  	v19 =	vadd.s32 $0x186A0, v16;
	[tilespmem:$0x1FC0] =	vst v0  }
0x2b5: {  	v20 =	vadd.s32 $0x186A0, v17;
	[tilespmem:$0x1FD0] =	vst v19  }
0x2b6: {  	v21 =	vadd.s32 $0x186A0, v18;
	[tilespmem:$0x1FE0] =	vst v20  }
0x2b7: {  	[tilespmem:$0x1FF0] =	vst v21  }
0x2b8: {  	[tilespmem:s1], [sflag:$0x2] =	stream.indirect.gather [hbm4b:s4+s18], $0x40, s29, s18, $0xb8;
	[tilespmem:$0x8000] =	vst v63  }
0x2b9: {  	_ =	swait.ge [sflag:s15], $0x1000  }
0x2ba: {  	[sflag:s15] =	ssyncset.done $0x0;
	s23 =	rddreg [dreg:$0x16]  }
0x2bb: {  	[sflag:s15] =	ssyncadd.s32 $0xFFFFF000;
	s28 =	sadd.s32 s23, s11  }
0x2bc: {  	[hbm4b:s28+s18] =	stream.strided.scatter [tilespmem:s26], [sflag:$0x3], $0x1000, s0, s18, $0x38;
	[tilespmem:$0x8000] =	vst v63  }
0x2bd: {  	_ =	swait.ge [sflag:s14], $0x1000  }
0x2be: {  	[sflag:s14] =	ssyncset.done $0x0  }
0x2bf: {  	[sflag:s14] =	ssyncadd.s32 $0xFFFFF000  }
0x2c0: {  	_ =	swait.ge [sflag:s21], $0x1000  }
0x2c1: {  	[sflag:s21] =	ssyncset.done $0x0;
	s24 =	rddreg [dreg:$0x17]  }
0x2c2: {  	[sflag:s21] =	ssyncadd.s32 $0xFFFFF000;
	s30 =	sadd.s32 s24, s11  }
0x2c3: {  	[hbm4b:s30+s18] =	stream.strided.scatter [tilespmem:s1], [sflag:$0x3], $0x1000, s0, s18, $0x38;
	[tilespmem:$0x8000] =	vst v63  }
0x2c4: {  	_ =	swait.ge [sflag:s14], $0x1000  }
0x2c5: {  	[sflag:s14] =	ssyncset.done $0x0  }
0x2c6: {  	[sflag:s14] =	ssyncadd.s32 $0xFFFFF000  }
0x2c7: {  	v22 =	vld [tilespmem:$0x1E00]  }
0x2c8: {  	v23 =	vld [tilespmem:$0x1E10]  }
0x2c9: {  	v24 =	vld [tilespmem:$0x1E20]  }
0x2ca: {  	v25 =	vld [tilespmem:$0x1E30];
	_ =	sdelay $0x1  }
0x2cb: {  	v0 =	vadd.s32 $0x30D40, v22  }
0x2cc: {  	v26 =	vadd.s32 $0x30D40, v23;
	[tilespmem:$0x1F80] =	vst v0  }
0x2cd: {  	v27 =	vadd.s32 $0x30D40, v24;
	[tilespmem:$0x1F90] =	vst v26  }
0x2ce: {  	v28 =	vadd.s32 $0x30D40, v25;
	[tilespmem:$0x1FA0] =	vst v27  }
0x2cf: {  	[tilespmem:$0x1FB0] =	vst v28  }
0x2d0: {  	[tilespmem:s26], [sflag:$0x1] =	stream.indirect.gather [hbm4b:s4+s18], $0x40, s25, s18, $0xb8;
	[tilespmem:$0x8000] =	vst v63  }
0x2d1: {  	v29 =	vld [tilespmem:$0x1E40]  }
0x2d2: {  	v30 =	vld [tilespmem:$0x1E50]  }
0x2d3: {  	v31 =	vld [tilespmem:$0x1E60]  }
0x2d4: {  	v32 =	vld [tilespmem:$0x1E70];
	_ =	sdelay $0x1  }
0x2d5: {  	v0 =	vadd.s32 $0x30D40, v29  }
0x2d6: {  	v33 =	vadd.s32 $0x30D40, v30;
	[tilespmem:$0x1FC0] =	vst v0  }
0x2d7: {  	v34 =	vadd.s32 $0x30D40, v31;
	[tilespmem:$0x1FD0] =	vst v33  }
0x2d8: {  	v35 =	vadd.s32 $0x30D40, v32;
	[tilespmem:$0x1FE0] =	vst v34  }
0x2d9: {  	[tilespmem:$0x1FF0] =	vst v35  }
0x2da: {  	[tilespmem:s1], [sflag:$0x2] =	stream.indirect.gather [hbm4b:s4+s18], $0x40, s29, s18, $0xb8;
	[tilespmem:$0x8000] =	vst v63  }
0x2db: {  	_ =	swait.ge [sflag:s15], $0x1000  }
0x2dc: {  	[sflag:s15] =	ssyncset.done $0x0;
	s31 =	rddreg [dreg:$0x6]  }
0x2dd: {  	[sflag:s15] =	ssyncadd.s32 $0xFFFFF000;
	s12 =	sadd.s32 s12, s31  }
0x2de: {  	[hbm4b:s12+s18] =	stream.strided.scatter [tilespmem:s26], [sflag:$0x3], $0x1000, s0, s18, $0x38;
	[tilespmem:$0x8000] =	vst v63  }
0x2df: {  	_ =	swait.ge [sflag:s14], $0x1000  }
0x2e0: {  	[sflag:s14] =	ssyncset.done $0x0  }
0x2e1: {  	[sflag:s14] =	ssyncadd.s32 $0xFFFFF000  }
0x2e2: {  	v36 =	vld [tilespmem:$0x1E80]  }
0x2e3: {  	v37 =	vld [tilespmem:$0x1E90]  }
0x2e4: {  	v38 =	vld [tilespmem:$0x1EA0]  }
0x2e5: {  	v39 =	vld [tilespmem:$0x1EB0];
	_ =	sdelay $0x1  }
0x2e6: {  	v0 =	vadd.s32 $0x30D40, v36  }
0x2e7: {  	v40 =	vadd.s32 $0x30D40, v37;
	[tilespmem:$0x1F80] =	vst v0  }
0x2e8: {  	v41 =	vadd.s32 $0x30D40, v38;
	[tilespmem:$0x1F90] =	vst v40  }
0x2e9: {  	v42 =	vadd.s32 $0x30D40, v39;
	[tilespmem:$0x1FA0] =	vst v41  }
0x2ea: {  	[tilespmem:$0x1FB0] =	vst v42  }
0x2eb: {  	[tilespmem:s26], [sflag:$0x1] =	stream.indirect.gather [hbm4b:s4+s18], $0x40, s25, s18, $0xb8;
	[tilespmem:$0x8000] =	vst v63  }
0x2ec: {  	_ =	swait.ge [sflag:s21], $0x1000  }
0x2ed: {  	[sflag:s21] =	ssyncset.done $0x0  }
0x2ee: {  	s13 =	sadd.s32 s13, s31;
	[sflag:s21] =	ssyncadd.s32 $0xFFFFF000  }
0x2ef: {  	[hbm4b:s13+s18] =	stream.strided.scatter [tilespmem:s1], [sflag:$0x3], $0x1000, s0, s18, $0x38;
	[tilespmem:$0x8000] =	vst v63  }
0x2f0: {  	_ =	swait.ge [sflag:s14], $0x1000  }
0x2f1: {  	[sflag:s14] =	ssyncset.done $0x0  }
0x2f2: {  	[sflag:s14] =	ssyncadd.s32 $0xFFFFF000  }
0x2f3: {  	v43 =	vld [tilespmem:$0x1EC0]  }
0x2f4: {  	v44 =	vld [tilespmem:$0x1ED0]  }
0x2f5: {  	v45 =	vld [tilespmem:$0x1EE0]  }
0x2f6: {  	v46 =	vld [tilespmem:$0x1EF0];
	_ =	sdelay $0x1  }
0x2f7: {  	v0 =	vadd.s32 $0x30D40, v43  }
0x2f8: {  	v47 =	vadd.s32 $0x30D40, v44;
	[tilespmem:$0x1FC0] =	vst v0  }
0x2f9: {  	v48 =	vadd.s32 $0x30D40, v45;
	[tilespmem:$0x1FD0] =	vst v47  }
0x2fa: {  	v49 =	vadd.s32 $0x30D40, v46;
	[tilespmem:$0x1FE0] =	vst v48  }
0x2fb: {  	[tilespmem:$0x1FF0] =	vst v49  }
0x2fc: {  	[tilespmem:s1], [sflag:$0x2] =	stream.indirect.gather [hbm4b:s4+s18], $0x40, s29, s18, $0xb8;
	[tilespmem:$0x8000] =	vst v63  }
0x2fd: {  	_ =	swait.ge [sflag:s15], $0x1000  }
0x2fe: {  	[sflag:s15] =	ssyncset.done $0x0  }
0x2ff: {  	s16 =	sadd.s32 s16, s31;
	[sflag:s15] =	ssyncadd.s32 $0xFFFFF000  }
0x300: {  	[hbm4b:s16+s18] =	stream.strided.scatter [tilespmem:s26], [sflag:$0x3], $0x1000, s0, s18, $0x38;
	[tilespmem:$0x8000] =	vst v63  }
0x301: {  	_ =	swait.ge [sflag:s14], $0x1000  }
0x302: {  	[sflag:s14] =	ssyncset.done $0x0  }
0x303: {  	[sflag:s14] =	ssyncadd.s32 $0xFFFFF000  }
0x304: {  	v50 =	vld [tilespmem:$0x1F00]  }
0x305: {  	v51 =	vld [tilespmem:$0x1F10]  }
0x306: {  	v52 =	vld [tilespmem:$0x1F20]  }
0x307: {  	v53 =	vld [tilespmem:$0x1F30];
	_ =	sdelay $0x1  }
0x308: {  	v0 =	vadd.s32 $0x30D40, v50  }
0x309: {  	v54 =	vadd.s32 $0x30D40, v51;
	[tilespmem:$0x1F80] =	vst v0  }
0x30a: {  	v55 =	vadd.s32 $0x30D40, v52;
	[tilespmem:$0x1F90] =	vst v54  }
0x30b: {  	v56 =	vadd.s32 $0x30D40, v53;
	[tilespmem:$0x1FA0] =	vst v55  }
0x30c: {  	[tilespmem:$0x1FB0] =	vst v56  }
0x30d: {  	[tilespmem:s26], [sflag:$0x1] =	stream.indirect.gather [hbm4b:s4+s18], $0x40, s25, s18, $0xb8;
	[tilespmem:$0x8000] =	vst v63  }
0x30e: {  	_ =	swait.ge [sflag:s21], $0x1000  }
0x30f: {  	[sflag:s21] =	ssyncset.done $0x0  }
0x310: {  	s20 =	sadd.s32 s20, s31;
	[sflag:s21] =	ssyncadd.s32 $0xFFFFF000  }
0x311: {  	[hbm4b:s20+s18] =	stream.strided.scatter [tilespmem:s1], [sflag:$0x3], $0x1000, s0, s18, $0x38;
	[tilespmem:$0x8000] =	vst v63  }
0x312: {  	_ =	swait.ge [sflag:s14], $0x1000  }
0x313: {  	[sflag:s14] =	ssyncset.done $0x0  }
0x314: {  	[sflag:s14] =	ssyncadd.s32 $0xFFFFF000  }
0x315: {  	v57 =	vld [tilespmem:$0x1F40]  }
0x316: {  	v58 =	vld [tilespmem:$0x1F50]  }
0x317: {  	v59 =	vld [tilespmem:$0x1F60]  }
0x318: {  	v60 =	vld [tilespmem:$0x1F70];
	_ =	sdelay $0x1  }
0x319: {  	v0 =	vadd.s32 $0x30D40, v57  }
0x31a: {  	v61 =	vadd.s32 $0x30D40, v58;
	[tilespmem:$0x1FC0] =	vst v0  }
0x31b: {  	v62 =	vadd.s32 $0x30D40, v59;
	[tilespmem:$0x1FD0] =	vst v61  }
0x31c: {  	v63 =	vadd.s32 $0x30D40, v60;
	[tilespmem:$0x1FE0] =	vst v62  }
0x31d: {  	[tilespmem:$0x1FF0] =	vst v63  }
0x31e: {  	[tilespmem:s1], [sflag:$0x2] =	stream.indirect.gather [hbm4b:s4+s18], $0x40, s29, s18, $0xb8;
	[tilespmem:$0x8000] =	vst v63  }
0x31f: {  	_ =	swait.ge [sflag:s15], $0x1000  }
0x320: {  	[sflag:s15] =	ssyncset.done $0x0  }
0x321: {  	s25 =	sadd.s32 s23, s31;
	[sflag:s15] =	ssyncadd.s32 $0xFFFFF000  }
0x322: {  	[hbm4b:s25+s18] =	stream.strided.scatter [tilespmem:s26], [sflag:$0x3], $0x1000, s0, s18, $0x38;
	[tilespmem:$0x8000] =	vst v63  }
0x323: {  	_ =	swait.ge [sflag:s14], $0x1000  }
0x324: {  	[sflag:s14] =	ssyncset.done $0x0  }
0x325: {  	[sflag:s14] =	ssyncadd.s32 $0xFFFFF000  }
0x326: {  	_ =	swait.ge [sflag:s21], $0x1000  }
0x327: {  	[sflag:s21] =	ssyncset.done $0x0  }
0x328: {  	s28 =	sadd.s32 s24, s31;
	[sflag:s21] =	ssyncadd.s32 $0xFFFFF000  }
0x329: {  	[hbm4b:s28+s18] =	stream.strided.scatter [tilespmem:s1], [sflag:$0x3], $0x1000, s0, s18, $0x38;
	[tilespmem:$0x8000] =	vst v63  }
0x32a: {  	_ =	swait.ge [sflag:s14], $0x1000  }
0x32b: {  	s30 =	rddreg [dreg:$0x1c]  }
0x32c: {  	s31 =	rddreg [dreg:$0x7];
	s12 =	sadd.s32 $0x1, s30  }
0x32d: {  	p0 =	sne.s32 s12, s31  }
.Ltmp4:
0x32e: {  	_ = 	snop;
	(pc) =	sbr.rel @p0 .LBB2_1-.Ltmp4, $3  }
0x32f: {  	_ =	sdelay $0x1  }
0x330: {  	[sflag:s14] =	ssyncset.done $0x0  }
0x331: {  	s11 =	simm.s32 $0x1E00;
	[sflag:s14] =	ssyncadd.s32 $0xFFFFF000  }
0x332: {  	_ =	sfence.sel $0x180000  }
0x333: {  	[bflag:$0x0] =	sbarrier.arrive $0xFFFF  }
0x334: {  	_ =	strace $0x90000047  }
0x335: {  	s0 =	stileid.u32;
	[bflag:$0x2] =	sbarrier.arrive $0xFFFF  }
0x336: {  	p0 =	sne.s32 s0, $0x0;
	s0 =	rddreg [dreg:$0x2]  }
0x337: {  	s0 =	sadd.s32 @!p0 $0x100000, s0  }
0x338: {  	[sflag:s0] =	ssyncadd.tile.s32 @!p0 $0x1;
	_ =	shalt  }
.Lfunc_end2:
_tile_overlayer_lowered:
.L_overlay_start_2:
0x339: {  	(tag) =	ssettag $0x2  }
0x33a: {  	s0 =	rddreg [dreg:$0x0];
	s2 =	stileid.u32  }
0x33b: {  	s1 =	rddreg [dreg:$0x1];
	p0 =	sne.s32 s2, $0x0  }
0x33c: {  	s3 =	rddreg [dreg:$0x2];
	[bflag:$0x3] =	sbarrier.arrive $0xFFFF;
	s2 =	simm.s32 @!p0 $0x1C03  }
0x33d: {  	[timem:s3], [sflag:s2] =	dma.local @!p0 [hbm:s0], s1  }
0x33e: {  	s0 =	simm.s32 @!p0 $0x3  }
0x33f: {  	_ =	swait.ge @!p0 [sflag:s0], s1  }
0x340: {  	s1 =	ssub.s32 @!p0 $0x0, s1;
	[sflag:s0] =	ssyncset.done @!p0 $0x0  }
0x341: {  	[sflag:s0] =	ssyncadd.s32 @!p0 s1  }
0x342: {  	[bflag:$0x3] =	sbarrier.arrive $0xFFFF  }
0x343: {  	_ =	shalt  }

</sc_bundles>
